<compile_context>
chip_gen: v7x
topology: tpu7x:2x2x1
jax: 0.10.2.dev20260603
libtpu: 0.0.44.dev20260713+nightly
codegen_flags: <defaults>
</compile_context>

<pallas_src>
import jax
import jax.numpy as jnp
from jax import lax
from jax.experimental import pallas as pl
from jax.experimental.pallas import tpu as pltpu
from jax.experimental.pallas import tpu_sc as plsc

N = 10000
E = 320000
D = 128
B = 64

NC = 2
NS = 16
NW = NC * NS
NP = 10240
RPW = NP // NS
EW = E // NW
R = 1024
NB = NP // R

_f32 = jnp.float32


KA = 128
NFULL = EW // KA
KT = EW - NFULL * KA


def _sc_deg_body(dst_hbm, degp_hbm, ia, ib, it, ones_v, zero_v, acc_s,
                 ma, mb, mt):
    idxb = [ia, ib]
    dsem = [ma, mb]
    c = lax.axis_index("c")
    s = lax.axis_index("s")
    w = c * NS + s

    one16 = jnp.ones((16,), _f32)
    zero16 = jnp.zeros((16,), _f32)
    for i in range(KA // 16):
        ones_v[pl.ds(i * 16, 16)] = one16

    def zbody(i, carry):
        zero_v[pl.ds(i * 16, 16)] = zero16
        return carry

    lax.fori_loop(0, RPW // 16, zbody, 0)

    pltpu.sync_copy(zero_v, acc_s.at[pl.ds(s * RPW, RPW)])
    plsc.subcore_barrier()

    def ebase(j):
        return pl.multiple_of(w * EW + j * KA, 8)

    def idxload(j, p):
        pltpu.async_copy(dst_hbm.at[pl.ds(ebase(j), KA)], idxb[p], dsem[p])

    def scat(j, p):
        pltpu.make_async_copy(dst_hbm.at[pl.ds(ebase(j), KA)], idxb[p],
                              dsem[p]).wait()
        pltpu.sync_copy(ones_v.at[pl.ds(0, KA)], acc_s.at[idxb[p]],
                        add=True)

    idxload(0, 0)

    def body(g, carry):
        j = 2 * g
        idxload(j + 1, 1)
        scat(j, 0)

        @pl.when(j + 2 < NFULL)
        def _():
            idxload(j + 2, 0)

        scat(j + 1, 1)
        return carry

    lax.fori_loop(0, NFULL // 2, body, 0)
    tbase = pl.multiple_of(w * EW + NFULL * KA, 8)
    pltpu.sync_copy(dst_hbm.at[pl.ds(tbase, KT)], it)
    pltpu.sync_copy(ones_v.at[pl.ds(0, KT)], acc_s.at[it], add=True)
    plsc.subcore_barrier()

    pltpu.sync_copy(acc_s.at[pl.ds(s * RPW, RPW)],
                    degp_hbm.at[pl.ds(c * NP + s * RPW, RPW)])


def _sc_degrees(dst):
    mesh = plsc.VectorSubcoreMesh(core_axis_name="c", subcore_axis_name="s")
    fn = pl.kernel(
        _sc_deg_body,
        out_type=jax.ShapeDtypeStruct((NC * NP,), _f32),
        mesh=mesh,
        scratch_types=[
            pltpu.VMEM((KA,), jnp.int32),
            pltpu.VMEM((KA,), jnp.int32),
            pltpu.VMEM((KT,), jnp.int32),
            pltpu.VMEM((KA,), _f32),
            pltpu.VMEM((RPW,), _f32),
            pltpu.VMEM_SHARED((NP,), _f32),
            pltpu.SemaphoreType.DMA,
            pltpu.SemaphoreType.DMA,
            pltpu.SemaphoreType.DMA,
        ],
    )
    return fn(dst)


def _sc_agg_body(y_hbm, src_hbm, dst_hbm, aggp_hbm,
                 s0, s1, da, db, st, dt, rows_a, rows_b, rows_t, acc_s,
                 i0, i1, ea, eb, gsa, gsb, ta, tb, tt):
    srcb = [s0, s1]
    dstb = [da, db]
    isem = [i0, i1]
    dsem = [ea, eb]
    rows = [rows_a, rows_b]
    gsem = [gsa, gsb]
    ssem = [ta, tb]
    c = lax.axis_index("c")
    s = lax.axis_index("s")
    w = c * NS + s

    zero16 = jnp.zeros((16,), _f32)

    def zbody(i, carry):
        for cc in range(D // 16):
            rows_a[i, pl.ds(cc * 16, 16)] = zero16
        return carry

    lax.fori_loop(0, KA, zbody, 0)
    for jj in range(RPW // KA):
        pltpu.sync_copy(rows_a, acc_s.at[pl.ds(s * RPW + jj * KA, KA)])
    plsc.subcore_barrier()

    def ebase(j):
        return pl.multiple_of(w * EW + j * KA, 8)

    def srcload(j, b):
        pltpu.async_copy(src_hbm.at[pl.ds(ebase(j), KA)], srcb[b], isem[b])

    def issue(j, p):
        pltpu.make_async_copy(src_hbm.at[pl.ds(ebase(j), KA)], srcb[p],
                              isem[p]).wait()
        pltpu.async_copy(y_hbm.at[srcb[p]], rows[p], gsem[p])
        pltpu.async_copy(dst_hbm.at[pl.ds(ebase(j), KA)], dstb[p], dsem[p])

    def finish(j, p):
        pltpu.make_async_copy(y_hbm.at[srcb[p]], rows[p], gsem[p]).wait()
        pltpu.make_async_copy(dst_hbm.at[pl.ds(ebase(j), KA)], dstb[p],
                              dsem[p]).wait()
        pltpu.async_copy(rows[p], acc_s.at[dstb[p]], ssem[p], add=True)

    def scatwait(p):
        pltpu.make_async_copy(rows[p], acc_s.at[dstb[p]], ssem[p]).wait()

    srcload(0, 0)
    srcload(1, 1)
    issue(0, 0)

    def body(g, carry):
        for bb in range(2):
            m = g * 2 + bb
            op = (bb + 1) % 2

            @pl.when(m >= 1)
            def _():
                scatwait(op)

            @pl.when(m + 1 < NFULL)
            def _():
                issue(m + 1, op)

            finish(m, bb)

            @pl.when(m + 2 < NFULL)
            def _():
                srcload(m + 2, bb)
        return carry

    lax.fori_loop(0, NFULL // 2, body, 0)
    tbase = pl.multiple_of(w * EW + NFULL * KA, 8)
    pltpu.sync_copy(src_hbm.at[pl.ds(tbase, KT)], st)
    pltpu.async_copy(y_hbm.at[st], rows_t, tt).wait()
    pltpu.sync_copy(dst_hbm.at[pl.ds(tbase, KT)], dt)
    pltpu.sync_copy(rows_t, acc_s.at[dt], add=True)
    scatwait((NFULL - 1) % 2)
    plsc.subcore_barrier()

    pltpu.sync_copy(acc_s.at[pl.ds(s * RPW, RPW)],
                    aggp_hbm.at[pl.ds(c * NP + s * RPW, RPW)])


def _sc_aggregate(y, src, dst):
    mesh = plsc.VectorSubcoreMesh(core_axis_name="c", subcore_axis_name="s")
    fn = pl.kernel(
        _sc_agg_body,
        out_type=jax.ShapeDtypeStruct((NC * NP, D), _f32),
        mesh=mesh,
        scratch_types=[
            pltpu.VMEM((KA,), jnp.int32),
            pltpu.VMEM((KA,), jnp.int32),
            pltpu.VMEM((KA,), jnp.int32),
            pltpu.VMEM((KA,), jnp.int32),
            pltpu.VMEM((KT,), jnp.int32),
            pltpu.VMEM((KT,), jnp.int32),
            pltpu.VMEM((KA, D), _f32),
            pltpu.VMEM((KA, D), _f32),
            pltpu.VMEM((KT, D), _f32),
            pltpu.VMEM_SHARED((NP, D), _f32),
        ] + [pltpu.SemaphoreType.DMA for _ in range(9)],
    )
    return fn(y, src, dst)


def _mm_t(a, w):
    return lax.dot_general(a, w, (((1,), (1,)), ((), ())),
                           preferred_element_type=_f32)


def _tc_lin0_body(x_ref, degp_ref, lw_ref, lb_ref, gw_ref, h_ref, y_ref):
    h = jnp.maximum(_mm_t(x_ref[...], lw_ref[...]) + lb_ref[...], 0.0)
    deg = degp_ref[0, :] + degp_ref[1, :] + 1.0
    dinv = lax.rsqrt(deg)
    h_ref[...] = h
    y_ref[...] = dinv[:, None] * _mm_t(h, gw_ref[...])


def _tc_lin0(xp, degp, lin0_W, lin0_b, gcn_W):
    return pl.pallas_call(
        _tc_lin0_body,
        grid=(NB,),
        in_specs=[
            pl.BlockSpec((R, D), lambda i: (i, 0)),
            pl.BlockSpec((NC, R), lambda i: (0, i)),
            pl.BlockSpec((D, D), lambda i: (0, 0)),
            pl.BlockSpec((D,), lambda i: (0,)),
            pl.BlockSpec((D, D), lambda i: (0, 0)),
        ],
        out_specs=[
            pl.BlockSpec((R, D), lambda i: (i, 0)),
            pl.BlockSpec((R, D), lambda i: (i, 0)),
        ],
        out_shape=[
            jax.ShapeDtypeStruct((NP, D), _f32),
            jax.ShapeDtypeStruct((NP, D), _f32),
        ],
    )(xp, degp, lin0_W, lin0_b, gcn_W)


def _tc_round_body(aggp_ref, y_ref, h_ref, degp_ref, gb_ref,
                   wih_ref, whh_ref, bih_ref, bhh_ref, gw_ref,
                   hn_ref, yn_ref):
    agg = aggp_ref[0, :, :] + aggp_ref[1, :, :]
    deg = degp_ref[0, :] + degp_ref[1, :] + 1.0
    dinv = lax.rsqrt(deg)
    m = jnp.maximum(dinv[:, None] * (agg + y_ref[...]) + gb_ref[...], 0.0)
    h = h_ref[...]
    gi = _mm_t(m, wih_ref[...]) + bih_ref[...]
    gh = _mm_t(h, whh_ref[...]) + bhh_ref[...]
    r = jax.nn.sigmoid(gi[:, :D] + gh[:, :D])
    z = jax.nn.sigmoid(gi[:, D:2 * D] + gh[:, D:2 * D])
    n = jnp.tanh(gi[:, 2 * D:] + r * gh[:, 2 * D:])
    hn = (1.0 - z) * n + z * h
    hn_ref[...] = hn
    yn_ref[...] = dinv[:, None] * _mm_t(hn, gw_ref[...])


def _tc_round(aggp, y, h, degp, gcn_b, gru_Wih, gru_Whh, gru_bih, gru_bhh,
              gcn_W):
    return pl.pallas_call(
        _tc_round_body,
        grid=(NB,),
        in_specs=[
            pl.BlockSpec((NC, R, D), lambda i: (0, i, 0)),
            pl.BlockSpec((R, D), lambda i: (i, 0)),
            pl.BlockSpec((R, D), lambda i: (i, 0)),
            pl.BlockSpec((NC, R), lambda i: (0, i)),
            pl.BlockSpec((D,), lambda i: (0,)),
            pl.BlockSpec((3 * D, D), lambda i: (0, 0)),
            pl.BlockSpec((3 * D, D), lambda i: (0, 0)),
            pl.BlockSpec((3 * D,), lambda i: (0,)),
            pl.BlockSpec((3 * D,), lambda i: (0,)),
            pl.BlockSpec((D, D), lambda i: (0, 0)),
        ],
        out_specs=[
            pl.BlockSpec((R, D), lambda i: (i, 0)),
            pl.BlockSpec((R, D), lambda i: (i, 0)),
        ],
        out_shape=[
            jax.ShapeDtypeStruct((NP, D), _f32),
            jax.ShapeDtypeStruct((NP, D), _f32),
        ],
    )(aggp, y, h, degp, gcn_b, gru_Wih, gru_Whh, gru_bih, gru_bhh, gcn_W)


def _tc_set2set_body(x_ref, batch_ref, wih_ref, whh_ref, bih_ref, bhh_ref,
                     q_ref):
    x = x_ref[...]
    bvec = batch_ref[...]
    seg = lax.broadcasted_iota(jnp.int32, (N, B), 1)
    S = (bvec == seg).astype(_f32)

    h_l = jnp.zeros((B, D), _f32)
    c_l = jnp.zeros((B, D), _f32)
    q_star = jnp.zeros((B, 2 * D), _f32)
    for _ in range(3):
        gates = (_mm_t(q_star, wih_ref[...]) + bih_ref[...]
                 + _mm_t(h_l, whh_ref[...]) + bhh_ref[...])
        gi = gates[:, :D]
        gf = gates[:, D:2 * D]
        gg = gates[:, 2 * D:3 * D]
        go = gates[:, 3 * D:]
        c_l = jax.nn.sigmoid(gf) * c_l + jax.nn.sigmoid(gi) * jnp.tanh(gg)
        h_l = jax.nn.sigmoid(go) * jnp.tanh(c_l)
        qg = lax.dot_general(S, h_l, (((1,), (0,)), ((), ())),
                             preferred_element_type=_f32)
        e = jnp.sum(x * qg, axis=1, keepdims=True)
        em = jnp.where(S > 0.5, e, -1e30)
        mseg = jnp.max(em, axis=0, keepdims=True)
        mg = lax.dot_general(S, mseg, (((1,), (1,)), ((), ())),
                             preferred_element_type=_f32)
        e2 = jnp.exp(e - mg)
        sseg = lax.dot_general(S, e2, (((0,), (0,)), ((), ())),
                               preferred_element_type=_f32)
        sg = lax.dot_general(S, sseg, (((1,), (0,)), ((), ())),
                             preferred_element_type=_f32)
        a = e2 / (sg + 1e-16)
        r = lax.dot_general(S, a * x, (((0,), (0,)), ((), ())),
                            preferred_element_type=_f32)
        q_star = jnp.concatenate([h_l, r], axis=1)
    q_ref[...] = q_star


def _tc_set2set(x, batch2d, lstm_Wih, lstm_Whh, lstm_bih, lstm_bhh):
    return pl.pallas_call(
        _tc_set2set_body,
        out_shape=jax.ShapeDtypeStruct((B, 2 * D), _f32),
    )(x, batch2d, lstm_Wih, lstm_Whh, lstm_bih, lstm_bhh)


def kernel(x2, edge_index2, batch, lin0_W, lin0_b, gcn_W, gcn_b,
           gru_Wih, gru_Whh, gru_bih, gru_bhh,
           lstm_Wih, lstm_Whh, lstm_bih, lstm_bhh):
    src = edge_index2[0]
    dst = edge_index2[1]

    degp = _sc_degrees(dst).reshape(NC, NP)

    xp = jnp.pad(x2.astype(_f32), ((0, NP - N), (0, 0)))
    h, y = _tc_lin0(xp, degp, lin0_W, lin0_b, gcn_W)

    for _ in range(3):
        aggp = _sc_aggregate(y, src, dst).reshape(NC, NP, D)
        h, y = _tc_round(aggp, y, h, degp, gcn_b,
                         gru_Wih, gru_Whh, gru_bih, gru_bhh, gcn_W)

    feat_last = h[:N]
    batch2d = batch.reshape(N, 1)
    q_star = _tc_set2set(feat_last, batch2d,
                         lstm_Wih, lstm_Whh, lstm_bih, lstm_bhh)
    return (q_star, feat_last)

# --- scband reference (transcript-rebuilt; emitter-appended) ---
"""Pipeline reference for scband-java-encoder-10075993276850 (READ-ONLY COPY).

The authoritative reference and input builder live on the scoring server;
editing this copy changes nothing except your own understanding.
"""

import jax, jax.numpy as jnp
import numpy as np

N = 10000
E = 320000
D = 128
B = 64


def setup_inputs(seed: int = 0) -> dict:
    key = jax.random.key(seed)
    ks = jax.random.split(key, 16)
    s = 0.05
    x2 = jax.random.normal(ks[0], (N, D), dtype=jnp.float32)
    edge_index2 = jax.random.randint(ks[1], (2, E), 0, N, dtype=jnp.int32)
    batch = jnp.sort(jax.random.randint(ks[2], (N,), 0, B, dtype=jnp.int32))
    lin0_W = s * jax.random.normal(ks[3], (D, D), dtype=jnp.float32)
    lin0_b = s * jax.random.normal(ks[4], (D,), dtype=jnp.float32)
    gcn_W = s * jax.random.normal(ks[5], (D, D), dtype=jnp.float32)
    gcn_b = s * jax.random.normal(ks[6], (D,), dtype=jnp.float32)
    gru_Wih = s * jax.random.normal(ks[7], (3 * D, D), dtype=jnp.float32)
    gru_Whh = s * jax.random.normal(ks[8], (3 * D, D), dtype=jnp.float32)
    gru_bih = s * jax.random.normal(ks[9], (3 * D,), dtype=jnp.float32)
    gru_bhh = s * jax.random.normal(ks[10], (3 * D,), dtype=jnp.float32)
    lstm_Wih = s * jax.random.normal(ks[11], (4 * D, 2 * D), dtype=jnp.float32)
    lstm_Whh = s * jax.random.normal(ks[12], (4 * D, D), dtype=jnp.float32)
    lstm_bih = s * jax.random.normal(ks[13], (4 * D,), dtype=jnp.float32)
    lstm_bhh = s * jax.random.normal(ks[14], (4 * D,), dtype=jnp.float32)
    return {
        "x2": x2, "edge_index2": edge_index2, "batch": batch,
        "lin0_W": lin0_W, "lin0_b": lin0_b,
        "gcn_W": gcn_W, "gcn_b": gcn_b,
        "gru_Wih": gru_Wih, "gru_Whh": gru_Whh, "gru_bih": gru_bih, "gru_bhh": gru_bhh,
        "lstm_Wih": lstm_Wih, "lstm_Whh": lstm_Whh, "lstm_bih": lstm_bih, "lstm_bhh": lstm_bhh,
    }


def _gcn_conv(x, W, b, src, dst, n_nodes):
    # PyG GCNConv: add self-loops, symmetric normalization, then scatter-add
    xw = x @ W.T
    loop = jnp.arange(n_nodes, dtype=src.dtype)
    src2 = jnp.concatenate([src, loop])
    dst2 = jnp.concatenate([dst, loop])
    deg = jax.ops.segment_sum(jnp.ones_like(dst2, dtype=xw.dtype), dst2, num_segments=n_nodes)
    dinv = jnp.where(deg > 0, 1.0 / jnp.sqrt(deg), 0.0)
    norm = dinv[src2] * dinv[dst2]
    msg = xw[src2] * norm[:, None]
    out = jax.ops.segment_sum(msg, dst2, num_segments=n_nodes)
    return out + b


def _gru_step(x, h, Wih, Whh, bih, bhh):
    gi = x @ Wih.T + bih
    gh = h @ Whh.T + bhh
    ir, iz, inn = jnp.split(gi, 3, axis=-1)
    hr, hz, hn = jnp.split(gh, 3, axis=-1)
    r = jax.nn.sigmoid(ir + hr)
    z = jax.nn.sigmoid(iz + hz)
    n = jnp.tanh(inn + r * hn)
    return (1.0 - z) * n + z * h


def _seg_softmax(e, batch, n_seg):
    m = jax.ops.segment_max(e, batch, num_segments=n_seg)
    e2 = jnp.exp(e - m[batch])
    s = jax.ops.segment_sum(e2, batch, num_segments=n_seg)
    return e2 / (s[batch] + 1e-16)


def reference(x2, edge_index2, batch, lin0_W, lin0_b, gcn_W, gcn_b,
              gru_Wih, gru_Whh, gru_bih, gru_bhh,
              lstm_Wih, lstm_Whh, lstm_bih, lstm_bhh):
    src = edge_index2[0]
    dst = edge_index2[1]
    out = jax.nn.relu(x2.astype(jnp.float32) @ lin0_W.T + lin0_b)
    h = out
    for _ in range(3):
        m = jax.nn.relu(_gcn_conv(out, gcn_W, gcn_b, src, dst, N))
        h = _gru_step(m, h, gru_Wih, gru_Whh, gru_bih, gru_bhh)
        out = h
    feat_last = out
    # Set2Set with processing_steps=3
    h_l = jnp.zeros((B, D), dtype=out.dtype)
    c_l = jnp.zeros((B, D), dtype=out.dtype)
    q_star = jnp.zeros((B, 2 * D), dtype=out.dtype)
    for _ in range(3):
        gates = q_star @ lstm_Wih.T + lstm_bih + h_l @ lstm_Whh.T + lstm_bhh
        gi, gf, gg, go = jnp.split(gates, 4, axis=-1)
        c_l = jax.nn.sigmoid(gf) * c_l + jax.nn.sigmoid(gi) * jnp.tanh(gg)
        h_l = jax.nn.sigmoid(go) * jnp.tanh(c_l)
        q = h_l
        e = jnp.sum(out * q[batch], axis=-1)
        a = _seg_softmax(e, batch, B)
        r = jax.ops.segment_sum(a[:, None] * out, batch, num_segments=B)
        q_star = jnp.concatenate([q, r], axis=-1)
    return (q_star, feat_last)

if __name__ == "__main__":
    import jax
    _d = setup_inputs()
    print(jax.jit(kernel)(*tuple(_d.values())))

</pallas_src>

<mosaic_0001>
#map = affine_map<(d0, d1) -> (0)>
module attributes {stable_mosaic.version = 14 : i64} {
  func.func @_sc_deg_body(%arg0: i32, %arg1: i32, %arg2: memref<320000xi32, #tpu.memory_space<hbm>>, %arg3: memref<20480xf32, #tpu.memory_space<hbm>>, %arg4: memref<128xi32, #tpu.memory_space<vmem>>, %arg5: memref<128xi32, #tpu.memory_space<vmem>>, %arg6: memref<16xi32, #tpu.memory_space<vmem>>, %arg7: memref<128xf32, #tpu.memory_space<vmem>>, %arg8: memref<640xf32, #tpu.memory_space<vmem>>, %arg9: memref<10240xf32, #tpu.memory_space<vmem_shared>>, %arg10: memref<!tpu.dma_semaphore, #tpu.memory_space<semaphore_mem>>, %arg11: memref<!tpu.dma_semaphore, #tpu.memory_space<semaphore_mem>>, %arg12: memref<!tpu.dma_semaphore, #tpu.memory_space<semaphore_mem>>) attributes {dimension_semantics = [#tpu.dimension_semantics<core_parallel>, #tpu.dimension_semantics<subcore_parallel>], iteration_bounds = array<i64: 2, 16>, scalar_prefetch = 0 : i64, scratch_operands = 9 : i64, tpu.core_type = #tpu.core_type<sc_vector_subcore>, window_params = [{transform_indices = #map}, {transform_indices = #map}]} {
    %mul3A = arith.constant 16 : i32
    %mul3A_0 = arith.muli %arg0, %mul3A : i32
    %add3A = arith.addi %mul3A_0, %arg1 : i32
    %broadcast_in_dim3A = arith.constant 1.000000e+00 : f32
    %broadcast_in_dim3A_1 = vector.broadcast %broadcast_in_dim3A : f32 to vector<16xf32>
    %broadcast_in_dim3A_2 = arith.constant 0.000000e+00 : f32
    %broadcast_in_dim3A_3 = vector.broadcast %broadcast_in_dim3A_2 : f32 to vector<16xf32>
    %swap3A = arith.constant 0 : index
    %swap3A_4 = tpu.vector_load %arg7[%swap3A] {strides = array<i32>} : memref<128xf32, #tpu.memory_space<vmem>>, vector<16xf32>,
    %swap3A_5 = vector.shape_cast %swap3A_4 : vector<16xf32> to vector<16xf32>
    %swap3A_6 = vector.shape_cast %broadcast_in_dim3A_1 : vector<16xf32> to vector<16xf32>
    tpu.vector_store %arg7[%swap3A], %swap3A_6 {strides = array<i32>} : memref<128xf32, #tpu.memory_space<vmem>>, vector<16xf32>,
    %swap3A_7 = arith.constant 16 : index
    %swap3A_8 = tpu.vector_load %arg7[%swap3A_7] {strides = array<i32>} : memref<128xf32, #tpu.memory_space<vmem>>, vector<16xf32>,
    %swap3A_9 = vector.shape_cast %swap3A_8 : vector<16xf32> to vector<16xf32>
    %swap3A_10 = vector.shape_cast %broadcast_in_dim3A_1 : vector<16xf32> to vector<16xf32>
    tpu.vector_store %arg7[%swap3A_7], %swap3A_10 {strides = array<i32>} : memref<128xf32, #tpu.memory_space<vmem>>, vector<16xf32>,
    %swap3A_11 = arith.constant 32 : index
    %swap3A_12 = tpu.vector_load %arg7[%swap3A_11] {strides = array<i32>} : memref<128xf32, #tpu.memory_space<vmem>>, vector<16xf32>,
    %swap3A_13 = vector.shape_cast %swap3A_12 : vector<16xf32> to vector<16xf32>
    %swap3A_14 = vector.shape_cast %broadcast_in_dim3A_1 : vector<16xf32> to vector<16xf32>
    tpu.vector_store %arg7[%swap3A_11], %swap3A_14 {strides = array<i32>} : memref<128xf32, #tpu.memory_space<vmem>>, vector<16xf32>,
    %swap3A_15 = arith.constant 48 : index
    %swap3A_16 = tpu.vector_load %arg7[%swap3A_15] {strides = array<i32>} : memref<128xf32, #tpu.memory_space<vmem>>, vector<16xf32>,
    %swap3A_17 = vector.shape_cast %swap3A_16 : vector<16xf32> to vector<16xf32>
    %swap3A_18 = vector.shape_cast %broadcast_in_dim3A_1 : vector<16xf32> to vector<16xf32>
    tpu.vector_store %arg7[%swap3A_15], %swap3A_18 {strides = array<i32>} : memref<128xf32, #tpu.memory_space<vmem>>, vector<16xf32>,
    %swap3A_19 = arith.constant 64 : index
    %swap3A_20 = tpu.vector_load %arg7[%swap3A_19] {strides = array<i32>} : memref<128xf32, #tpu.memory_space<vmem>>, vector<16xf32>,
    %swap3A_21 = vector.shape_cast %swap3A_20 : vector<16xf32> to vector<16xf32>
    %swap3A_22 = vector.shape_cast %broadcast_in_dim3A_1 : vector<16xf32> to vector<16xf32>
    tpu.vector_store %arg7[%swap3A_19], %swap3A_22 {strides = array<i32>} : memref<128xf32, #tpu.memory_space<vmem>>, vector<16xf32>,
    %swap3A_23 = arith.constant 80 : index
    %swap3A_24 = tpu.vector_load %arg7[%swap3A_23] {strides = array<i32>} : memref<128xf32, #tpu.memory_space<vmem>>, vector<16xf32>,
    %swap3A_25 = vector.shape_cast %swap3A_24 : vector<16xf32> to vector<16xf32>
    %swap3A_26 = vector.shape_cast %broadcast_in_dim3A_1 : vector<16xf32> to vector<16xf32>
    tpu.vector_store %arg7[%swap3A_23], %swap3A_26 {strides = array<i32>} : memref<128xf32, #tpu.memory_space<vmem>>, vector<16xf32>,
    %swap3A_27 = arith.constant 96 : index
    %swap3A_28 = tpu.vector_load %arg7[%swap3A_27] {strides = array<i32>} : memref<128xf32, #tpu.memory_space<vmem>>, vector<16xf32>,
    %swap3A_29 = vector.shape_cast %swap3A_28 : vector<16xf32> to vector<16xf32>
    %swap3A_30 = vector.shape_cast %broadcast_in_dim3A_1 : vector<16xf32> to vector<16xf32>
    tpu.vector_store %arg7[%swap3A_27], %swap3A_30 {strides = array<i32>} : memref<128xf32, #tpu.memory_space<vmem>>, vector<16xf32>,
    %swap3A_31 = arith.constant 112 : index
    %swap3A_32 = tpu.vector_load %arg7[%swap3A_31] {strides = array<i32>} : memref<128xf32, #tpu.memory_space<vmem>>, vector<16xf32>,
    %swap3A_33 = vector.shape_cast %swap3A_32 : vector<16xf32> to vector<16xf32>
    %swap3A_34 = vector.shape_cast %broadcast_in_dim3A_1 : vector<16xf32> to vector<16xf32>
    tpu.vector_store %arg7[%swap3A_31], %swap3A_34 {strides = array<i32>} : memref<128xf32, #tpu.memory_space<vmem>>, vector<16xf32>,
    %scan3A = arith.constant 0 : i32
    %scan3A_35 = arith.constant 0 : i32
    %scan3A_36 = arith.constant 40 : i32
    %scan3A_37 = arith.addi %scan3A_35, %scan3A_36 : i32
    %scan3A_38 = arith.constant 1 : i32
    scf.for %scan3A_66 = %scan3A_35 to %scan3A_37 step %scan3A_38  : i32 {
      %mul3A_67 = arith.constant 16 : i32
      %mul3A_68 = arith.muli %scan3A_66, %mul3A_67 : i32
      %swap3A_69 = arith.index_cast %mul3A_68 : i32 to index
      %swap3A_70 = tpu.vector_load %arg8[%swap3A_69] {strides = array<i32>} : memref<640xf32, #tpu.memory_space<vmem>>, vector<16xf32>,
      %swap3A_71 = vector.shape_cast %swap3A_70 : vector<16xf32> to vector<16xf32>
      %swap3A_72 = vector.shape_cast %broadcast_in_dim3A_3 : vector<16xf32> to vector<16xf32>
      tpu.vector_store %arg8[%swap3A_69], %swap3A_72 {strides = array<i32>} : memref<640xf32, #tpu.memory_space<vmem>>, vector<16xf32>,
    }
    %scan3A_39 = arith.constant 40 : i32
    %mul3A_40 = arith.constant 640 : i32
    %mul3A_41 = arith.muli %arg1, %mul3A_40 : i32
    "tpu.region"() ({
      %run_scoped3A = tpu.sem_alloc : memref<!tpu.dma_semaphore, #tpu.memory_space<semaphore_mem>>
      %dma_start3A_66 = tpu.memref_slice %arg9[%mul3A_41] : memref<10240xf32, #tpu.memory_space<vmem_shared>> -> memref<640xf32, #tpu.memory_space<vmem_shared>>
      %dma_start3A_67 = tpu.memref_slice %arg9[%mul3A_41] : memref<10240xf32, #tpu.memory_space<vmem_shared>> -> memref<640xf32, #tpu.memory_space<vmem_shared>>
      tpu.enqueue_dma source(%arg8 : memref<640xf32, #tpu.memory_space<vmem>>) target(%dma_start3A_67 : memref<640xf32, #tpu.memory_space<vmem_shared>>) target_semaphore(%run_scoped3A : memref<!tpu.dma_semaphore, #tpu.memory_space<semaphore_mem>>)
      %dma_wait3A = tpu.memref_slice %arg9[%mul3A_41] : memref<10240xf32, #tpu.memory_space<vmem_shared>> -> memref<640xf32, #tpu.memory_space<vmem_shared>>
      %dma_wait3A_68 = tpu.memref_slice %arg9[%mul3A_41] : memref<10240xf32, #tpu.memory_space<vmem_shared>> -> memref<640xf32, #tpu.memory_space<vmem_shared>>
      tpu.wait_dma2 semaphore(%run_scoped3A : memref<!tpu.dma_semaphore, #tpu.memory_space<semaphore_mem>>) src(%arg8 : memref<640xf32, #tpu.memory_space<vmem>>) dst(%dma_wait3A_68 : memref<640xf32, #tpu.memory_space<vmem_shared>>)
      tpu.yield
    }) : () -> ()
    %barrier3A = arith.constant 0 : index
    tpu.barrier barrier_id(%barrier3A)
    %mul3A_42 = arith.constant 10000 : i32
    %mul3A_43 = arith.muli %add3A, %mul3A_42 : i32
    %add3A_44 = arith.constant 0 : i32
    %add3A_45 = arith.addi %mul3A_43, %add3A_44 : i32
    %multiple_of3A = tpu.assume_multiple %add3A_45, 8 : i32
    %dma_start3A = tpu.memref_slice %arg2[%multiple_of3A] : memref<320000xi32, #tpu.memory_space<hbm>> -> memref<128xi32, #tpu.memory_space<hbm>>
    %dma_start3A_46 = tpu.memref_slice %arg2[%multiple_of3A] : memref<320000xi32, #tpu.memory_space<hbm>> -> memref<128xi32, #tpu.memory_space<hbm>>
    tpu.enqueue_dma source(%dma_start3A_46 : memref<128xi32, #tpu.memory_space<hbm>>) target(%arg4 : memref<128xi32, #tpu.memory_space<vmem>>) target_semaphore(%arg10 : memref<!tpu.dma_semaphore, #tpu.memory_space<semaphore_mem>>)
    %scan3A_47 = arith.constant 0 : i32
    %scan3A_48 = arith.constant 0 : i32
    %scan3A_49 = arith.constant 39 : i32
    %scan3A_50 = arith.addi %scan3A_48, %scan3A_49 : i32
    %scan3A_51 = arith.constant 1 : i32
    scf.for %scan3A_66 = %scan3A_48 to %scan3A_50 step %scan3A_51  : i32 {
      %mul3A_67 = arith.constant 2 : i32
      %mul3A_68 = arith.muli %mul3A_67, %scan3A_66 : i32
      %add3A_69 = arith.constant 1 : i32
      %add3A_70 = arith.addi %mul3A_68, %add3A_69 : i32
      %mul3A_71 = arith.constant 10000 : i32
      %mul3A_72 = arith.muli %add3A, %mul3A_71 : i32
      %mul3A_73 = arith.constant 128 : i32
      %mul3A_74 = arith.muli %add3A_70, %mul3A_73 : i32
      %add3A_75 = arith.addi %mul3A_72, %mul3A_74 : i32
      %multiple_of3A_76 = tpu.assume_multiple %add3A_75, 8 : i32
      %dma_start3A_77 = tpu.memref_slice %arg2[%multiple_of3A_76] : memref<320000xi32, #tpu.memory_space<hbm>> -> memref<128xi32, #tpu.memory_space<hbm>>
      %dma_start3A_78 = tpu.memref_slice %arg2[%multiple_of3A_76] : memref<320000xi32, #tpu.memory_space<hbm>> -> memref<128xi32, #tpu.memory_space<hbm>>
      tpu.enqueue_dma source(%dma_start3A_78 : memref<128xi32, #tpu.memory_space<hbm>>) target(%arg5 : memref<128xi32, #tpu.memory_space<vmem>>) target_semaphore(%arg11 : memref<!tpu.dma_semaphore, #tpu.memory_space<semaphore_mem>>)
      %mul3A_79 = arith.constant 10000 : i32
      %mul3A_80 = arith.muli %add3A, %mul3A_79 : i32
      %mul3A_81 = arith.constant 128 : i32
      %mul3A_82 = arith.muli %mul3A_68, %mul3A_81 : i32
      %add3A_83 = arith.addi %mul3A_80, %mul3A_82 : i32
      %multiple_of3A_84 = tpu.assume_multiple %add3A_83, 8 : i32
      %dma_wait3A = tpu.memref_slice %arg2[%multiple_of3A_84] : memref<320000xi32, #tpu.memory_space<hbm>> -> memref<128xi32, #tpu.memory_space<hbm>>
      %dma_wait3A_85 = tpu.memref_slice %arg2[%multiple_of3A_84] : memref<320000xi32, #tpu.memory_space<hbm>> -> memref<128xi32, #tpu.memory_space<hbm>>
      tpu.wait_dma2 semaphore(%arg10 : memref<!tpu.dma_semaphore, #tpu.memory_space<semaphore_mem>>) src(%dma_wait3A_85 : memref<128xi32, #tpu.memory_space<hbm>>) dst(%arg4 : memref<128xi32, #tpu.memory_space<vmem>>)
      "tpu.region"() ({
        %run_scoped3A = tpu.sem_alloc : memref<!tpu.dma_semaphore, #tpu.memory_space<semaphore_mem>>
        %dma_start3A_100 = arith.constant 0 : i32
        %dma_start3A_101 = tpu.memref_slice %arg7[%dma_start3A_100] : memref<128xf32, #tpu.memory_space<vmem>> -> memref<128xf32, #tpu.memory_space<vmem>>
        %dma_start3A_102 = arith.constant 0 : i32
        %dma_start3A_103 = tpu.memref_slice %arg9[%dma_start3A_102] : memref<10240xf32, #tpu.memory_space<vmem_shared>> -> memref<10240xf32, #tpu.memory_space<vmem_shared>>
        tpu.enqueue_indirect_dma source(%dma_start3A_101 : memref<128xf32, #tpu.memory_space<vmem>>) target(%dma_start3A_103 : memref<10240xf32, #tpu.memory_space<vmem_shared>>) offsets(%arg4 : memref<128xi32, #tpu.memory_space<vmem>>) semaphore(%run_scoped3A : memref<!tpu.dma_semaphore, #tpu.memory_space<semaphore_mem>>) {add = true}
        %dma_wait3A_104 = arith.constant 0 : i32
        %dma_wait3A_105 = tpu.memref_slice %arg7[%dma_wait3A_104] : memref<128xf32, #tpu.memory_space<vmem>> -> memref<128xf32, #tpu.memory_space<vmem>>
        %dma_wait3A_106 = arith.constant 0 : i32
        %dma_wait3A_107 = tpu.memref_slice %arg9[%dma_wait3A_106] : memref<10240xf32, #tpu.memory_space<vmem_shared>> -> memref<10240xf32, #tpu.memory_space<vmem_shared>>
        tpu.wait_indirect_dma semaphore(%run_scoped3A : memref<!tpu.dma_semaphore, #tpu.memory_space<semaphore_mem>>) src(%dma_wait3A_105 : memref<128xf32, #tpu.memory_space<vmem>>) dst(%dma_wait3A_107 : memref<10240xf32, #tpu.memory_space<vmem_shared>>)
        tpu.yield
      }) : () -> ()
      %add3A_86 = arith.constant 2 : i32
      %add3A_87 = arith.addi %mul3A_68, %add3A_86 : i32
      %lt3A = arith.constant 78 : i32
      %lt3A_88 = arith.cmpi slt, %add3A_87, %lt3A : i32
      %convert_element_type3A = arith.extui %lt3A_88 : i1 to i32
      %cond3A = arith.constant 0 : i32
      %cond3A_89 = arith.cmpi ne, %convert_element_type3A, %cond3A : i32
      scf.if %cond3A_89 {
        %add3A_100 = arith.constant 2 : i32
        %add3A_101 = arith.addi %mul3A_68, %add3A_100 : i32
        %mul3A_102 = arith.constant 10000 : i32
        %mul3A_103 = arith.muli %add3A, %mul3A_102 : i32
        %mul3A_104 = arith.constant 128 : i32
        %mul3A_105 = arith.muli %add3A_101, %mul3A_104 : i32
        %add3A_106 = arith.addi %mul3A_103, %mul3A_105 : i32
        %multiple_of3A_107 = tpu.assume_multiple %add3A_106, 8 : i32
        %dma_start3A_108 = tpu.memref_slice %arg2[%multiple_of3A_107] : memref<320000xi32, #tpu.memory_space<hbm>> -> memref<128xi32, #tpu.memory_space<hbm>>
        %dma_start3A_109 = tpu.memref_slice %arg2[%multiple_of3A_107] : memref<320000xi32, #tpu.memory_space<hbm>> -> memref<128xi32, #tpu.memory_space<hbm>>
        tpu.enqueue_dma source(%dma_start3A_109 : memref<128xi32, #tpu.memory_space<hbm>>) target(%arg4 : memref<128xi32, #tpu.memory_space<vmem>>) target_semaphore(%arg10 : memref<!tpu.dma_semaphore, #tpu.memory_space<semaphore_mem>>)
      } else {
      }
      %add3A_90 = arith.constant 1 : i32
      %add3A_91 = arith.addi %mul3A_68, %add3A_90 : i32
      %mul3A_92 = arith.constant 10000 : i32
      %mul3A_93 = arith.muli %add3A, %mul3A_92 : i32
      %mul3A_94 = arith.constant 128 : i32
      %mul3A_95 = arith.muli %add3A_91, %mul3A_94 : i32
      %add3A_96 = arith.addi %mul3A_93, %mul3A_95 : i32
      %multiple_of3A_97 = tpu.assume_multiple %add3A_96, 8 : i32
      %dma_wait3A_98 = tpu.memref_slice %arg2[%multiple_of3A_97] : memref<320000xi32, #tpu.memory_space<hbm>> -> memref<128xi32, #tpu.memory_space<hbm>>
      %dma_wait3A_99 = tpu.memref_slice %arg2[%multiple_of3A_97] : memref<320000xi32, #tpu.memory_space<hbm>> -> memref<128xi32, #tpu.memory_space<hbm>>
      tpu.wait_dma2 semaphore(%arg11 : memref<!tpu.dma_semaphore, #tpu.memory_space<semaphore_mem>>) src(%dma_wait3A_99 : memref<128xi32, #tpu.memory_space<hbm>>) dst(%arg5 : memref<128xi32, #tpu.memory_space<vmem>>)
      "tpu.region"() ({
        %run_scoped3A = tpu.sem_alloc : memref<!tpu.dma_semaphore, #tpu.memory_space<semaphore_mem>>
        %dma_start3A_100 = arith.constant 0 : i32
        %dma_start3A_101 = tpu.memref_slice %arg7[%dma_start3A_100] : memref<128xf32, #tpu.memory_space<vmem>> -> memref<128xf32, #tpu.memory_space<vmem>>
        %dma_start3A_102 = arith.constant 0 : i32
        %dma_start3A_103 = tpu.memref_slice %arg9[%dma_start3A_102] : memref<10240xf32, #tpu.memory_space<vmem_shared>> -> memref<10240xf32, #tpu.memory_space<vmem_shared>>
        tpu.enqueue_indirect_dma source(%dma_start3A_101 : memref<128xf32, #tpu.memory_space<vmem>>) target(%dma_start3A_103 : memref<10240xf32, #tpu.memory_space<vmem_shared>>) offsets(%arg5 : memref<128xi32, #tpu.memory_space<vmem>>) semaphore(%run_scoped3A : memref<!tpu.dma_semaphore, #tpu.memory_space<semaphore_mem>>) {add = true}
        %dma_wait3A_104 = arith.constant 0 : i32
        %dma_wait3A_105 = tpu.memref_slice %arg7[%dma_wait3A_104] : memref<128xf32, #tpu.memory_space<vmem>> -> memref<128xf32, #tpu.memory_space<vmem>>
        %dma_wait3A_106 = arith.constant 0 : i32
        %dma_wait3A_107 = tpu.memref_slice %arg9[%dma_wait3A_106] : memref<10240xf32, #tpu.memory_space<vmem_shared>> -> memref<10240xf32, #tpu.memory_space<vmem_shared>>
        tpu.wait_indirect_dma semaphore(%run_scoped3A : memref<!tpu.dma_semaphore, #tpu.memory_space<semaphore_mem>>) src(%dma_wait3A_105 : memref<128xf32, #tpu.memory_space<vmem>>) dst(%dma_wait3A_107 : memref<10240xf32, #tpu.memory_space<vmem_shared>>)
        tpu.yield
      }) : () -> ()
    }
    %scan3A_52 = arith.constant 39 : i32
    %mul3A_53 = arith.constant 10000 : i32
    %mul3A_54 = arith.muli %add3A, %mul3A_53 : i32
    %add3A_55 = arith.constant 9984 : i32
    %add3A_56 = arith.addi %mul3A_54, %add3A_55 : i32
    %multiple_of3A_57 = tpu.assume_multiple %add3A_56, 8 : i32
    "tpu.region"() ({
      %run_scoped3A = tpu.sem_alloc : memref<!tpu.dma_semaphore, #tpu.memory_space<semaphore_mem>>
      %dma_start3A_66 = tpu.memref_slice %arg2[%multiple_of3A_57] : memref<320000xi32, #tpu.memory_space<hbm>> -> memref<16xi32, #tpu.memory_space<hbm>>
      %dma_start3A_67 = tpu.memref_slice %arg2[%multiple_of3A_57] : memref<320000xi32, #tpu.memory_space<hbm>> -> memref<16xi32, #tpu.memory_space<hbm>>
      tpu.enqueue_dma source(%dma_start3A_67 : memref<16xi32, #tpu.memory_space<hbm>>) target(%arg6 : memref<16xi32, #tpu.memory_space<vmem>>) target_semaphore(%run_scoped3A : memref<!tpu.dma_semaphore, #tpu.memory_space<semaphore_mem>>)
      %dma_wait3A = tpu.memref_slice %arg2[%multiple_of3A_57] : memref<320000xi32, #tpu.memory_space<hbm>> -> memref<16xi32, #tpu.memory_space<hbm>>
      %dma_wait3A_68 = tpu.memref_slice %arg2[%multiple_of3A_57] : memref<320000xi32, #tpu.memory_space<hbm>> -> memref<16xi32, #tpu.memory_space<hbm>>
      tpu.wait_dma2 semaphore(%run_scoped3A : memref<!tpu.dma_semaphore, #tpu.memory_space<semaphore_mem>>) src(%dma_wait3A_68 : memref<16xi32, #tpu.memory_space<hbm>>) dst(%arg6 : memref<16xi32, #tpu.memory_space<vmem>>)
      tpu.yield
    }) : () -> ()
    "tpu.region"() ({
      %run_scoped3A = tpu.sem_alloc : memref<!tpu.dma_semaphore, #tpu.memory_space<semaphore_mem>>
      %dma_start3A_66 = arith.constant 0 : i32
      %dma_start3A_67 = tpu.memref_slice %arg7[%dma_start3A_66] : memref<128xf32, #tpu.memory_space<vmem>> -> memref<16xf32, #tpu.memory_space<vmem>>
      %dma_start3A_68 = arith.constant 0 : i32
      %dma_start3A_69 = tpu.memref_slice %arg9[%dma_start3A_68] : memref<10240xf32, #tpu.memory_space<vmem_shared>> -> memref<10240xf32, #tpu.memory_space<vmem_shared>>
      tpu.enqueue_indirect_dma source(%dma_start3A_67 : memref<16xf32, #tpu.memory_space<vmem>>) target(%dma_start3A_69 : memref<10240xf32, #tpu.memory_space<vmem_shared>>) offsets(%arg6 : memref<16xi32, #tpu.memory_space<vmem>>) semaphore(%run_scoped3A : memref<!tpu.dma_semaphore, #tpu.memory_space<semaphore_mem>>) {add = true}
      %dma_wait3A = arith.constant 0 : i32
      %dma_wait3A_70 = tpu.memref_slice %arg7[%dma_wait3A] : memref<128xf32, #tpu.memory_space<vmem>> -> memref<16xf32, #tpu.memory_space<vmem>>
      %dma_wait3A_71 = arith.constant 0 : i32
      %dma_wait3A_72 = tpu.memref_slice %arg9[%dma_wait3A_71] : memref<10240xf32, #tpu.memory_space<vmem_shared>> -> memref<10240xf32, #tpu.memory_space<vmem_shared>>
      tpu.wait_indirect_dma semaphore(%run_scoped3A : memref<!tpu.dma_semaphore, #tpu.memory_space<semaphore_mem>>) src(%dma_wait3A_70 : memref<16xf32, #tpu.memory_space<vmem>>) dst(%dma_wait3A_72 : memref<10240xf32, #tpu.memory_space<vmem_shared>>)
      tpu.yield
    }) : () -> ()
    %barrier3A_58 = arith.constant 0 : index
    tpu.barrier barrier_id(%barrier3A_58)
    %mul3A_59 = arith.constant 640 : i32
    %mul3A_60 = arith.muli %arg1, %mul3A_59 : i32
    %mul3A_61 = arith.constant 10240 : i32
    %mul3A_62 = arith.muli %arg0, %mul3A_61 : i32
    %mul3A_63 = arith.constant 640 : i32
    %mul3A_64 = arith.muli %arg1, %mul3A_63 : i32
    %add3A_65 = arith.addi %mul3A_62, %mul3A_64 : i32
    "tpu.region"() ({
      %run_scoped3A = tpu.sem_alloc : memref<!tpu.dma_semaphore, #tpu.memory_space<semaphore_mem>>
      %dma_start3A_66 = tpu.memref_slice %arg3[%add3A_65] : memref<20480xf32, #tpu.memory_space<hbm>> -> memref<640xf32, #tpu.memory_space<hbm>>
      %dma_start3A_67 = tpu.memref_slice %arg9[%mul3A_60] : memref<10240xf32, #tpu.memory_space<vmem_shared>> -> memref<640xf32, #tpu.memory_space<vmem_shared>>
      tpu.enqueue_dma source(%dma_start3A_67 : memref<640xf32, #tpu.memory_space<vmem_shared>>) target(%dma_start3A_66 : memref<640xf32, #tpu.memory_space<hbm>>) target_semaphore(%run_scoped3A : memref<!tpu.dma_semaphore, #tpu.memory_space<semaphore_mem>>)
      %dma_wait3A = tpu.memref_slice %arg3[%add3A_65] : memref<20480xf32, #tpu.memory_space<hbm>> -> memref<640xf32, #tpu.memory_space<hbm>>
      %dma_wait3A_68 = tpu.memref_slice %arg9[%mul3A_60] : memref<10240xf32, #tpu.memory_space<vmem_shared>> -> memref<640xf32, #tpu.memory_space<vmem_shared>>
      tpu.wait_dma2 semaphore(%run_scoped3A : memref<!tpu.dma_semaphore, #tpu.memory_space<semaphore_mem>>) src(%dma_wait3A_68 : memref<640xf32, #tpu.memory_space<vmem_shared>>) dst(%dma_wait3A : memref<640xf32, #tpu.memory_space<hbm>>)
      tpu.yield
    }) : () -> ()
    return
  }
}

#map = affine_map<(d0, d1) -> (0, 0)>
#map1 = affine_map<(d0, d1) -> (0)>
module attributes {stable_mosaic.version = 14 : i64} {
  func.func @_sc_agg_body(%arg0: i32, %arg1: i32, %arg2: memref<10240x128xf32, #tpu.memory_space<hbm>>, %arg3: memref<320000xi32, #tpu.memory_space<hbm>>, %arg4: memref<320000xi32, #tpu.memory_space<hbm>>, %arg5: memref<20480x128xf32, #tpu.memory_space<hbm>>, %arg6: memref<128xi32, #tpu.memory_space<vmem>>, %arg7: memref<128xi32, #tpu.memory_space<vmem>>, %arg8: memref<128xi32, #tpu.memory_space<vmem>>, %arg9: memref<128xi32, #tpu.memory_space<vmem>>, %arg10: memref<16xi32, #tpu.memory_space<vmem>>, %arg11: memref<16xi32, #tpu.memory_space<vmem>>, %arg12: memref<128x128xf32, #tpu.memory_space<vmem>>, %arg13: memref<128x128xf32, #tpu.memory_space<vmem>>, %arg14: memref<16x128xf32, #tpu.memory_space<vmem>>, %arg15: memref<10240x128xf32, #tpu.memory_space<vmem_shared>>, %arg16: memref<!tpu.dma_semaphore, #tpu.memory_space<semaphore_mem>>, %arg17: memref<!tpu.dma_semaphore, #tpu.memory_space<semaphore_mem>>, %arg18: memref<!tpu.dma_semaphore, #tpu.memory_space<semaphore_mem>>, %arg19: memref<!tpu.dma_semaphore, #tpu.memory_space<semaphore_mem>>, %arg20: memref<!tpu.dma_semaphore, #tpu.memory_space<semaphore_mem>>, %arg21: memref<!tpu.dma_semaphore, #tpu.memory_space<semaphore_mem>>, %arg22: memref<!tpu.dma_semaphore, #tpu.memory_space<semaphore_mem>>, %arg23: memref<!tpu.dma_semaphore, #tpu.memory_space<semaphore_mem>>, %arg24: memref<!tpu.dma_semaphore, #tpu.memory_space<semaphore_mem>>) attributes {dimension_semantics = [#tpu.dimension_semantics<core_parallel>, #tpu.dimension_semantics<subcore_parallel>], iteration_bounds = array<i64: 2, 16>, scalar_prefetch = 0 : i64, scratch_operands = 19 : i64, tpu.core_type = #tpu.core_type<sc_vector_subcore>, window_params = [{transform_indices = #map}, {transform_indices = #map1}, {transform_indices = #map1}, {transform_indices = #map}]} {
    %mul3A = arith.constant 16 : i32
    %mul3A_0 = arith.muli %arg0, %mul3A : i32
    %add3A = arith.addi %mul3A_0, %arg1 : i32
    %broadcast_in_dim3A = arith.constant 0.000000e+00 : f32
    %broadcast_in_dim3A_1 = vector.broadcast %broadcast_in_dim3A : f32 to vector<16xf32>
    %scan3A = arith.constant 0 : i32
    %scan3A_2 = arith.constant 0 : i32
    %scan3A_3 = arith.constant 128 : i32
    %scan3A_4 = arith.addi %scan3A_2, %scan3A_3 : i32
    %scan3A_5 = arith.constant 1 : i32
    scf.for %scan3A_83 = %scan3A_2 to %scan3A_4 step %scan3A_5  : i32 {
      %swap3A = arith.index_cast %scan3A_83 : i32 to index
      %swap3A_84 = arith.constant 0 : index
      %swap3A_85 = tpu.vector_load %arg12[%swap3A, %swap3A_84] {strides = array<i32>} : memref<128x128xf32, #tpu.memory_space<vmem>>, vector<1x16xf32>,
      %swap3A_86 = vector.shape_cast %swap3A_85 : vector<1x16xf32> to vector<16xf32>
      %swap3A_87 = vector.shape_cast %broadcast_in_dim3A_1 : vector<16xf32> to vector<1x16xf32>
      tpu.vector_store %arg12[%swap3A, %swap3A_84], %swap3A_87 {strides = array<i32>} : memref<128x128xf32, #tpu.memory_space<vmem>>, vector<1x16xf32>,
      %swap3A_88 = arith.index_cast %scan3A_83 : i32 to index
      %swap3A_89 = arith.constant 16 : index
      %swap3A_90 = tpu.vector_load %arg12[%swap3A_88, %swap3A_89] {strides = array<i32>} : memref<128x128xf32, #tpu.memory_space<vmem>>, vector<1x16xf32>,
      %swap3A_91 = vector.shape_cast %swap3A_90 : vector<1x16xf32> to vector<16xf32>
      %swap3A_92 = vector.shape_cast %broadcast_in_dim3A_1 : vector<16xf32> to vector<1x16xf32>
      tpu.vector_store %arg12[%swap3A_88, %swap3A_89], %swap3A_92 {strides = array<i32>} : memref<128x128xf32, #tpu.memory_space<vmem>>, vector<1x16xf32>,
      %swap3A_93 = arith.index_cast %scan3A_83 : i32 to index
      %swap3A_94 = arith.constant 32 : index
      %swap3A_95 = tpu.vector_load %arg12[%swap3A_93, %swap3A_94] {strides = array<i32>} : memref<128x128xf32, #tpu.memory_space<vmem>>, vector<1x16xf32>,
      %swap3A_96 = vector.shape_cast %swap3A_95 : vector<1x16xf32> to vector<16xf32>
      %swap3A_97 = vector.shape_cast %broadcast_in_dim3A_1 : vector<16xf32> to vector<1x16xf32>
      tpu.vector_store %arg12[%swap3A_93, %swap3A_94], %swap3A_97 {strides = array<i32>} : memref<128x128xf32, #tpu.memory_space<vmem>>, vector<1x16xf32>,
      %swap3A_98 = arith.index_cast %scan3A_83 : i32 to index
      %swap3A_99 = arith.constant 48 : index
      %swap3A_100 = tpu.vector_load %arg12[%swap3A_98, %swap3A_99] {strides = array<i32>} : memref<128x128xf32, #tpu.memory_space<vmem>>, vector<1x16xf32>,
      %swap3A_101 = vector.shape_cast %swap3A_100 : vector<1x16xf32> to vector<16xf32>
      %swap3A_102 = vector.shape_cast %broadcast_in_dim3A_1 : vector<16xf32> to vector<1x16xf32>
      tpu.vector_store %arg12[%swap3A_98, %swap3A_99], %swap3A_102 {strides = array<i32>} : memref<128x128xf32, #tpu.memory_space<vmem>>, vector<1x16xf32>,
      %swap3A_103 = arith.index_cast %scan3A_83 : i32 to index
      %swap3A_104 = arith.constant 64 : index
      %swap3A_105 = tpu.vector_load %arg12[%swap3A_103, %swap3A_104] {strides = array<i32>} : memref<128x128xf32, #tpu.memory_space<vmem>>, vector<1x16xf32>,
      %swap3A_106 = vector.shape_cast %swap3A_105 : vector<1x16xf32> to vector<16xf32>
      %swap3A_107 = vector.shape_cast %broadcast_in_dim3A_1 : vector<16xf32> to vector<1x16xf32>
      tpu.vector_store %arg12[%swap3A_103, %swap3A_104], %swap3A_107 {strides = array<i32>} : memref<128x128xf32, #tpu.memory_space<vmem>>, vector<1x16xf32>,
      %swap3A_108 = arith.index_cast %scan3A_83 : i32 to index
      %swap3A_109 = arith.constant 80 : index
      %swap3A_110 = tpu.vector_load %arg12[%swap3A_108, %swap3A_109] {strides = array<i32>} : memref<128x128xf32, #tpu.memory_space<vmem>>, vector<1x16xf32>,
      %swap3A_111 = vector.shape_cast %swap3A_110 : vector<1x16xf32> to vector<16xf32>
      %swap3A_112 = vector.shape_cast %broadcast_in_dim3A_1 : vector<16xf32> to vector<1x16xf32>
      tpu.vector_store %arg12[%swap3A_108, %swap3A_109], %swap3A_112 {strides = array<i32>} : memref<128x128xf32, #tpu.memory_space<vmem>>, vector<1x16xf32>,
      %swap3A_113 = arith.index_cast %scan3A_83 : i32 to index
      %swap3A_114 = arith.constant 96 : index
      %swap3A_115 = tpu.vector_load %arg12[%swap3A_113, %swap3A_114] {strides = array<i32>} : memref<128x128xf32, #tpu.memory_space<vmem>>, vector<1x16xf32>,
      %swap3A_116 = vector.shape_cast %swap3A_115 : vector<1x16xf32> to vector<16xf32>
      %swap3A_117 = vector.shape_cast %broadcast_in_dim3A_1 : vector<16xf32> to vector<1x16xf32>
      tpu.vector_store %arg12[%swap3A_113, %swap3A_114], %swap3A_117 {strides = array<i32>} : memref<128x128xf32, #tpu.memory_space<vmem>>, vector<1x16xf32>,
      %swap3A_118 = arith.index_cast %scan3A_83 : i32 to index
      %swap3A_119 = arith.constant 112 : index
      %swap3A_120 = tpu.vector_load %arg12[%swap3A_118, %swap3A_119] {strides = array<i32>} : memref<128x128xf32, #tpu.memory_space<vmem>>, vector<1x16xf32>,
      %swap3A_121 = vector.shape_cast %swap3A_120 : vector<1x16xf32> to vector<16xf32>
      %swap3A_122 = vector.shape_cast %broadcast_in_dim3A_1 : vector<16xf32> to vector<1x16xf32>
      tpu.vector_store %arg12[%swap3A_118, %swap3A_119], %swap3A_122 {strides = array<i32>} : memref<128x128xf32, #tpu.memory_space<vmem>>, vector<1x16xf32>,
    }
    %scan3A_6 = arith.constant 128 : i32
    %mul3A_7 = arith.constant 640 : i32
    %mul3A_8 = arith.muli %arg1, %mul3A_7 : i32
    %add3A_9 = arith.constant 0 : i32
    %add3A_10 = arith.addi %mul3A_8, %add3A_9 : i32
    "tpu.region"() ({
      %run_scoped3A = tpu.sem_alloc : memref<!tpu.dma_semaphore, #tpu.memory_space<semaphore_mem>>
      %dma_start3A_83 = arith.constant 0 : i32
      %dma_start3A_84 = tpu.memref_slice %arg15[%add3A_10, %dma_start3A_83] : memref<10240x128xf32, #tpu.memory_space<vmem_shared>> -> memref<128x128xf32, #tpu.memory_space<vmem_shared>>
      %dma_start3A_85 = arith.constant 0 : i32
      %dma_start3A_86 = tpu.memref_slice %arg15[%add3A_10, %dma_start3A_85] : memref<10240x128xf32, #tpu.memory_space<vmem_shared>> -> memref<128x128xf32, #tpu.memory_space<vmem_shared>>
      tpu.enqueue_dma source(%arg12 : memref<128x128xf32, #tpu.memory_space<vmem>>) target(%dma_start3A_86 : memref<128x128xf32, #tpu.memory_space<vmem_shared>>) target_semaphore(%run_scoped3A : memref<!tpu.dma_semaphore, #tpu.memory_space<semaphore_mem>>)
      %dma_wait3A_87 = arith.constant 0 : i32
      %dma_wait3A_88 = tpu.memref_slice %arg15[%add3A_10, %dma_wait3A_87] : memref<10240x128xf32, #tpu.memory_space<vmem_shared>> -> memref<128x128xf32, #tpu.memory_space<vmem_shared>>
      %dma_wait3A_89 = arith.constant 0 : i32
      %dma_wait3A_90 = tpu.memref_slice %arg15[%add3A_10, %dma_wait3A_89] : memref<10240x128xf32, #tpu.memory_space<vmem_shared>> -> memref<128x128xf32, #tpu.memory_space<vmem_shared>>
      tpu.wait_dma2 semaphore(%run_scoped3A : memref<!tpu.dma_semaphore, #tpu.memory_space<semaphore_mem>>) src(%arg12 : memref<128x128xf32, #tpu.memory_space<vmem>>) dst(%dma_wait3A_90 : memref<128x128xf32, #tpu.memory_space<vmem_shared>>)
      tpu.yield
    }) : () -> ()
    %mul3A_11 = arith.constant 640 : i32
    %mul3A_12 = arith.muli %arg1, %mul3A_11 : i32
    %add3A_13 = arith.constant 128 : i32
    %add3A_14 = arith.addi %mul3A_12, %add3A_13 : i32
    "tpu.region"() ({
      %run_scoped3A = tpu.sem_alloc : memref<!tpu.dma_semaphore, #tpu.memory_space<semaphore_mem>>
      %dma_start3A_83 = arith.constant 0 : i32
      %dma_start3A_84 = tpu.memref_slice %arg15[%add3A_14, %dma_start3A_83] : memref<10240x128xf32, #tpu.memory_space<vmem_shared>> -> memref<128x128xf32, #tpu.memory_space<vmem_shared>>
      %dma_start3A_85 = arith.constant 0 : i32
      %dma_start3A_86 = tpu.memref_slice %arg15[%add3A_14, %dma_start3A_85] : memref<10240x128xf32, #tpu.memory_space<vmem_shared>> -> memref<128x128xf32, #tpu.memory_space<vmem_shared>>
      tpu.enqueue_dma source(%arg12 : memref<128x128xf32, #tpu.memory_space<vmem>>) target(%dma_start3A_86 : memref<128x128xf32, #tpu.memory_space<vmem_shared>>) target_semaphore(%run_scoped3A : memref<!tpu.dma_semaphore, #tpu.memory_space<semaphore_mem>>)
      %dma_wait3A_87 = arith.constant 0 : i32
      %dma_wait3A_88 = tpu.memref_slice %arg15[%add3A_14, %dma_wait3A_87] : memref<10240x128xf32, #tpu.memory_space<vmem_shared>> -> memref<128x128xf32, #tpu.memory_space<vmem_shared>>
      %dma_wait3A_89 = arith.constant 0 : i32
      %dma_wait3A_90 = tpu.memref_slice %arg15[%add3A_14, %dma_wait3A_89] : memref<10240x128xf32, #tpu.memory_space<vmem_shared>> -> memref<128x128xf32, #tpu.memory_space<vmem_shared>>
      tpu.wait_dma2 semaphore(%run_scoped3A : memref<!tpu.dma_semaphore, #tpu.memory_space<semaphore_mem>>) src(%arg12 : memref<128x128xf32, #tpu.memory_space<vmem>>) dst(%dma_wait3A_90 : memref<128x128xf32, #tpu.memory_space<vmem_shared>>)
      tpu.yield
    }) : () -> ()
    %mul3A_15 = arith.constant 640 : i32
    %mul3A_16 = arith.muli %arg1, %mul3A_15 : i32
    %add3A_17 = arith.constant 256 : i32
    %add3A_18 = arith.addi %mul3A_16, %add3A_17 : i32
    "tpu.region"() ({
      %run_scoped3A = tpu.sem_alloc : memref<!tpu.dma_semaphore, #tpu.memory_space<semaphore_mem>>
      %dma_start3A_83 = arith.constant 0 : i32
      %dma_start3A_84 = tpu.memref_slice %arg15[%add3A_18, %dma_start3A_83] : memref<10240x128xf32, #tpu.memory_space<vmem_shared>> -> memref<128x128xf32, #tpu.memory_space<vmem_shared>>
      %dma_start3A_85 = arith.constant 0 : i32
      %dma_start3A_86 = tpu.memref_slice %arg15[%add3A_18, %dma_start3A_85] : memref<10240x128xf32, #tpu.memory_space<vmem_shared>> -> memref<128x128xf32, #tpu.memory_space<vmem_shared>>
      tpu.enqueue_dma source(%arg12 : memref<128x128xf32, #tpu.memory_space<vmem>>) target(%dma_start3A_86 : memref<128x128xf32, #tpu.memory_space<vmem_shared>>) target_semaphore(%run_scoped3A : memref<!tpu.dma_semaphore, #tpu.memory_space<semaphore_mem>>)
      %dma_wait3A_87 = arith.constant 0 : i32
      %dma_wait3A_88 = tpu.memref_slice %arg15[%add3A_18, %dma_wait3A_87] : memref<10240x128xf32, #tpu.memory_space<vmem_shared>> -> memref<128x128xf32, #tpu.memory_space<vmem_shared>>
      %dma_wait3A_89 = arith.constant 0 : i32
      %dma_wait3A_90 = tpu.memref_slice %arg15[%add3A_18, %dma_wait3A_89] : memref<10240x128xf32, #tpu.memory_space<vmem_shared>> -> memref<128x128xf32, #tpu.memory_space<vmem_shared>>
      tpu.wait_dma2 semaphore(%run_scoped3A : memref<!tpu.dma_semaphore, #tpu.memory_space<semaphore_mem>>) src(%arg12 : memref<128x128xf32, #tpu.memory_space<vmem>>) dst(%dma_wait3A_90 : memref<128x128xf32, #tpu.memory_space<vmem_shared>>)
      tpu.yield
    }) : () -> ()
    %mul3A_19 = arith.constant 640 : i32
    %mul3A_20 = arith.muli %arg1, %mul3A_19 : i32
    %add3A_21 = arith.constant 384 : i32
    %add3A_22 = arith.addi %mul3A_20, %add3A_21 : i32
    "tpu.region"() ({
      %run_scoped3A = tpu.sem_alloc : memref<!tpu.dma_semaphore, #tpu.memory_space<semaphore_mem>>
      %dma_start3A_83 = arith.constant 0 : i32
      %dma_start3A_84 = tpu.memref_slice %arg15[%add3A_22, %dma_start3A_83] : memref<10240x128xf32, #tpu.memory_space<vmem_shared>> -> memref<128x128xf32, #tpu.memory_space<vmem_shared>>
      %dma_start3A_85 = arith.constant 0 : i32
      %dma_start3A_86 = tpu.memref_slice %arg15[%add3A_22, %dma_start3A_85] : memref<10240x128xf32, #tpu.memory_space<vmem_shared>> -> memref<128x128xf32, #tpu.memory_space<vmem_shared>>
      tpu.enqueue_dma source(%arg12 : memref<128x128xf32, #tpu.memory_space<vmem>>) target(%dma_start3A_86 : memref<128x128xf32, #tpu.memory_space<vmem_shared>>) target_semaphore(%run_scoped3A : memref<!tpu.dma_semaphore, #tpu.memory_space<semaphore_mem>>)
      %dma_wait3A_87 = arith.constant 0 : i32
      %dma_wait3A_88 = tpu.memref_slice %arg15[%add3A_22, %dma_wait3A_87] : memref<10240x128xf32, #tpu.memory_space<vmem_shared>> -> memref<128x128xf32, #tpu.memory_space<vmem_shared>>
      %dma_wait3A_89 = arith.constant 0 : i32
      %dma_wait3A_90 = tpu.memref_slice %arg15[%add3A_22, %dma_wait3A_89] : memref<10240x128xf32, #tpu.memory_space<vmem_shared>> -> memref<128x128xf32, #tpu.memory_space<vmem_shared>>
      tpu.wait_dma2 semaphore(%run_scoped3A : memref<!tpu.dma_semaphore, #tpu.memory_space<semaphore_mem>>) src(%arg12 : memref<128x128xf32, #tpu.memory_space<vmem>>) dst(%dma_wait3A_90 : memref<128x128xf32, #tpu.memory_space<vmem_shared>>)
      tpu.yield
    }) : () -> ()
    %mul3A_23 = arith.constant 640 : i32
    %mul3A_24 = arith.muli %arg1, %mul3A_23 : i32
    %add3A_25 = arith.constant 512 : i32
    %add3A_26 = arith.addi %mul3A_24, %add3A_25 : i32
    "tpu.region"() ({
      %run_scoped3A = tpu.sem_alloc : memref<!tpu.dma_semaphore, #tpu.memory_space<semaphore_mem>>
      %dma_start3A_83 = arith.constant 0 : i32
      %dma_start3A_84 = tpu.memref_slice %arg15[%add3A_26, %dma_start3A_83] : memref<10240x128xf32, #tpu.memory_space<vmem_shared>> -> memref<128x128xf32, #tpu.memory_space<vmem_shared>>
      %dma_start3A_85 = arith.constant 0 : i32
      %dma_start3A_86 = tpu.memref_slice %arg15[%add3A_26, %dma_start3A_85] : memref<10240x128xf32, #tpu.memory_space<vmem_shared>> -> memref<128x128xf32, #tpu.memory_space<vmem_shared>>
      tpu.enqueue_dma source(%arg12 : memref<128x128xf32, #tpu.memory_space<vmem>>) target(%dma_start3A_86 : memref<128x128xf32, #tpu.memory_space<vmem_shared>>) target_semaphore(%run_scoped3A : memref<!tpu.dma_semaphore, #tpu.memory_space<semaphore_mem>>)
      %dma_wait3A_87 = arith.constant 0 : i32
      %dma_wait3A_88 = tpu.memref_slice %arg15[%add3A_26, %dma_wait3A_87] : memref<10240x128xf32, #tpu.memory_space<vmem_shared>> -> memref<128x128xf32, #tpu.memory_space<vmem_shared>>
      %dma_wait3A_89 = arith.constant 0 : i32
      %dma_wait3A_90 = tpu.memref_slice %arg15[%add3A_26, %dma_wait3A_89] : memref<10240x128xf32, #tpu.memory_space<vmem_shared>> -> memref<128x128xf32, #tpu.memory_space<vmem_shared>>
      tpu.wait_dma2 semaphore(%run_scoped3A : memref<!tpu.dma_semaphore, #tpu.memory_space<semaphore_mem>>) src(%arg12 : memref<128x128xf32, #tpu.memory_space<vmem>>) dst(%dma_wait3A_90 : memref<128x128xf32, #tpu.memory_space<vmem_shared>>)
      tpu.yield
    }) : () -> ()
    %barrier3A = arith.constant 0 : index
    tpu.barrier barrier_id(%barrier3A)
    %mul3A_27 = arith.constant 10000 : i32
    %mul3A_28 = arith.muli %add3A, %mul3A_27 : i32
    %add3A_29 = arith.constant 0 : i32
    %add3A_30 = arith.addi %mul3A_28, %add3A_29 : i32
    %multiple_of3A = tpu.assume_multiple %add3A_30, 8 : i32
    %dma_start3A = tpu.memref_slice %arg3[%multiple_of3A] : memref<320000xi32, #tpu.memory_space<hbm>> -> memref<128xi32, #tpu.memory_space<hbm>>
    %dma_start3A_31 = tpu.memref_slice %arg3[%multiple_of3A] : memref<320000xi32, #tpu.memory_space<hbm>> -> memref<128xi32, #tpu.memory_space<hbm>>
    tpu.enqueue_dma source(%dma_start3A_31 : memref<128xi32, #tpu.memory_space<hbm>>) target(%arg6 : memref<128xi32, #tpu.memory_space<vmem>>) target_semaphore(%arg16 : memref<!tpu.dma_semaphore, #tpu.memory_space<semaphore_mem>>)
    %mul3A_32 = arith.constant 10000 : i32
    %mul3A_33 = arith.muli %add3A, %mul3A_32 : i32
    %add3A_34 = arith.constant 128 : i32
    %add3A_35 = arith.addi %mul3A_33, %add3A_34 : i32
    %multiple_of3A_36 = tpu.assume_multiple %add3A_35, 8 : i32
    %dma_start3A_37 = tpu.memref_slice %arg3[%multiple_of3A_36] : memref<320000xi32, #tpu.memory_space<hbm>> -> memref<128xi32, #tpu.memory_space<hbm>>
    %dma_start3A_38 = tpu.memref_slice %arg3[%multiple_of3A_36] : memref<320000xi32, #tpu.memory_space<hbm>> -> memref<128xi32, #tpu.memory_space<hbm>>
    tpu.enqueue_dma source(%dma_start3A_38 : memref<128xi32, #tpu.memory_space<hbm>>) target(%arg7 : memref<128xi32, #tpu.memory_space<vmem>>) target_semaphore(%arg17 : memref<!tpu.dma_semaphore, #tpu.memory_space<semaphore_mem>>)
    %mul3A_39 = arith.constant 10000 : i32
    %mul3A_40 = arith.muli %add3A, %mul3A_39 : i32
    %add3A_41 = arith.constant 0 : i32
    %add3A_42 = arith.addi %mul3A_40, %add3A_41 : i32
    %multiple_of3A_43 = tpu.assume_multiple %add3A_42, 8 : i32
    %dma_wait3A = tpu.memref_slice %arg3[%multiple_of3A_43] : memref<320000xi32, #tpu.memory_space<hbm>> -> memref<128xi32, #tpu.memory_space<hbm>>
    %dma_wait3A_44 = tpu.memref_slice %arg3[%multiple_of3A_43] : memref<320000xi32, #tpu.memory_space<hbm>> -> memref<128xi32, #tpu.memory_space<hbm>>
    tpu.wait_dma2 semaphore(%arg16 : memref<!tpu.dma_semaphore, #tpu.memory_space<semaphore_mem>>) src(%dma_wait3A_44 : memref<128xi32, #tpu.memory_space<hbm>>) dst(%arg6 : memref<128xi32, #tpu.memory_space<vmem>>)
    %dma_start3A_45 = arith.constant 0 : i32
    %dma_start3A_46 = arith.constant 0 : i32
    %dma_start3A_47 = tpu.memref_slice %arg2[%dma_start3A_45, %dma_start3A_46] : memref<10240x128xf32, #tpu.memory_space<hbm>> -> memref<10240x128xf32, #tpu.memory_space<hbm>>
    tpu.enqueue_indirect_dma source(%dma_start3A_47 : memref<10240x128xf32, #tpu.memory_space<hbm>>) target(%arg12 : memref<128x128xf32, #tpu.memory_space<vmem>>) offsets(%arg6 : memref<128xi32, #tpu.memory_space<vmem>>) semaphore(%arg20 : memref<!tpu.dma_semaphore, #tpu.memory_space<semaphore_mem>>)
    %mul3A_48 = arith.constant 10000 : i32
    %mul3A_49 = arith.muli %add3A, %mul3A_48 : i32
    %add3A_50 = arith.constant 0 : i32
    %add3A_51 = arith.addi %mul3A_49, %add3A_50 : i32
    %multiple_of3A_52 = tpu.assume_multiple %add3A_51, 8 : i32
    %dma_start3A_53 = tpu.memref_slice %arg4[%multiple_of3A_52] : memref<320000xi32, #tpu.memory_space<hbm>> -> memref<128xi32, #tpu.memory_space<hbm>>
    %dma_start3A_54 = tpu.memref_slice %arg4[%multiple_of3A_52] : memref<320000xi32, #tpu.memory_space<hbm>> -> memref<128xi32, #tpu.memory_space<hbm>>
    tpu.enqueue_dma source(%dma_start3A_54 : memref<128xi32, #tpu.memory_space<hbm>>) target(%arg8 : memref<128xi32, #tpu.memory_space<vmem>>) target_semaphore(%arg18 : memref<!tpu.dma_semaphore, #tpu.memory_space<semaphore_mem>>)
    %scan3A_55 = arith.constant 0 : i32
    %scan3A_56 = arith.constant 0 : i32
    %scan3A_57 = arith.constant 39 : i32
    %scan3A_58 = arith.addi %scan3A_56, %scan3A_57 : i32
    %scan3A_59 = arith.constant 1 : i32
    scf.for %scan3A_83 = %scan3A_56 to %scan3A_58 step %scan3A_59  : i32 {
      %mul3A_84 = arith.constant 2 : i32
      %mul3A_85 = arith.muli %scan3A_83, %mul3A_84 : i32
      %add3A_86 = arith.constant 0 : i32
      %add3A_87 = arith.addi %mul3A_85, %add3A_86 : i32
      %ge3A = arith.constant 1 : i32
      %ge3A_88 = arith.cmpi sge, %add3A_87, %ge3A : i32
      %convert_element_type3A = arith.extui %ge3A_88 : i1 to i32
      %cond3A = arith.constant 0 : i32
      %cond3A_89 = arith.cmpi ne, %convert_element_type3A, %cond3A : i32
      scf.if %cond3A_89 {
        %dma_wait3A_154 = arith.constant 0 : i32
        %dma_wait3A_155 = arith.constant 0 : i32
        %dma_wait3A_156 = tpu.memref_slice %arg15[%dma_wait3A_154, %dma_wait3A_155] : memref<10240x128xf32, #tpu.memory_space<vmem_shared>> -> memref<10240x128xf32, #tpu.memory_space<vmem_shared>>
        tpu.wait_indirect_dma semaphore(%arg23 : memref<!tpu.dma_semaphore, #tpu.memory_space<semaphore_mem>>) src(%arg13 : memref<128x128xf32, #tpu.memory_space<vmem>>) dst(%dma_wait3A_156 : memref<10240x128xf32, #tpu.memory_space<vmem_shared>>)
      } else {
      }
      %add3A_90 = arith.constant 1 : i32
      %add3A_91 = arith.addi %add3A_87, %add3A_90 : i32
      %lt3A = arith.constant 78 : i32
      %lt3A_92 = arith.cmpi slt, %add3A_91, %lt3A : i32
      %convert_element_type3A_93 = arith.extui %lt3A_92 : i1 to i32
      %cond3A_94 = arith.constant 0 : i32
      %cond3A_95 = arith.cmpi ne, %convert_element_type3A_93, %cond3A_94 : i32
      scf.if %cond3A_95 {
        %add3A_154 = arith.constant 1 : i32
        %add3A_155 = arith.addi %add3A_87, %add3A_154 : i32
        %mul3A_156 = arith.constant 10000 : i32
        %mul3A_157 = arith.muli %add3A, %mul3A_156 : i32
        %mul3A_158 = arith.constant 128 : i32
        %mul3A_159 = arith.muli %add3A_155, %mul3A_158 : i32
        %add3A_160 = arith.addi %mul3A_157, %mul3A_159 : i32
        %multiple_of3A_161 = tpu.assume_multiple %add3A_160, 8 : i32
        %dma_wait3A_162 = tpu.memref_slice %arg3[%multiple_of3A_161] : memref<320000xi32, #tpu.memory_space<hbm>> -> memref<128xi32, #tpu.memory_space<hbm>>
        %dma_wait3A_163 = tpu.memref_slice %arg3[%multiple_of3A_161] : memref<320000xi32, #tpu.memory_space<hbm>> -> memref<128xi32, #tpu.memory_space<hbm>>
        tpu.wait_dma2 semaphore(%arg17 : memref<!tpu.dma_semaphore, #tpu.memory_space<semaphore_mem>>) src(%dma_wait3A_163 : memref<128xi32, #tpu.memory_space<hbm>>) dst(%arg7 : memref<128xi32, #tpu.memory_space<vmem>>)
        %dma_start3A_164 = arith.constant 0 : i32
        %dma_start3A_165 = arith.constant 0 : i32
        %dma_start3A_166 = tpu.memref_slice %arg2[%dma_start3A_164, %dma_start3A_165] : memref<10240x128xf32, #tpu.memory_space<hbm>> -> memref<10240x128xf32, #tpu.memory_space<hbm>>
        tpu.enqueue_indirect_dma source(%dma_start3A_166 : memref<10240x128xf32, #tpu.memory_space<hbm>>) target(%arg13 : memref<128x128xf32, #tpu.memory_space<vmem>>) offsets(%arg7 : memref<128xi32, #tpu.memory_space<vmem>>) semaphore(%arg21 : memref<!tpu.dma_semaphore, #tpu.memory_space<semaphore_mem>>)
        %mul3A_167 = arith.constant 10000 : i32
        %mul3A_168 = arith.muli %add3A, %mul3A_167 : i32
        %mul3A_169 = arith.constant 128 : i32
        %mul3A_170 = arith.muli %add3A_155, %mul3A_169 : i32
        %add3A_171 = arith.addi %mul3A_168, %mul3A_170 : i32
        %multiple_of3A_172 = tpu.assume_multiple %add3A_171, 8 : i32
        %dma_start3A_173 = tpu.memref_slice %arg4[%multiple_of3A_172] : memref<320000xi32, #tpu.memory_space<hbm>> -> memref<128xi32, #tpu.memory_space<hbm>>
        %dma_start3A_174 = tpu.memref_slice %arg4[%multiple_of3A_172] : memref<320000xi32, #tpu.memory_space<hbm>> -> memref<128xi32, #tpu.memory_space<hbm>>
        tpu.enqueue_dma source(%dma_start3A_174 : memref<128xi32, #tpu.memory_space<hbm>>) target(%arg9 : memref<128xi32, #tpu.memory_space<vmem>>) target_semaphore(%arg19 : memref<!tpu.dma_semaphore, #tpu.memory_space<semaphore_mem>>)
      } else {
      }
      %dma_wait3A_96 = arith.constant 0 : i32
      %dma_wait3A_97 = arith.constant 0 : i32
      %dma_wait3A_98 = tpu.memref_slice %arg2[%dma_wait3A_96, %dma_wait3A_97] : memref<10240x128xf32, #tpu.memory_space<hbm>> -> memref<10240x128xf32, #tpu.memory_space<hbm>>
      tpu.wait_indirect_dma semaphore(%arg20 : memref<!tpu.dma_semaphore, #tpu.memory_space<semaphore_mem>>) src(%dma_wait3A_98 : memref<10240x128xf32, #tpu.memory_space<hbm>>) dst(%arg12 : memref<128x128xf32, #tpu.memory_space<vmem>>)
      %mul3A_99 = arith.constant 10000 : i32
      %mul3A_100 = arith.muli %add3A, %mul3A_99 : i32
      %mul3A_101 = arith.constant 128 : i32
      %mul3A_102 = arith.muli %add3A_87, %mul3A_101 : i32
      %add3A_103 = arith.addi %mul3A_100, %mul3A_102 : i32
      %multiple_of3A_104 = tpu.assume_multiple %add3A_103, 8 : i32
      %dma_wait3A_105 = tpu.memref_slice %arg4[%multiple_of3A_104] : memref<320000xi32, #tpu.memory_space<hbm>> -> memref<128xi32, #tpu.memory_space<hbm>>
      %dma_wait3A_106 = tpu.memref_slice %arg4[%multiple_of3A_104] : memref<320000xi32, #tpu.memory_space<hbm>> -> memref<128xi32, #tpu.memory_space<hbm>>
      tpu.wait_dma2 semaphore(%arg18 : memref<!tpu.dma_semaphore, #tpu.memory_space<semaphore_mem>>) src(%dma_wait3A_106 : memref<128xi32, #tpu.memory_space<hbm>>) dst(%arg8 : memref<128xi32, #tpu.memory_space<vmem>>)
      %dma_start3A_107 = arith.constant 0 : i32
      %dma_start3A_108 = arith.constant 0 : i32
      %dma_start3A_109 = tpu.memref_slice %arg15[%dma_start3A_107, %dma_start3A_108] : memref<10240x128xf32, #tpu.memory_space<vmem_shared>> -> memref<10240x128xf32, #tpu.memory_space<vmem_shared>>
      tpu.enqueue_indirect_dma source(%arg12 : memref<128x128xf32, #tpu.memory_space<vmem>>) target(%dma_start3A_109 : memref<10240x128xf32, #tpu.memory_space<vmem_shared>>) offsets(%arg8 : memref<128xi32, #tpu.memory_space<vmem>>) semaphore(%arg22 : memref<!tpu.dma_semaphore, #tpu.memory_space<semaphore_mem>>) {add = true}
      %add3A_110 = arith.constant 2 : i32
      %add3A_111 = arith.addi %add3A_87, %add3A_110 : i32
      %lt3A_112 = arith.constant 78 : i32
      %lt3A_113 = arith.cmpi slt, %add3A_111, %lt3A_112 : i32
      %convert_element_type3A_114 = arith.extui %lt3A_113 : i1 to i32
      %cond3A_115 = arith.constant 0 : i32
      %cond3A_116 = arith.cmpi ne, %convert_element_type3A_114, %cond3A_115 : i32
      scf.if %cond3A_116 {
        %add3A_154 = arith.constant 2 : i32
        %add3A_155 = arith.addi %add3A_87, %add3A_154 : i32
        %mul3A_156 = arith.constant 10000 : i32
        %mul3A_157 = arith.muli %add3A, %mul3A_156 : i32
        %mul3A_158 = arith.constant 128 : i32
        %mul3A_159 = arith.muli %add3A_155, %mul3A_158 : i32
        %add3A_160 = arith.addi %mul3A_157, %mul3A_159 : i32
        %multiple_of3A_161 = tpu.assume_multiple %add3A_160, 8 : i32
        %dma_start3A_162 = tpu.memref_slice %arg3[%multiple_of3A_161] : memref<320000xi32, #tpu.memory_space<hbm>> -> memref<128xi32, #tpu.memory_space<hbm>>
        %dma_start3A_163 = tpu.memref_slice %arg3[%multiple_of3A_161] : memref<320000xi32, #tpu.memory_space<hbm>> -> memref<128xi32, #tpu.memory_space<hbm>>
        tpu.enqueue_dma source(%dma_start3A_163 : memref<128xi32, #tpu.memory_space<hbm>>) target(%arg6 : memref<128xi32, #tpu.memory_space<vmem>>) target_semaphore(%arg16 : memref<!tpu.dma_semaphore, #tpu.memory_space<semaphore_mem>>)
      } else {
      }
      %mul3A_117 = arith.constant 2 : i32
      %mul3A_118 = arith.muli %scan3A_83, %mul3A_117 : i32
      %add3A_119 = arith.constant 1 : i32
      %add3A_120 = arith.addi %mul3A_118, %add3A_119 : i32
      %ge3A_121 = arith.constant 1 : i32
      %ge3A_122 = arith.cmpi sge, %add3A_120, %ge3A_121 : i32
      %convert_element_type3A_123 = arith.extui %ge3A_122 : i1 to i32
      %cond3A_124 = arith.constant 0 : i32
      %cond3A_125 = arith.cmpi ne, %convert_element_type3A_123, %cond3A_124 : i32
      scf.if %cond3A_125 {
        %dma_wait3A_154 = arith.constant 0 : i32
        %dma_wait3A_155 = arith.constant 0 : i32
        %dma_wait3A_156 = tpu.memref_slice %arg15[%dma_wait3A_154, %dma_wait3A_155] : memref<10240x128xf32, #tpu.memory_space<vmem_shared>> -> memref<10240x128xf32, #tpu.memory_space<vmem_shared>>
        tpu.wait_indirect_dma semaphore(%arg22 : memref<!tpu.dma_semaphore, #tpu.memory_space<semaphore_mem>>) src(%arg12 : memref<128x128xf32, #tpu.memory_space<vmem>>) dst(%dma_wait3A_156 : memref<10240x128xf32, #tpu.memory_space<vmem_shared>>)
      } else {
      }
      %add3A_126 = arith.constant 1 : i32
      %add3A_127 = arith.addi %add3A_120, %add3A_126 : i32
      %lt3A_128 = arith.constant 78 : i32
      %lt3A_129 = arith.cmpi slt, %add3A_127, %lt3A_128 : i32
      %convert_element_type3A_130 = arith.extui %lt3A_129 : i1 to i32
      %cond3A_131 = arith.constant 0 : i32
      %cond3A_132 = arith.cmpi ne, %convert_element_type3A_130, %cond3A_131 : i32
      scf.if %cond3A_132 {
        %add3A_154 = arith.constant 1 : i32
        %add3A_155 = arith.addi %add3A_120, %add3A_154 : i32
        %mul3A_156 = arith.constant 10000 : i32
        %mul3A_157 = arith.muli %add3A, %mul3A_156 : i32
        %mul3A_158 = arith.constant 128 : i32
        %mul3A_159 = arith.muli %add3A_155, %mul3A_158 : i32
        %add3A_160 = arith.addi %mul3A_157, %mul3A_159 : i32
        %multiple_of3A_161 = tpu.assume_multiple %add3A_160, 8 : i32
        %dma_wait3A_162 = tpu.memref_slice %arg3[%multiple_of3A_161] : memref<320000xi32, #tpu.memory_space<hbm>> -> memref<128xi32, #tpu.memory_space<hbm>>
        %dma_wait3A_163 = tpu.memref_slice %arg3[%multiple_of3A_161] : memref<320000xi32, #tpu.memory_space<hbm>> -> memref<128xi32, #tpu.memory_space<hbm>>
        tpu.wait_dma2 semaphore(%arg16 : memref<!tpu.dma_semaphore, #tpu.memory_space<semaphore_mem>>) src(%dma_wait3A_163 : memref<128xi32, #tpu.memory_space<hbm>>) dst(%arg6 : memref<128xi32, #tpu.memory_space<vmem>>)
        %dma_start3A_164 = arith.constant 0 : i32
        %dma_start3A_165 = arith.constant 0 : i32
        %dma_start3A_166 = tpu.memref_slice %arg2[%dma_start3A_164, %dma_start3A_165] : memref<10240x128xf32, #tpu.memory_space<hbm>> -> memref<10240x128xf32, #tpu.memory_space<hbm>>
        tpu.enqueue_indirect_dma source(%dma_start3A_166 : memref<10240x128xf32, #tpu.memory_space<hbm>>) target(%arg12 : memref<128x128xf32, #tpu.memory_space<vmem>>) offsets(%arg6 : memref<128xi32, #tpu.memory_space<vmem>>) semaphore(%arg20 : memref<!tpu.dma_semaphore, #tpu.memory_space<semaphore_mem>>)
        %mul3A_167 = arith.constant 10000 : i32
        %mul3A_168 = arith.muli %add3A, %mul3A_167 : i32
        %mul3A_169 = arith.constant 128 : i32
        %mul3A_170 = arith.muli %add3A_155, %mul3A_169 : i32
        %add3A_171 = arith.addi %mul3A_168, %mul3A_170 : i32
        %multiple_of3A_172 = tpu.assume_multiple %add3A_171, 8 : i32
        %dma_start3A_173 = tpu.memref_slice %arg4[%multiple_of3A_172] : memref<320000xi32, #tpu.memory_space<hbm>> -> memref<128xi32, #tpu.memory_space<hbm>>
        %dma_start3A_174 = tpu.memref_slice %arg4[%multiple_of3A_172] : memref<320000xi32, #tpu.memory_space<hbm>> -> memref<128xi32, #tpu.memory_space<hbm>>
        tpu.enqueue_dma source(%dma_start3A_174 : memref<128xi32, #tpu.memory_space<hbm>>) target(%arg8 : memref<128xi32, #tpu.memory_space<vmem>>) target_semaphore(%arg18 : memref<!tpu.dma_semaphore, #tpu.memory_space<semaphore_mem>>)
      } else {
      }
      %dma_wait3A_133 = arith.constant 0 : i32
      %dma_wait3A_134 = arith.constant 0 : i32
      %dma_wait3A_135 = tpu.memref_slice %arg2[%dma_wait3A_133, %dma_wait3A_134] : memref<10240x128xf32, #tpu.memory_space<hbm>> -> memref<10240x128xf32, #tpu.memory_space<hbm>>
      tpu.wait_indirect_dma semaphore(%arg21 : memref<!tpu.dma_semaphore, #tpu.memory_space<semaphore_mem>>) src(%dma_wait3A_135 : memref<10240x128xf32, #tpu.memory_space<hbm>>) dst(%arg13 : memref<128x128xf32, #tpu.memory_space<vmem>>)
      %mul3A_136 = arith.constant 10000 : i32
      %mul3A_137 = arith.muli %add3A, %mul3A_136 : i32
      %mul3A_138 = arith.constant 128 : i32
      %mul3A_139 = arith.muli %add3A_120, %mul3A_138 : i32
      %add3A_140 = arith.addi %mul3A_137, %mul3A_139 : i32
      %multiple_of3A_141 = tpu.assume_multiple %add3A_140, 8 : i32
      %dma_wait3A_142 = tpu.memref_slice %arg4[%multiple_of3A_141] : memref<320000xi32, #tpu.memory_space<hbm>> -> memref<128xi32, #tpu.memory_space<hbm>>
      %dma_wait3A_143 = tpu.memref_slice %arg4[%multiple_of3A_141] : memref<320000xi32, #tpu.memory_space<hbm>> -> memref<128xi32, #tpu.memory_space<hbm>>
      tpu.wait_dma2 semaphore(%arg19 : memref<!tpu.dma_semaphore, #tpu.memory_space<semaphore_mem>>) src(%dma_wait3A_143 : memref<128xi32, #tpu.memory_space<hbm>>) dst(%arg9 : memref<128xi32, #tpu.memory_space<vmem>>)
      %dma_start3A_144 = arith.constant 0 : i32
      %dma_start3A_145 = arith.constant 0 : i32
      %dma_start3A_146 = tpu.memref_slice %arg15[%dma_start3A_144, %dma_start3A_145] : memref<10240x128xf32, #tpu.memory_space<vmem_shared>> -> memref<10240x128xf32, #tpu.memory_space<vmem_shared>>
      tpu.enqueue_indirect_dma source(%arg13 : memref<128x128xf32, #tpu.memory_space<vmem>>) target(%dma_start3A_146 : memref<10240x128xf32, #tpu.memory_space<vmem_shared>>) offsets(%arg9 : memref<128xi32, #tpu.memory_space<vmem>>) semaphore(%arg23 : memref<!tpu.dma_semaphore, #tpu.memory_space<semaphore_mem>>) {add = true}
      %add3A_147 = arith.constant 2 : i32
      %add3A_148 = arith.addi %add3A_120, %add3A_147 : i32
      %lt3A_149 = arith.constant 78 : i32
      %lt3A_150 = arith.cmpi slt, %add3A_148, %lt3A_149 : i32
      %convert_element_type3A_151 = arith.extui %lt3A_150 : i1 to i32
      %cond3A_152 = arith.constant 0 : i32
      %cond3A_153 = arith.cmpi ne, %convert_element_type3A_151, %cond3A_152 : i32
      scf.if %cond3A_153 {
        %add3A_154 = arith.constant 2 : i32
        %add3A_155 = arith.addi %add3A_120, %add3A_154 : i32
        %mul3A_156 = arith.constant 10000 : i32
        %mul3A_157 = arith.muli %add3A, %mul3A_156 : i32
        %mul3A_158 = arith.constant 128 : i32
        %mul3A_159 = arith.muli %add3A_155, %mul3A_158 : i32
        %add3A_160 = arith.addi %mul3A_157, %mul3A_159 : i32
        %multiple_of3A_161 = tpu.assume_multiple %add3A_160, 8 : i32
        %dma_start3A_162 = tpu.memref_slice %arg3[%multiple_of3A_161] : memref<320000xi32, #tpu.memory_space<hbm>> -> memref<128xi32, #tpu.memory_space<hbm>>
        %dma_start3A_163 = tpu.memref_slice %arg3[%multiple_of3A_161] : memref<320000xi32, #tpu.memory_space<hbm>> -> memref<128xi32, #tpu.memory_space<hbm>>
        tpu.enqueue_dma source(%dma_start3A_163 : memref<128xi32, #tpu.memory_space<hbm>>) target(%arg7 : memref<128xi32, #tpu.memory_space<vmem>>) target_semaphore(%arg17 : memref<!tpu.dma_semaphore, #tpu.memory_space<semaphore_mem>>)
      } else {
      }
    }
    %scan3A_60 = arith.constant 39 : i32
    %mul3A_61 = arith.constant 10000 : i32
    %mul3A_62 = arith.muli %add3A, %mul3A_61 : i32
    %add3A_63 = arith.constant 9984 : i32
    %add3A_64 = arith.addi %mul3A_62, %add3A_63 : i32
    %multiple_of3A_65 = tpu.assume_multiple %add3A_64, 8 : i32
    "tpu.region"() ({
      %run_scoped3A = tpu.sem_alloc : memref<!tpu.dma_semaphore, #tpu.memory_space<semaphore_mem>>
      %dma_start3A_83 = tpu.memref_slice %arg3[%multiple_of3A_65] : memref<320000xi32, #tpu.memory_space<hbm>> -> memref<16xi32, #tpu.memory_space<hbm>>
      %dma_start3A_84 = tpu.memref_slice %arg3[%multiple_of3A_65] : memref<320000xi32, #tpu.memory_space<hbm>> -> memref<16xi32, #tpu.memory_space<hbm>>
      tpu.enqueue_dma source(%dma_start3A_84 : memref<16xi32, #tpu.memory_space<hbm>>) target(%arg10 : memref<16xi32, #tpu.memory_space<vmem>>) target_semaphore(%run_scoped3A : memref<!tpu.dma_semaphore, #tpu.memory_space<semaphore_mem>>)
      %dma_wait3A_85 = tpu.memref_slice %arg3[%multiple_of3A_65] : memref<320000xi32, #tpu.memory_space<hbm>> -> memref<16xi32, #tpu.memory_space<hbm>>
      %dma_wait3A_86 = tpu.memref_slice %arg3[%multiple_of3A_65] : memref<320000xi32, #tpu.memory_space<hbm>> -> memref<16xi32, #tpu.memory_space<hbm>>
      tpu.wait_dma2 semaphore(%run_scoped3A : memref<!tpu.dma_semaphore, #tpu.memory_space<semaphore_mem>>) src(%dma_wait3A_86 : memref<16xi32, #tpu.memory_space<hbm>>) dst(%arg10 : memref<16xi32, #tpu.memory_space<vmem>>)
      tpu.yield
    }) : () -> ()
    %dma_start3A_66 = arith.constant 0 : i32
    %dma_start3A_67 = arith.constant 0 : i32
    %dma_start3A_68 = tpu.memref_slice %arg2[%dma_start3A_66, %dma_start3A_67] : memref<10240x128xf32, #tpu.memory_space<hbm>> -> memref<10240x128xf32, #tpu.memory_space<hbm>>
    tpu.enqueue_indirect_dma source(%dma_start3A_68 : memref<10240x128xf32, #tpu.memory_space<hbm>>) target(%arg14 : memref<16x128xf32, #tpu.memory_space<vmem>>) offsets(%arg10 : memref<16xi32, #tpu.memory_space<vmem>>) semaphore(%arg24 : memref<!tpu.dma_semaphore, #tpu.memory_space<semaphore_mem>>)
    %dma_wait3A_69 = arith.constant 0 : i32
    %dma_wait3A_70 = arith.constant 0 : i32
    %dma_wait3A_71 = tpu.memref_slice %arg2[%dma_wait3A_69, %dma_wait3A_70] : memref<10240x128xf32, #tpu.memory_space<hbm>> -> memref<10240x128xf32, #tpu.memory_space<hbm>>
    tpu.wait_indirect_dma semaphore(%arg24 : memref<!tpu.dma_semaphore, #tpu.memory_space<semaphore_mem>>) src(%dma_wait3A_71 : memref<10240x128xf32, #tpu.memory_space<hbm>>) dst(%arg14 : memref<16x128xf32, #tpu.memory_space<vmem>>)
    "tpu.region"() ({
      %run_scoped3A = tpu.sem_alloc : memref<!tpu.dma_semaphore, #tpu.memory_space<semaphore_mem>>
      %dma_start3A_83 = tpu.memref_slice %arg4[%multiple_of3A_65] : memref<320000xi32, #tpu.memory_space<hbm>> -> memref<16xi32, #tpu.memory_space<hbm>>
      %dma_start3A_84 = tpu.memref_slice %arg4[%multiple_of3A_65] : memref<320000xi32, #tpu.memory_space<hbm>> -> memref<16xi32, #tpu.memory_space<hbm>>
      tpu.enqueue_dma source(%dma_start3A_84 : memref<16xi32, #tpu.memory_space<hbm>>) target(%arg11 : memref<16xi32, #tpu.memory_space<vmem>>) target_semaphore(%run_scoped3A : memref<!tpu.dma_semaphore, #tpu.memory_space<semaphore_mem>>)
      %dma_wait3A_85 = tpu.memref_slice %arg4[%multiple_of3A_65] : memref<320000xi32, #tpu.memory_space<hbm>> -> memref<16xi32, #tpu.memory_space<hbm>>
      %dma_wait3A_86 = tpu.memref_slice %arg4[%multiple_of3A_65] : memref<320000xi32, #tpu.memory_space<hbm>> -> memref<16xi32, #tpu.memory_space<hbm>>
      tpu.wait_dma2 semaphore(%run_scoped3A : memref<!tpu.dma_semaphore, #tpu.memory_space<semaphore_mem>>) src(%dma_wait3A_86 : memref<16xi32, #tpu.memory_space<hbm>>) dst(%arg11 : memref<16xi32, #tpu.memory_space<vmem>>)
      tpu.yield
    }) : () -> ()
    "tpu.region"() ({
      %run_scoped3A = tpu.sem_alloc : memref<!tpu.dma_semaphore, #tpu.memory_space<semaphore_mem>>
      %dma_start3A_83 = arith.constant 0 : i32
      %dma_start3A_84 = arith.constant 0 : i32
      %dma_start3A_85 = tpu.memref_slice %arg15[%dma_start3A_83, %dma_start3A_84] : memref<10240x128xf32, #tpu.memory_space<vmem_shared>> -> memref<10240x128xf32, #tpu.memory_space<vmem_shared>>
      tpu.enqueue_indirect_dma source(%arg14 : memref<16x128xf32, #tpu.memory_space<vmem>>) target(%dma_start3A_85 : memref<10240x128xf32, #tpu.memory_space<vmem_shared>>) offsets(%arg11 : memref<16xi32, #tpu.memory_space<vmem>>) semaphore(%run_scoped3A : memref<!tpu.dma_semaphore, #tpu.memory_space<semaphore_mem>>) {add = true}
      %dma_wait3A_86 = arith.constant 0 : i32
      %dma_wait3A_87 = arith.constant 0 : i32
      %dma_wait3A_88 = tpu.memref_slice %arg15[%dma_wait3A_86, %dma_wait3A_87] : memref<10240x128xf32, #tpu.memory_space<vmem_shared>> -> memref<10240x128xf32, #tpu.memory_space<vmem_shared>>
      tpu.wait_indirect_dma semaphore(%run_scoped3A : memref<!tpu.dma_semaphore, #tpu.memory_space<semaphore_mem>>) src(%arg14 : memref<16x128xf32, #tpu.memory_space<vmem>>) dst(%dma_wait3A_88 : memref<10240x128xf32, #tpu.memory_space<vmem_shared>>)
      tpu.yield
    }) : () -> ()
    %dma_wait3A_72 = arith.constant 0 : i32
    %dma_wait3A_73 = arith.constant 0 : i32
    %dma_wait3A_74 = tpu.memref_slice %arg15[%dma_wait3A_72, %dma_wait3A_73] : memref<10240x128xf32, #tpu.memory_space<vmem_shared>> -> memref<10240x128xf32, #tpu.memory_space<vmem_shared>>
    tpu.wait_indirect_dma semaphore(%arg23 : memref<!tpu.dma_semaphore, #tpu.memory_space<semaphore_mem>>) src(%arg13 : memref<128x128xf32, #tpu.memory_space<vmem>>) dst(%dma_wait3A_74 : memref<10240x128xf32, #tpu.memory_space<vmem_shared>>)
    %barrier3A_75 = arith.constant 0 : index
    tpu.barrier barrier_id(%barrier3A_75)
    %mul3A_76 = arith.constant 640 : i32
    %mul3A_77 = arith.muli %arg1, %mul3A_76 : i32
    %mul3A_78 = arith.constant 10240 : i32
    %mul3A_79 = arith.muli %arg0, %mul3A_78 : i32
    %mul3A_80 = arith.constant 640 : i32
    %mul3A_81 = arith.muli %arg1, %mul3A_80 : i32
    %add3A_82 = arith.addi %mul3A_79, %mul3A_81 : i32
    "tpu.region"() ({
      %run_scoped3A = tpu.sem_alloc : memref<!tpu.dma_semaphore, #tpu.memory_space<semaphore_mem>>
      %dma_start3A_83 = arith.constant 0 : i32
      %dma_start3A_84 = tpu.memref_slice %arg5[%add3A_82, %dma_start3A_83] : memref<20480x128xf32, #tpu.memory_space<hbm>> -> memref<640x128xf32, #tpu.memory_space<hbm>>
      %dma_start3A_85 = arith.constant 0 : i32
      %dma_start3A_86 = tpu.memref_slice %arg15[%mul3A_77, %dma_start3A_85] : memref<10240x128xf32, #tpu.memory_space<vmem_shared>> -> memref<640x128xf32, #tpu.memory_space<vmem_shared>>
      tpu.enqueue_dma source(%dma_start3A_86 : memref<640x128xf32, #tpu.memory_space<vmem_shared>>) target(%dma_start3A_84 : memref<640x128xf32, #tpu.memory_space<hbm>>) target_semaphore(%run_scoped3A : memref<!tpu.dma_semaphore, #tpu.memory_space<semaphore_mem>>)
      %dma_wait3A_87 = arith.constant 0 : i32
      %dma_wait3A_88 = tpu.memref_slice %arg5[%add3A_82, %dma_wait3A_87] : memref<20480x128xf32, #tpu.memory_space<hbm>> -> memref<640x128xf32, #tpu.memory_space<hbm>>
      %dma_wait3A_89 = arith.constant 0 : i32
      %dma_wait3A_90 = tpu.memref_slice %arg15[%mul3A_77, %dma_wait3A_89] : memref<10240x128xf32, #tpu.memory_space<vmem_shared>> -> memref<640x128xf32, #tpu.memory_space<vmem_shared>>
      tpu.wait_dma2 semaphore(%run_scoped3A : memref<!tpu.dma_semaphore, #tpu.memory_space<semaphore_mem>>) src(%dma_wait3A_90 : memref<640x128xf32, #tpu.memory_space<vmem_shared>>) dst(%dma_wait3A_88 : memref<640x128xf32, #tpu.memory_space<hbm>>)
      tpu.yield
    }) : () -> ()
    return
  }
}

#map = affine_map<(d0, d1) -> (0, 0)>
#map1 = affine_map<(d0, d1) -> (0)>
module attributes {stable_mosaic.version = 14 : i64} {
  func.func @_sc_agg_body(%arg0: i32, %arg1: i32, %arg2: memref<10240x128xf32, #tpu.memory_space<hbm>>, %arg3: memref<320000xi32, #tpu.memory_space<hbm>>, %arg4: memref<320000xi32, #tpu.memory_space<hbm>>, %arg5: memref<20480x128xf32, #tpu.memory_space<hbm>>, %arg6: memref<128xi32, #tpu.memory_space<vmem>>, %arg7: memref<128xi32, #tpu.memory_space<vmem>>, %arg8: memref<128xi32, #tpu.memory_space<vmem>>, %arg9: memref<128xi32, #tpu.memory_space<vmem>>, %arg10: memref<16xi32, #tpu.memory_space<vmem>>, %arg11: memref<16xi32, #tpu.memory_space<vmem>>, %arg12: memref<128x128xf32, #tpu.memory_space<vmem>>, %arg13: memref<128x128xf32, #tpu.memory_space<vmem>>, %arg14: memref<16x128xf32, #tpu.memory_space<vmem>>, %arg15: memref<10240x128xf32, #tpu.memory_space<vmem_shared>>, %arg16: memref<!tpu.dma_semaphore, #tpu.memory_space<semaphore_mem>>, %arg17: memref<!tpu.dma_semaphore, #tpu.memory_space<semaphore_mem>>, %arg18: memref<!tpu.dma_semaphore, #tpu.memory_space<semaphore_mem>>, %arg19: memref<!tpu.dma_semaphore, #tpu.memory_space<semaphore_mem>>, %arg20: memref<!tpu.dma_semaphore, #tpu.memory_space<semaphore_mem>>, %arg21: memref<!tpu.dma_semaphore, #tpu.memory_space<semaphore_mem>>, %arg22: memref<!tpu.dma_semaphore, #tpu.memory_space<semaphore_mem>>, %arg23: memref<!tpu.dma_semaphore, #tpu.memory_space<semaphore_mem>>, %arg24: memref<!tpu.dma_semaphore, #tpu.memory_space<semaphore_mem>>) attributes {dimension_semantics = [#tpu.dimension_semantics<core_parallel>, #tpu.dimension_semantics<subcore_parallel>], iteration_bounds = array<i64: 2, 16>, scalar_prefetch = 0 : i64, scratch_operands = 19 : i64, tpu.core_type = #tpu.core_type<sc_vector_subcore>, window_params = [{transform_indices = #map}, {transform_indices = #map1}, {transform_indices = #map1}, {transform_indices = #map}]} {
    %mul3A = arith.constant 16 : i32
    %mul3A_0 = arith.muli %arg0, %mul3A : i32
    %add3A = arith.addi %mul3A_0, %arg1 : i32
    %broadcast_in_dim3A = arith.constant 0.000000e+00 : f32
    %broadcast_in_dim3A_1 = vector.broadcast %broadcast_in_dim3A : f32 to vector<16xf32>
    %scan3A = arith.constant 0 : i32
    %scan3A_2 = arith.constant 0 : i32
    %scan3A_3 = arith.constant 128 : i32
    %scan3A_4 = arith.addi %scan3A_2, %scan3A_3 : i32
    %scan3A_5 = arith.constant 1 : i32
    scf.for %scan3A_83 = %scan3A_2 to %scan3A_4 step %scan3A_5  : i32 {
      %swap3A = arith.index_cast %scan3A_83 : i32 to index
      %swap3A_84 = arith.constant 0 : index
      %swap3A_85 = tpu.vector_load %arg12[%swap3A, %swap3A_84] {strides = array<i32>} : memref<128x128xf32, #tpu.memory_space<vmem>>, vector<1x16xf32>,
      %swap3A_86 = vector.shape_cast %swap3A_85 : vector<1x16xf32> to vector<16xf32>
      %swap3A_87 = vector.shape_cast %broadcast_in_dim3A_1 : vector<16xf32> to vector<1x16xf32>
      tpu.vector_store %arg12[%swap3A, %swap3A_84], %swap3A_87 {strides = array<i32>} : memref<128x128xf32, #tpu.memory_space<vmem>>, vector<1x16xf32>,
      %swap3A_88 = arith.index_cast %scan3A_83 : i32 to index
      %swap3A_89 = arith.constant 16 : index
      %swap3A_90 = tpu.vector_load %arg12[%swap3A_88, %swap3A_89] {strides = array<i32>} : memref<128x128xf32, #tpu.memory_space<vmem>>, vector<1x16xf32>,
      %swap3A_91 = vector.shape_cast %swap3A_90 : vector<1x16xf32> to vector<16xf32>
      %swap3A_92 = vector.shape_cast %broadcast_in_dim3A_1 : vector<16xf32> to vector<1x16xf32>
      tpu.vector_store %arg12[%swap3A_88, %swap3A_89], %swap3A_92 {strides = array<i32>} : memref<128x128xf32, #tpu.memory_space<vmem>>, vector<1x16xf32>,
      %swap3A_93 = arith.index_cast %scan3A_83 : i32 to index
      %swap3A_94 = arith.constant 32 : index
      %swap3A_95 = tpu.vector_load %arg12[%swap3A_93, %swap3A_94] {strides = array<i32>} : memref<128x128xf32, #tpu.memory_space<vmem>>, vector<1x16xf32>,
      %swap3A_96 = vector.shape_cast %swap3A_95 : vector<1x16xf32> to vector<16xf32>
      %swap3A_97 = vector.shape_cast %broadcast_in_dim3A_1 : vector<16xf32> to vector<1x16xf32>
      tpu.vector_store %arg12[%swap3A_93, %swap3A_94], %swap3A_97 {strides = array<i32>} : memref<128x128xf32, #tpu.memory_space<vmem>>, vector<1x16xf32>,
      %swap3A_98 = arith.index_cast %scan3A_83 : i32 to index
      %swap3A_99 = arith.constant 48 : index
      %swap3A_100 = tpu.vector_load %arg12[%swap3A_98, %swap3A_99] {strides = array<i32>} : memref<128x128xf32, #tpu.memory_space<vmem>>, vector<1x16xf32>,
      %swap3A_101 = vector.shape_cast %swap3A_100 : vector<1x16xf32> to vector<16xf32>
      %swap3A_102 = vector.shape_cast %broadcast_in_dim3A_1 : vector<16xf32> to vector<1x16xf32>
      tpu.vector_store %arg12[%swap3A_98, %swap3A_99], %swap3A_102 {strides = array<i32>} : memref<128x128xf32, #tpu.memory_space<vmem>>, vector<1x16xf32>,
      %swap3A_103 = arith.index_cast %scan3A_83 : i32 to index
      %swap3A_104 = arith.constant 64 : index
      %swap3A_105 = tpu.vector_load %arg12[%swap3A_103, %swap3A_104] {strides = array<i32>} : memref<128x128xf32, #tpu.memory_space<vmem>>, vector<1x16xf32>,
      %swap3A_106 = vector.shape_cast %swap3A_105 : vector<1x16xf32> to vector<16xf32>
      %swap3A_107 = vector.shape_cast %broadcast_in_dim3A_1 : vector<16xf32> to vector<1x16xf32>
      tpu.vector_store %arg12[%swap3A_103, %swap3A_104], %swap3A_107 {strides = array<i32>} : memref<128x128xf32, #tpu.memory_space<vmem>>, vector<1x16xf32>,
      %swap3A_108 = arith.index_cast %scan3A_83 : i32 to index
      %swap3A_109 = arith.constant 80 : index
      %swap3A_110 = tpu.vector_load %arg12[%swap3A_108, %swap3A_109] {strides = array<i32>} : memref<128x128xf32, #tpu.memory_space<vmem>>, vector<1x16xf32>,
      %swap3A_111 = vector.shape_cast %swap3A_110 : vector<1x16xf32> to vector<16xf32>
      %swap3A_112 = vector.shape_cast %broadcast_in_dim3A_1 : vector<16xf32> to vector<1x16xf32>
      tpu.vector_store %arg12[%swap3A_108, %swap3A_109], %swap3A_112 {strides = array<i32>} : memref<128x128xf32, #tpu.memory_space<vmem>>, vector<1x16xf32>,
      %swap3A_113 = arith.index_cast %scan3A_83 : i32 to index
      %swap3A_114 = arith.constant 96 : index
      %swap3A_115 = tpu.vector_load %arg12[%swap3A_113, %swap3A_114] {strides = array<i32>} : memref<128x128xf32, #tpu.memory_space<vmem>>, vector<1x16xf32>,
      %swap3A_116 = vector.shape_cast %swap3A_115 : vector<1x16xf32> to vector<16xf32>
      %swap3A_117 = vector.shape_cast %broadcast_in_dim3A_1 : vector<16xf32> to vector<1x16xf32>
      tpu.vector_store %arg12[%swap3A_113, %swap3A_114], %swap3A_117 {strides = array<i32>} : memref<128x128xf32, #tpu.memory_space<vmem>>, vector<1x16xf32>,
      %swap3A_118 = arith.index_cast %scan3A_83 : i32 to index
      %swap3A_119 = arith.constant 112 : index
      %swap3A_120 = tpu.vector_load %arg12[%swap3A_118, %swap3A_119] {strides = array<i32>} : memref<128x128xf32, #tpu.memory_space<vmem>>, vector<1x16xf32>,
      %swap3A_121 = vector.shape_cast %swap3A_120 : vector<1x16xf32> to vector<16xf32>
      %swap3A_122 = vector.shape_cast %broadcast_in_dim3A_1 : vector<16xf32> to vector<1x16xf32>
      tpu.vector_store %arg12[%swap3A_118, %swap3A_119], %swap3A_122 {strides = array<i32>} : memref<128x128xf32, #tpu.memory_space<vmem>>, vector<1x16xf32>,
    }
    %scan3A_6 = arith.constant 128 : i32
    %mul3A_7 = arith.constant 640 : i32
    %mul3A_8 = arith.muli %arg1, %mul3A_7 : i32
    %add3A_9 = arith.constant 0 : i32
    %add3A_10 = arith.addi %mul3A_8, %add3A_9 : i32
    "tpu.region"() ({
      %run_scoped3A = tpu.sem_alloc : memref<!tpu.dma_semaphore, #tpu.memory_space<semaphore_mem>>
      %dma_start3A_83 = arith.constant 0 : i32
      %dma_start3A_84 = tpu.memref_slice %arg15[%add3A_10, %dma_start3A_83] : memref<10240x128xf32, #tpu.memory_space<vmem_shared>> -> memref<128x128xf32, #tpu.memory_space<vmem_shared>>
      %dma_start3A_85 = arith.constant 0 : i32
      %dma_start3A_86 = tpu.memref_slice %arg15[%add3A_10, %dma_start3A_85] : memref<10240x128xf32, #tpu.memory_space<vmem_shared>> -> memref<128x128xf32, #tpu.memory_space<vmem_shared>>
      tpu.enqueue_dma source(%arg12 : memref<128x128xf32, #tpu.memory_space<vmem>>) target(%dma_start3A_86 : memref<128x128xf32, #tpu.memory_space<vmem_shared>>) target_semaphore(%run_scoped3A : memref<!tpu.dma_semaphore, #tpu.memory_space<semaphore_mem>>)
      %dma_wait3A_87 = arith.constant 0 : i32
      %dma_wait3A_88 = tpu.memref_slice %arg15[%add3A_10, %dma_wait3A_87] : memref<10240x128xf32, #tpu.memory_space<vmem_shared>> -> memref<128x128xf32, #tpu.memory_space<vmem_shared>>
      %dma_wait3A_89 = arith.constant 0 : i32
      %dma_wait3A_90 = tpu.memref_slice %arg15[%add3A_10, %dma_wait3A_89] : memref<10240x128xf32, #tpu.memory_space<vmem_shared>> -> memref<128x128xf32, #tpu.memory_space<vmem_shared>>
      tpu.wait_dma2 semaphore(%run_scoped3A : memref<!tpu.dma_semaphore, #tpu.memory_space<semaphore_mem>>) src(%arg12 : memref<128x128xf32, #tpu.memory_space<vmem>>) dst(%dma_wait3A_90 : memref<128x128xf32, #tpu.memory_space<vmem_shared>>)
      tpu.yield
    }) : () -> ()
    %mul3A_11 = arith.constant 640 : i32
    %mul3A_12 = arith.muli %arg1, %mul3A_11 : i32
    %add3A_13 = arith.constant 128 : i32
    %add3A_14 = arith.addi %mul3A_12, %add3A_13 : i32
    "tpu.region"() ({
      %run_scoped3A = tpu.sem_alloc : memref<!tpu.dma_semaphore, #tpu.memory_space<semaphore_mem>>
      %dma_start3A_83 = arith.constant 0 : i32
      %dma_start3A_84 = tpu.memref_slice %arg15[%add3A_14, %dma_start3A_83] : memref<10240x128xf32, #tpu.memory_space<vmem_shared>> -> memref<128x128xf32, #tpu.memory_space<vmem_shared>>
      %dma_start3A_85 = arith.constant 0 : i32
      %dma_start3A_86 = tpu.memref_slice %arg15[%add3A_14, %dma_start3A_85] : memref<10240x128xf32, #tpu.memory_space<vmem_shared>> -> memref<128x128xf32, #tpu.memory_space<vmem_shared>>
      tpu.enqueue_dma source(%arg12 : memref<128x128xf32, #tpu.memory_space<vmem>>) target(%dma_start3A_86 : memref<128x128xf32, #tpu.memory_space<vmem_shared>>) target_semaphore(%run_scoped3A : memref<!tpu.dma_semaphore, #tpu.memory_space<semaphore_mem>>)
      %dma_wait3A_87 = arith.constant 0 : i32
      %dma_wait3A_88 = tpu.memref_slice %arg15[%add3A_14, %dma_wait3A_87] : memref<10240x128xf32, #tpu.memory_space<vmem_shared>> -> memref<128x128xf32, #tpu.memory_space<vmem_shared>>
      %dma_wait3A_89 = arith.constant 0 : i32
      %dma_wait3A_90 = tpu.memref_slice %arg15[%add3A_14, %dma_wait3A_89] : memref<10240x128xf32, #tpu.memory_space<vmem_shared>> -> memref<128x128xf32, #tpu.memory_space<vmem_shared>>
      tpu.wait_dma2 semaphore(%run_scoped3A : memref<!tpu.dma_semaphore, #tpu.memory_space<semaphore_mem>>) src(%arg12 : memref<128x128xf32, #tpu.memory_space<vmem>>) dst(%dma_wait3A_90 : memref<128x128xf32, #tpu.memory_space<vmem_shared>>)
      tpu.yield
    }) : () -> ()
    %mul3A_15 = arith.constant 640 : i32
    %mul3A_16 = arith.muli %arg1, %mul3A_15 : i32
    %add3A_17 = arith.constant 256 : i32
    %add3A_18 = arith.addi %mul3A_16, %add3A_17 : i32
    "tpu.region"() ({
      %run_scoped3A = tpu.sem_alloc : memref<!tpu.dma_semaphore, #tpu.memory_space<semaphore_mem>>
      %dma_start3A_83 = arith.constant 0 : i32
      %dma_start3A_84 = tpu.memref_slice %arg15[%add3A_18, %dma_start3A_83] : memref<10240x128xf32, #tpu.memory_space<vmem_shared>> -> memref<128x128xf32, #tpu.memory_space<vmem_shared>>
      %dma_start3A_85 = arith.constant 0 : i32
      %dma_start3A_86 = tpu.memref_slice %arg15[%add3A_18, %dma_start3A_85] : memref<10240x128xf32, #tpu.memory_space<vmem_shared>> -> memref<128x128xf32, #tpu.memory_space<vmem_shared>>
      tpu.enqueue_dma source(%arg12 : memref<128x128xf32, #tpu.memory_space<vmem>>) target(%dma_start3A_86 : memref<128x128xf32, #tpu.memory_space<vmem_shared>>) target_semaphore(%run_scoped3A : memref<!tpu.dma_semaphore, #tpu.memory_space<semaphore_mem>>)
      %dma_wait3A_87 = arith.constant 0 : i32
      %dma_wait3A_88 = tpu.memref_slice %arg15[%add3A_18, %dma_wait3A_87] : memref<10240x128xf32, #tpu.memory_space<vmem_shared>> -> memref<128x128xf32, #tpu.memory_space<vmem_shared>>
      %dma_wait3A_89 = arith.constant 0 : i32
      %dma_wait3A_90 = tpu.memref_slice %arg15[%add3A_18, %dma_wait3A_89] : memref<10240x128xf32, #tpu.memory_space<vmem_shared>> -> memref<128x128xf32, #tpu.memory_space<vmem_shared>>
      tpu.wait_dma2 semaphore(%run_scoped3A : memref<!tpu.dma_semaphore, #tpu.memory_space<semaphore_mem>>) src(%arg12 : memref<128x128xf32, #tpu.memory_space<vmem>>) dst(%dma_wait3A_90 : memref<128x128xf32, #tpu.memory_space<vmem_shared>>)
      tpu.yield
    }) : () -> ()
    %mul3A_19 = arith.constant 640 : i32
    %mul3A_20 = arith.muli %arg1, %mul3A_19 : i32
    %add3A_21 = arith.constant 384 : i32
    %add3A_22 = arith.addi %mul3A_20, %add3A_21 : i32
    "tpu.region"() ({
      %run_scoped3A = tpu.sem_alloc : memref<!tpu.dma_semaphore, #tpu.memory_space<semaphore_mem>>
      %dma_start3A_83 = arith.constant 0 : i32
      %dma_start3A_84 = tpu.memref_slice %arg15[%add3A_22, %dma_start3A_83] : memref<10240x128xf32, #tpu.memory_space<vmem_shared>> -> memref<128x128xf32, #tpu.memory_space<vmem_shared>>
      %dma_start3A_85 = arith.constant 0 : i32
      %dma_start3A_86 = tpu.memref_slice %arg15[%add3A_22, %dma_start3A_85] : memref<10240x128xf32, #tpu.memory_space<vmem_shared>> -> memref<128x128xf32, #tpu.memory_space<vmem_shared>>
      tpu.enqueue_dma source(%arg12 : memref<128x128xf32, #tpu.memory_space<vmem>>) target(%dma_start3A_86 : memref<128x128xf32, #tpu.memory_space<vmem_shared>>) target_semaphore(%run_scoped3A : memref<!tpu.dma_semaphore, #tpu.memory_space<semaphore_mem>>)
      %dma_wait3A_87 = arith.constant 0 : i32
      %dma_wait3A_88 = tpu.memref_slice %arg15[%add3A_22, %dma_wait3A_87] : memref<10240x128xf32, #tpu.memory_space<vmem_shared>> -> memref<128x128xf32, #tpu.memory_space<vmem_shared>>
      %dma_wait3A_89 = arith.constant 0 : i32
      %dma_wait3A_90 = tpu.memref_slice %arg15[%add3A_22, %dma_wait3A_89] : memref<10240x128xf32, #tpu.memory_space<vmem_shared>> -> memref<128x128xf32, #tpu.memory_space<vmem_shared>>
      tpu.wait_dma2 semaphore(%run_scoped3A : memref<!tpu.dma_semaphore, #tpu.memory_space<semaphore_mem>>) src(%arg12 : memref<128x128xf32, #tpu.memory_space<vmem>>) dst(%dma_wait3A_90 : memref<128x128xf32, #tpu.memory_space<vmem_shared>>)
      tpu.yield
    }) : () -> ()
    %mul3A_23 = arith.constant 640 : i32
    %mul3A_24 = arith.muli %arg1, %mul3A_23 : i32
    %add3A_25 = arith.constant 512 : i32
    %add3A_26 = arith.addi %mul3A_24, %add3A_25 : i32
    "tpu.region"() ({
      %run_scoped3A = tpu.sem_alloc : memref<!tpu.dma_semaphore, #tpu.memory_space<semaphore_mem>>
      %dma_start3A_83 = arith.constant 0 : i32
      %dma_start3A_84 = tpu.memref_slice %arg15[%add3A_26, %dma_start3A_83] : memref<10240x128xf32, #tpu.memory_space<vmem_shared>> -> memref<128x128xf32, #tpu.memory_space<vmem_shared>>
      %dma_start3A_85 = arith.constant 0 : i32
      %dma_start3A_86 = tpu.memref_slice %arg15[%add3A_26, %dma_start3A_85] : memref<10240x128xf32, #tpu.memory_space<vmem_shared>> -> memref<128x128xf32, #tpu.memory_space<vmem_shared>>
      tpu.enqueue_dma source(%arg12 : memref<128x128xf32, #tpu.memory_space<vmem>>) target(%dma_start3A_86 : memref<128x128xf32, #tpu.memory_space<vmem_shared>>) target_semaphore(%run_scoped3A : memref<!tpu.dma_semaphore, #tpu.memory_space<semaphore_mem>>)
      %dma_wait3A_87 = arith.constant 0 : i32
      %dma_wait3A_88 = tpu.memref_slice %arg15[%add3A_26, %dma_wait3A_87] : memref<10240x128xf32, #tpu.memory_space<vmem_shared>> -> memref<128x128xf32, #tpu.memory_space<vmem_shared>>
      %dma_wait3A_89 = arith.constant 0 : i32
      %dma_wait3A_90 = tpu.memref_slice %arg15[%add3A_26, %dma_wait3A_89] : memref<10240x128xf32, #tpu.memory_space<vmem_shared>> -> memref<128x128xf32, #tpu.memory_space<vmem_shared>>
      tpu.wait_dma2 semaphore(%run_scoped3A : memref<!tpu.dma_semaphore, #tpu.memory_space<semaphore_mem>>) src(%arg12 : memref<128x128xf32, #tpu.memory_space<vmem>>) dst(%dma_wait3A_90 : memref<128x128xf32, #tpu.memory_space<vmem_shared>>)
      tpu.yield
    }) : () -> ()
    %barrier3A = arith.constant 0 : index
    tpu.barrier barrier_id(%barrier3A)
    %mul3A_27 = arith.constant 10000 : i32
    %mul3A_28 = arith.muli %add3A, %mul3A_27 : i32
    %add3A_29 = arith.constant 0 : i32
    %add3A_30 = arith.addi %mul3A_28, %add3A_29 : i32
    %multiple_of3A = tpu.assume_multiple %add3A_30, 8 : i32
    %dma_start3A = tpu.memref_slice %arg3[%multiple_of3A] : memref<320000xi32, #tpu.memory_space<hbm>> -> memref<128xi32, #tpu.memory_space<hbm>>
    %dma_start3A_31 = tpu.memref_slice %arg3[%multiple_of3A] : memref<320000xi32, #tpu.memory_space<hbm>> -> memref<128xi32, #tpu.memory_space<hbm>>
    tpu.enqueue_dma source(%dma_start3A_31 : memref<128xi32, #tpu.memory_space<hbm>>) target(%arg6 : memref<128xi32, #tpu.memory_space<vmem>>) target_semaphore(%arg16 : memref<!tpu.dma_semaphore, #tpu.memory_space<semaphore_mem>>)
    %mul3A_32 = arith.constant 10000 : i32
    %mul3A_33 = arith.muli %add3A, %mul3A_32 : i32
    %add3A_34 = arith.constant 128 : i32
    %add3A_35 = arith.addi %mul3A_33, %add3A_34 : i32
    %multiple_of3A_36 = tpu.assume_multiple %add3A_35, 8 : i32
    %dma_start3A_37 = tpu.memref_slice %arg3[%multiple_of3A_36] : memref<320000xi32, #tpu.memory_space<hbm>> -> memref<128xi32, #tpu.memory_space<hbm>>
    %dma_start3A_38 = tpu.memref_slice %arg3[%multiple_of3A_36] : memref<320000xi32, #tpu.memory_space<hbm>> -> memref<128xi32, #tpu.memory_space<hbm>>
    tpu.enqueue_dma source(%dma_start3A_38 : memref<128xi32, #tpu.memory_space<hbm>>) target(%arg7 : memref<128xi32, #tpu.memory_space<vmem>>) target_semaphore(%arg17 : memref<!tpu.dma_semaphore, #tpu.memory_space<semaphore_mem>>)
    %mul3A_39 = arith.constant 10000 : i32
    %mul3A_40 = arith.muli %add3A, %mul3A_39 : i32
    %add3A_41 = arith.constant 0 : i32
    %add3A_42 = arith.addi %mul3A_40, %add3A_41 : i32
    %multiple_of3A_43 = tpu.assume_multiple %add3A_42, 8 : i32
    %dma_wait3A = tpu.memref_slice %arg3[%multiple_of3A_43] : memref<320000xi32, #tpu.memory_space<hbm>> -> memref<128xi32, #tpu.memory_space<hbm>>
    %dma_wait3A_44 = tpu.memref_slice %arg3[%multiple_of3A_43] : memref<320000xi32, #tpu.memory_space<hbm>> -> memref<128xi32, #tpu.memory_space<hbm>>
    tpu.wait_dma2 semaphore(%arg16 : memref<!tpu.dma_semaphore, #tpu.memory_space<semaphore_mem>>) src(%dma_wait3A_44 : memref<128xi32, #tpu.memory_space<hbm>>) dst(%arg6 : memref<128xi32, #tpu.memory_space<vmem>>)
    %dma_start3A_45 = arith.constant 0 : i32
    %dma_start3A_46 = arith.constant 0 : i32
    %dma_start3A_47 = tpu.memref_slice %arg2[%dma_start3A_45, %dma_start3A_46] : memref<10240x128xf32, #tpu.memory_space<hbm>> -> memref<10240x128xf32, #tpu.memory_space<hbm>>
    tpu.enqueue_indirect_dma source(%dma_start3A_47 : memref<10240x128xf32, #tpu.memory_space<hbm>>) target(%arg12 : memref<128x128xf32, #tpu.memory_space<vmem>>) offsets(%arg6 : memref<128xi32, #tpu.memory_space<vmem>>) semaphore(%arg20 : memref<!tpu.dma_semaphore, #tpu.memory_space<semaphore_mem>>)
    %mul3A_48 = arith.constant 10000 : i32
    %mul3A_49 = arith.muli %add3A, %mul3A_48 : i32
    %add3A_50 = arith.constant 0 : i32
    %add3A_51 = arith.addi %mul3A_49, %add3A_50 : i32
    %multiple_of3A_52 = tpu.assume_multiple %add3A_51, 8 : i32
    %dma_start3A_53 = tpu.memref_slice %arg4[%multiple_of3A_52] : memref<320000xi32, #tpu.memory_space<hbm>> -> memref<128xi32, #tpu.memory_space<hbm>>
    %dma_start3A_54 = tpu.memref_slice %arg4[%multiple_of3A_52] : memref<320000xi32, #tpu.memory_space<hbm>> -> memref<128xi32, #tpu.memory_space<hbm>>
    tpu.enqueue_dma source(%dma_start3A_54 : memref<128xi32, #tpu.memory_space<hbm>>) target(%arg8 : memref<128xi32, #tpu.memory_space<vmem>>) target_semaphore(%arg18 : memref<!tpu.dma_semaphore, #tpu.memory_space<semaphore_mem>>)
    %scan3A_55 = arith.constant 0 : i32
    %scan3A_56 = arith.constant 0 : i32
    %scan3A_57 = arith.constant 39 : i32
    %scan3A_58 = arith.addi %scan3A_56, %scan3A_57 : i32
    %scan3A_59 = arith.constant 1 : i32
    scf.for %scan3A_83 = %scan3A_56 to %scan3A_58 step %scan3A_59  : i32 {
      %mul3A_84 = arith.constant 2 : i32
      %mul3A_85 = arith.muli %scan3A_83, %mul3A_84 : i32
      %add3A_86 = arith.constant 0 : i32
      %add3A_87 = arith.addi %mul3A_85, %add3A_86 : i32
      %ge3A = arith.constant 1 : i32
      %ge3A_88 = arith.cmpi sge, %add3A_87, %ge3A : i32
      %convert_element_type3A = arith.extui %ge3A_88 : i1 to i32
      %cond3A = arith.constant 0 : i32
      %cond3A_89 = arith.cmpi ne, %convert_element_type3A, %cond3A : i32
      scf.if %cond3A_89 {
        %dma_wait3A_154 = arith.constant 0 : i32
        %dma_wait3A_155 = arith.constant 0 : i32
        %dma_wait3A_156 = tpu.memref_slice %arg15[%dma_wait3A_154, %dma_wait3A_155] : memref<10240x128xf32, #tpu.memory_space<vmem_shared>> -> memref<10240x128xf32, #tpu.memory_space<vmem_shared>>
        tpu.wait_indirect_dma semaphore(%arg23 : memref<!tpu.dma_semaphore, #tpu.memory_space<semaphore_mem>>) src(%arg13 : memref<128x128xf32, #tpu.memory_space<vmem>>) dst(%dma_wait3A_156 : memref<10240x128xf32, #tpu.memory_space<vmem_shared>>)
      } else {
      }
      %add3A_90 = arith.constant 1 : i32
      %add3A_91 = arith.addi %add3A_87, %add3A_90 : i32
      %lt3A = arith.constant 78 : i32
      %lt3A_92 = arith.cmpi slt, %add3A_91, %lt3A : i32
      %convert_element_type3A_93 = arith.extui %lt3A_92 : i1 to i32
      %cond3A_94 = arith.constant 0 : i32
      %cond3A_95 = arith.cmpi ne, %convert_element_type3A_93, %cond3A_94 : i32
      scf.if %cond3A_95 {
        %add3A_154 = arith.constant 1 : i32
        %add3A_155 = arith.addi %add3A_87, %add3A_154 : i32
        %mul3A_156 = arith.constant 10000 : i32
        %mul3A_157 = arith.muli %add3A, %mul3A_156 : i32
        %mul3A_158 = arith.constant 128 : i32
        %mul3A_159 = arith.muli %add3A_155, %mul3A_158 : i32
        %add3A_160 = arith.addi %mul3A_157, %mul3A_159 : i32
        %multiple_of3A_161 = tpu.assume_multiple %add3A_160, 8 : i32
        %dma_wait3A_162 = tpu.memref_slice %arg3[%multiple_of3A_161] : memref<320000xi32, #tpu.memory_space<hbm>> -> memref<128xi32, #tpu.memory_space<hbm>>
        %dma_wait3A_163 = tpu.memref_slice %arg3[%multiple_of3A_161] : memref<320000xi32, #tpu.memory_space<hbm>> -> memref<128xi32, #tpu.memory_space<hbm>>
        tpu.wait_dma2 semaphore(%arg17 : memref<!tpu.dma_semaphore, #tpu.memory_space<semaphore_mem>>) src(%dma_wait3A_163 : memref<128xi32, #tpu.memory_space<hbm>>) dst(%arg7 : memref<128xi32, #tpu.memory_space<vmem>>)
        %dma_start3A_164 = arith.constant 0 : i32
        %dma_start3A_165 = arith.constant 0 : i32
        %dma_start3A_166 = tpu.memref_slice %arg2[%dma_start3A_164, %dma_start3A_165] : memref<10240x128xf32, #tpu.memory_space<hbm>> -> memref<10240x128xf32, #tpu.memory_space<hbm>>
        tpu.enqueue_indirect_dma source(%dma_start3A_166 : memref<10240x128xf32, #tpu.memory_space<hbm>>) target(%arg13 : memref<128x128xf32, #tpu.memory_space<vmem>>) offsets(%arg7 : memref<128xi32, #tpu.memory_space<vmem>>) semaphore(%arg21 : memref<!tpu.dma_semaphore, #tpu.memory_space<semaphore_mem>>)
        %mul3A_167 = arith.constant 10000 : i32
        %mul3A_168 = arith.muli %add3A, %mul3A_167 : i32
        %mul3A_169 = arith.constant 128 : i32
        %mul3A_170 = arith.muli %add3A_155, %mul3A_169 : i32
        %add3A_171 = arith.addi %mul3A_168, %mul3A_170 : i32
        %multiple_of3A_172 = tpu.assume_multiple %add3A_171, 8 : i32
        %dma_start3A_173 = tpu.memref_slice %arg4[%multiple_of3A_172] : memref<320000xi32, #tpu.memory_space<hbm>> -> memref<128xi32, #tpu.memory_space<hbm>>
        %dma_start3A_174 = tpu.memref_slice %arg4[%multiple_of3A_172] : memref<320000xi32, #tpu.memory_space<hbm>> -> memref<128xi32, #tpu.memory_space<hbm>>
        tpu.enqueue_dma source(%dma_start3A_174 : memref<128xi32, #tpu.memory_space<hbm>>) target(%arg9 : memref<128xi32, #tpu.memory_space<vmem>>) target_semaphore(%arg19 : memref<!tpu.dma_semaphore, #tpu.memory_space<semaphore_mem>>)
      } else {
      }
      %dma_wait3A_96 = arith.constant 0 : i32
      %dma_wait3A_97 = arith.constant 0 : i32
      %dma_wait3A_98 = tpu.memref_slice %arg2[%dma_wait3A_96, %dma_wait3A_97] : memref<10240x128xf32, #tpu.memory_space<hbm>> -> memref<10240x128xf32, #tpu.memory_space<hbm>>
      tpu.wait_indirect_dma semaphore(%arg20 : memref<!tpu.dma_semaphore, #tpu.memory_space<semaphore_mem>>) src(%dma_wait3A_98 : memref<10240x128xf32, #tpu.memory_space<hbm>>) dst(%arg12 : memref<128x128xf32, #tpu.memory_space<vmem>>)
      %mul3A_99 = arith.constant 10000 : i32
      %mul3A_100 = arith.muli %add3A, %mul3A_99 : i32
      %mul3A_101 = arith.constant 128 : i32
      %mul3A_102 = arith.muli %add3A_87, %mul3A_101 : i32
      %add3A_103 = arith.addi %mul3A_100, %mul3A_102 : i32
      %multiple_of3A_104 = tpu.assume_multiple %add3A_103, 8 : i32
      %dma_wait3A_105 = tpu.memref_slice %arg4[%multiple_of3A_104] : memref<320000xi32, #tpu.memory_space<hbm>> -> memref<128xi32, #tpu.memory_space<hbm>>
      %dma_wait3A_106 = tpu.memref_slice %arg4[%multiple_of3A_104] : memref<320000xi32, #tpu.memory_space<hbm>> -> memref<128xi32, #tpu.memory_space<hbm>>
      tpu.wait_dma2 semaphore(%arg18 : memref<!tpu.dma_semaphore, #tpu.memory_space<semaphore_mem>>) src(%dma_wait3A_106 : memref<128xi32, #tpu.memory_space<hbm>>) dst(%arg8 : memref<128xi32, #tpu.memory_space<vmem>>)
      %dma_start3A_107 = arith.constant 0 : i32
      %dma_start3A_108 = arith.constant 0 : i32
      %dma_start3A_109 = tpu.memref_slice %arg15[%dma_start3A_107, %dma_start3A_108] : memref<10240x128xf32, #tpu.memory_space<vmem_shared>> -> memref<10240x128xf32, #tpu.memory_space<vmem_shared>>
      tpu.enqueue_indirect_dma source(%arg12 : memref<128x128xf32, #tpu.memory_space<vmem>>) target(%dma_start3A_109 : memref<10240x128xf32, #tpu.memory_space<vmem_shared>>) offsets(%arg8 : memref<128xi32, #tpu.memory_space<vmem>>) semaphore(%arg22 : memref<!tpu.dma_semaphore, #tpu.memory_space<semaphore_mem>>) {add = true}
      %add3A_110 = arith.constant 2 : i32
      %add3A_111 = arith.addi %add3A_87, %add3A_110 : i32
      %lt3A_112 = arith.constant 78 : i32
      %lt3A_113 = arith.cmpi slt, %add3A_111, %lt3A_112 : i32
      %convert_element_type3A_114 = arith.extui %lt3A_113 : i1 to i32
      %cond3A_115 = arith.constant 0 : i32
      %cond3A_116 = arith.cmpi ne, %convert_element_type3A_114, %cond3A_115 : i32
      scf.if %cond3A_116 {
        %add3A_154 = arith.constant 2 : i32
        %add3A_155 = arith.addi %add3A_87, %add3A_154 : i32
        %mul3A_156 = arith.constant 10000 : i32
        %mul3A_157 = arith.muli %add3A, %mul3A_156 : i32
        %mul3A_158 = arith.constant 128 : i32
        %mul3A_159 = arith.muli %add3A_155, %mul3A_158 : i32
        %add3A_160 = arith.addi %mul3A_157, %mul3A_159 : i32
        %multiple_of3A_161 = tpu.assume_multiple %add3A_160, 8 : i32
        %dma_start3A_162 = tpu.memref_slice %arg3[%multiple_of3A_161] : memref<320000xi32, #tpu.memory_space<hbm>> -> memref<128xi32, #tpu.memory_space<hbm>>
        %dma_start3A_163 = tpu.memref_slice %arg3[%multiple_of3A_161] : memref<320000xi32, #tpu.memory_space<hbm>> -> memref<128xi32, #tpu.memory_space<hbm>>
        tpu.enqueue_dma source(%dma_start3A_163 : memref<128xi32, #tpu.memory_space<hbm>>) target(%arg6 : memref<128xi32, #tpu.memory_space<vmem>>) target_semaphore(%arg16 : memref<!tpu.dma_semaphore, #tpu.memory_space<semaphore_mem>>)
      } else {
      }
      %mul3A_117 = arith.constant 2 : i32
      %mul3A_118 = arith.muli %scan3A_83, %mul3A_117 : i32
      %add3A_119 = arith.constant 1 : i32
      %add3A_120 = arith.addi %mul3A_118, %add3A_119 : i32
      %ge3A_121 = arith.constant 1 : i32
      %ge3A_122 = arith.cmpi sge, %add3A_120, %ge3A_121 : i32
      %convert_element_type3A_123 = arith.extui %ge3A_122 : i1 to i32
      %cond3A_124 = arith.constant 0 : i32
      %cond3A_125 = arith.cmpi ne, %convert_element_type3A_123, %cond3A_124 : i32
      scf.if %cond3A_125 {
        %dma_wait3A_154 = arith.constant 0 : i32
        %dma_wait3A_155 = arith.constant 0 : i32
        %dma_wait3A_156 = tpu.memref_slice %arg15[%dma_wait3A_154, %dma_wait3A_155] : memref<10240x128xf32, #tpu.memory_space<vmem_shared>> -> memref<10240x128xf32, #tpu.memory_space<vmem_shared>>
        tpu.wait_indirect_dma semaphore(%arg22 : memref<!tpu.dma_semaphore, #tpu.memory_space<semaphore_mem>>) src(%arg12 : memref<128x128xf32, #tpu.memory_space<vmem>>) dst(%dma_wait3A_156 : memref<10240x128xf32, #tpu.memory_space<vmem_shared>>)
      } else {
      }
      %add3A_126 = arith.constant 1 : i32
      %add3A_127 = arith.addi %add3A_120, %add3A_126 : i32
      %lt3A_128 = arith.constant 78 : i32
      %lt3A_129 = arith.cmpi slt, %add3A_127, %lt3A_128 : i32
      %convert_element_type3A_130 = arith.extui %lt3A_129 : i1 to i32
      %cond3A_131 = arith.constant 0 : i32
      %cond3A_132 = arith.cmpi ne, %convert_element_type3A_130, %cond3A_131 : i32
      scf.if %cond3A_132 {
        %add3A_154 = arith.constant 1 : i32
        %add3A_155 = arith.addi %add3A_120, %add3A_154 : i32
        %mul3A_156 = arith.constant 10000 : i32
        %mul3A_157 = arith.muli %add3A, %mul3A_156 : i32
        %mul3A_158 = arith.constant 128 : i32
        %mul3A_159 = arith.muli %add3A_155, %mul3A_158 : i32
        %add3A_160 = arith.addi %mul3A_157, %mul3A_159 : i32
        %multiple_of3A_161 = tpu.assume_multiple %add3A_160, 8 : i32
        %dma_wait3A_162 = tpu.memref_slice %arg3[%multiple_of3A_161] : memref<320000xi32, #tpu.memory_space<hbm>> -> memref<128xi32, #tpu.memory_space<hbm>>
        %dma_wait3A_163 = tpu.memref_slice %arg3[%multiple_of3A_161] : memref<320000xi32, #tpu.memory_space<hbm>> -> memref<128xi32, #tpu.memory_space<hbm>>
        tpu.wait_dma2 semaphore(%arg16 : memref<!tpu.dma_semaphore, #tpu.memory_space<semaphore_mem>>) src(%dma_wait3A_163 : memref<128xi32, #tpu.memory_space<hbm>>) dst(%arg6 : memref<128xi32, #tpu.memory_space<vmem>>)
        %dma_start3A_164 = arith.constant 0 : i32
        %dma_start3A_165 = arith.constant 0 : i32
        %dma_start3A_166 = tpu.memref_slice %arg2[%dma_start3A_164, %dma_start3A_165] : memref<10240x128xf32, #tpu.memory_space<hbm>> -> memref<10240x128xf32, #tpu.memory_space<hbm>>
        tpu.enqueue_indirect_dma source(%dma_start3A_166 : memref<10240x128xf32, #tpu.memory_space<hbm>>) target(%arg12 : memref<128x128xf32, #tpu.memory_space<vmem>>) offsets(%arg6 : memref<128xi32, #tpu.memory_space<vmem>>) semaphore(%arg20 : memref<!tpu.dma_semaphore, #tpu.memory_space<semaphore_mem>>)
        %mul3A_167 = arith.constant 10000 : i32
        %mul3A_168 = arith.muli %add3A, %mul3A_167 : i32
        %mul3A_169 = arith.constant 128 : i32
        %mul3A_170 = arith.muli %add3A_155, %mul3A_169 : i32
        %add3A_171 = arith.addi %mul3A_168, %mul3A_170 : i32
        %multiple_of3A_172 = tpu.assume_multiple %add3A_171, 8 : i32
        %dma_start3A_173 = tpu.memref_slice %arg4[%multiple_of3A_172] : memref<320000xi32, #tpu.memory_space<hbm>> -> memref<128xi32, #tpu.memory_space<hbm>>
        %dma_start3A_174 = tpu.memref_slice %arg4[%multiple_of3A_172] : memref<320000xi32, #tpu.memory_space<hbm>> -> memref<128xi32, #tpu.memory_space<hbm>>
        tpu.enqueue_dma source(%dma_start3A_174 : memref<128xi32, #tpu.memory_space<hbm>>) target(%arg8 : memref<128xi32, #tpu.memory_space<vmem>>) target_semaphore(%arg18 : memref<!tpu.dma_semaphore, #tpu.memory_space<semaphore_mem>>)
      } else {
      }
      %dma_wait3A_133 = arith.constant 0 : i32
      %dma_wait3A_134 = arith.constant 0 : i32
      %dma_wait3A_135 = tpu.memref_slice %arg2[%dma_wait3A_133, %dma_wait3A_134] : memref<10240x128xf32, #tpu.memory_space<hbm>> -> memref<10240x128xf32, #tpu.memory_space<hbm>>
      tpu.wait_indirect_dma semaphore(%arg21 : memref<!tpu.dma_semaphore, #tpu.memory_space<semaphore_mem>>) src(%dma_wait3A_135 : memref<10240x128xf32, #tpu.memory_space<hbm>>) dst(%arg13 : memref<128x128xf32, #tpu.memory_space<vmem>>)
      %mul3A_136 = arith.constant 10000 : i32
      %mul3A_137 = arith.muli %add3A, %mul3A_136 : i32
      %mul3A_138 = arith.constant 128 : i32
      %mul3A_139 = arith.muli %add3A_120, %mul3A_138 : i32
      %add3A_140 = arith.addi %mul3A_137, %mul3A_139 : i32
      %multiple_of3A_141 = tpu.assume_multiple %add3A_140, 8 : i32
      %dma_wait3A_142 = tpu.memref_slice %arg4[%multiple_of3A_141] : memref<320000xi32, #tpu.memory_space<hbm>> -> memref<128xi32, #tpu.memory_space<hbm>>
      %dma_wait3A_143 = tpu.memref_slice %arg4[%multiple_of3A_141] : memref<320000xi32, #tpu.memory_space<hbm>> -> memref<128xi32, #tpu.memory_space<hbm>>
      tpu.wait_dma2 semaphore(%arg19 : memref<!tpu.dma_semaphore, #tpu.memory_space<semaphore_mem>>) src(%dma_wait3A_143 : memref<128xi32, #tpu.memory_space<hbm>>) dst(%arg9 : memref<128xi32, #tpu.memory_space<vmem>>)
      %dma_start3A_144 = arith.constant 0 : i32
      %dma_start3A_145 = arith.constant 0 : i32
      %dma_start3A_146 = tpu.memref_slice %arg15[%dma_start3A_144, %dma_start3A_145] : memref<10240x128xf32, #tpu.memory_space<vmem_shared>> -> memref<10240x128xf32, #tpu.memory_space<vmem_shared>>
      tpu.enqueue_indirect_dma source(%arg13 : memref<128x128xf32, #tpu.memory_space<vmem>>) target(%dma_start3A_146 : memref<10240x128xf32, #tpu.memory_space<vmem_shared>>) offsets(%arg9 : memref<128xi32, #tpu.memory_space<vmem>>) semaphore(%arg23 : memref<!tpu.dma_semaphore, #tpu.memory_space<semaphore_mem>>) {add = true}
      %add3A_147 = arith.constant 2 : i32
      %add3A_148 = arith.addi %add3A_120, %add3A_147 : i32
      %lt3A_149 = arith.constant 78 : i32
      %lt3A_150 = arith.cmpi slt, %add3A_148, %lt3A_149 : i32
      %convert_element_type3A_151 = arith.extui %lt3A_150 : i1 to i32
      %cond3A_152 = arith.constant 0 : i32
      %cond3A_153 = arith.cmpi ne, %convert_element_type3A_151, %cond3A_152 : i32
      scf.if %cond3A_153 {
        %add3A_154 = arith.constant 2 : i32
        %add3A_155 = arith.addi %add3A_120, %add3A_154 : i32
        %mul3A_156 = arith.constant 10000 : i32
        %mul3A_157 = arith.muli %add3A, %mul3A_156 : i32
        %mul3A_158 = arith.constant 128 : i32
        %mul3A_159 = arith.muli %add3A_155, %mul3A_158 : i32
        %add3A_160 = arith.addi %mul3A_157, %mul3A_159 : i32
        %multiple_of3A_161 = tpu.assume_multiple %add3A_160, 8 : i32
        %dma_start3A_162 = tpu.memref_slice %arg3[%multiple_of3A_161] : memref<320000xi32, #tpu.memory_space<hbm>> -> memref<128xi32, #tpu.memory_space<hbm>>
        %dma_start3A_163 = tpu.memref_slice %arg3[%multiple_of3A_161] : memref<320000xi32, #tpu.memory_space<hbm>> -> memref<128xi32, #tpu.memory_space<hbm>>
        tpu.enqueue_dma source(%dma_start3A_163 : memref<128xi32, #tpu.memory_space<hbm>>) target(%arg7 : memref<128xi32, #tpu.memory_space<vmem>>) target_semaphore(%arg17 : memref<!tpu.dma_semaphore, #tpu.memory_space<semaphore_mem>>)
      } else {
      }
    }
    %scan3A_60 = arith.constant 39 : i32
    %mul3A_61 = arith.constant 10000 : i32
    %mul3A_62 = arith.muli %add3A, %mul3A_61 : i32
    %add3A_63 = arith.constant 9984 : i32
    %add3A_64 = arith.addi %mul3A_62, %add3A_63 : i32
    %multiple_of3A_65 = tpu.assume_multiple %add3A_64, 8 : i32
    "tpu.region"() ({
      %run_scoped3A = tpu.sem_alloc : memref<!tpu.dma_semaphore, #tpu.memory_space<semaphore_mem>>
      %dma_start3A_83 = tpu.memref_slice %arg3[%multiple_of3A_65] : memref<320000xi32, #tpu.memory_space<hbm>> -> memref<16xi32, #tpu.memory_space<hbm>>
      %dma_start3A_84 = tpu.memref_slice %arg3[%multiple_of3A_65] : memref<320000xi32, #tpu.memory_space<hbm>> -> memref<16xi32, #tpu.memory_space<hbm>>
      tpu.enqueue_dma source(%dma_start3A_84 : memref<16xi32, #tpu.memory_space<hbm>>) target(%arg10 : memref<16xi32, #tpu.memory_space<vmem>>) target_semaphore(%run_scoped3A : memref<!tpu.dma_semaphore, #tpu.memory_space<semaphore_mem>>)
      %dma_wait3A_85 = tpu.memref_slice %arg3[%multiple_of3A_65] : memref<320000xi32, #tpu.memory_space<hbm>> -> memref<16xi32, #tpu.memory_space<hbm>>
      %dma_wait3A_86 = tpu.memref_slice %arg3[%multiple_of3A_65] : memref<320000xi32, #tpu.memory_space<hbm>> -> memref<16xi32, #tpu.memory_space<hbm>>
      tpu.wait_dma2 semaphore(%run_scoped3A : memref<!tpu.dma_semaphore, #tpu.memory_space<semaphore_mem>>) src(%dma_wait3A_86 : memref<16xi32, #tpu.memory_space<hbm>>) dst(%arg10 : memref<16xi32, #tpu.memory_space<vmem>>)
      tpu.yield
    }) : () -> ()
    %dma_start3A_66 = arith.constant 0 : i32
    %dma_start3A_67 = arith.constant 0 : i32
    %dma_start3A_68 = tpu.memref_slice %arg2[%dma_start3A_66, %dma_start3A_67] : memref<10240x128xf32, #tpu.memory_space<hbm>> -> memref<10240x128xf32, #tpu.memory_space<hbm>>
    tpu.enqueue_indirect_dma source(%dma_start3A_68 : memref<10240x128xf32, #tpu.memory_space<hbm>>) target(%arg14 : memref<16x128xf32, #tpu.memory_space<vmem>>) offsets(%arg10 : memref<16xi32, #tpu.memory_space<vmem>>) semaphore(%arg24 : memref<!tpu.dma_semaphore, #tpu.memory_space<semaphore_mem>>)
    %dma_wait3A_69 = arith.constant 0 : i32
    %dma_wait3A_70 = arith.constant 0 : i32
    %dma_wait3A_71 = tpu.memref_slice %arg2[%dma_wait3A_69, %dma_wait3A_70] : memref<10240x128xf32, #tpu.memory_space<hbm>> -> memref<10240x128xf32, #tpu.memory_space<hbm>>
    tpu.wait_indirect_dma semaphore(%arg24 : memref<!tpu.dma_semaphore, #tpu.memory_space<semaphore_mem>>) src(%dma_wait3A_71 : memref<10240x128xf32, #tpu.memory_space<hbm>>) dst(%arg14 : memref<16x128xf32, #tpu.memory_space<vmem>>)
    "tpu.region"() ({
      %run_scoped3A = tpu.sem_alloc : memref<!tpu.dma_semaphore, #tpu.memory_space<semaphore_mem>>
      %dma_start3A_83 = tpu.memref_slice %arg4[%multiple_of3A_65] : memref<320000xi32, #tpu.memory_space<hbm>> -> memref<16xi32, #tpu.memory_space<hbm>>
      %dma_start3A_84 = tpu.memref_slice %arg4[%multiple_of3A_65] : memref<320000xi32, #tpu.memory_space<hbm>> -> memref<16xi32, #tpu.memory_space<hbm>>
      tpu.enqueue_dma source(%dma_start3A_84 : memref<16xi32, #tpu.memory_space<hbm>>) target(%arg11 : memref<16xi32, #tpu.memory_space<vmem>>) target_semaphore(%run_scoped3A : memref<!tpu.dma_semaphore, #tpu.memory_space<semaphore_mem>>)
      %dma_wait3A_85 = tpu.memref_slice %arg4[%multiple_of3A_65] : memref<320000xi32, #tpu.memory_space<hbm>> -> memref<16xi32, #tpu.memory_space<hbm>>
      %dma_wait3A_86 = tpu.memref_slice %arg4[%multiple_of3A_65] : memref<320000xi32, #tpu.memory_space<hbm>> -> memref<16xi32, #tpu.memory_space<hbm>>
      tpu.wait_dma2 semaphore(%run_scoped3A : memref<!tpu.dma_semaphore, #tpu.memory_space<semaphore_mem>>) src(%dma_wait3A_86 : memref<16xi32, #tpu.memory_space<hbm>>) dst(%arg11 : memref<16xi32, #tpu.memory_space<vmem>>)
      tpu.yield
    }) : () -> ()
    "tpu.region"() ({
      %run_scoped3A = tpu.sem_alloc : memref<!tpu.dma_semaphore, #tpu.memory_space<semaphore_mem>>
      %dma_start3A_83 = arith.constant 0 : i32
      %dma_start3A_84 = arith.constant 0 : i32
      %dma_start3A_85 = tpu.memref_slice %arg15[%dma_start3A_83, %dma_start3A_84] : memref<10240x128xf32, #tpu.memory_space<vmem_shared>> -> memref<10240x128xf32, #tpu.memory_space<vmem_shared>>
      tpu.enqueue_indirect_dma source(%arg14 : memref<16x128xf32, #tpu.memory_space<vmem>>) target(%dma_start3A_85 : memref<10240x128xf32, #tpu.memory_space<vmem_shared>>) offsets(%arg11 : memref<16xi32, #tpu.memory_space<vmem>>) semaphore(%run_scoped3A : memref<!tpu.dma_semaphore, #tpu.memory_space<semaphore_mem>>) {add = true}
      %dma_wait3A_86 = arith.constant 0 : i32
      %dma_wait3A_87 = arith.constant 0 : i32
      %dma_wait3A_88 = tpu.memref_slice %arg15[%dma_wait3A_86, %dma_wait3A_87] : memref<10240x128xf32, #tpu.memory_space<vmem_shared>> -> memref<10240x128xf32, #tpu.memory_space<vmem_shared>>
      tpu.wait_indirect_dma semaphore(%run_scoped3A : memref<!tpu.dma_semaphore, #tpu.memory_space<semaphore_mem>>) src(%arg14 : memref<16x128xf32, #tpu.memory_space<vmem>>) dst(%dma_wait3A_88 : memref<10240x128xf32, #tpu.memory_space<vmem_shared>>)
      tpu.yield
    }) : () -> ()
    %dma_wait3A_72 = arith.constant 0 : i32
    %dma_wait3A_73 = arith.constant 0 : i32
    %dma_wait3A_74 = tpu.memref_slice %arg15[%dma_wait3A_72, %dma_wait3A_73] : memref<10240x128xf32, #tpu.memory_space<vmem_shared>> -> memref<10240x128xf32, #tpu.memory_space<vmem_shared>>
    tpu.wait_indirect_dma semaphore(%arg23 : memref<!tpu.dma_semaphore, #tpu.memory_space<semaphore_mem>>) src(%arg13 : memref<128x128xf32, #tpu.memory_space<vmem>>) dst(%dma_wait3A_74 : memref<10240x128xf32, #tpu.memory_space<vmem_shared>>)
    %barrier3A_75 = arith.constant 0 : index
    tpu.barrier barrier_id(%barrier3A_75)
    %mul3A_76 = arith.constant 640 : i32
    %mul3A_77 = arith.muli %arg1, %mul3A_76 : i32
    %mul3A_78 = arith.constant 10240 : i32
    %mul3A_79 = arith.muli %arg0, %mul3A_78 : i32
    %mul3A_80 = arith.constant 640 : i32
    %mul3A_81 = arith.muli %arg1, %mul3A_80 : i32
    %add3A_82 = arith.addi %mul3A_79, %mul3A_81 : i32
    "tpu.region"() ({
      %run_scoped3A = tpu.sem_alloc : memref<!tpu.dma_semaphore, #tpu.memory_space<semaphore_mem>>
      %dma_start3A_83 = arith.constant 0 : i32
      %dma_start3A_84 = tpu.memref_slice %arg5[%add3A_82, %dma_start3A_83] : memref<20480x128xf32, #tpu.memory_space<hbm>> -> memref<640x128xf32, #tpu.memory_space<hbm>>
      %dma_start3A_85 = arith.constant 0 : i32
      %dma_start3A_86 = tpu.memref_slice %arg15[%mul3A_77, %dma_start3A_85] : memref<10240x128xf32, #tpu.memory_space<vmem_shared>> -> memref<640x128xf32, #tpu.memory_space<vmem_shared>>
      tpu.enqueue_dma source(%dma_start3A_86 : memref<640x128xf32, #tpu.memory_space<vmem_shared>>) target(%dma_start3A_84 : memref<640x128xf32, #tpu.memory_space<hbm>>) target_semaphore(%run_scoped3A : memref<!tpu.dma_semaphore, #tpu.memory_space<semaphore_mem>>)
      %dma_wait3A_87 = arith.constant 0 : i32
      %dma_wait3A_88 = tpu.memref_slice %arg5[%add3A_82, %dma_wait3A_87] : memref<20480x128xf32, #tpu.memory_space<hbm>> -> memref<640x128xf32, #tpu.memory_space<hbm>>
      %dma_wait3A_89 = arith.constant 0 : i32
      %dma_wait3A_90 = tpu.memref_slice %arg15[%mul3A_77, %dma_wait3A_89] : memref<10240x128xf32, #tpu.memory_space<vmem_shared>> -> memref<640x128xf32, #tpu.memory_space<vmem_shared>>
      tpu.wait_dma2 semaphore(%run_scoped3A : memref<!tpu.dma_semaphore, #tpu.memory_space<semaphore_mem>>) src(%dma_wait3A_90 : memref<640x128xf32, #tpu.memory_space<vmem_shared>>) dst(%dma_wait3A_88 : memref<640x128xf32, #tpu.memory_space<hbm>>)
      tpu.yield
    }) : () -> ()
    return
  }
}

#map = affine_map<(d0, d1) -> (0, 0)>
#map1 = affine_map<(d0, d1) -> (0)>
module attributes {stable_mosaic.version = 14 : i64} {
  func.func @_sc_agg_body(%arg0: i32, %arg1: i32, %arg2: memref<10240x128xf32, #tpu.memory_space<hbm>>, %arg3: memref<320000xi32, #tpu.memory_space<hbm>>, %arg4: memref<320000xi32, #tpu.memory_space<hbm>>, %arg5: memref<20480x128xf32, #tpu.memory_space<hbm>>, %arg6: memref<128xi32, #tpu.memory_space<vmem>>, %arg7: memref<128xi32, #tpu.memory_space<vmem>>, %arg8: memref<128xi32, #tpu.memory_space<vmem>>, %arg9: memref<128xi32, #tpu.memory_space<vmem>>, %arg10: memref<16xi32, #tpu.memory_space<vmem>>, %arg11: memref<16xi32, #tpu.memory_space<vmem>>, %arg12: memref<128x128xf32, #tpu.memory_space<vmem>>, %arg13: memref<128x128xf32, #tpu.memory_space<vmem>>, %arg14: memref<16x128xf32, #tpu.memory_space<vmem>>, %arg15: memref<10240x128xf32, #tpu.memory_space<vmem_shared>>, %arg16: memref<!tpu.dma_semaphore, #tpu.memory_space<semaphore_mem>>, %arg17: memref<!tpu.dma_semaphore, #tpu.memory_space<semaphore_mem>>, %arg18: memref<!tpu.dma_semaphore, #tpu.memory_space<semaphore_mem>>, %arg19: memref<!tpu.dma_semaphore, #tpu.memory_space<semaphore_mem>>, %arg20: memref<!tpu.dma_semaphore, #tpu.memory_space<semaphore_mem>>, %arg21: memref<!tpu.dma_semaphore, #tpu.memory_space<semaphore_mem>>, %arg22: memref<!tpu.dma_semaphore, #tpu.memory_space<semaphore_mem>>, %arg23: memref<!tpu.dma_semaphore, #tpu.memory_space<semaphore_mem>>, %arg24: memref<!tpu.dma_semaphore, #tpu.memory_space<semaphore_mem>>) attributes {dimension_semantics = [#tpu.dimension_semantics<core_parallel>, #tpu.dimension_semantics<subcore_parallel>], iteration_bounds = array<i64: 2, 16>, scalar_prefetch = 0 : i64, scratch_operands = 19 : i64, tpu.core_type = #tpu.core_type<sc_vector_subcore>, window_params = [{transform_indices = #map}, {transform_indices = #map1}, {transform_indices = #map1}, {transform_indices = #map}]} {
    %mul3A = arith.constant 16 : i32
    %mul3A_0 = arith.muli %arg0, %mul3A : i32
    %add3A = arith.addi %mul3A_0, %arg1 : i32
    %broadcast_in_dim3A = arith.constant 0.000000e+00 : f32
    %broadcast_in_dim3A_1 = vector.broadcast %broadcast_in_dim3A : f32 to vector<16xf32>
    %scan3A = arith.constant 0 : i32
    %scan3A_2 = arith.constant 0 : i32
    %scan3A_3 = arith.constant 128 : i32
    %scan3A_4 = arith.addi %scan3A_2, %scan3A_3 : i32
    %scan3A_5 = arith.constant 1 : i32
    scf.for %scan3A_83 = %scan3A_2 to %scan3A_4 step %scan3A_5  : i32 {
      %swap3A = arith.index_cast %scan3A_83 : i32 to index
      %swap3A_84 = arith.constant 0 : index
      %swap3A_85 = tpu.vector_load %arg12[%swap3A, %swap3A_84] {strides = array<i32>} : memref<128x128xf32, #tpu.memory_space<vmem>>, vector<1x16xf32>,
      %swap3A_86 = vector.shape_cast %swap3A_85 : vector<1x16xf32> to vector<16xf32>
      %swap3A_87 = vector.shape_cast %broadcast_in_dim3A_1 : vector<16xf32> to vector<1x16xf32>
      tpu.vector_store %arg12[%swap3A, %swap3A_84], %swap3A_87 {strides = array<i32>} : memref<128x128xf32, #tpu.memory_space<vmem>>, vector<1x16xf32>,
      %swap3A_88 = arith.index_cast %scan3A_83 : i32 to index
      %swap3A_89 = arith.constant 16 : index
      %swap3A_90 = tpu.vector_load %arg12[%swap3A_88, %swap3A_89] {strides = array<i32>} : memref<128x128xf32, #tpu.memory_space<vmem>>, vector<1x16xf32>,
      %swap3A_91 = vector.shape_cast %swap3A_90 : vector<1x16xf32> to vector<16xf32>
      %swap3A_92 = vector.shape_cast %broadcast_in_dim3A_1 : vector<16xf32> to vector<1x16xf32>
      tpu.vector_store %arg12[%swap3A_88, %swap3A_89], %swap3A_92 {strides = array<i32>} : memref<128x128xf32, #tpu.memory_space<vmem>>, vector<1x16xf32>,
      %swap3A_93 = arith.index_cast %scan3A_83 : i32 to index
      %swap3A_94 = arith.constant 32 : index
      %swap3A_95 = tpu.vector_load %arg12[%swap3A_93, %swap3A_94] {strides = array<i32>} : memref<128x128xf32, #tpu.memory_space<vmem>>, vector<1x16xf32>,
      %swap3A_96 = vector.shape_cast %swap3A_95 : vector<1x16xf32> to vector<16xf32>
      %swap3A_97 = vector.shape_cast %broadcast_in_dim3A_1 : vector<16xf32> to vector<1x16xf32>
      tpu.vector_store %arg12[%swap3A_93, %swap3A_94], %swap3A_97 {strides = array<i32>} : memref<128x128xf32, #tpu.memory_space<vmem>>, vector<1x16xf32>,
      %swap3A_98 = arith.index_cast %scan3A_83 : i32 to index
      %swap3A_99 = arith.constant 48 : index
      %swap3A_100 = tpu.vector_load %arg12[%swap3A_98, %swap3A_99] {strides = array<i32>} : memref<128x128xf32, #tpu.memory_space<vmem>>, vector<1x16xf32>,
      %swap3A_101 = vector.shape_cast %swap3A_100 : vector<1x16xf32> to vector<16xf32>
      %swap3A_102 = vector.shape_cast %broadcast_in_dim3A_1 : vector<16xf32> to vector<1x16xf32>
      tpu.vector_store %arg12[%swap3A_98, %swap3A_99], %swap3A_102 {strides = array<i32>} : memref<128x128xf32, #tpu.memory_space<vmem>>, vector<1x16xf32>,
      %swap3A_103 = arith.index_cast %scan3A_83 : i32 to index
      %swap3A_104 = arith.constant 64 : index
      %swap3A_105 = tpu.vector_load %arg12[%swap3A_103, %swap3A_104] {strides = array<i32>} : memref<128x128xf32, #tpu.memory_space<vmem>>, vector<1x16xf32>,
      %swap3A_106 = vector.shape_cast %swap3A_105 : vector<1x16xf32> to vector<16xf32>
      %swap3A_107 = vector.shape_cast %broadcast_in_dim3A_1 : vector<16xf32> to vector<1x16xf32>
      tpu.vector_store %arg12[%swap3A_103, %swap3A_104], %swap3A_107 {strides = array<i32>} : memref<128x128xf32, #tpu.memory_space<vmem>>, vector<1x16xf32>,
      %swap3A_108 = arith.index_cast %scan3A_83 : i32 to index
      %swap3A_109 = arith.constant 80 : index
      %swap3A_110 = tpu.vector_load %arg12[%swap3A_108, %swap3A_109] {strides = array<i32>} : memref<128x128xf32, #tpu.memory_space<vmem>>, vector<1x16xf32>,
      %swap3A_111 = vector.shape_cast %swap3A_110 : vector<1x16xf32> to vector<16xf32>
      %swap3A_112 = vector.shape_cast %broadcast_in_dim3A_1 : vector<16xf32> to vector<1x16xf32>
      tpu.vector_store %arg12[%swap3A_108, %swap3A_109], %swap3A_112 {strides = array<i32>} : memref<128x128xf32, #tpu.memory_space<vmem>>, vector<1x16xf32>,
      %swap3A_113 = arith.index_cast %scan3A_83 : i32 to index
      %swap3A_114 = arith.constant 96 : index
      %swap3A_115 = tpu.vector_load %arg12[%swap3A_113, %swap3A_114] {strides = array<i32>} : memref<128x128xf32, #tpu.memory_space<vmem>>, vector<1x16xf32>,
      %swap3A_116 = vector.shape_cast %swap3A_115 : vector<1x16xf32> to vector<16xf32>
      %swap3A_117 = vector.shape_cast %broadcast_in_dim3A_1 : vector<16xf32> to vector<1x16xf32>
      tpu.vector_store %arg12[%swap3A_113, %swap3A_114], %swap3A_117 {strides = array<i32>} : memref<128x128xf32, #tpu.memory_space<vmem>>, vector<1x16xf32>,
      %swap3A_118 = arith.index_cast %scan3A_83 : i32 to index
      %swap3A_119 = arith.constant 112 : index
      %swap3A_120 = tpu.vector_load %arg12[%swap3A_118, %swap3A_119] {strides = array<i32>} : memref<128x128xf32, #tpu.memory_space<vmem>>, vector<1x16xf32>,
      %swap3A_121 = vector.shape_cast %swap3A_120 : vector<1x16xf32> to vector<16xf32>
      %swap3A_122 = vector.shape_cast %broadcast_in_dim3A_1 : vector<16xf32> to vector<1x16xf32>
      tpu.vector_store %arg12[%swap3A_118, %swap3A_119], %swap3A_122 {strides = array<i32>} : memref<128x128xf32, #tpu.memory_space<vmem>>, vector<1x16xf32>,
    }
    %scan3A_6 = arith.constant 128 : i32
    %mul3A_7 = arith.constant 640 : i32
    %mul3A_8 = arith.muli %arg1, %mul3A_7 : i32
    %add3A_9 = arith.constant 0 : i32
    %add3A_10 = arith.addi %mul3A_8, %add3A_9 : i32
    "tpu.region"() ({
      %run_scoped3A = tpu.sem_alloc : memref<!tpu.dma_semaphore, #tpu.memory_space<semaphore_mem>>
      %dma_start3A_83 = arith.constant 0 : i32
      %dma_start3A_84 = tpu.memref_slice %arg15[%add3A_10, %dma_start3A_83] : memref<10240x128xf32, #tpu.memory_space<vmem_shared>> -> memref<128x128xf32, #tpu.memory_space<vmem_shared>>
      %dma_start3A_85 = arith.constant 0 : i32
      %dma_start3A_86 = tpu.memref_slice %arg15[%add3A_10, %dma_start3A_85] : memref<10240x128xf32, #tpu.memory_space<vmem_shared>> -> memref<128x128xf32, #tpu.memory_space<vmem_shared>>
      tpu.enqueue_dma source(%arg12 : memref<128x128xf32, #tpu.memory_space<vmem>>) target(%dma_start3A_86 : memref<128x128xf32, #tpu.memory_space<vmem_shared>>) target_semaphore(%run_scoped3A : memref<!tpu.dma_semaphore, #tpu.memory_space<semaphore_mem>>)
      %dma_wait3A_87 = arith.constant 0 : i32
      %dma_wait3A_88 = tpu.memref_slice %arg15[%add3A_10, %dma_wait3A_87] : memref<10240x128xf32, #tpu.memory_space<vmem_shared>> -> memref<128x128xf32, #tpu.memory_space<vmem_shared>>
      %dma_wait3A_89 = arith.constant 0 : i32
      %dma_wait3A_90 = tpu.memref_slice %arg15[%add3A_10, %dma_wait3A_89] : memref<10240x128xf32, #tpu.memory_space<vmem_shared>> -> memref<128x128xf32, #tpu.memory_space<vmem_shared>>
      tpu.wait_dma2 semaphore(%run_scoped3A : memref<!tpu.dma_semaphore, #tpu.memory_space<semaphore_mem>>) src(%arg12 : memref<128x128xf32, #tpu.memory_space<vmem>>) dst(%dma_wait3A_90 : memref<128x128xf32, #tpu.memory_space<vmem_shared>>)
      tpu.yield
    }) : () -> ()
    %mul3A_11 = arith.constant 640 : i32
    %mul3A_12 = arith.muli %arg1, %mul3A_11 : i32
    %add3A_13 = arith.constant 128 : i32
    %add3A_14 = arith.addi %mul3A_12, %add3A_13 : i32
    "tpu.region"() ({
      %run_scoped3A = tpu.sem_alloc : memref<!tpu.dma_semaphore, #tpu.memory_space<semaphore_mem>>
      %dma_start3A_83 = arith.constant 0 : i32
      %dma_start3A_84 = tpu.memref_slice %arg15[%add3A_14, %dma_start3A_83] : memref<10240x128xf32, #tpu.memory_space<vmem_shared>> -> memref<128x128xf32, #tpu.memory_space<vmem_shared>>
      %dma_start3A_85 = arith.constant 0 : i32
      %dma_start3A_86 = tpu.memref_slice %arg15[%add3A_14, %dma_start3A_85] : memref<10240x128xf32, #tpu.memory_space<vmem_shared>> -> memref<128x128xf32, #tpu.memory_space<vmem_shared>>
      tpu.enqueue_dma source(%arg12 : memref<128x128xf32, #tpu.memory_space<vmem>>) target(%dma_start3A_86 : memref<128x128xf32, #tpu.memory_space<vmem_shared>>) target_semaphore(%run_scoped3A : memref<!tpu.dma_semaphore, #tpu.memory_space<semaphore_mem>>)
      %dma_wait3A_87 = arith.constant 0 : i32
      %dma_wait3A_88 = tpu.memref_slice %arg15[%add3A_14, %dma_wait3A_87] : memref<10240x128xf32, #tpu.memory_space<vmem_shared>> -> memref<128x128xf32, #tpu.memory_space<vmem_shared>>
      %dma_wait3A_89 = arith.constant 0 : i32
      %dma_wait3A_90 = tpu.memref_slice %arg15[%add3A_14, %dma_wait3A_89] : memref<10240x128xf32, #tpu.memory_space<vmem_shared>> -> memref<128x128xf32, #tpu.memory_space<vmem_shared>>
      tpu.wait_dma2 semaphore(%run_scoped3A : memref<!tpu.dma_semaphore, #tpu.memory_space<semaphore_mem>>) src(%arg12 : memref<128x128xf32, #tpu.memory_space<vmem>>) dst(%dma_wait3A_90 : memref<128x128xf32, #tpu.memory_space<vmem_shared>>)
      tpu.yield
    }) : () -> ()
    %mul3A_15 = arith.constant 640 : i32
    %mul3A_16 = arith.muli %arg1, %mul3A_15 : i32
    %add3A_17 = arith.constant 256 : i32
    %add3A_18 = arith.addi %mul3A_16, %add3A_17 : i32
    "tpu.region"() ({
      %run_scoped3A = tpu.sem_alloc : memref<!tpu.dma_semaphore, #tpu.memory_space<semaphore_mem>>
      %dma_start3A_83 = arith.constant 0 : i32
      %dma_start3A_84 = tpu.memref_slice %arg15[%add3A_18, %dma_start3A_83] : memref<10240x128xf32, #tpu.memory_space<vmem_shared>> -> memref<128x128xf32, #tpu.memory_space<vmem_shared>>
      %dma_start3A_85 = arith.constant 0 : i32
      %dma_start3A_86 = tpu.memref_slice %arg15[%add3A_18, %dma_start3A_85] : memref<10240x128xf32, #tpu.memory_space<vmem_shared>> -> memref<128x128xf32, #tpu.memory_space<vmem_shared>>
      tpu.enqueue_dma source(%arg12 : memref<128x128xf32, #tpu.memory_space<vmem>>) target(%dma_start3A_86 : memref<128x128xf32, #tpu.memory_space<vmem_shared>>) target_semaphore(%run_scoped3A : memref<!tpu.dma_semaphore, #tpu.memory_space<semaphore_mem>>)
      %dma_wait3A_87 = arith.constant 0 : i32
      %dma_wait3A_88 = tpu.memref_slice %arg15[%add3A_18, %dma_wait3A_87] : memref<10240x128xf32, #tpu.memory_space<vmem_shared>> -> memref<128x128xf32, #tpu.memory_space<vmem_shared>>
      %dma_wait3A_89 = arith.constant 0 : i32
      %dma_wait3A_90 = tpu.memref_slice %arg15[%add3A_18, %dma_wait3A_89] : memref<10240x128xf32, #tpu.memory_space<vmem_shared>> -> memref<128x128xf32, #tpu.memory_space<vmem_shared>>
      tpu.wait_dma2 semaphore(%run_scoped3A : memref<!tpu.dma_semaphore, #tpu.memory_space<semaphore_mem>>) src(%arg12 : memref<128x128xf32, #tpu.memory_space<vmem>>) dst(%dma_wait3A_90 : memref<128x128xf32, #tpu.memory_space<vmem_shared>>)
      tpu.yield
    }) : () -> ()
    %mul3A_19 = arith.constant 640 : i32
    %mul3A_20 = arith.muli %arg1, %mul3A_19 : i32
    %add3A_21 = arith.constant 384 : i32
    %add3A_22 = arith.addi %mul3A_20, %add3A_21 : i32
    "tpu.region"() ({
      %run_scoped3A = tpu.sem_alloc : memref<!tpu.dma_semaphore, #tpu.memory_space<semaphore_mem>>
      %dma_start3A_83 = arith.constant 0 : i32
      %dma_start3A_84 = tpu.memref_slice %arg15[%add3A_22, %dma_start3A_83] : memref<10240x128xf32, #tpu.memory_space<vmem_shared>> -> memref<128x128xf32, #tpu.memory_space<vmem_shared>>
      %dma_start3A_85 = arith.constant 0 : i32
      %dma_start3A_86 = tpu.memref_slice %arg15[%add3A_22, %dma_start3A_85] : memref<10240x128xf32, #tpu.memory_space<vmem_shared>> -> memref<128x128xf32, #tpu.memory_space<vmem_shared>>
      tpu.enqueue_dma source(%arg12 : memref<128x128xf32, #tpu.memory_space<vmem>>) target(%dma_start3A_86 : memref<128x128xf32, #tpu.memory_space<vmem_shared>>) target_semaphore(%run_scoped3A : memref<!tpu.dma_semaphore, #tpu.memory_space<semaphore_mem>>)
      %dma_wait3A_87 = arith.constant 0 : i32
      %dma_wait3A_88 = tpu.memref_slice %arg15[%add3A_22, %dma_wait3A_87] : memref<10240x128xf32, #tpu.memory_space<vmem_shared>> -> memref<128x128xf32, #tpu.memory_space<vmem_shared>>
      %dma_wait3A_89 = arith.constant 0 : i32
      %dma_wait3A_90 = tpu.memref_slice %arg15[%add3A_22, %dma_wait3A_89] : memref<10240x128xf32, #tpu.memory_space<vmem_shared>> -> memref<128x128xf32, #tpu.memory_space<vmem_shared>>
      tpu.wait_dma2 semaphore(%run_scoped3A : memref<!tpu.dma_semaphore, #tpu.memory_space<semaphore_mem>>) src(%arg12 : memref<128x128xf32, #tpu.memory_space<vmem>>) dst(%dma_wait3A_90 : memref<128x128xf32, #tpu.memory_space<vmem_shared>>)
      tpu.yield
    }) : () -> ()
    %mul3A_23 = arith.constant 640 : i32
    %mul3A_24 = arith.muli %arg1, %mul3A_23 : i32
    %add3A_25 = arith.constant 512 : i32
    %add3A_26 = arith.addi %mul3A_24, %add3A_25 : i32
    "tpu.region"() ({
      %run_scoped3A = tpu.sem_alloc : memref<!tpu.dma_semaphore, #tpu.memory_space<semaphore_mem>>
      %dma_start3A_83 = arith.constant 0 : i32
      %dma_start3A_84 = tpu.memref_slice %arg15[%add3A_26, %dma_start3A_83] : memref<10240x128xf32, #tpu.memory_space<vmem_shared>> -> memref<128x128xf32, #tpu.memory_space<vmem_shared>>
      %dma_start3A_85 = arith.constant 0 : i32
      %dma_start3A_86 = tpu.memref_slice %arg15[%add3A_26, %dma_start3A_85] : memref<10240x128xf32, #tpu.memory_space<vmem_shared>> -> memref<128x128xf32, #tpu.memory_space<vmem_shared>>
      tpu.enqueue_dma source(%arg12 : memref<128x128xf32, #tpu.memory_space<vmem>>) target(%dma_start3A_86 : memref<128x128xf32, #tpu.memory_space<vmem_shared>>) target_semaphore(%run_scoped3A : memref<!tpu.dma_semaphore, #tpu.memory_space<semaphore_mem>>)
      %dma_wait3A_87 = arith.constant 0 : i32
      %dma_wait3A_88 = tpu.memref_slice %arg15[%add3A_26, %dma_wait3A_87] : memref<10240x128xf32, #tpu.memory_space<vmem_shared>> -> memref<128x128xf32, #tpu.memory_space<vmem_shared>>
      %dma_wait3A_89 = arith.constant 0 : i32
      %dma_wait3A_90 = tpu.memref_slice %arg15[%add3A_26, %dma_wait3A_89] : memref<10240x128xf32, #tpu.memory_space<vmem_shared>> -> memref<128x128xf32, #tpu.memory_space<vmem_shared>>
      tpu.wait_dma2 semaphore(%run_scoped3A : memref<!tpu.dma_semaphore, #tpu.memory_space<semaphore_mem>>) src(%arg12 : memref<128x128xf32, #tpu.memory_space<vmem>>) dst(%dma_wait3A_90 : memref<128x128xf32, #tpu.memory_space<vmem_shared>>)
      tpu.yield
    }) : () -> ()
    %barrier3A = arith.constant 0 : index
    tpu.barrier barrier_id(%barrier3A)
    %mul3A_27 = arith.constant 10000 : i32
    %mul3A_28 = arith.muli %add3A, %mul3A_27 : i32
    %add3A_29 = arith.constant 0 : i32
    %add3A_30 = arith.addi %mul3A_28, %add3A_29 : i32
    %multiple_of3A = tpu.assume_multiple %add3A_30, 8 : i32
    %dma_start3A = tpu.memref_slice %arg3[%multiple_of3A] : memref<320000xi32, #tpu.memory_space<hbm>> -> memref<128xi32, #tpu.memory_space<hbm>>
    %dma_start3A_31 = tpu.memref_slice %arg3[%multiple_of3A] : memref<320000xi32, #tpu.memory_space<hbm>> -> memref<128xi32, #tpu.memory_space<hbm>>
    tpu.enqueue_dma source(%dma_start3A_31 : memref<128xi32, #tpu.memory_space<hbm>>) target(%arg6 : memref<128xi32, #tpu.memory_space<vmem>>) target_semaphore(%arg16 : memref<!tpu.dma_semaphore, #tpu.memory_space<semaphore_mem>>)
    %mul3A_32 = arith.constant 10000 : i32
    %mul3A_33 = arith.muli %add3A, %mul3A_32 : i32
    %add3A_34 = arith.constant 128 : i32
    %add3A_35 = arith.addi %mul3A_33, %add3A_34 : i32
    %multiple_of3A_36 = tpu.assume_multiple %add3A_35, 8 : i32
    %dma_start3A_37 = tpu.memref_slice %arg3[%multiple_of3A_36] : memref<320000xi32, #tpu.memory_space<hbm>> -> memref<128xi32, #tpu.memory_space<hbm>>
    %dma_start3A_38 = tpu.memref_slice %arg3[%multiple_of3A_36] : memref<320000xi32, #tpu.memory_space<hbm>> -> memref<128xi32, #tpu.memory_space<hbm>>
    tpu.enqueue_dma source(%dma_start3A_38 : memref<128xi32, #tpu.memory_space<hbm>>) target(%arg7 : memref<128xi32, #tpu.memory_space<vmem>>) target_semaphore(%arg17 : memref<!tpu.dma_semaphore, #tpu.memory_space<semaphore_mem>>)
    %mul3A_39 = arith.constant 10000 : i32
    %mul3A_40 = arith.muli %add3A, %mul3A_39 : i32
    %add3A_41 = arith.constant 0 : i32
    %add3A_42 = arith.addi %mul3A_40, %add3A_41 : i32
    %multiple_of3A_43 = tpu.assume_multiple %add3A_42, 8 : i32
    %dma_wait3A = tpu.memref_slice %arg3[%multiple_of3A_43] : memref<320000xi32, #tpu.memory_space<hbm>> -> memref<128xi32, #tpu.memory_space<hbm>>
    %dma_wait3A_44 = tpu.memref_slice %arg3[%multiple_of3A_43] : memref<320000xi32, #tpu.memory_space<hbm>> -> memref<128xi32, #tpu.memory_space<hbm>>
    tpu.wait_dma2 semaphore(%arg16 : memref<!tpu.dma_semaphore, #tpu.memory_space<semaphore_mem>>) src(%dma_wait3A_44 : memref<128xi32, #tpu.memory_space<hbm>>) dst(%arg6 : memref<128xi32, #tpu.memory_space<vmem>>)
    %dma_start3A_45 = arith.constant 0 : i32
    %dma_start3A_46 = arith.constant 0 : i32
    %dma_start3A_47 = tpu.memref_slice %arg2[%dma_start3A_45, %dma_start3A_46] : memref<10240x128xf32, #tpu.memory_space<hbm>> -> memref<10240x128xf32, #tpu.memory_space<hbm>>
    tpu.enqueue_indirect_dma source(%dma_start3A_47 : memref<10240x128xf32, #tpu.memory_space<hbm>>) target(%arg12 : memref<128x128xf32, #tpu.memory_space<vmem>>) offsets(%arg6 : memref<128xi32, #tpu.memory_space<vmem>>) semaphore(%arg20 : memref<!tpu.dma_semaphore, #tpu.memory_space<semaphore_mem>>)
    %mul3A_48 = arith.constant 10000 : i32
    %mul3A_49 = arith.muli %add3A, %mul3A_48 : i32
    %add3A_50 = arith.constant 0 : i32
    %add3A_51 = arith.addi %mul3A_49, %add3A_50 : i32
    %multiple_of3A_52 = tpu.assume_multiple %add3A_51, 8 : i32
    %dma_start3A_53 = tpu.memref_slice %arg4[%multiple_of3A_52] : memref<320000xi32, #tpu.memory_space<hbm>> -> memref<128xi32, #tpu.memory_space<hbm>>
    %dma_start3A_54 = tpu.memref_slice %arg4[%multiple_of3A_52] : memref<320000xi32, #tpu.memory_space<hbm>> -> memref<128xi32, #tpu.memory_space<hbm>>
    tpu.enqueue_dma source(%dma_start3A_54 : memref<128xi32, #tpu.memory_space<hbm>>) target(%arg8 : memref<128xi32, #tpu.memory_space<vmem>>) target_semaphore(%arg18 : memref<!tpu.dma_semaphore, #tpu.memory_space<semaphore_mem>>)
    %scan3A_55 = arith.constant 0 : i32
    %scan3A_56 = arith.constant 0 : i32
    %scan3A_57 = arith.constant 39 : i32
    %scan3A_58 = arith.addi %scan3A_56, %scan3A_57 : i32
    %scan3A_59 = arith.constant 1 : i32
    scf.for %scan3A_83 = %scan3A_56 to %scan3A_58 step %scan3A_59  : i32 {
      %mul3A_84 = arith.constant 2 : i32
      %mul3A_85 = arith.muli %scan3A_83, %mul3A_84 : i32
      %add3A_86 = arith.constant 0 : i32
      %add3A_87 = arith.addi %mul3A_85, %add3A_86 : i32
      %ge3A = arith.constant 1 : i32
      %ge3A_88 = arith.cmpi sge, %add3A_87, %ge3A : i32
      %convert_element_type3A = arith.extui %ge3A_88 : i1 to i32
      %cond3A = arith.constant 0 : i32
      %cond3A_89 = arith.cmpi ne, %convert_element_type3A, %cond3A : i32
      scf.if %cond3A_89 {
        %dma_wait3A_154 = arith.constant 0 : i32
        %dma_wait3A_155 = arith.constant 0 : i32
        %dma_wait3A_156 = tpu.memref_slice %arg15[%dma_wait3A_154, %dma_wait3A_155] : memref<10240x128xf32, #tpu.memory_space<vmem_shared>> -> memref<10240x128xf32, #tpu.memory_space<vmem_shared>>
        tpu.wait_indirect_dma semaphore(%arg23 : memref<!tpu.dma_semaphore, #tpu.memory_space<semaphore_mem>>) src(%arg13 : memref<128x128xf32, #tpu.memory_space<vmem>>) dst(%dma_wait3A_156 : memref<10240x128xf32, #tpu.memory_space<vmem_shared>>)
      } else {
      }
      %add3A_90 = arith.constant 1 : i32
      %add3A_91 = arith.addi %add3A_87, %add3A_90 : i32
      %lt3A = arith.constant 78 : i32
      %lt3A_92 = arith.cmpi slt, %add3A_91, %lt3A : i32
      %convert_element_type3A_93 = arith.extui %lt3A_92 : i1 to i32
      %cond3A_94 = arith.constant 0 : i32
      %cond3A_95 = arith.cmpi ne, %convert_element_type3A_93, %cond3A_94 : i32
      scf.if %cond3A_95 {
        %add3A_154 = arith.constant 1 : i32
        %add3A_155 = arith.addi %add3A_87, %add3A_154 : i32
        %mul3A_156 = arith.constant 10000 : i32
        %mul3A_157 = arith.muli %add3A, %mul3A_156 : i32
        %mul3A_158 = arith.constant 128 : i32
        %mul3A_159 = arith.muli %add3A_155, %mul3A_158 : i32
        %add3A_160 = arith.addi %mul3A_157, %mul3A_159 : i32
        %multiple_of3A_161 = tpu.assume_multiple %add3A_160, 8 : i32
        %dma_wait3A_162 = tpu.memref_slice %arg3[%multiple_of3A_161] : memref<320000xi32, #tpu.memory_space<hbm>> -> memref<128xi32, #tpu.memory_space<hbm>>
        %dma_wait3A_163 = tpu.memref_slice %arg3[%multiple_of3A_161] : memref<320000xi32, #tpu.memory_space<hbm>> -> memref<128xi32, #tpu.memory_space<hbm>>
        tpu.wait_dma2 semaphore(%arg17 : memref<!tpu.dma_semaphore, #tpu.memory_space<semaphore_mem>>) src(%dma_wait3A_163 : memref<128xi32, #tpu.memory_space<hbm>>) dst(%arg7 : memref<128xi32, #tpu.memory_space<vmem>>)
        %dma_start3A_164 = arith.constant 0 : i32
        %dma_start3A_165 = arith.constant 0 : i32
        %dma_start3A_166 = tpu.memref_slice %arg2[%dma_start3A_164, %dma_start3A_165] : memref<10240x128xf32, #tpu.memory_space<hbm>> -> memref<10240x128xf32, #tpu.memory_space<hbm>>
        tpu.enqueue_indirect_dma source(%dma_start3A_166 : memref<10240x128xf32, #tpu.memory_space<hbm>>) target(%arg13 : memref<128x128xf32, #tpu.memory_space<vmem>>) offsets(%arg7 : memref<128xi32, #tpu.memory_space<vmem>>) semaphore(%arg21 : memref<!tpu.dma_semaphore, #tpu.memory_space<semaphore_mem>>)
        %mul3A_167 = arith.constant 10000 : i32
        %mul3A_168 = arith.muli %add3A, %mul3A_167 : i32
        %mul3A_169 = arith.constant 128 : i32
        %mul3A_170 = arith.muli %add3A_155, %mul3A_169 : i32
        %add3A_171 = arith.addi %mul3A_168, %mul3A_170 : i32
        %multiple_of3A_172 = tpu.assume_multiple %add3A_171, 8 : i32
        %dma_start3A_173 = tpu.memref_slice %arg4[%multiple_of3A_172] : memref<320000xi32, #tpu.memory_space<hbm>> -> memref<128xi32, #tpu.memory_space<hbm>>
        %dma_start3A_174 = tpu.memref_slice %arg4[%multiple_of3A_172] : memref<320000xi32, #tpu.memory_space<hbm>> -> memref<128xi32, #tpu.memory_space<hbm>>
        tpu.enqueue_dma source(%dma_start3A_174 : memref<128xi32, #tpu.memory_space<hbm>>) target(%arg9 : memref<128xi32, #tpu.memory_space<vmem>>) target_semaphore(%arg19 : memref<!tpu.dma_semaphore, #tpu.memory_space<semaphore_mem>>)
      } else {
      }
      %dma_wait3A_96 = arith.constant 0 : i32
      %dma_wait3A_97 = arith.constant 0 : i32
      %dma_wait3A_98 = tpu.memref_slice %arg2[%dma_wait3A_96, %dma_wait3A_97] : memref<10240x128xf32, #tpu.memory_space<hbm>> -> memref<10240x128xf32, #tpu.memory_space<hbm>>
      tpu.wait_indirect_dma semaphore(%arg20 : memref<!tpu.dma_semaphore, #tpu.memory_space<semaphore_mem>>) src(%dma_wait3A_98 : memref<10240x128xf32, #tpu.memory_space<hbm>>) dst(%arg12 : memref<128x128xf32, #tpu.memory_space<vmem>>)
      %mul3A_99 = arith.constant 10000 : i32
      %mul3A_100 = arith.muli %add3A, %mul3A_99 : i32
      %mul3A_101 = arith.constant 128 : i32
      %mul3A_102 = arith.muli %add3A_87, %mul3A_101 : i32
      %add3A_103 = arith.addi %mul3A_100, %mul3A_102 : i32
      %multiple_of3A_104 = tpu.assume_multiple %add3A_103, 8 : i32
      %dma_wait3A_105 = tpu.memref_slice %arg4[%multiple_of3A_104] : memref<320000xi32, #tpu.memory_space<hbm>> -> memref<128xi32, #tpu.memory_space<hbm>>
      %dma_wait3A_106 = tpu.memref_slice %arg4[%multiple_of3A_104] : memref<320000xi32, #tpu.memory_space<hbm>> -> memref<128xi32, #tpu.memory_space<hbm>>
      tpu.wait_dma2 semaphore(%arg18 : memref<!tpu.dma_semaphore, #tpu.memory_space<semaphore_mem>>) src(%dma_wait3A_106 : memref<128xi32, #tpu.memory_space<hbm>>) dst(%arg8 : memref<128xi32, #tpu.memory_space<vmem>>)
      %dma_start3A_107 = arith.constant 0 : i32
      %dma_start3A_108 = arith.constant 0 : i32
      %dma_start3A_109 = tpu.memref_slice %arg15[%dma_start3A_107, %dma_start3A_108] : memref<10240x128xf32, #tpu.memory_space<vmem_shared>> -> memref<10240x128xf32, #tpu.memory_space<vmem_shared>>
      tpu.enqueue_indirect_dma source(%arg12 : memref<128x128xf32, #tpu.memory_space<vmem>>) target(%dma_start3A_109 : memref<10240x128xf32, #tpu.memory_space<vmem_shared>>) offsets(%arg8 : memref<128xi32, #tpu.memory_space<vmem>>) semaphore(%arg22 : memref<!tpu.dma_semaphore, #tpu.memory_space<semaphore_mem>>) {add = true}
      %add3A_110 = arith.constant 2 : i32
      %add3A_111 = arith.addi %add3A_87, %add3A_110 : i32
      %lt3A_112 = arith.constant 78 : i32
      %lt3A_113 = arith.cmpi slt, %add3A_111, %lt3A_112 : i32
      %convert_element_type3A_114 = arith.extui %lt3A_113 : i1 to i32
      %cond3A_115 = arith.constant 0 : i32
      %cond3A_116 = arith.cmpi ne, %convert_element_type3A_114, %cond3A_115 : i32
      scf.if %cond3A_116 {
        %add3A_154 = arith.constant 2 : i32
        %add3A_155 = arith.addi %add3A_87, %add3A_154 : i32
        %mul3A_156 = arith.constant 10000 : i32
        %mul3A_157 = arith.muli %add3A, %mul3A_156 : i32
        %mul3A_158 = arith.constant 128 : i32
        %mul3A_159 = arith.muli %add3A_155, %mul3A_158 : i32
        %add3A_160 = arith.addi %mul3A_157, %mul3A_159 : i32
        %multiple_of3A_161 = tpu.assume_multiple %add3A_160, 8 : i32
        %dma_start3A_162 = tpu.memref_slice %arg3[%multiple_of3A_161] : memref<320000xi32, #tpu.memory_space<hbm>> -> memref<128xi32, #tpu.memory_space<hbm>>
        %dma_start3A_163 = tpu.memref_slice %arg3[%multiple_of3A_161] : memref<320000xi32, #tpu.memory_space<hbm>> -> memref<128xi32, #tpu.memory_space<hbm>>
        tpu.enqueue_dma source(%dma_start3A_163 : memref<128xi32, #tpu.memory_space<hbm>>) target(%arg6 : memref<128xi32, #tpu.memory_space<vmem>>) target_semaphore(%arg16 : memref<!tpu.dma_semaphore, #tpu.memory_space<semaphore_mem>>)
      } else {
      }
      %mul3A_117 = arith.constant 2 : i32
      %mul3A_118 = arith.muli %scan3A_83, %mul3A_117 : i32
      %add3A_119 = arith.constant 1 : i32
      %add3A_120 = arith.addi %mul3A_118, %add3A_119 : i32
      %ge3A_121 = arith.constant 1 : i32
      %ge3A_122 = arith.cmpi sge, %add3A_120, %ge3A_121 : i32
      %convert_element_type3A_123 = arith.extui %ge3A_122 : i1 to i32
      %cond3A_124 = arith.constant 0 : i32
      %cond3A_125 = arith.cmpi ne, %convert_element_type3A_123, %cond3A_124 : i32
      scf.if %cond3A_125 {
        %dma_wait3A_154 = arith.constant 0 : i32
        %dma_wait3A_155 = arith.constant 0 : i32
        %dma_wait3A_156 = tpu.memref_slice %arg15[%dma_wait3A_154, %dma_wait3A_155] : memref<10240x128xf32, #tpu.memory_space<vmem_shared>> -> memref<10240x128xf32, #tpu.memory_space<vmem_shared>>
        tpu.wait_indirect_dma semaphore(%arg22 : memref<!tpu.dma_semaphore, #tpu.memory_space<semaphore_mem>>) src(%arg12 : memref<128x128xf32, #tpu.memory_space<vmem>>) dst(%dma_wait3A_156 : memref<10240x128xf32, #tpu.memory_space<vmem_shared>>)
      } else {
      }
      %add3A_126 = arith.constant 1 : i32
      %add3A_127 = arith.addi %add3A_120, %add3A_126 : i32
      %lt3A_128 = arith.constant 78 : i32
      %lt3A_129 = arith.cmpi slt, %add3A_127, %lt3A_128 : i32
      %convert_element_type3A_130 = arith.extui %lt3A_129 : i1 to i32
      %cond3A_131 = arith.constant 0 : i32
      %cond3A_132 = arith.cmpi ne, %convert_element_type3A_130, %cond3A_131 : i32
      scf.if %cond3A_132 {
        %add3A_154 = arith.constant 1 : i32
        %add3A_155 = arith.addi %add3A_120, %add3A_154 : i32
        %mul3A_156 = arith.constant 10000 : i32
        %mul3A_157 = arith.muli %add3A, %mul3A_156 : i32
        %mul3A_158 = arith.constant 128 : i32
        %mul3A_159 = arith.muli %add3A_155, %mul3A_158 : i32
        %add3A_160 = arith.addi %mul3A_157, %mul3A_159 : i32
        %multiple_of3A_161 = tpu.assume_multiple %add3A_160, 8 : i32
        %dma_wait3A_162 = tpu.memref_slice %arg3[%multiple_of3A_161] : memref<320000xi32, #tpu.memory_space<hbm>> -> memref<128xi32, #tpu.memory_space<hbm>>
        %dma_wait3A_163 = tpu.memref_slice %arg3[%multiple_of3A_161] : memref<320000xi32, #tpu.memory_space<hbm>> -> memref<128xi32, #tpu.memory_space<hbm>>
        tpu.wait_dma2 semaphore(%arg16 : memref<!tpu.dma_semaphore, #tpu.memory_space<semaphore_mem>>) src(%dma_wait3A_163 : memref<128xi32, #tpu.memory_space<hbm>>) dst(%arg6 : memref<128xi32, #tpu.memory_space<vmem>>)
        %dma_start3A_164 = arith.constant 0 : i32
        %dma_start3A_165 = arith.constant 0 : i32
        %dma_start3A_166 = tpu.memref_slice %arg2[%dma_start3A_164, %dma_start3A_165] : memref<10240x128xf32, #tpu.memory_space<hbm>> -> memref<10240x128xf32, #tpu.memory_space<hbm>>
        tpu.enqueue_indirect_dma source(%dma_start3A_166 : memref<10240x128xf32, #tpu.memory_space<hbm>>) target(%arg12 : memref<128x128xf32, #tpu.memory_space<vmem>>) offsets(%arg6 : memref<128xi32, #tpu.memory_space<vmem>>) semaphore(%arg20 : memref<!tpu.dma_semaphore, #tpu.memory_space<semaphore_mem>>)
        %mul3A_167 = arith.constant 10000 : i32
        %mul3A_168 = arith.muli %add3A, %mul3A_167 : i32
        %mul3A_169 = arith.constant 128 : i32
        %mul3A_170 = arith.muli %add3A_155, %mul3A_169 : i32
        %add3A_171 = arith.addi %mul3A_168, %mul3A_170 : i32
        %multiple_of3A_172 = tpu.assume_multiple %add3A_171, 8 : i32
        %dma_start3A_173 = tpu.memref_slice %arg4[%multiple_of3A_172] : memref<320000xi32, #tpu.memory_space<hbm>> -> memref<128xi32, #tpu.memory_space<hbm>>
        %dma_start3A_174 = tpu.memref_slice %arg4[%multiple_of3A_172] : memref<320000xi32, #tpu.memory_space<hbm>> -> memref<128xi32, #tpu.memory_space<hbm>>
        tpu.enqueue_dma source(%dma_start3A_174 : memref<128xi32, #tpu.memory_space<hbm>>) target(%arg8 : memref<128xi32, #tpu.memory_space<vmem>>) target_semaphore(%arg18 : memref<!tpu.dma_semaphore, #tpu.memory_space<semaphore_mem>>)
      } else {
      }
      %dma_wait3A_133 = arith.constant 0 : i32
      %dma_wait3A_134 = arith.constant 0 : i32
      %dma_wait3A_135 = tpu.memref_slice %arg2[%dma_wait3A_133, %dma_wait3A_134] : memref<10240x128xf32, #tpu.memory_space<hbm>> -> memref<10240x128xf32, #tpu.memory_space<hbm>>
      tpu.wait_indirect_dma semaphore(%arg21 : memref<!tpu.dma_semaphore, #tpu.memory_space<semaphore_mem>>) src(%dma_wait3A_135 : memref<10240x128xf32, #tpu.memory_space<hbm>>) dst(%arg13 : memref<128x128xf32, #tpu.memory_space<vmem>>)
      %mul3A_136 = arith.constant 10000 : i32
      %mul3A_137 = arith.muli %add3A, %mul3A_136 : i32
      %mul3A_138 = arith.constant 128 : i32
      %mul3A_139 = arith.muli %add3A_120, %mul3A_138 : i32
      %add3A_140 = arith.addi %mul3A_137, %mul3A_139 : i32
      %multiple_of3A_141 = tpu.assume_multiple %add3A_140, 8 : i32
      %dma_wait3A_142 = tpu.memref_slice %arg4[%multiple_of3A_141] : memref<320000xi32, #tpu.memory_space<hbm>> -> memref<128xi32, #tpu.memory_space<hbm>>
      %dma_wait3A_143 = tpu.memref_slice %arg4[%multiple_of3A_141] : memref<320000xi32, #tpu.memory_space<hbm>> -> memref<128xi32, #tpu.memory_space<hbm>>
      tpu.wait_dma2 semaphore(%arg19 : memref<!tpu.dma_semaphore, #tpu.memory_space<semaphore_mem>>) src(%dma_wait3A_143 : memref<128xi32, #tpu.memory_space<hbm>>) dst(%arg9 : memref<128xi32, #tpu.memory_space<vmem>>)
      %dma_start3A_144 = arith.constant 0 : i32
      %dma_start3A_145 = arith.constant 0 : i32
      %dma_start3A_146 = tpu.memref_slice %arg15[%dma_start3A_144, %dma_start3A_145] : memref<10240x128xf32, #tpu.memory_space<vmem_shared>> -> memref<10240x128xf32, #tpu.memory_space<vmem_shared>>
      tpu.enqueue_indirect_dma source(%arg13 : memref<128x128xf32, #tpu.memory_space<vmem>>) target(%dma_start3A_146 : memref<10240x128xf32, #tpu.memory_space<vmem_shared>>) offsets(%arg9 : memref<128xi32, #tpu.memory_space<vmem>>) semaphore(%arg23 : memref<!tpu.dma_semaphore, #tpu.memory_space<semaphore_mem>>) {add = true}
      %add3A_147 = arith.constant 2 : i32
      %add3A_148 = arith.addi %add3A_120, %add3A_147 : i32
      %lt3A_149 = arith.constant 78 : i32
      %lt3A_150 = arith.cmpi slt, %add3A_148, %lt3A_149 : i32
      %convert_element_type3A_151 = arith.extui %lt3A_150 : i1 to i32
      %cond3A_152 = arith.constant 0 : i32
      %cond3A_153 = arith.cmpi ne, %convert_element_type3A_151, %cond3A_152 : i32
      scf.if %cond3A_153 {
        %add3A_154 = arith.constant 2 : i32
        %add3A_155 = arith.addi %add3A_120, %add3A_154 : i32
        %mul3A_156 = arith.constant 10000 : i32
        %mul3A_157 = arith.muli %add3A, %mul3A_156 : i32
        %mul3A_158 = arith.constant 128 : i32
        %mul3A_159 = arith.muli %add3A_155, %mul3A_158 : i32
        %add3A_160 = arith.addi %mul3A_157, %mul3A_159 : i32
        %multiple_of3A_161 = tpu.assume_multiple %add3A_160, 8 : i32
        %dma_start3A_162 = tpu.memref_slice %arg3[%multiple_of3A_161] : memref<320000xi32, #tpu.memory_space<hbm>> -> memref<128xi32, #tpu.memory_space<hbm>>
        %dma_start3A_163 = tpu.memref_slice %arg3[%multiple_of3A_161] : memref<320000xi32, #tpu.memory_space<hbm>> -> memref<128xi32, #tpu.memory_space<hbm>>
        tpu.enqueue_dma source(%dma_start3A_163 : memref<128xi32, #tpu.memory_space<hbm>>) target(%arg7 : memref<128xi32, #tpu.memory_space<vmem>>) target_semaphore(%arg17 : memref<!tpu.dma_semaphore, #tpu.memory_space<semaphore_mem>>)
      } else {
      }
    }
    %scan3A_60 = arith.constant 39 : i32
    %mul3A_61 = arith.constant 10000 : i32
    %mul3A_62 = arith.muli %add3A, %mul3A_61 : i32
    %add3A_63 = arith.constant 9984 : i32
    %add3A_64 = arith.addi %mul3A_62, %add3A_63 : i32
    %multiple_of3A_65 = tpu.assume_multiple %add3A_64, 8 : i32
    "tpu.region"() ({
      %run_scoped3A = tpu.sem_alloc : memref<!tpu.dma_semaphore, #tpu.memory_space<semaphore_mem>>
      %dma_start3A_83 = tpu.memref_slice %arg3[%multiple_of3A_65] : memref<320000xi32, #tpu.memory_space<hbm>> -> memref<16xi32, #tpu.memory_space<hbm>>
      %dma_start3A_84 = tpu.memref_slice %arg3[%multiple_of3A_65] : memref<320000xi32, #tpu.memory_space<hbm>> -> memref<16xi32, #tpu.memory_space<hbm>>
      tpu.enqueue_dma source(%dma_start3A_84 : memref<16xi32, #tpu.memory_space<hbm>>) target(%arg10 : memref<16xi32, #tpu.memory_space<vmem>>) target_semaphore(%run_scoped3A : memref<!tpu.dma_semaphore, #tpu.memory_space<semaphore_mem>>)
      %dma_wait3A_85 = tpu.memref_slice %arg3[%multiple_of3A_65] : memref<320000xi32, #tpu.memory_space<hbm>> -> memref<16xi32, #tpu.memory_space<hbm>>
      %dma_wait3A_86 = tpu.memref_slice %arg3[%multiple_of3A_65] : memref<320000xi32, #tpu.memory_space<hbm>> -> memref<16xi32, #tpu.memory_space<hbm>>
      tpu.wait_dma2 semaphore(%run_scoped3A : memref<!tpu.dma_semaphore, #tpu.memory_space<semaphore_mem>>) src(%dma_wait3A_86 : memref<16xi32, #tpu.memory_space<hbm>>) dst(%arg10 : memref<16xi32, #tpu.memory_space<vmem>>)
      tpu.yield
    }) : () -> ()
    %dma_start3A_66 = arith.constant 0 : i32
    %dma_start3A_67 = arith.constant 0 : i32
    %dma_start3A_68 = tpu.memref_slice %arg2[%dma_start3A_66, %dma_start3A_67] : memref<10240x128xf32, #tpu.memory_space<hbm>> -> memref<10240x128xf32, #tpu.memory_space<hbm>>
    tpu.enqueue_indirect_dma source(%dma_start3A_68 : memref<10240x128xf32, #tpu.memory_space<hbm>>) target(%arg14 : memref<16x128xf32, #tpu.memory_space<vmem>>) offsets(%arg10 : memref<16xi32, #tpu.memory_space<vmem>>) semaphore(%arg24 : memref<!tpu.dma_semaphore, #tpu.memory_space<semaphore_mem>>)
    %dma_wait3A_69 = arith.constant 0 : i32
    %dma_wait3A_70 = arith.constant 0 : i32
    %dma_wait3A_71 = tpu.memref_slice %arg2[%dma_wait3A_69, %dma_wait3A_70] : memref<10240x128xf32, #tpu.memory_space<hbm>> -> memref<10240x128xf32, #tpu.memory_space<hbm>>
    tpu.wait_indirect_dma semaphore(%arg24 : memref<!tpu.dma_semaphore, #tpu.memory_space<semaphore_mem>>) src(%dma_wait3A_71 : memref<10240x128xf32, #tpu.memory_space<hbm>>) dst(%arg14 : memref<16x128xf32, #tpu.memory_space<vmem>>)
    "tpu.region"() ({
      %run_scoped3A = tpu.sem_alloc : memref<!tpu.dma_semaphore, #tpu.memory_space<semaphore_mem>>
      %dma_start3A_83 = tpu.memref_slice %arg4[%multiple_of3A_65] : memref<320000xi32, #tpu.memory_space<hbm>> -> memref<16xi32, #tpu.memory_space<hbm>>
      %dma_start3A_84 = tpu.memref_slice %arg4[%multiple_of3A_65] : memref<320000xi32, #tpu.memory_space<hbm>> -> memref<16xi32, #tpu.memory_space<hbm>>
      tpu.enqueue_dma source(%dma_start3A_84 : memref<16xi32, #tpu.memory_space<hbm>>) target(%arg11 : memref<16xi32, #tpu.memory_space<vmem>>) target_semaphore(%run_scoped3A : memref<!tpu.dma_semaphore, #tpu.memory_space<semaphore_mem>>)
      %dma_wait3A_85 = tpu.memref_slice %arg4[%multiple_of3A_65] : memref<320000xi32, #tpu.memory_space<hbm>> -> memref<16xi32, #tpu.memory_space<hbm>>
      %dma_wait3A_86 = tpu.memref_slice %arg4[%multiple_of3A_65] : memref<320000xi32, #tpu.memory_space<hbm>> -> memref<16xi32, #tpu.memory_space<hbm>>
      tpu.wait_dma2 semaphore(%run_scoped3A : memref<!tpu.dma_semaphore, #tpu.memory_space<semaphore_mem>>) src(%dma_wait3A_86 : memref<16xi32, #tpu.memory_space<hbm>>) dst(%arg11 : memref<16xi32, #tpu.memory_space<vmem>>)
      tpu.yield
    }) : () -> ()
    "tpu.region"() ({
      %run_scoped3A = tpu.sem_alloc : memref<!tpu.dma_semaphore, #tpu.memory_space<semaphore_mem>>
      %dma_start3A_83 = arith.constant 0 : i32
      %dma_start3A_84 = arith.constant 0 : i32
      %dma_start3A_85 = tpu.memref_slice %arg15[%dma_start3A_83, %dma_start3A_84] : memref<10240x128xf32, #tpu.memory_space<vmem_shared>> -> memref<10240x128xf32, #tpu.memory_space<vmem_shared>>
      tpu.enqueue_indirect_dma source(%arg14 : memref<16x128xf32, #tpu.memory_space<vmem>>) target(%dma_start3A_85 : memref<10240x128xf32, #tpu.memory_space<vmem_shared>>) offsets(%arg11 : memref<16xi32, #tpu.memory_space<vmem>>) semaphore(%run_scoped3A : memref<!tpu.dma_semaphore, #tpu.memory_space<semaphore_mem>>) {add = true}
      %dma_wait3A_86 = arith.constant 0 : i32
      %dma_wait3A_87 = arith.constant 0 : i32
      %dma_wait3A_88 = tpu.memref_slice %arg15[%dma_wait3A_86, %dma_wait3A_87] : memref<10240x128xf32, #tpu.memory_space<vmem_shared>> -> memref<10240x128xf32, #tpu.memory_space<vmem_shared>>
      tpu.wait_indirect_dma semaphore(%run_scoped3A : memref<!tpu.dma_semaphore, #tpu.memory_space<semaphore_mem>>) src(%arg14 : memref<16x128xf32, #tpu.memory_space<vmem>>) dst(%dma_wait3A_88 : memref<10240x128xf32, #tpu.memory_space<vmem_shared>>)
      tpu.yield
    }) : () -> ()
    %dma_wait3A_72 = arith.constant 0 : i32
    %dma_wait3A_73 = arith.constant 0 : i32
    %dma_wait3A_74 = tpu.memref_slice %arg15[%dma_wait3A_72, %dma_wait3A_73] : memref<10240x128xf32, #tpu.memory_space<vmem_shared>> -> memref<10240x128xf32, #tpu.memory_space<vmem_shared>>
    tpu.wait_indirect_dma semaphore(%arg23 : memref<!tpu.dma_semaphore, #tpu.memory_space<semaphore_mem>>) src(%arg13 : memref<128x128xf32, #tpu.memory_space<vmem>>) dst(%dma_wait3A_74 : memref<10240x128xf32, #tpu.memory_space<vmem_shared>>)
    %barrier3A_75 = arith.constant 0 : index
    tpu.barrier barrier_id(%barrier3A_75)
    %mul3A_76 = arith.constant 640 : i32
    %mul3A_77 = arith.muli %arg1, %mul3A_76 : i32
    %mul3A_78 = arith.constant 10240 : i32
    %mul3A_79 = arith.muli %arg0, %mul3A_78 : i32
    %mul3A_80 = arith.constant 640 : i32
    %mul3A_81 = arith.muli %arg1, %mul3A_80 : i32
    %add3A_82 = arith.addi %mul3A_79, %mul3A_81 : i32
    "tpu.region"() ({
      %run_scoped3A = tpu.sem_alloc : memref<!tpu.dma_semaphore, #tpu.memory_space<semaphore_mem>>
      %dma_start3A_83 = arith.constant 0 : i32
      %dma_start3A_84 = tpu.memref_slice %arg5[%add3A_82, %dma_start3A_83] : memref<20480x128xf32, #tpu.memory_space<hbm>> -> memref<640x128xf32, #tpu.memory_space<hbm>>
      %dma_start3A_85 = arith.constant 0 : i32
      %dma_start3A_86 = tpu.memref_slice %arg15[%mul3A_77, %dma_start3A_85] : memref<10240x128xf32, #tpu.memory_space<vmem_shared>> -> memref<640x128xf32, #tpu.memory_space<vmem_shared>>
      tpu.enqueue_dma source(%dma_start3A_86 : memref<640x128xf32, #tpu.memory_space<vmem_shared>>) target(%dma_start3A_84 : memref<640x128xf32, #tpu.memory_space<hbm>>) target_semaphore(%run_scoped3A : memref<!tpu.dma_semaphore, #tpu.memory_space<semaphore_mem>>)
      %dma_wait3A_87 = arith.constant 0 : i32
      %dma_wait3A_88 = tpu.memref_slice %arg5[%add3A_82, %dma_wait3A_87] : memref<20480x128xf32, #tpu.memory_space<hbm>> -> memref<640x128xf32, #tpu.memory_space<hbm>>
      %dma_wait3A_89 = arith.constant 0 : i32
      %dma_wait3A_90 = tpu.memref_slice %arg15[%mul3A_77, %dma_wait3A_89] : memref<10240x128xf32, #tpu.memory_space<vmem_shared>> -> memref<640x128xf32, #tpu.memory_space<vmem_shared>>
      tpu.wait_dma2 semaphore(%run_scoped3A : memref<!tpu.dma_semaphore, #tpu.memory_space<semaphore_mem>>) src(%dma_wait3A_90 : memref<640x128xf32, #tpu.memory_space<vmem_shared>>) dst(%dma_wait3A_88 : memref<640x128xf32, #tpu.memory_space<hbm>>)
      tpu.yield
    }) : () -> ()
    return
  }
}

module attributes {stable_mosaic.version = 14 : i64} {
  func.func @_tc_lin0_body(%arg0: i32, %arg1: memref<1024x128xf32, #tpu.memory_space<vmem>>, %arg2: memref<2x1024xf32, #tpu.memory_space<vmem>>, %arg3: memref<128x128xf32, #tpu.memory_space<vmem>>, %arg4: memref<128xf32, #tpu.memory_space<vmem>>, %arg5: memref<128x128xf32, #tpu.memory_space<vmem>>, %arg6: memref<1024x128xf32, #tpu.memory_space<vmem>>, %arg7: memref<1024x128xf32, #tpu.memory_space<vmem>>) attributes {dimension_semantics = [#tpu.dimension_semantics<arbitrary>], iteration_bounds = array<i64: 10>, scalar_prefetch = 0 : i64, scratch_operands = 0 : i64, tpu.core_type = #tpu.core_type<tc>, window_params = [{transform_indices = @transform_0, window_bounds = array<i64: 1024, 128>}, {transform_indices = @transform_1, window_bounds = array<i64: 2, 1024>}, {pipeline_mode = #tpu.pipeline_mode<synchronous>, transform_indices = @transform_2, window_bounds = array<i64: 128, 128>}, {pipeline_mode = #tpu.pipeline_mode<synchronous>, transform_indices = @transform_3, window_bounds = array<i64: 128>}, {pipeline_mode = #tpu.pipeline_mode<synchronous>, transform_indices = @transform_4, window_bounds = array<i64: 128, 128>}, {transform_indices = @transform_5, window_bounds = array<i64: 1024, 128>}, {transform_indices = @transform_6, window_bounds = array<i64: 1024, 128>}]} {
    %get3A = arith.constant 0 : index
    %get3A_0 = arith.constant 0 : index
    %get3A_1 = vector.load %arg1[%get3A, %get3A_0] : memref<1024x128xf32, #tpu.memory_space<vmem>>, vector<1024x128xf32>
    %get3A_2 = arith.constant 0 : index
    %get3A_3 = arith.constant 0 : index
    %get3A_4 = vector.load %arg3[%get3A_2, %get3A_3] : memref<128x128xf32, #tpu.memory_space<vmem>>, vector<128x128xf32>
    %dot_general3A = arith.constant dense<0.000000e+00> : vector<1024x128xf32>
    %dot_general3A_5 = tpu.matmul %get3A_1, %get3A_4, %dot_general3A {dimension_numbers = #tpu.dot_dimension_numbers<[1], [1], [0], [0], [0, 0, 1, 0], [], []>, transpose_lhs_hint = false} : vector<1024x128xf32>, vector<128x128xf32>, vector<1024x128xf32> -> vector<1024x128xf32>
    %get3A_6 = arith.constant 0 : index
    %get3A_7 = vector.load %arg4[%get3A_6] : memref<128xf32, #tpu.memory_space<vmem>>, vector<128xf32>
    %broadcast_in_dim3A = vector.shape_cast %get3A_7 : vector<128xf32> to vector<1x128xf32>
    %add3A = vector.broadcast %broadcast_in_dim3A : vector<1x128xf32> to vector<1024x128xf32>
    %add3A_8 = arith.addf %dot_general3A_5, %add3A : vector<1024x128xf32>
    %max3A = arith.constant 0.000000e+00 : f32
    %max3A_9 = vector.broadcast %max3A : f32 to vector<1024x128xf32>
    %max3A_10 = arith.maximumf %add3A_8, %max3A_9 : vector<1024x128xf32>
    %get3A_11 = arith.constant 0 : index
    %get3A_12 = arith.constant 0 : index
    %get3A_13 = vector.load %arg2[%get3A_11, %get3A_12] : memref<2x1024xf32, #tpu.memory_space<vmem>>, vector<1x1024xf32>
    %get3A_14 = vector.shape_cast %get3A_13 : vector<1x1024xf32> to vector<1024xf32>
    %get3A_15 = arith.constant 1 : index
    %get3A_16 = arith.constant 0 : index
    %get3A_17 = vector.load %arg2[%get3A_15, %get3A_16] : memref<2x1024xf32, #tpu.memory_space<vmem>>, vector<1x1024xf32>
    %get3A_18 = vector.shape_cast %get3A_17 : vector<1x1024xf32> to vector<1024xf32>
    %add3A_19 = arith.addf %get3A_14, %get3A_18 : vector<1024xf32>
    %add3A_20 = arith.constant 1.000000e+00 : f32
    %add3A_21 = vector.broadcast %add3A_20 : f32 to vector<1024xf32>
    %add3A_22 = arith.addf %add3A_19, %add3A_21 : vector<1024xf32>
    %rsqrt3A = math.rsqrt %add3A_22 : vector<1024xf32>
    %swap3A = arith.constant 0 : index
    %swap3A_23 = arith.constant 0 : index
    %swap3A_24 = vector.load %arg6[%swap3A, %swap3A_23] : memref<1024x128xf32, #tpu.memory_space<vmem>>, vector<1024x128xf32>
    tpu.vector_store %arg6[%swap3A, %swap3A_23], %max3A_10 {strides = array<i32>} : memref<1024x128xf32, #tpu.memory_space<vmem>>, vector<1024x128xf32>,
    %broadcast_in_dim3A_25 = vector.shape_cast %rsqrt3A : vector<1024xf32> to vector<1024x1xf32>
    %get3A_26 = arith.constant 0 : index
    %get3A_27 = arith.constant 0 : index
    %get3A_28 = vector.load %arg5[%get3A_26, %get3A_27] : memref<128x128xf32, #tpu.memory_space<vmem>>, vector<128x128xf32>
    %dot_general3A_29 = arith.constant dense<0.000000e+00> : vector<1024x128xf32>
    %dot_general3A_30 = tpu.matmul %max3A_10, %get3A_28, %dot_general3A_29 {dimension_numbers = #tpu.dot_dimension_numbers<[1], [1], [0], [0], [0, 0, 1, 0], [], []>, transpose_lhs_hint = false} : vector<1024x128xf32>, vector<128x128xf32>, vector<1024x128xf32> -> vector<1024x128xf32>
    %mul3A = vector.broadcast %broadcast_in_dim3A_25 : vector<1024x1xf32> to vector<1024x128xf32>
    %mul3A_31 = arith.mulf %mul3A, %dot_general3A_30 : vector<1024x128xf32>
    %swap3A_32 = arith.constant 0 : index
    %swap3A_33 = arith.constant 0 : index
    %swap3A_34 = vector.load %arg7[%swap3A_32, %swap3A_33] : memref<1024x128xf32, #tpu.memory_space<vmem>>, vector<1024x128xf32>
    tpu.vector_store %arg7[%swap3A_32, %swap3A_33], %mul3A_31 {strides = array<i32>} : memref<1024x128xf32, #tpu.memory_space<vmem>>, vector<1024x128xf32>,
    return
  }
  func.func @transform_0(%arg0: i32) -> (i32, i32) {
    %c0_i32 = arith.constant 0 : i32
    %c0_i32_0 = arith.constant 0 : i32
    return %arg0, %c0_i32 : i32, i32
  }
  func.func @transform_1(%arg0: i32) -> (i32, i32) {
    %c0_i32 = arith.constant 0 : i32
    %c0_i32_0 = arith.constant 0 : i32
    return %c0_i32, %arg0 : i32, i32
  }
  func.func @transform_2(%arg0: i32) -> (i32, i32) {
    %c0_i32 = arith.constant 0 : i32
    %c0_i32_0 = arith.constant 0 : i32
    %c0_i32_1 = arith.constant 0 : i32
    return %c0_i32, %c0_i32_0 : i32, i32
  }
  func.func @transform_3(%arg0: i32) -> i32 {
    %c0_i32 = arith.constant 0 : i32
    %c0_i32_0 = arith.constant 0 : i32
    return %c0_i32 : i32
  }
  func.func @transform_4(%arg0: i32) -> (i32, i32) {
    %c0_i32 = arith.constant 0 : i32
    %c0_i32_0 = arith.constant 0 : i32
    %c0_i32_1 = arith.constant 0 : i32
    return %c0_i32, %c0_i32_0 : i32, i32
  }
  func.func @transform_5(%arg0: i32) -> (i32, i32) {
    %c0_i32 = arith.constant 0 : i32
    %c0_i32_0 = arith.constant 0 : i32
    return %arg0, %c0_i32 : i32, i32
  }
  func.func @transform_6(%arg0: i32) -> (i32, i32) {
    %c0_i32 = arith.constant 0 : i32
    %c0_i32_0 = arith.constant 0 : i32
    return %arg0, %c0_i32 : i32, i32
  }
}

module attributes {stable_mosaic.version = 14 : i64} {
  func.func @_tc_round_body(%arg0: i32, %arg1: memref<2x1024x128xf32, #tpu.memory_space<vmem>>, %arg2: memref<1024x128xf32, #tpu.memory_space<vmem>>, %arg3: memref<1024x128xf32, #tpu.memory_space<vmem>>, %arg4: memref<2x1024xf32, #tpu.memory_space<vmem>>, %arg5: memref<128xf32, #tpu.memory_space<vmem>>, %arg6: memref<384x128xf32, #tpu.memory_space<vmem>>, %arg7: memref<384x128xf32, #tpu.memory_space<vmem>>, %arg8: memref<384xf32, #tpu.memory_space<vmem>>, %arg9: memref<384xf32, #tpu.memory_space<vmem>>, %arg10: memref<128x128xf32, #tpu.memory_space<vmem>>, %arg11: memref<1024x128xf32, #tpu.memory_space<vmem>>, %arg12: memref<1024x128xf32, #tpu.memory_space<vmem>>) attributes {dimension_semantics = [#tpu.dimension_semantics<arbitrary>], iteration_bounds = array<i64: 10>, scalar_prefetch = 0 : i64, scratch_operands = 0 : i64, tpu.core_type = #tpu.core_type<tc>, window_params = [{transform_indices = @transform_0, window_bounds = array<i64: 2, 1024, 128>}, {transform_indices = @transform_1, window_bounds = array<i64: 1024, 128>}, {transform_indices = @transform_2, window_bounds = array<i64: 1024, 128>}, {transform_indices = @transform_3, window_bounds = array<i64: 2, 1024>}, {pipeline_mode = #tpu.pipeline_mode<synchronous>, transform_indices = @transform_4, window_bounds = array<i64: 128>}, {pipeline_mode = #tpu.pipeline_mode<synchronous>, transform_indices = @transform_5, window_bounds = array<i64: 384, 128>}, {pipeline_mode = #tpu.pipeline_mode<synchronous>, transform_indices = @transform_6, window_bounds = array<i64: 384, 128>}, {pipeline_mode = #tpu.pipeline_mode<synchronous>, transform_indices = @transform_7, window_bounds = array<i64: 384>}, {pipeline_mode = #tpu.pipeline_mode<synchronous>, transform_indices = @transform_8, window_bounds = array<i64: 384>}, {pipeline_mode = #tpu.pipeline_mode<synchronous>, transform_indices = @transform_9, window_bounds = array<i64: 128, 128>}, {transform_indices = @transform_10, window_bounds = array<i64: 1024, 128>}, {transform_indices = @transform_11, window_bounds = array<i64: 1024, 128>}]} {
    %get3A = arith.constant 0 : index
    %get3A_0 = arith.constant 0 : index
    %get3A_1 = arith.constant 0 : index
    %get3A_2 = vector.load %arg1[%get3A, %get3A_0, %get3A_1] : memref<2x1024x128xf32, #tpu.memory_space<vmem>>, vector<1x1024x128xf32>
    %get3A_3 = vector.shape_cast %get3A_2 : vector<1x1024x128xf32> to vector<1024x128xf32>
    %get3A_4 = arith.constant 1 : index
    %get3A_5 = arith.constant 0 : index
    %get3A_6 = arith.constant 0 : index
    %get3A_7 = vector.load %arg1[%get3A_4, %get3A_5, %get3A_6] : memref<2x1024x128xf32, #tpu.memory_space<vmem>>, vector<1x1024x128xf32>
    %get3A_8 = vector.shape_cast %get3A_7 : vector<1x1024x128xf32> to vector<1024x128xf32>
    %add3A = arith.addf %get3A_3, %get3A_8 : vector<1024x128xf32>
    %get3A_9 = arith.constant 0 : index
    %get3A_10 = arith.constant 0 : index
    %get3A_11 = vector.load %arg4[%get3A_9, %get3A_10] : memref<2x1024xf32, #tpu.memory_space<vmem>>, vector<1x1024xf32>
    %get3A_12 = vector.shape_cast %get3A_11 : vector<1x1024xf32> to vector<1024xf32>
    %get3A_13 = arith.constant 1 : index
    %get3A_14 = arith.constant 0 : index
    %get3A_15 = vector.load %arg4[%get3A_13, %get3A_14] : memref<2x1024xf32, #tpu.memory_space<vmem>>, vector<1x1024xf32>
    %get3A_16 = vector.shape_cast %get3A_15 : vector<1x1024xf32> to vector<1024xf32>
    %add3A_17 = arith.addf %get3A_12, %get3A_16 : vector<1024xf32>
    %add3A_18 = arith.constant 1.000000e+00 : f32
    %add3A_19 = vector.broadcast %add3A_18 : f32 to vector<1024xf32>
    %add3A_20 = arith.addf %add3A_17, %add3A_19 : vector<1024xf32>
    %rsqrt3A = math.rsqrt %add3A_20 : vector<1024xf32>
    %broadcast_in_dim3A = vector.shape_cast %rsqrt3A : vector<1024xf32> to vector<1024x1xf32>
    %get3A_21 = arith.constant 0 : index
    %get3A_22 = arith.constant 0 : index
    %get3A_23 = vector.load %arg2[%get3A_21, %get3A_22] : memref<1024x128xf32, #tpu.memory_space<vmem>>, vector<1024x128xf32>
    %add3A_24 = arith.addf %add3A, %get3A_23 : vector<1024x128xf32>
    %mul3A = vector.broadcast %broadcast_in_dim3A : vector<1024x1xf32> to vector<1024x128xf32>
    %mul3A_25 = arith.mulf %mul3A, %add3A_24 : vector<1024x128xf32>
    %get3A_26 = arith.constant 0 : index
    %get3A_27 = vector.load %arg5[%get3A_26] : memref<128xf32, #tpu.memory_space<vmem>>, vector<128xf32>
    %broadcast_in_dim3A_28 = vector.shape_cast %get3A_27 : vector<128xf32> to vector<1x128xf32>
    %add3A_29 = vector.broadcast %broadcast_in_dim3A_28 : vector<1x128xf32> to vector<1024x128xf32>
    %add3A_30 = arith.addf %mul3A_25, %add3A_29 : vector<1024x128xf32>
    %max3A = arith.constant 0.000000e+00 : f32
    %max3A_31 = vector.broadcast %max3A : f32 to vector<1024x128xf32>
    %max3A_32 = arith.maximumf %add3A_30, %max3A_31 : vector<1024x128xf32>
    %get3A_33 = arith.constant 0 : index
    %get3A_34 = arith.constant 0 : index
    %get3A_35 = vector.load %arg3[%get3A_33, %get3A_34] : memref<1024x128xf32, #tpu.memory_space<vmem>>, vector<1024x128xf32>
    %get3A_36 = arith.constant 0 : index
    %get3A_37 = arith.constant 0 : index
    %get3A_38 = vector.load %arg6[%get3A_36, %get3A_37] : memref<384x128xf32, #tpu.memory_space<vmem>>, vector<384x128xf32>
    %dot_general3A = arith.constant dense<0.000000e+00> : vector<1024x384xf32>
    %dot_general3A_39 = tpu.matmul %max3A_32, %get3A_38, %dot_general3A {dimension_numbers = #tpu.dot_dimension_numbers<[1], [1], [0], [0], [0, 0, 1, 0], [], []>, transpose_lhs_hint = false} : vector<1024x128xf32>, vector<384x128xf32>, vector<1024x384xf32> -> vector<1024x384xf32>
    %get3A_40 = arith.constant 0 : index
    %get3A_41 = vector.load %arg8[%get3A_40] : memref<384xf32, #tpu.memory_space<vmem>>, vector<384xf32>
    %broadcast_in_dim3A_42 = vector.shape_cast %get3A_41 : vector<384xf32> to vector<1x384xf32>
    %add3A_43 = vector.broadcast %broadcast_in_dim3A_42 : vector<1x384xf32> to vector<1024x384xf32>
    %add3A_44 = arith.addf %dot_general3A_39, %add3A_43 : vector<1024x384xf32>
    %get3A_45 = arith.constant 0 : index
    %get3A_46 = arith.constant 0 : index
    %get3A_47 = vector.load %arg7[%get3A_45, %get3A_46] : memref<384x128xf32, #tpu.memory_space<vmem>>, vector<384x128xf32>
    %dot_general3A_48 = arith.constant dense<0.000000e+00> : vector<1024x384xf32>
    %dot_general3A_49 = tpu.matmul %get3A_35, %get3A_47, %dot_general3A_48 {dimension_numbers = #tpu.dot_dimension_numbers<[1], [1], [0], [0], [0, 0, 1, 0], [], []>, transpose_lhs_hint = false} : vector<1024x128xf32>, vector<384x128xf32>, vector<1024x384xf32> -> vector<1024x384xf32>
    %get3A_50 = arith.constant 0 : index
    %get3A_51 = vector.load %arg9[%get3A_50] : memref<384xf32, #tpu.memory_space<vmem>>, vector<384xf32>
    %broadcast_in_dim3A_52 = vector.shape_cast %get3A_51 : vector<384xf32> to vector<1x384xf32>
    %add3A_53 = vector.broadcast %broadcast_in_dim3A_52 : vector<1x384xf32> to vector<1024x384xf32>
    %add3A_54 = arith.addf %dot_general3A_49, %add3A_53 : vector<1024x384xf32>
    %slice3A = vector.extract_strided_slice %add3A_44 {offsets = [0, 0], sizes = [1024, 128], strides = [1, 1]} : vector<1024x384xf32> to vector<1024x128xf32>
    %slice3A_55 = vector.extract_strided_slice %add3A_54 {offsets = [0, 0], sizes = [1024, 128], strides = [1, 1]} : vector<1024x384xf32> to vector<1024x128xf32>
    %add3A_56 = arith.addf %slice3A, %slice3A_55 : vector<1024x128xf32>
    %logistic3A = arith.negf %add3A_56 : vector<1024x128xf32>
    %logistic3A_57 = math.exp %logistic3A : vector<1024x128xf32>
    %logistic3A_58 = arith.constant 1.000000e+00 : f32
    %logistic3A_59 = vector.broadcast %logistic3A_58 : f32 to vector<1024x128xf32>
    %logistic3A_60 = arith.addf %logistic3A_59, %logistic3A_57 : vector<1024x128xf32>
    %logistic3A_61 = arith.divf %logistic3A_59, %logistic3A_60 : vector<1024x128xf32>
    %slice3A_62 = vector.extract_strided_slice %add3A_44 {offsets = [0, 128], sizes = [1024, 128], strides = [1, 1]} : vector<1024x384xf32> to vector<1024x128xf32>
    %slice3A_63 = vector.extract_strided_slice %add3A_54 {offsets = [0, 128], sizes = [1024, 128], strides = [1, 1]} : vector<1024x384xf32> to vector<1024x128xf32>
    %add3A_64 = arith.addf %slice3A_62, %slice3A_63 : vector<1024x128xf32>
    %logistic3A_65 = arith.negf %add3A_64 : vector<1024x128xf32>
    %logistic3A_66 = math.exp %logistic3A_65 : vector<1024x128xf32>
    %logistic3A_67 = arith.constant 1.000000e+00 : f32
    %logistic3A_68 = vector.broadcast %logistic3A_67 : f32 to vector<1024x128xf32>
    %logistic3A_69 = arith.addf %logistic3A_68, %logistic3A_66 : vector<1024x128xf32>
    %logistic3A_70 = arith.divf %logistic3A_68, %logistic3A_69 : vector<1024x128xf32>
    %slice3A_71 = vector.extract_strided_slice %add3A_44 {offsets = [0, 256], sizes = [1024, 128], strides = [1, 1]} : vector<1024x384xf32> to vector<1024x128xf32>
    %slice3A_72 = vector.extract_strided_slice %add3A_54 {offsets = [0, 256], sizes = [1024, 128], strides = [1, 1]} : vector<1024x384xf32> to vector<1024x128xf32>
    %mul3A_73 = arith.mulf %logistic3A_61, %slice3A_72 : vector<1024x128xf32>
    %add3A_74 = arith.addf %slice3A_71, %mul3A_73 : vector<1024x128xf32>
    %tanh3A = math.tanh %add3A_74 : vector<1024x128xf32>
    %sub3A = arith.constant 1.000000e+00 : f32
    %sub3A_75 = vector.broadcast %sub3A : f32 to vector<1024x128xf32>
    %sub3A_76 = arith.subf %sub3A_75, %logistic3A_70 : vector<1024x128xf32>
    %mul3A_77 = arith.mulf %sub3A_76, %tanh3A : vector<1024x128xf32>
    %mul3A_78 = arith.mulf %logistic3A_70, %get3A_35 : vector<1024x128xf32>
    %add3A_79 = arith.addf %mul3A_77, %mul3A_78 : vector<1024x128xf32>
    %swap3A = arith.constant 0 : index
    %swap3A_80 = arith.constant 0 : index
    %swap3A_81 = vector.load %arg11[%swap3A, %swap3A_80] : memref<1024x128xf32, #tpu.memory_space<vmem>>, vector<1024x128xf32>
    tpu.vector_store %arg11[%swap3A, %swap3A_80], %add3A_79 {strides = array<i32>} : memref<1024x128xf32, #tpu.memory_space<vmem>>, vector<1024x128xf32>,
    %broadcast_in_dim3A_82 = vector.shape_cast %rsqrt3A : vector<1024xf32> to vector<1024x1xf32>
    %get3A_83 = arith.constant 0 : index
    %get3A_84 = arith.constant 0 : index
    %get3A_85 = vector.load %arg10[%get3A_83, %get3A_84] : memref<128x128xf32, #tpu.memory_space<vmem>>, vector<128x128xf32>
    %dot_general3A_86 = arith.constant dense<0.000000e+00> : vector<1024x128xf32>
    %dot_general3A_87 = tpu.matmul %add3A_79, %get3A_85, %dot_general3A_86 {dimension_numbers = #tpu.dot_dimension_numbers<[1], [1], [0], [0], [0, 0, 1, 0], [], []>, transpose_lhs_hint = false} : vector<1024x128xf32>, vector<128x128xf32>, vector<1024x128xf32> -> vector<1024x128xf32>
    %mul3A_88 = vector.broadcast %broadcast_in_dim3A_82 : vector<1024x1xf32> to vector<1024x128xf32>
    %mul3A_89 = arith.mulf %mul3A_88, %dot_general3A_87 : vector<1024x128xf32>
    %swap3A_90 = arith.constant 0 : index
    %swap3A_91 = arith.constant 0 : index
    %swap3A_92 = vector.load %arg12[%swap3A_90, %swap3A_91] : memref<1024x128xf32, #tpu.memory_space<vmem>>, vector<1024x128xf32>
    tpu.vector_store %arg12[%swap3A_90, %swap3A_91], %mul3A_89 {strides = array<i32>} : memref<1024x128xf32, #tpu.memory_space<vmem>>, vector<1024x128xf32>,
    return
  }
  func.func @transform_0(%arg0: i32) -> (i32, i32, i32) {
    %c0_i32 = arith.constant 0 : i32
    %c0_i32_0 = arith.constant 0 : i32
    %c0_i32_1 = arith.constant 0 : i32
    return %c0_i32, %arg0, %c0_i32_0 : i32, i32, i32
  }
  func.func @transform_1(%arg0: i32) -> (i32, i32) {
    %c0_i32 = arith.constant 0 : i32
    %c0_i32_0 = arith.constant 0 : i32
    return %arg0, %c0_i32 : i32, i32
  }
  func.func @transform_2(%arg0: i32) -> (i32, i32) {
    %c0_i32 = arith.constant 0 : i32
    %c0_i32_0 = arith.constant 0 : i32
    return %arg0, %c0_i32 : i32, i32
  }
  func.func @transform_3(%arg0: i32) -> (i32, i32) {
    %c0_i32 = arith.constant 0 : i32
    %c0_i32_0 = arith.constant 0 : i32
    return %c0_i32, %arg0 : i32, i32
  }
  func.func @transform_4(%arg0: i32) -> i32 {
    %c0_i32 = arith.constant 0 : i32
    %c0_i32_0 = arith.constant 0 : i32
    return %c0_i32 : i32
  }
  func.func @transform_5(%arg0: i32) -> (i32, i32) {
    %c0_i32 = arith.constant 0 : i32
    %c0_i32_0 = arith.constant 0 : i32
    %c0_i32_1 = arith.constant 0 : i32
    return %c0_i32, %c0_i32_0 : i32, i32
  }
  func.func @transform_6(%arg0: i32) -> (i32, i32) {
    %c0_i32 = arith.constant 0 : i32
    %c0_i32_0 = arith.constant 0 : i32
    %c0_i32_1 = arith.constant 0 : i32
    return %c0_i32, %c0_i32_0 : i32, i32
  }
  func.func @transform_7(%arg0: i32) -> i32 {
    %c0_i32 = arith.constant 0 : i32
    %c0_i32_0 = arith.constant 0 : i32
    return %c0_i32 : i32
  }
  func.func @transform_8(%arg0: i32) -> i32 {
    %c0_i32 = arith.constant 0 : i32
    %c0_i32_0 = arith.constant 0 : i32
    return %c0_i32 : i32
  }
  func.func @transform_9(%arg0: i32) -> (i32, i32) {
    %c0_i32 = arith.constant 0 : i32
    %c0_i32_0 = arith.constant 0 : i32
    %c0_i32_1 = arith.constant 0 : i32
    return %c0_i32, %c0_i32_0 : i32, i32
  }
  func.func @transform_10(%arg0: i32) -> (i32, i32) {
    %c0_i32 = arith.constant 0 : i32
    %c0_i32_0 = arith.constant 0 : i32
    return %arg0, %c0_i32 : i32, i32
  }
  func.func @transform_11(%arg0: i32) -> (i32, i32) {
    %c0_i32 = arith.constant 0 : i32
    %c0_i32_0 = arith.constant 0 : i32
    return %arg0, %c0_i32 : i32, i32
  }
}

module attributes {stable_mosaic.version = 14 : i64} {
  func.func @_tc_round_body(%arg0: i32, %arg1: memref<2x1024x128xf32, #tpu.memory_space<vmem>>, %arg2: memref<1024x128xf32, #tpu.memory_space<vmem>>, %arg3: memref<1024x128xf32, #tpu.memory_space<vmem>>, %arg4: memref<2x1024xf32, #tpu.memory_space<vmem>>, %arg5: memref<128xf32, #tpu.memory_space<vmem>>, %arg6: memref<384x128xf32, #tpu.memory_space<vmem>>, %arg7: memref<384x128xf32, #tpu.memory_space<vmem>>, %arg8: memref<384xf32, #tpu.memory_space<vmem>>, %arg9: memref<384xf32, #tpu.memory_space<vmem>>, %arg10: memref<128x128xf32, #tpu.memory_space<vmem>>, %arg11: memref<1024x128xf32, #tpu.memory_space<vmem>>, %arg12: memref<1024x128xf32, #tpu.memory_space<vmem>>) attributes {dimension_semantics = [#tpu.dimension_semantics<arbitrary>], iteration_bounds = array<i64: 10>, scalar_prefetch = 0 : i64, scratch_operands = 0 : i64, tpu.core_type = #tpu.core_type<tc>, window_params = [{transform_indices = @transform_0, window_bounds = array<i64: 2, 1024, 128>}, {transform_indices = @transform_1, window_bounds = array<i64: 1024, 128>}, {transform_indices = @transform_2, window_bounds = array<i64: 1024, 128>}, {transform_indices = @transform_3, window_bounds = array<i64: 2, 1024>}, {pipeline_mode = #tpu.pipeline_mode<synchronous>, transform_indices = @transform_4, window_bounds = array<i64: 128>}, {pipeline_mode = #tpu.pipeline_mode<synchronous>, transform_indices = @transform_5, window_bounds = array<i64: 384, 128>}, {pipeline_mode = #tpu.pipeline_mode<synchronous>, transform_indices = @transform_6, window_bounds = array<i64: 384, 128>}, {pipeline_mode = #tpu.pipeline_mode<synchronous>, transform_indices = @transform_7, window_bounds = array<i64: 384>}, {pipeline_mode = #tpu.pipeline_mode<synchronous>, transform_indices = @transform_8, window_bounds = array<i64: 384>}, {pipeline_mode = #tpu.pipeline_mode<synchronous>, transform_indices = @transform_9, window_bounds = array<i64: 128, 128>}, {transform_indices = @transform_10, window_bounds = array<i64: 1024, 128>}, {transform_indices = @transform_11, window_bounds = array<i64: 1024, 128>}]} {
    %get3A = arith.constant 0 : index
    %get3A_0 = arith.constant 0 : index
    %get3A_1 = arith.constant 0 : index
    %get3A_2 = vector.load %arg1[%get3A, %get3A_0, %get3A_1] : memref<2x1024x128xf32, #tpu.memory_space<vmem>>, vector<1x1024x128xf32>
    %get3A_3 = vector.shape_cast %get3A_2 : vector<1x1024x128xf32> to vector<1024x128xf32>
    %get3A_4 = arith.constant 1 : index
    %get3A_5 = arith.constant 0 : index
    %get3A_6 = arith.constant 0 : index
    %get3A_7 = vector.load %arg1[%get3A_4, %get3A_5, %get3A_6] : memref<2x1024x128xf32, #tpu.memory_space<vmem>>, vector<1x1024x128xf32>
    %get3A_8 = vector.shape_cast %get3A_7 : vector<1x1024x128xf32> to vector<1024x128xf32>
    %add3A = arith.addf %get3A_3, %get3A_8 : vector<1024x128xf32>
    %get3A_9 = arith.constant 0 : index
    %get3A_10 = arith.constant 0 : index
    %get3A_11 = vector.load %arg4[%get3A_9, %get3A_10] : memref<2x1024xf32, #tpu.memory_space<vmem>>, vector<1x1024xf32>
    %get3A_12 = vector.shape_cast %get3A_11 : vector<1x1024xf32> to vector<1024xf32>
    %get3A_13 = arith.constant 1 : index
    %get3A_14 = arith.constant 0 : index
    %get3A_15 = vector.load %arg4[%get3A_13, %get3A_14] : memref<2x1024xf32, #tpu.memory_space<vmem>>, vector<1x1024xf32>
    %get3A_16 = vector.shape_cast %get3A_15 : vector<1x1024xf32> to vector<1024xf32>
    %add3A_17 = arith.addf %get3A_12, %get3A_16 : vector<1024xf32>
    %add3A_18 = arith.constant 1.000000e+00 : f32
    %add3A_19 = vector.broadcast %add3A_18 : f32 to vector<1024xf32>
    %add3A_20 = arith.addf %add3A_17, %add3A_19 : vector<1024xf32>
    %rsqrt3A = math.rsqrt %add3A_20 : vector<1024xf32>
    %broadcast_in_dim3A = vector.shape_cast %rsqrt3A : vector<1024xf32> to vector<1024x1xf32>
    %get3A_21 = arith.constant 0 : index
    %get3A_22 = arith.constant 0 : index
    %get3A_23 = vector.load %arg2[%get3A_21, %get3A_22] : memref<1024x128xf32, #tpu.memory_space<vmem>>, vector<1024x128xf32>
    %add3A_24 = arith.addf %add3A, %get3A_23 : vector<1024x128xf32>
    %mul3A = vector.broadcast %broadcast_in_dim3A : vector<1024x1xf32> to vector<1024x128xf32>
    %mul3A_25 = arith.mulf %mul3A, %add3A_24 : vector<1024x128xf32>
    %get3A_26 = arith.constant 0 : index
    %get3A_27 = vector.load %arg5[%get3A_26] : memref<128xf32, #tpu.memory_space<vmem>>, vector<128xf32>
    %broadcast_in_dim3A_28 = vector.shape_cast %get3A_27 : vector<128xf32> to vector<1x128xf32>
    %add3A_29 = vector.broadcast %broadcast_in_dim3A_28 : vector<1x128xf32> to vector<1024x128xf32>
    %add3A_30 = arith.addf %mul3A_25, %add3A_29 : vector<1024x128xf32>
    %max3A = arith.constant 0.000000e+00 : f32
    %max3A_31 = vector.broadcast %max3A : f32 to vector<1024x128xf32>
    %max3A_32 = arith.maximumf %add3A_30, %max3A_31 : vector<1024x128xf32>
    %get3A_33 = arith.constant 0 : index
    %get3A_34 = arith.constant 0 : index
    %get3A_35 = vector.load %arg3[%get3A_33, %get3A_34] : memref<1024x128xf32, #tpu.memory_space<vmem>>, vector<1024x128xf32>
    %get3A_36 = arith.constant 0 : index
    %get3A_37 = arith.constant 0 : index
    %get3A_38 = vector.load %arg6[%get3A_36, %get3A_37] : memref<384x128xf32, #tpu.memory_space<vmem>>, vector<384x128xf32>
    %dot_general3A = arith.constant dense<0.000000e+00> : vector<1024x384xf32>
    %dot_general3A_39 = tpu.matmul %max3A_32, %get3A_38, %dot_general3A {dimension_numbers = #tpu.dot_dimension_numbers<[1], [1], [0], [0], [0, 0, 1, 0], [], []>, transpose_lhs_hint = false} : vector<1024x128xf32>, vector<384x128xf32>, vector<1024x384xf32> -> vector<1024x384xf32>
    %get3A_40 = arith.constant 0 : index
    %get3A_41 = vector.load %arg8[%get3A_40] : memref<384xf32, #tpu.memory_space<vmem>>, vector<384xf32>
    %broadcast_in_dim3A_42 = vector.shape_cast %get3A_41 : vector<384xf32> to vector<1x384xf32>
    %add3A_43 = vector.broadcast %broadcast_in_dim3A_42 : vector<1x384xf32> to vector<1024x384xf32>
    %add3A_44 = arith.addf %dot_general3A_39, %add3A_43 : vector<1024x384xf32>
    %get3A_45 = arith.constant 0 : index
    %get3A_46 = arith.constant 0 : index
    %get3A_47 = vector.load %arg7[%get3A_45, %get3A_46] : memref<384x128xf32, #tpu.memory_space<vmem>>, vector<384x128xf32>
    %dot_general3A_48 = arith.constant dense<0.000000e+00> : vector<1024x384xf32>
    %dot_general3A_49 = tpu.matmul %get3A_35, %get3A_47, %dot_general3A_48 {dimension_numbers = #tpu.dot_dimension_numbers<[1], [1], [0], [0], [0, 0, 1, 0], [], []>, transpose_lhs_hint = false} : vector<1024x128xf32>, vector<384x128xf32>, vector<1024x384xf32> -> vector<1024x384xf32>
    %get3A_50 = arith.constant 0 : index
    %get3A_51 = vector.load %arg9[%get3A_50] : memref<384xf32, #tpu.memory_space<vmem>>, vector<384xf32>
    %broadcast_in_dim3A_52 = vector.shape_cast %get3A_51 : vector<384xf32> to vector<1x384xf32>
    %add3A_53 = vector.broadcast %broadcast_in_dim3A_52 : vector<1x384xf32> to vector<1024x384xf32>
    %add3A_54 = arith.addf %dot_general3A_49, %add3A_53 : vector<1024x384xf32>
    %slice3A = vector.extract_strided_slice %add3A_44 {offsets = [0, 0], sizes = [1024, 128], strides = [1, 1]} : vector<1024x384xf32> to vector<1024x128xf32>
    %slice3A_55 = vector.extract_strided_slice %add3A_54 {offsets = [0, 0], sizes = [1024, 128], strides = [1, 1]} : vector<1024x384xf32> to vector<1024x128xf32>
    %add3A_56 = arith.addf %slice3A, %slice3A_55 : vector<1024x128xf32>
    %logistic3A = arith.negf %add3A_56 : vector<1024x128xf32>
    %logistic3A_57 = math.exp %logistic3A : vector<1024x128xf32>
    %logistic3A_58 = arith.constant 1.000000e+00 : f32
    %logistic3A_59 = vector.broadcast %logistic3A_58 : f32 to vector<1024x128xf32>
    %logistic3A_60 = arith.addf %logistic3A_59, %logistic3A_57 : vector<1024x128xf32>
    %logistic3A_61 = arith.divf %logistic3A_59, %logistic3A_60 : vector<1024x128xf32>
    %slice3A_62 = vector.extract_strided_slice %add3A_44 {offsets = [0, 128], sizes = [1024, 128], strides = [1, 1]} : vector<1024x384xf32> to vector<1024x128xf32>
    %slice3A_63 = vector.extract_strided_slice %add3A_54 {offsets = [0, 128], sizes = [1024, 128], strides = [1, 1]} : vector<1024x384xf32> to vector<1024x128xf32>
    %add3A_64 = arith.addf %slice3A_62, %slice3A_63 : vector<1024x128xf32>
    %logistic3A_65 = arith.negf %add3A_64 : vector<1024x128xf32>
    %logistic3A_66 = math.exp %logistic3A_65 : vector<1024x128xf32>
    %logistic3A_67 = arith.constant 1.000000e+00 : f32
    %logistic3A_68 = vector.broadcast %logistic3A_67 : f32 to vector<1024x128xf32>
    %logistic3A_69 = arith.addf %logistic3A_68, %logistic3A_66 : vector<1024x128xf32>
    %logistic3A_70 = arith.divf %logistic3A_68, %logistic3A_69 : vector<1024x128xf32>
    %slice3A_71 = vector.extract_strided_slice %add3A_44 {offsets = [0, 256], sizes = [1024, 128], strides = [1, 1]} : vector<1024x384xf32> to vector<1024x128xf32>
    %slice3A_72 = vector.extract_strided_slice %add3A_54 {offsets = [0, 256], sizes = [1024, 128], strides = [1, 1]} : vector<1024x384xf32> to vector<1024x128xf32>
    %mul3A_73 = arith.mulf %logistic3A_61, %slice3A_72 : vector<1024x128xf32>
    %add3A_74 = arith.addf %slice3A_71, %mul3A_73 : vector<1024x128xf32>
    %tanh3A = math.tanh %add3A_74 : vector<1024x128xf32>
    %sub3A = arith.constant 1.000000e+00 : f32
    %sub3A_75 = vector.broadcast %sub3A : f32 to vector<1024x128xf32>
    %sub3A_76 = arith.subf %sub3A_75, %logistic3A_70 : vector<1024x128xf32>
    %mul3A_77 = arith.mulf %sub3A_76, %tanh3A : vector<1024x128xf32>
    %mul3A_78 = arith.mulf %logistic3A_70, %get3A_35 : vector<1024x128xf32>
    %add3A_79 = arith.addf %mul3A_77, %mul3A_78 : vector<1024x128xf32>
    %swap3A = arith.constant 0 : index
    %swap3A_80 = arith.constant 0 : index
    %swap3A_81 = vector.load %arg11[%swap3A, %swap3A_80] : memref<1024x128xf32, #tpu.memory_space<vmem>>, vector<1024x128xf32>
    tpu.vector_store %arg11[%swap3A, %swap3A_80], %add3A_79 {strides = array<i32>} : memref<1024x128xf32, #tpu.memory_space<vmem>>, vector<1024x128xf32>,
    %broadcast_in_dim3A_82 = vector.shape_cast %rsqrt3A : vector<1024xf32> to vector<1024x1xf32>
    %get3A_83 = arith.constant 0 : index
    %get3A_84 = arith.constant 0 : index
    %get3A_85 = vector.load %arg10[%get3A_83, %get3A_84] : memref<128x128xf32, #tpu.memory_space<vmem>>, vector<128x128xf32>
    %dot_general3A_86 = arith.constant dense<0.000000e+00> : vector<1024x128xf32>
    %dot_general3A_87 = tpu.matmul %add3A_79, %get3A_85, %dot_general3A_86 {dimension_numbers = #tpu.dot_dimension_numbers<[1], [1], [0], [0], [0, 0, 1, 0], [], []>, transpose_lhs_hint = false} : vector<1024x128xf32>, vector<128x128xf32>, vector<1024x128xf32> -> vector<1024x128xf32>
    %mul3A_88 = vector.broadcast %broadcast_in_dim3A_82 : vector<1024x1xf32> to vector<1024x128xf32>
    %mul3A_89 = arith.mulf %mul3A_88, %dot_general3A_87 : vector<1024x128xf32>
    %swap3A_90 = arith.constant 0 : index
    %swap3A_91 = arith.constant 0 : index
    %swap3A_92 = vector.load %arg12[%swap3A_90, %swap3A_91] : memref<1024x128xf32, #tpu.memory_space<vmem>>, vector<1024x128xf32>
    tpu.vector_store %arg12[%swap3A_90, %swap3A_91], %mul3A_89 {strides = array<i32>} : memref<1024x128xf32, #tpu.memory_space<vmem>>, vector<1024x128xf32>,
    return
  }
  func.func @transform_0(%arg0: i32) -> (i32, i32, i32) {
    %c0_i32 = arith.constant 0 : i32
    %c0_i32_0 = arith.constant 0 : i32
    %c0_i32_1 = arith.constant 0 : i32
    return %c0_i32, %arg0, %c0_i32_0 : i32, i32, i32
  }
  func.func @transform_1(%arg0: i32) -> (i32, i32) {
    %c0_i32 = arith.constant 0 : i32
    %c0_i32_0 = arith.constant 0 : i32
    return %arg0, %c0_i32 : i32, i32
  }
  func.func @transform_2(%arg0: i32) -> (i32, i32) {
    %c0_i32 = arith.constant 0 : i32
    %c0_i32_0 = arith.constant 0 : i32
    return %arg0, %c0_i32 : i32, i32
  }
  func.func @transform_3(%arg0: i32) -> (i32, i32) {
    %c0_i32 = arith.constant 0 : i32
    %c0_i32_0 = arith.constant 0 : i32
    return %c0_i32, %arg0 : i32, i32
  }
  func.func @transform_4(%arg0: i32) -> i32 {
    %c0_i32 = arith.constant 0 : i32
    %c0_i32_0 = arith.constant 0 : i32
    return %c0_i32 : i32
  }
  func.func @transform_5(%arg0: i32) -> (i32, i32) {
    %c0_i32 = arith.constant 0 : i32
    %c0_i32_0 = arith.constant 0 : i32
    %c0_i32_1 = arith.constant 0 : i32
    return %c0_i32, %c0_i32_0 : i32, i32
  }
  func.func @transform_6(%arg0: i32) -> (i32, i32) {
    %c0_i32 = arith.constant 0 : i32
    %c0_i32_0 = arith.constant 0 : i32
    %c0_i32_1 = arith.constant 0 : i32
    return %c0_i32, %c0_i32_0 : i32, i32
  }
  func.func @transform_7(%arg0: i32) -> i32 {
    %c0_i32 = arith.constant 0 : i32
    %c0_i32_0 = arith.constant 0 : i32
    return %c0_i32 : i32
  }
  func.func @transform_8(%arg0: i32) -> i32 {
    %c0_i32 = arith.constant 0 : i32
    %c0_i32_0 = arith.constant 0 : i32
    return %c0_i32 : i32
  }
  func.func @transform_9(%arg0: i32) -> (i32, i32) {
    %c0_i32 = arith.constant 0 : i32
    %c0_i32_0 = arith.constant 0 : i32
    %c0_i32_1 = arith.constant 0 : i32
    return %c0_i32, %c0_i32_0 : i32, i32
  }
  func.func @transform_10(%arg0: i32) -> (i32, i32) {
    %c0_i32 = arith.constant 0 : i32
    %c0_i32_0 = arith.constant 0 : i32
    return %arg0, %c0_i32 : i32, i32
  }
  func.func @transform_11(%arg0: i32) -> (i32, i32) {
    %c0_i32 = arith.constant 0 : i32
    %c0_i32_0 = arith.constant 0 : i32
    return %arg0, %c0_i32 : i32, i32
  }
}

module attributes {stable_mosaic.version = 14 : i64} {
  func.func @_tc_set2set_body(%arg0: memref<10000x128xf32, #tpu.memory_space<vmem>>, %arg1: memref<10000x1xi32, #tpu.memory_space<vmem>>, %arg2: memref<512x256xf32, #tpu.memory_space<vmem>>, %arg3: memref<512x128xf32, #tpu.memory_space<vmem>>, %arg4: memref<512xf32, #tpu.memory_space<vmem>>, %arg5: memref<512xf32, #tpu.memory_space<vmem>>, %arg6: memref<64x256xf32, #tpu.memory_space<vmem>>) attributes {dimension_semantics = [], scalar_prefetch = 0 : i64, scratch_operands = 0 : i64, tpu.core_type = #tpu.core_type<tc>} {
    %get3A = arith.constant 0 : index
    %get3A_0 = arith.constant 0 : index
    %get3A_1 = vector.load %arg0[%get3A, %get3A_0] : memref<10000x128xf32, #tpu.memory_space<vmem>>, vector<10000x128xf32>
    %get3A_2 = arith.constant 0 : index
    %get3A_3 = arith.constant 0 : index
    %get3A_4 = vector.load %arg1[%get3A_2, %get3A_3] : memref<10000x1xi32, #tpu.memory_space<vmem>>, vector<10000x1xi32>
    %iota3A = tpu.iota {dimensions = array<i32: 1>} : vector<10000x64xi32>
    %eq3A = vector.broadcast %get3A_4 : vector<10000x1xi32> to vector<10000x64xi32>
    %eq3A_5 = arith.cmpi eq, %eq3A, %iota3A : vector<10000x64xi32>
    %convert_element_type3A = arith.extui %eq3A_5 : vector<10000x64xi1> to vector<10000x64xi32>
    %convert_element_type3A_6 = arith.sitofp %convert_element_type3A : vector<10000x64xi32> to vector<10000x64xf32>
    %broadcast_in_dim3A = arith.constant 0.000000e+00 : f32
    %broadcast_in_dim3A_7 = vector.broadcast %broadcast_in_dim3A : f32 to vector<64x128xf32>
    %broadcast_in_dim3A_8 = arith.constant 0.000000e+00 : f32
    %broadcast_in_dim3A_9 = vector.broadcast %broadcast_in_dim3A_8 : f32 to vector<64x128xf32>
    %broadcast_in_dim3A_10 = arith.constant 0.000000e+00 : f32
    %broadcast_in_dim3A_11 = vector.broadcast %broadcast_in_dim3A_10 : f32 to vector<64x256xf32>
    %get3A_12 = arith.constant 0 : index
    %get3A_13 = arith.constant 0 : index
    %get3A_14 = vector.load %arg2[%get3A_12, %get3A_13] : memref<512x256xf32, #tpu.memory_space<vmem>>, vector<512x256xf32>
    %dot_general3A = arith.constant dense<0.000000e+00> : vector<64x512xf32>
    %dot_general3A_15 = tpu.matmul %broadcast_in_dim3A_11, %get3A_14, %dot_general3A {dimension_numbers = #tpu.dot_dimension_numbers<[1], [1], [0], [0], [0, 0, 1, 0], [], []>, transpose_lhs_hint = false} : vector<64x256xf32>, vector<512x256xf32>, vector<64x512xf32> -> vector<64x512xf32>
    %get3A_16 = arith.constant 0 : index
    %get3A_17 = vector.load %arg4[%get3A_16] : memref<512xf32, #tpu.memory_space<vmem>>, vector<512xf32>
    %broadcast_in_dim3A_18 = vector.shape_cast %get3A_17 : vector<512xf32> to vector<1x512xf32>
    %add3A = vector.broadcast %broadcast_in_dim3A_18 : vector<1x512xf32> to vector<64x512xf32>
    %add3A_19 = arith.addf %dot_general3A_15, %add3A : vector<64x512xf32>
    %get3A_20 = arith.constant 0 : index
    %get3A_21 = arith.constant 0 : index
    %get3A_22 = vector.load %arg3[%get3A_20, %get3A_21] : memref<512x128xf32, #tpu.memory_space<vmem>>, vector<512x128xf32>
    %dot_general3A_23 = arith.constant dense<0.000000e+00> : vector<64x512xf32>
    %dot_general3A_24 = tpu.matmul %broadcast_in_dim3A_7, %get3A_22, %dot_general3A_23 {dimension_numbers = #tpu.dot_dimension_numbers<[1], [1], [0], [0], [0, 0, 1, 0], [], []>, transpose_lhs_hint = false} : vector<64x128xf32>, vector<512x128xf32>, vector<64x512xf32> -> vector<64x512xf32>
    %add3A_25 = arith.addf %add3A_19, %dot_general3A_24 : vector<64x512xf32>
    %get3A_26 = arith.constant 0 : index
    %get3A_27 = vector.load %arg5[%get3A_26] : memref<512xf32, #tpu.memory_space<vmem>>, vector<512xf32>
    %broadcast_in_dim3A_28 = vector.shape_cast %get3A_27 : vector<512xf32> to vector<1x512xf32>
    %add3A_29 = vector.broadcast %broadcast_in_dim3A_28 : vector<1x512xf32> to vector<64x512xf32>
    %add3A_30 = arith.addf %add3A_25, %add3A_29 : vector<64x512xf32>
    %slice3A = vector.extract_strided_slice %add3A_30 {offsets = [0, 0], sizes = [64, 128], strides = [1, 1]} : vector<64x512xf32> to vector<64x128xf32>
    %slice3A_31 = vector.extract_strided_slice %add3A_30 {offsets = [0, 128], sizes = [64, 128], strides = [1, 1]} : vector<64x512xf32> to vector<64x128xf32>
    %slice3A_32 = vector.extract_strided_slice %add3A_30 {offsets = [0, 256], sizes = [64, 128], strides = [1, 1]} : vector<64x512xf32> to vector<64x128xf32>
    %slice3A_33 = vector.extract_strided_slice %add3A_30 {offsets = [0, 384], sizes = [64, 128], strides = [1, 1]} : vector<64x512xf32> to vector<64x128xf32>
    %logistic3A = arith.negf %slice3A_31 : vector<64x128xf32>
    %logistic3A_34 = math.exp %logistic3A : vector<64x128xf32>
    %logistic3A_35 = arith.constant 1.000000e+00 : f32
    %logistic3A_36 = vector.broadcast %logistic3A_35 : f32 to vector<64x128xf32>
    %logistic3A_37 = arith.addf %logistic3A_36, %logistic3A_34 : vector<64x128xf32>
    %logistic3A_38 = arith.divf %logistic3A_36, %logistic3A_37 : vector<64x128xf32>
    %mul3A = arith.mulf %logistic3A_38, %broadcast_in_dim3A_9 : vector<64x128xf32>
    %logistic3A_39 = arith.negf %slice3A : vector<64x128xf32>
    %logistic3A_40 = math.exp %logistic3A_39 : vector<64x128xf32>
    %logistic3A_41 = arith.constant 1.000000e+00 : f32
    %logistic3A_42 = vector.broadcast %logistic3A_41 : f32 to vector<64x128xf32>
    %logistic3A_43 = arith.addf %logistic3A_42, %logistic3A_40 : vector<64x128xf32>
    %logistic3A_44 = arith.divf %logistic3A_42, %logistic3A_43 : vector<64x128xf32>
    %tanh3A = math.tanh %slice3A_32 : vector<64x128xf32>
    %mul3A_45 = arith.mulf %logistic3A_44, %tanh3A : vector<64x128xf32>
    %add3A_46 = arith.addf %mul3A, %mul3A_45 : vector<64x128xf32>
    %logistic3A_47 = arith.negf %slice3A_33 : vector<64x128xf32>
    %logistic3A_48 = math.exp %logistic3A_47 : vector<64x128xf32>
    %logistic3A_49 = arith.constant 1.000000e+00 : f32
    %logistic3A_50 = vector.broadcast %logistic3A_49 : f32 to vector<64x128xf32>
    %logistic3A_51 = arith.addf %logistic3A_50, %logistic3A_48 : vector<64x128xf32>
    %logistic3A_52 = arith.divf %logistic3A_50, %logistic3A_51 : vector<64x128xf32>
    %tanh3A_53 = math.tanh %add3A_46 : vector<64x128xf32>
    %mul3A_54 = arith.mulf %logistic3A_52, %tanh3A_53 : vector<64x128xf32>
    %dot_general3A_55 = arith.constant dense<0.000000e+00> : vector<10000x128xf32>
    %dot_general3A_56 = tpu.matmul %convert_element_type3A_6, %mul3A_54, %dot_general3A_55 {dimension_numbers = #tpu.dot_dimension_numbers<[1], [0], [0], [1], [0, 0, 1, 1], [], []>, transpose_lhs_hint = false} : vector<10000x64xf32>, vector<64x128xf32>, vector<10000x128xf32> -> vector<10000x128xf32>
    %mul3A_57 = arith.mulf %get3A_1, %dot_general3A_56 : vector<10000x128xf32>
    %reduce_sum3A = arith.constant dense<0.000000e+00> : vector<10000xf32>
    %reduce_sum3A_58 = vector.multi_reduction <add>, %mul3A_57, %reduce_sum3A [1] : vector<10000x128xf32> to vector<10000xf32>
    %broadcast_in_dim3A_59 = vector.shape_cast %reduce_sum3A_58 : vector<10000xf32> to vector<10000x1xf32>
    %gt3A = arith.constant 5.000000e-01 : f32
    %gt3A_60 = vector.broadcast %gt3A : f32 to vector<10000x64xf32>
    %gt3A_61 = arith.cmpf ogt, %convert_element_type3A_6, %gt3A_60 : vector<10000x64xf32>
    %jit3A = arith.constant -1.000000e+30 : f32
    %broadcast_in_dim3A_62 = vector.shape_cast %broadcast_in_dim3A_59 : vector<10000x1xf32> to vector<10000x1xf32>
    %broadcast_in_dim3A_63 = vector.broadcast %broadcast_in_dim3A_62 : vector<10000x1xf32> to vector<10000x64xf32>
    %broadcast_in_dim3A_64 = vector.broadcast %jit3A : f32 to vector<10000x64xf32>
    %select_n3A = arith.select %gt3A_61, %broadcast_in_dim3A_63, %broadcast_in_dim3A_64 : vector<10000x64xi1>, vector<10000x64xf32>
    %reduce_max3A = arith.constant dense<0xFF800000> : vector<64xf32>
    %reduce_max3A_65 = vector.multi_reduction <maximumf>, %select_n3A, %reduce_max3A [0] : vector<10000x64xf32> to vector<64xf32>
    %broadcast_in_dim3A_66 = vector.shape_cast %reduce_max3A_65 : vector<64xf32> to vector<1x64xf32>
    %dot_general3A_67 = arith.constant dense<0.000000e+00> : vector<10000x1xf32>
    %dot_general3A_68 = tpu.matmul %convert_element_type3A_6, %broadcast_in_dim3A_66, %dot_general3A_67 {dimension_numbers = #tpu.dot_dimension_numbers<[1], [1], [0], [0], [0, 0, 1, 0], [], []>, transpose_lhs_hint = false} : vector<10000x64xf32>, vector<1x64xf32>, vector<10000x1xf32> -> vector<10000x1xf32>
    %sub3A = arith.subf %broadcast_in_dim3A_59, %dot_general3A_68 : vector<10000x1xf32>
    %exp3A = math.exp %sub3A : vector<10000x1xf32>
    %dot_general3A_69 = arith.constant dense<0.000000e+00> : vector<64x1xf32>
    %dot_general3A_70 = tpu.matmul %convert_element_type3A_6, %exp3A, %dot_general3A_69 {dimension_numbers = #tpu.dot_dimension_numbers<[0], [0], [1], [1], [0, 1, 1, 1], [], []>, transpose_lhs_hint = false} : vector<10000x64xf32>, vector<10000x1xf32>, vector<64x1xf32> -> vector<64x1xf32>
    %dot_general3A_71 = arith.constant dense<0.000000e+00> : vector<10000x1xf32>
    %dot_general3A_72 = tpu.matmul %convert_element_type3A_6, %dot_general3A_70, %dot_general3A_71 {dimension_numbers = #tpu.dot_dimension_numbers<[1], [0], [0], [1], [0, 0, 1, 1], [], []>, transpose_lhs_hint = false} : vector<10000x64xf32>, vector<64x1xf32>, vector<10000x1xf32> -> vector<10000x1xf32>
    %add3A_73 = arith.constant 1.000000e-16 : f32
    %add3A_74 = vector.broadcast %add3A_73 : f32 to vector<10000x1xf32>
    %add3A_75 = arith.addf %dot_general3A_72, %add3A_74 : vector<10000x1xf32>
    %div3A = arith.divf %exp3A, %add3A_75 : vector<10000x1xf32>
    %mul3A_76 = vector.broadcast %div3A : vector<10000x1xf32> to vector<10000x128xf32>
    %mul3A_77 = arith.mulf %mul3A_76, %get3A_1 : vector<10000x128xf32>
    %dot_general3A_78 = arith.constant dense<0.000000e+00> : vector<64x128xf32>
    %dot_general3A_79 = tpu.matmul %convert_element_type3A_6, %mul3A_77, %dot_general3A_78 {dimension_numbers = #tpu.dot_dimension_numbers<[0], [0], [1], [1], [0, 1, 1, 1], [], []>, transpose_lhs_hint = false} : vector<10000x64xf32>, vector<10000x128xf32>, vector<64x128xf32> -> vector<64x128xf32>
    %concatenate3A = tpu.concatenate %mul3A_54, %dot_general3A_79 in 1 : vector<64x128xf32>, vector<64x128xf32> -> vector<64x256xf32>
    %get3A_80 = arith.constant 0 : index
    %get3A_81 = arith.constant 0 : index
    %get3A_82 = vector.load %arg2[%get3A_80, %get3A_81] : memref<512x256xf32, #tpu.memory_space<vmem>>, vector<512x256xf32>
    %dot_general3A_83 = arith.constant dense<0.000000e+00> : vector<64x512xf32>
    %dot_general3A_84 = tpu.matmul %concatenate3A, %get3A_82, %dot_general3A_83 {dimension_numbers = #tpu.dot_dimension_numbers<[1], [1], [0], [0], [0, 0, 1, 0], [], []>, transpose_lhs_hint = false} : vector<64x256xf32>, vector<512x256xf32>, vector<64x512xf32> -> vector<64x512xf32>
    %get3A_85 = arith.constant 0 : index
    %get3A_86 = vector.load %arg4[%get3A_85] : memref<512xf32, #tpu.memory_space<vmem>>, vector<512xf32>
    %broadcast_in_dim3A_87 = vector.shape_cast %get3A_86 : vector<512xf32> to vector<1x512xf32>
    %add3A_88 = vector.broadcast %broadcast_in_dim3A_87 : vector<1x512xf32> to vector<64x512xf32>
    %add3A_89 = arith.addf %dot_general3A_84, %add3A_88 : vector<64x512xf32>
    %get3A_90 = arith.constant 0 : index
    %get3A_91 = arith.constant 0 : index
    %get3A_92 = vector.load %arg3[%get3A_90, %get3A_91] : memref<512x128xf32, #tpu.memory_space<vmem>>, vector<512x128xf32>
    %dot_general3A_93 = arith.constant dense<0.000000e+00> : vector<64x512xf32>
    %dot_general3A_94 = tpu.matmul %mul3A_54, %get3A_92, %dot_general3A_93 {dimension_numbers = #tpu.dot_dimension_numbers<[1], [1], [0], [0], [0, 0, 1, 0], [], []>, transpose_lhs_hint = false} : vector<64x128xf32>, vector<512x128xf32>, vector<64x512xf32> -> vector<64x512xf32>
    %add3A_95 = arith.addf %add3A_89, %dot_general3A_94 : vector<64x512xf32>
    %get3A_96 = arith.constant 0 : index
    %get3A_97 = vector.load %arg5[%get3A_96] : memref<512xf32, #tpu.memory_space<vmem>>, vector<512xf32>
    %broadcast_in_dim3A_98 = vector.shape_cast %get3A_97 : vector<512xf32> to vector<1x512xf32>
    %add3A_99 = vector.broadcast %broadcast_in_dim3A_98 : vector<1x512xf32> to vector<64x512xf32>
    %add3A_100 = arith.addf %add3A_95, %add3A_99 : vector<64x512xf32>
    %slice3A_101 = vector.extract_strided_slice %add3A_100 {offsets = [0, 0], sizes = [64, 128], strides = [1, 1]} : vector<64x512xf32> to vector<64x128xf32>
    %slice3A_102 = vector.extract_strided_slice %add3A_100 {offsets = [0, 128], sizes = [64, 128], strides = [1, 1]} : vector<64x512xf32> to vector<64x128xf32>
    %slice3A_103 = vector.extract_strided_slice %add3A_100 {offsets = [0, 256], sizes = [64, 128], strides = [1, 1]} : vector<64x512xf32> to vector<64x128xf32>
    %slice3A_104 = vector.extract_strided_slice %add3A_100 {offsets = [0, 384], sizes = [64, 128], strides = [1, 1]} : vector<64x512xf32> to vector<64x128xf32>
    %logistic3A_105 = arith.negf %slice3A_102 : vector<64x128xf32>
    %logistic3A_106 = math.exp %logistic3A_105 : vector<64x128xf32>
    %logistic3A_107 = arith.constant 1.000000e+00 : f32
    %logistic3A_108 = vector.broadcast %logistic3A_107 : f32 to vector<64x128xf32>
    %logistic3A_109 = arith.addf %logistic3A_108, %logistic3A_106 : vector<64x128xf32>
    %logistic3A_110 = arith.divf %logistic3A_108, %logistic3A_109 : vector<64x128xf32>
    %mul3A_111 = arith.mulf %logistic3A_110, %add3A_46 : vector<64x128xf32>
    %logistic3A_112 = arith.negf %slice3A_101 : vector<64x128xf32>
    %logistic3A_113 = math.exp %logistic3A_112 : vector<64x128xf32>
    %logistic3A_114 = arith.constant 1.000000e+00 : f32
    %logistic3A_115 = vector.broadcast %logistic3A_114 : f32 to vector<64x128xf32>
    %logistic3A_116 = arith.addf %logistic3A_115, %logistic3A_113 : vector<64x128xf32>
    %logistic3A_117 = arith.divf %logistic3A_115, %logistic3A_116 : vector<64x128xf32>
    %tanh3A_118 = math.tanh %slice3A_103 : vector<64x128xf32>
    %mul3A_119 = arith.mulf %logistic3A_117, %tanh3A_118 : vector<64x128xf32>
    %add3A_120 = arith.addf %mul3A_111, %mul3A_119 : vector<64x128xf32>
    %logistic3A_121 = arith.negf %slice3A_104 : vector<64x128xf32>
    %logistic3A_122 = math.exp %logistic3A_121 : vector<64x128xf32>
    %logistic3A_123 = arith.constant 1.000000e+00 : f32
    %logistic3A_124 = vector.broadcast %logistic3A_123 : f32 to vector<64x128xf32>
    %logistic3A_125 = arith.addf %logistic3A_124, %logistic3A_122 : vector<64x128xf32>
    %logistic3A_126 = arith.divf %logistic3A_124, %logistic3A_125 : vector<64x128xf32>
    %tanh3A_127 = math.tanh %add3A_120 : vector<64x128xf32>
    %mul3A_128 = arith.mulf %logistic3A_126, %tanh3A_127 : vector<64x128xf32>
    %dot_general3A_129 = arith.constant dense<0.000000e+00> : vector<10000x128xf32>
    %dot_general3A_130 = tpu.matmul %convert_element_type3A_6, %mul3A_128, %dot_general3A_129 {dimension_numbers = #tpu.dot_dimension_numbers<[1], [0], [0], [1], [0, 0, 1, 1], [], []>, transpose_lhs_hint = false} : vector<10000x64xf32>, vector<64x128xf32>, vector<10000x128xf32> -> vector<10000x128xf32>
    %mul3A_131 = arith.mulf %get3A_1, %dot_general3A_130 : vector<10000x128xf32>
    %reduce_sum3A_132 = arith.constant dense<0.000000e+00> : vector<10000xf32>
    %reduce_sum3A_133 = vector.multi_reduction <add>, %mul3A_131, %reduce_sum3A_132 [1] : vector<10000x128xf32> to vector<10000xf32>
    %broadcast_in_dim3A_134 = vector.shape_cast %reduce_sum3A_133 : vector<10000xf32> to vector<10000x1xf32>
    %gt3A_135 = arith.constant 5.000000e-01 : f32
    %gt3A_136 = vector.broadcast %gt3A_135 : f32 to vector<10000x64xf32>
    %gt3A_137 = arith.cmpf ogt, %convert_element_type3A_6, %gt3A_136 : vector<10000x64xf32>
    %jit3A_138 = arith.constant -1.000000e+30 : f32
    %broadcast_in_dim3A_139 = vector.shape_cast %broadcast_in_dim3A_134 : vector<10000x1xf32> to vector<10000x1xf32>
    %broadcast_in_dim3A_140 = vector.broadcast %broadcast_in_dim3A_139 : vector<10000x1xf32> to vector<10000x64xf32>
    %broadcast_in_dim3A_141 = vector.broadcast %jit3A_138 : f32 to vector<10000x64xf32>
    %select_n3A_142 = arith.select %gt3A_137, %broadcast_in_dim3A_140, %broadcast_in_dim3A_141 : vector<10000x64xi1>, vector<10000x64xf32>
    %reduce_max3A_143 = arith.constant dense<0xFF800000> : vector<64xf32>
    %reduce_max3A_144 = vector.multi_reduction <maximumf>, %select_n3A_142, %reduce_max3A_143 [0] : vector<10000x64xf32> to vector<64xf32>
    %broadcast_in_dim3A_145 = vector.shape_cast %reduce_max3A_144 : vector<64xf32> to vector<1x64xf32>
    %dot_general3A_146 = arith.constant dense<0.000000e+00> : vector<10000x1xf32>
    %dot_general3A_147 = tpu.matmul %convert_element_type3A_6, %broadcast_in_dim3A_145, %dot_general3A_146 {dimension_numbers = #tpu.dot_dimension_numbers<[1], [1], [0], [0], [0, 0, 1, 0], [], []>, transpose_lhs_hint = false} : vector<10000x64xf32>, vector<1x64xf32>, vector<10000x1xf32> -> vector<10000x1xf32>
    %sub3A_148 = arith.subf %broadcast_in_dim3A_134, %dot_general3A_147 : vector<10000x1xf32>
    %exp3A_149 = math.exp %sub3A_148 : vector<10000x1xf32>
    %dot_general3A_150 = arith.constant dense<0.000000e+00> : vector<64x1xf32>
    %dot_general3A_151 = tpu.matmul %convert_element_type3A_6, %exp3A_149, %dot_general3A_150 {dimension_numbers = #tpu.dot_dimension_numbers<[0], [0], [1], [1], [0, 1, 1, 1], [], []>, transpose_lhs_hint = false} : vector<10000x64xf32>, vector<10000x1xf32>, vector<64x1xf32> -> vector<64x1xf32>
    %dot_general3A_152 = arith.constant dense<0.000000e+00> : vector<10000x1xf32>
    %dot_general3A_153 = tpu.matmul %convert_element_type3A_6, %dot_general3A_151, %dot_general3A_152 {dimension_numbers = #tpu.dot_dimension_numbers<[1], [0], [0], [1], [0, 0, 1, 1], [], []>, transpose_lhs_hint = false} : vector<10000x64xf32>, vector<64x1xf32>, vector<10000x1xf32> -> vector<10000x1xf32>
    %add3A_154 = arith.constant 1.000000e-16 : f32
    %add3A_155 = vector.broadcast %add3A_154 : f32 to vector<10000x1xf32>
    %add3A_156 = arith.addf %dot_general3A_153, %add3A_155 : vector<10000x1xf32>
    %div3A_157 = arith.divf %exp3A_149, %add3A_156 : vector<10000x1xf32>
    %mul3A_158 = vector.broadcast %div3A_157 : vector<10000x1xf32> to vector<10000x128xf32>
    %mul3A_159 = arith.mulf %mul3A_158, %get3A_1 : vector<10000x128xf32>
    %dot_general3A_160 = arith.constant dense<0.000000e+00> : vector<64x128xf32>
    %dot_general3A_161 = tpu.matmul %convert_element_type3A_6, %mul3A_159, %dot_general3A_160 {dimension_numbers = #tpu.dot_dimension_numbers<[0], [0], [1], [1], [0, 1, 1, 1], [], []>, transpose_lhs_hint = false} : vector<10000x64xf32>, vector<10000x128xf32>, vector<64x128xf32> -> vector<64x128xf32>
    %concatenate3A_162 = tpu.concatenate %mul3A_128, %dot_general3A_161 in 1 : vector<64x128xf32>, vector<64x128xf32> -> vector<64x256xf32>
    %get3A_163 = arith.constant 0 : index
    %get3A_164 = arith.constant 0 : index
    %get3A_165 = vector.load %arg2[%get3A_163, %get3A_164] : memref<512x256xf32, #tpu.memory_space<vmem>>, vector<512x256xf32>
    %dot_general3A_166 = arith.constant dense<0.000000e+00> : vector<64x512xf32>
    %dot_general3A_167 = tpu.matmul %concatenate3A_162, %get3A_165, %dot_general3A_166 {dimension_numbers = #tpu.dot_dimension_numbers<[1], [1], [0], [0], [0, 0, 1, 0], [], []>, transpose_lhs_hint = false} : vector<64x256xf32>, vector<512x256xf32>, vector<64x512xf32> -> vector<64x512xf32>
    %get3A_168 = arith.constant 0 : index
    %get3A_169 = vector.load %arg4[%get3A_168] : memref<512xf32, #tpu.memory_space<vmem>>, vector<512xf32>
    %broadcast_in_dim3A_170 = vector.shape_cast %get3A_169 : vector<512xf32> to vector<1x512xf32>
    %add3A_171 = vector.broadcast %broadcast_in_dim3A_170 : vector<1x512xf32> to vector<64x512xf32>
    %add3A_172 = arith.addf %dot_general3A_167, %add3A_171 : vector<64x512xf32>
    %get3A_173 = arith.constant 0 : index
    %get3A_174 = arith.constant 0 : index
    %get3A_175 = vector.load %arg3[%get3A_173, %get3A_174] : memref<512x128xf32, #tpu.memory_space<vmem>>, vector<512x128xf32>
    %dot_general3A_176 = arith.constant dense<0.000000e+00> : vector<64x512xf32>
    %dot_general3A_177 = tpu.matmul %mul3A_128, %get3A_175, %dot_general3A_176 {dimension_numbers = #tpu.dot_dimension_numbers<[1], [1], [0], [0], [0, 0, 1, 0], [], []>, transpose_lhs_hint = false} : vector<64x128xf32>, vector<512x128xf32>, vector<64x512xf32> -> vector<64x512xf32>
    %add3A_178 = arith.addf %add3A_172, %dot_general3A_177 : vector<64x512xf32>
    %get3A_179 = arith.constant 0 : index
    %get3A_180 = vector.load %arg5[%get3A_179] : memref<512xf32, #tpu.memory_space<vmem>>, vector<512xf32>
    %broadcast_in_dim3A_181 = vector.shape_cast %get3A_180 : vector<512xf32> to vector<1x512xf32>
    %add3A_182 = vector.broadcast %broadcast_in_dim3A_181 : vector<1x512xf32> to vector<64x512xf32>
    %add3A_183 = arith.addf %add3A_178, %add3A_182 : vector<64x512xf32>
    %slice3A_184 = vector.extract_strided_slice %add3A_183 {offsets = [0, 0], sizes = [64, 128], strides = [1, 1]} : vector<64x512xf32> to vector<64x128xf32>
    %slice3A_185 = vector.extract_strided_slice %add3A_183 {offsets = [0, 128], sizes = [64, 128], strides = [1, 1]} : vector<64x512xf32> to vector<64x128xf32>
    %slice3A_186 = vector.extract_strided_slice %add3A_183 {offsets = [0, 256], sizes = [64, 128], strides = [1, 1]} : vector<64x512xf32> to vector<64x128xf32>
    %slice3A_187 = vector.extract_strided_slice %add3A_183 {offsets = [0, 384], sizes = [64, 128], strides = [1, 1]} : vector<64x512xf32> to vector<64x128xf32>
    %logistic3A_188 = arith.negf %slice3A_185 : vector<64x128xf32>
    %logistic3A_189 = math.exp %logistic3A_188 : vector<64x128xf32>
    %logistic3A_190 = arith.constant 1.000000e+00 : f32
    %logistic3A_191 = vector.broadcast %logistic3A_190 : f32 to vector<64x128xf32>
    %logistic3A_192 = arith.addf %logistic3A_191, %logistic3A_189 : vector<64x128xf32>
    %logistic3A_193 = arith.divf %logistic3A_191, %logistic3A_192 : vector<64x128xf32>
    %mul3A_194 = arith.mulf %logistic3A_193, %add3A_120 : vector<64x128xf32>
    %logistic3A_195 = arith.negf %slice3A_184 : vector<64x128xf32>
    %logistic3A_196 = math.exp %logistic3A_195 : vector<64x128xf32>
    %logistic3A_197 = arith.constant 1.000000e+00 : f32
    %logistic3A_198 = vector.broadcast %logistic3A_197 : f32 to vector<64x128xf32>
    %logistic3A_199 = arith.addf %logistic3A_198, %logistic3A_196 : vector<64x128xf32>
    %logistic3A_200 = arith.divf %logistic3A_198, %logistic3A_199 : vector<64x128xf32>
    %tanh3A_201 = math.tanh %slice3A_186 : vector<64x128xf32>
    %mul3A_202 = arith.mulf %logistic3A_200, %tanh3A_201 : vector<64x128xf32>
    %add3A_203 = arith.addf %mul3A_194, %mul3A_202 : vector<64x128xf32>
    %logistic3A_204 = arith.negf %slice3A_187 : vector<64x128xf32>
    %logistic3A_205 = math.exp %logistic3A_204 : vector<64x128xf32>
    %logistic3A_206 = arith.constant 1.000000e+00 : f32
    %logistic3A_207 = vector.broadcast %logistic3A_206 : f32 to vector<64x128xf32>
    %logistic3A_208 = arith.addf %logistic3A_207, %logistic3A_205 : vector<64x128xf32>
    %logistic3A_209 = arith.divf %logistic3A_207, %logistic3A_208 : vector<64x128xf32>
    %tanh3A_210 = math.tanh %add3A_203 : vector<64x128xf32>
    %mul3A_211 = arith.mulf %logistic3A_209, %tanh3A_210 : vector<64x128xf32>
    %dot_general3A_212 = arith.constant dense<0.000000e+00> : vector<10000x128xf32>
    %dot_general3A_213 = tpu.matmul %convert_element_type3A_6, %mul3A_211, %dot_general3A_212 {dimension_numbers = #tpu.dot_dimension_numbers<[1], [0], [0], [1], [0, 0, 1, 1], [], []>, transpose_lhs_hint = false} : vector<10000x64xf32>, vector<64x128xf32>, vector<10000x128xf32> -> vector<10000x128xf32>
    %mul3A_214 = arith.mulf %get3A_1, %dot_general3A_213 : vector<10000x128xf32>
    %reduce_sum3A_215 = arith.constant dense<0.000000e+00> : vector<10000xf32>
    %reduce_sum3A_216 = vector.multi_reduction <add>, %mul3A_214, %reduce_sum3A_215 [1] : vector<10000x128xf32> to vector<10000xf32>
    %broadcast_in_dim3A_217 = vector.shape_cast %reduce_sum3A_216 : vector<10000xf32> to vector<10000x1xf32>
    %gt3A_218 = arith.constant 5.000000e-01 : f32
    %gt3A_219 = vector.broadcast %gt3A_218 : f32 to vector<10000x64xf32>
    %gt3A_220 = arith.cmpf ogt, %convert_element_type3A_6, %gt3A_219 : vector<10000x64xf32>
    %jit3A_221 = arith.constant -1.000000e+30 : f32
    %broadcast_in_dim3A_222 = vector.shape_cast %broadcast_in_dim3A_217 : vector<10000x1xf32> to vector<10000x1xf32>
    %broadcast_in_dim3A_223 = vector.broadcast %broadcast_in_dim3A_222 : vector<10000x1xf32> to vector<10000x64xf32>
    %broadcast_in_dim3A_224 = vector.broadcast %jit3A_221 : f32 to vector<10000x64xf32>
    %select_n3A_225 = arith.select %gt3A_220, %broadcast_in_dim3A_223, %broadcast_in_dim3A_224 : vector<10000x64xi1>, vector<10000x64xf32>
    %reduce_max3A_226 = arith.constant dense<0xFF800000> : vector<64xf32>
    %reduce_max3A_227 = vector.multi_reduction <maximumf>, %select_n3A_225, %reduce_max3A_226 [0] : vector<10000x64xf32> to vector<64xf32>
    %broadcast_in_dim3A_228 = vector.shape_cast %reduce_max3A_227 : vector<64xf32> to vector<1x64xf32>
    %dot_general3A_229 = arith.constant dense<0.000000e+00> : vector<10000x1xf32>
    %dot_general3A_230 = tpu.matmul %convert_element_type3A_6, %broadcast_in_dim3A_228, %dot_general3A_229 {dimension_numbers = #tpu.dot_dimension_numbers<[1], [1], [0], [0], [0, 0, 1, 0], [], []>, transpose_lhs_hint = false} : vector<10000x64xf32>, vector<1x64xf32>, vector<10000x1xf32> -> vector<10000x1xf32>
    %sub3A_231 = arith.subf %broadcast_in_dim3A_217, %dot_general3A_230 : vector<10000x1xf32>
    %exp3A_232 = math.exp %sub3A_231 : vector<10000x1xf32>
    %dot_general3A_233 = arith.constant dense<0.000000e+00> : vector<64x1xf32>
    %dot_general3A_234 = tpu.matmul %convert_element_type3A_6, %exp3A_232, %dot_general3A_233 {dimension_numbers = #tpu.dot_dimension_numbers<[0], [0], [1], [1], [0, 1, 1, 1], [], []>, transpose_lhs_hint = false} : vector<10000x64xf32>, vector<10000x1xf32>, vector<64x1xf32> -> vector<64x1xf32>
    %dot_general3A_235 = arith.constant dense<0.000000e+00> : vector<10000x1xf32>
    %dot_general3A_236 = tpu.matmul %convert_element_type3A_6, %dot_general3A_234, %dot_general3A_235 {dimension_numbers = #tpu.dot_dimension_numbers<[1], [0], [0], [1], [0, 0, 1, 1], [], []>, transpose_lhs_hint = false} : vector<10000x64xf32>, vector<64x1xf32>, vector<10000x1xf32> -> vector<10000x1xf32>
    %add3A_237 = arith.constant 1.000000e-16 : f32
    %add3A_238 = vector.broadcast %add3A_237 : f32 to vector<10000x1xf32>
    %add3A_239 = arith.addf %dot_general3A_236, %add3A_238 : vector<10000x1xf32>
    %div3A_240 = arith.divf %exp3A_232, %add3A_239 : vector<10000x1xf32>
    %mul3A_241 = vector.broadcast %div3A_240 : vector<10000x1xf32> to vector<10000x128xf32>
    %mul3A_242 = arith.mulf %mul3A_241, %get3A_1 : vector<10000x128xf32>
    %dot_general3A_243 = arith.constant dense<0.000000e+00> : vector<64x128xf32>
    %dot_general3A_244 = tpu.matmul %convert_element_type3A_6, %mul3A_242, %dot_general3A_243 {dimension_numbers = #tpu.dot_dimension_numbers<[0], [0], [1], [1], [0, 1, 1, 1], [], []>, transpose_lhs_hint = false} : vector<10000x64xf32>, vector<10000x128xf32>, vector<64x128xf32> -> vector<64x128xf32>
    %concatenate3A_245 = tpu.concatenate %mul3A_211, %dot_general3A_244 in 1 : vector<64x128xf32>, vector<64x128xf32> -> vector<64x256xf32>
    %swap3A = arith.constant 0 : index
    %swap3A_246 = arith.constant 0 : index
    %swap3A_247 = vector.load %arg6[%swap3A, %swap3A_246] : memref<64x256xf32, #tpu.memory_space<vmem>>, vector<64x256xf32>
    tpu.vector_store %arg6[%swap3A, %swap3A_246], %concatenate3A_245 {strides = array<i32>} : memref<64x256xf32, #tpu.memory_space<vmem>>, vector<64x256xf32>,
    return
  }
}

</mosaic_0001>

<sc_bundles>
// kernel: kernel.11.cloned.1.call-start
scs
__scs_entry_jumppad:
0x0: {  	(pc) =	sbr.rel $0x88, $3  }
0x1: {  	(tag) =	ssettag $0x0;
	lr =	simm.s32 $0x1  }
0x2: {  	[smem:$0x3F92] =	sst lr;
	_ =	strace $0xD0000000  }
0x3: {  	_ = 	snop  }
0x4: {  	_ = 	snop  }
0x5: {  	_ = 	snop  }
0x6: {  	_ = 	snop  }
0x7: {  	_ = 	snop  }
__scs_overlays_trampoline_lowered:
0x8: {  	[smem:$0x3FA1] =	sst s0  }
0x9: {  	[smem:$0x3FA2] =	sst s1  }
0xa: {  	[smem:$0x3FA3] =	sst s2  }
0xb: {  	[smem:$0x3FA4] =	sst s3  }
0xc: {  	[smem:$0x3FA5] =	sst s4  }
0xd: {  	[smem:$0x3FA6] =	sst s5  }
0xe: {  	[smem:$0x3FA7] =	sst s6  }
0xf: {  	[smem:$0x3FA8] =	sst s7  }
0x10: {  	[smem:$0x3FA9] =	sst s8  }
0x11: {  	[smem:$0x3FAA] =	sst s9;
	s0 =	simm.s32 @!p0 $0x0  }
0x12: {  	s1 =	sld [smem:$0x3F90];
	s0 =	simm.s32 @p0 $0x1  }
0x13: {  	[smem:$0x3FAB] =	sst s0;
	s0 =	simm.s32 @!p1 $0x0  }
0x14: {  	s2 =	sld [smem:$0x3F8F];
	s0 =	simm.s32 @p1 $0x1  }
0x15: {  	[smem:$0x3FAC] =	sst s0;
	s0 =	simm.s32 @!p2 $0x0  }
0x16: {  	s3 =	sld [smem:$0x3FDB];
	s0 =	simm.s32 @p2 $0x1  }
0x17: {  	s4 =	simm.s32 $0x1BF5;
	[smem:$0x3FAE] =	sst s0  }
0x18: {  	s0 =	sld [smem:$0x3F91];
	_ =	swait.ge [sflag:s4], $0x0  }
0x19: {  	s7 =	sld [smem:$0x3F92]  }
0x1a: {  	s8 =	sadd.s32 $0xFFFFE003, lr  }
0x1b: {  	s9 =	sadd.s32 $0xFFFFFEF7, lr;
	s5 =	simm.s32 $0xFFFFFFFF;
	p2 =	slt.u32 s8, $0xFFFFF086  }
0x1c: {  	p1 =	slt.u32 s9, $0xF7A;
	s5 =	simm.s32 @!p2 $0x0  }
0x1d: {  	s5 =	simm.s32 @p1 $0x1;
	p0 =	seq.s32 s7, s2  }
0x1e: {  	s7 =	smul.u32 @!p0 $0xF7A, s2;
	p2 =	seq.s32 @!p0 s5, $0x0  }
0x1f: {  	s9 =	smul.u32 $0xF7A, s1;
	s8 =	simm.s32 @!p0 $0x1BF5;
	p2 =	por !p2, p0  }
0x20: {  	[sflag:s8] =	ssyncset.s32 @!p0 $0xFFFFF086;
	s6 =	sadd.s32 @!p0 s3, s7;
	s7 =	simm.s32 @!p0 $0x108  }
0x21: {  	s3 =	sadd.s32 s3, s9;
	s6 =	sadd.s32 @!p0 $0x88, s6;
	s7 =	simm.s32 @p2 $0x1082  }
0x22: {  	[simem:s7], [sflag:s8] =	dma.local @!p0 [hbm:s6], $0xF7A  }
0x23: {  	s9 =	sor.u32 $0xD0000000, s2;
	s6 =	simm.s32 $0x108;
	_ =	swait.ge @!p0 [sflag:s8], $0x0  }
0x24: {  	s3 =	sadd.s32 $0x88, s3;
	s6 =	simm.s32 @!p1 $0x1082;
	[sflag:s4] =	ssyncset.s32 $0xFFFFF086  }
0x25: {  	[simem:s6], [sflag:s4] =	dma.local [hbm:s3], $0xF7A  }
0x26: {  	[smem:$0x3F92] =	sst s1;
	(tag) =	ssettag s2;
	_ =	strace s9  }
0x27: {  	s1 =	sld [smem:$0x3FA2]  }
0x28: {  	s2 =	sld [smem:$0x3FA3]  }
0x29: {  	s4 =	sld [smem:$0x3FA5]  }
0x2a: {  	p0 =	seq.s32 s5, $0x0;
	s5 =	sld [smem:$0x3FA6]  }
0x2b: {  	s6 =	sld [smem:$0x3FA7]  }
0x2c: {  	s7 =	sld [smem:$0x3FA8]  }
0x2d: {  	s3 =	simm.s32 $0x108;
	s8 =	sld [smem:$0x3FA9]  }
0x2e: {  	s3 =	simm.s32 @!p0 $0x1082;
	s9 =	sld [smem:$0x3FAA]  }
0x2f: {  	lr =	sadd.s32 s0, s3;
	s0 =	sld [smem:$0x3FA1]  }
0x30: {  	s3 =	sld [smem:$0x3FA4]  }
0x31: {  	[smem:$0x3FAD] =	sst s10  }
0x32: {  	s10 =	sld [smem:$0x3FAB];
	_ =	sdelay $0x3  }
0x33: {  	p0 =	seq.s32 s10, $0x1;
	s10 =	sld [smem:$0x3FAD];
	_ =	sdelay $0x3  }
0x34: {  	[smem:$0x3FAD] =	sst s10  }
0x35: {  	s10 =	sld [smem:$0x3FAC];
	_ =	sdelay $0x3  }
0x36: {  	p1 =	seq.s32 s10, $0x1;
	s10 =	sld [smem:$0x3FAD];
	_ =	sdelay $0x3  }
0x37: {  	[smem:$0x3FAD] =	sst s10  }
0x38: {  	s10 =	sld [smem:$0x3FAE]  }
0x39: {  	_ = 	snop;
	(pc) =	sbr.ind lr, $3  }
0x3a: {  	_ = 	snop  }
0x3b: {  	_ = 	snop  }
0x3c: {  	p2 =	seq.s32 s10, $0x1;
	s10 =	sld [smem:$0x3FAD]  }
0x3d: {  	_ =	shalt  }
0x3e: {  	_ =	shalt  }
0x3f: {  	_ =	shalt  }
0x40: {  	_ =	shalt  }
0x41: {  	_ =	shalt  }
0x42: {  	_ =	shalt  }
0x43: {  	_ =	shalt  }
0x44: {  	_ =	shalt  }
0x45: {  	_ =	shalt  }
0x46: {  	_ =	shalt  }
0x47: {  	_ =	shalt  }
0x48: {  	_ =	shalt  }
0x49: {  	_ =	shalt  }
0x4a: {  	_ =	shalt  }
0x4b: {  	_ =	shalt  }
0x4c: {  	_ =	shalt  }
0x4d: {  	_ =	shalt  }
0x4e: {  	_ =	shalt  }
0x4f: {  	_ =	shalt  }
0x50: {  	_ =	shalt  }
0x51: {  	_ =	shalt  }
0x52: {  	_ =	shalt  }
0x53: {  	_ =	shalt  }
0x54: {  	_ =	shalt  }
0x55: {  	_ =	shalt  }
0x56: {  	_ =	shalt  }
0x57: {  	_ =	shalt  }
0x58: {  	_ =	shalt  }
0x59: {  	_ =	shalt  }
0x5a: {  	_ =	shalt  }
0x5b: {  	_ =	shalt  }
0x5c: {  	_ =	shalt  }
0x5d: {  	_ =	shalt  }
0x5e: {  	_ =	shalt  }
0x5f: {  	_ =	shalt  }
0x60: {  	_ =	shalt  }
0x61: {  	_ =	shalt  }
0x62: {  	_ =	shalt  }
0x63: {  	_ =	shalt  }
0x64: {  	_ =	shalt  }
0x65: {  	_ =	shalt  }
0x66: {  	_ =	shalt  }
0x67: {  	_ =	shalt  }
0x68: {  	_ =	shalt  }
0x69: {  	_ =	shalt  }
0x6a: {  	_ =	shalt  }
0x6b: {  	_ =	shalt  }
0x6c: {  	_ =	shalt  }
0x6d: {  	_ =	shalt  }
0x6e: {  	_ =	shalt  }
0x6f: {  	_ =	shalt  }
0x70: {  	_ =	shalt  }
0x71: {  	_ =	shalt  }
0x72: {  	_ =	shalt  }
0x73: {  	_ =	shalt  }
0x74: {  	_ =	shalt  }
0x75: {  	_ =	shalt  }
0x76: {  	_ =	shalt  }
0x77: {  	_ =	shalt  }
0x78: {  	_ =	shalt  }
0x79: {  	_ =	shalt  }
0x7a: {  	_ =	shalt  }
0x7b: {  	_ =	shalt  }
0x7c: {  	_ =	shalt  }
0x7d: {  	_ =	shalt  }
0x7e: {  	_ =	shalt  }
0x7f: {  	_ =	shalt  }
0x80: {  	_ =	shalt  }
0x81: {  	_ =	shalt  }
0x82: {  	_ =	shalt  }
0x83: {  	_ =	shalt  }
0x84: {  	_ =	shalt  }
0x85: {  	_ =	shalt  }
0x86: {  	_ =	shalt  }
0x87: {  	_ =	shalt  }
.Lfunc_end0:
.L_simem_size_0:
called_computation_lowered:
.L_overlay_start_0:
0x88: {  	s2 =	sld [smem:$0x3FD9]  }
0x89: {  	s3 =	sld [smem:$0x3FFE];
	_ =	sdelay $0x1  }
0x8a: {  	s1 =	srdreg.scid  }
0x8b: {  	s0 =	sand.u32 $0x1, s1  }
0x8c: {  	s16 =	sshll.u32 s0, $0xA;
	s2 =	sadd.s32 s3, s2  }
0x8d: {  	s2 =	sadd.s32 s2, s16  }
0x8e: {  	[smem:$0x3FB9] =	sst s2  }
0x8f: {  	_ = 	snop  }
0x90: {  	(tm) =	ssettm $0x1  }
0x91: {  	s17 =	sld [smem:$0x3FFB];
	_ =	sdelay $0x3  }
0x92: {  	_ =	strace s17  }
0x93: {  	s2 =	sld [smem:$0x3FFC];
	_ =	sdelay $0x3  }
0x94: {  	_ =	strace s2  }
0x95: {  	s2 =	sld [smem:$0x3FFD];
	_ =	sdelay $0x3  }
0x96: {  	_ =	strace s2  }
0x97: {  	_ =	strace $0x8FFFFFFF  }
0x98: {  	s18 =	sld [smem:$0x3FDB];
	_ =	sdelay $0x1  }
0x99: {  	s19 =	simm.s32 $_scs_section_size  }
0x9a: {  	s4 =	simm.s32 $_size__tile_overlayer_lowered;
	s5 =	simm.s32 $_tile_overlayer_lowered  }
0x9b: {  	s22 =	simm.s32 $0x1BFF;
	s21 =	sshll.u32 s5, $0x1;
	s2 =	sadd.s32 s19, s18  }
0x9c: {  	s6 =	simm.s32 $0x0;
	s20 =	sshll.u32 s4, $0x1;
	s4 =	sadd.s32 s21, s2  }
0x9d: {  	[timem:s6], [sflag:s22] =	dma.local [hbm:s4], s20  }
0x9e: {  	_ =	swait.ge [sflag:s22], s20  }
0x9f: {  	s3 =	ssub.s32 $0x0, s20;
	[sflag:s22] =	ssyncset.done $0x0  }
0xa0: {  	[sflag:s22] =	ssyncadd.s32 s3;
	_ =	sdelay $0x1  }
0xa1: {  	s23 =	simm.s32 $0x1B8B  }
0xa2: {  	_ =	swait.ge [sflag:s23], $0x1  }
0xa3: {  	[sflag:s23] =	ssyncset.done $0x0  }
0xa4: {  	s25 =	simm.s32 $0x1B8E;
	s24 =	sld [smem:$0x3FFE];
	[sflag:s23] =	ssyncadd.s32 $0xFFFFFFFF  }
0xa5: {  	s26 =	simm.s32 $execute0_lowered;
	[smem:$0x3FD2] =	sst s25  }
0xa6: {  	s4 =	sshll.u32 s26, $0x1;
	_ =	strace $0x80000046;
	[dreg:$0x1] =	wrdreg $0xFFFFFFFF  }
0xa7: {  	s28 =	simm.s32 $_size_execute0_lowered;
	s2 =	sadd.s32 s2, s4;
	[dreg:$0x0] =	wrdreg $0x0  }
0xa8: {  	s4 =	sshll.u32 s28, $0x1;
	[dreg:$0x2] =	wrdreg s2  }
0xa9: {  	[dreg:$0x3] =	wrdreg s4  }
0xaa: {  	[dreg:$0x4] =	wrdreg $0xC0  }
0xab: {  	_ =	task [dreg:s6], $0x5FFFF  }
0xac: {  	[dreg:$0x1] =	wrdreg $0xFFFFFFFF  }
0xad: {  	[dreg:$0x0] =	wrdreg $0x60  }
0xae: {  	[dreg:$0x2] =	wrdreg s24  }
0xaf: {  	[dreg:$0x3] =	wrdreg $0x4800  }
0xb0: {  	[dreg:$0x4] =	wrdreg $0x9  }
0xb1: {  	_ =	task.clear_ibuf [dreg:s6], $0x5FFFF;
	_ =	strace $0x90000046  }
0xb2: {  	s29 =	simm.s32 $0x9;
	_ =	strace $0x80000048  }
0xb3: {  	_ =	swait.ge [sflag:s29], $0x1  }
0xb4: {  	[sflag:s29] =	ssyncadd.s32 $0xFFFFFFFF  }
0xb5: {  	_ =	strace $0x90000048  }
0xb6: {  	_ =	sfence  }
0xb7: {  	s30 =	sld [smem:$0x0];
	_ =	sdelay $0x2  }
0xb8: {  	s31 =	sshll.u32 s1, $0xD;
	s1 =	sshrl.u32 s1, $0x2  }
0xb9: {  	s3 =	sand.u32 $0x4000, s31;
	s1 =	sadd.s32 s1, s30  }
0xba: {  	s0 =	sor.u32 s3, s0;
	s1 =	sshll.u32 s1, $0x11  }
0xbb: {  	s0 =	sor.u32 s1, s0  }
0xbc: {  	s0 =	sadd.s32 $0x8F2B, s0  }
0xbd: {  	[sflag:s0] =	ssyncadd.remote.s32 $0x1  }
0xbe: {  	_ =	sfence.sel $0xFFFF  }
0xbf: {  	[dreg:$0x0] =	wrdreg $0xFFFFFFFF;
	(pc) =	sbr.abs _section_cstart, $3  }
0xc0: {  	[dreg:$0x1] =	wrdreg $0xFFFFFFFF  }
0xc1: {  	_ =	task.clear_ibuf [dreg:s6], $0x2FFFF;
	_ =	strace $0x9FFFFFFF  }
0xc2: {  	(tm) =	ssettm $0x7FFFFFFF  }
0xc3: {  	_ =	shalt  }
tec
execute0_lowered:
.L_overlay_start_1:
0x0: {  	(tag) =	ssettag $0x1  }
0x1: {  	s5 =	rddreg [dreg:$0x0]  }
0x2: {  	s2 =	rddreg [dreg:$0x1]  }
0x3: {  	s0 =	rddreg [dreg:$0x2];
	s4 =	srdreg.scid  }
0x4: {  	s1 =	stileid.u32;
	s3 =	simm.s32 $0x0;
	s13 =	simm.s32 $0x200  }
0x5: {  	s14 =	simm.s32 $0x3;
	s15 =	simm.s32 $0x80;
	s16 =	simm.s32 $0x1  }
0x6: {  	s17 =	simm.s32 $0x180;
	s18 =	simm.s32 $0x2;
	s19 =	simm.s32 $0x100  }
0x7: {  	s20 =	simm.s32 $0x10;
	s22 =	simm.s32 $0x0;
	s7 =	smul.u32 $0x280, s1  }
0x8: {  	s6 =	sand.u32 $0x1, s4;
	[smem:$0x7FF] =	sst s3;
	s12 =	smul.u32 $0x2710, s1  }
0x9: {  	s21 =	sshll.u32 s1, $0x6;
	s8 =	smul.u32 $0x2800, s6;
	s4 =	sshll.u32 s6, $0x4  }
0xa: {  	_ =	strace $0x80000047;
	s10 =	ssub.s32 $0x2, s6;
	s11 =	smul.u32 $0x27100, s6  }
0xb: {  	s21 =	sor.u32 $0x1C03, s21;
	s9 =	sor.u32 s1, s4;
	s4 =	sadd.s32 $0x4000, s5  }
0xc: {  	s31 =	sshrl.u32 s10, $0x1;
	s6 =	sadd.s32 s7, s2;
	s8 =	sadd.s32 s7, s8  }
0xd: {  	s9 =	smul.u32 $0x2710, s9;
	s10 =	ssub.s32 s10, s31;
	s11 =	sadd.s32 s12, s11  }
0xe: {  	s8 =	sshrl.u32 s8, $0x3;
	s12 =	sadd.s32 $0x80, s11;
	s11 =	sadd.s32 $0x100, s11  }
0xf: {  	s9 =	sshrl.u32 s9, $0x3;
	s8 =	sadd.s32 s8, s5;
	s12 =	sshrl.u32 s12, $0x3  }
0x10: {  	s5 =	sadd.s32 s4, s9;
	s8 =	sadd.s32 $0xDE00, s8;
	s9 =	smax.u32 s10, $0x1  }
0x11: {  	v0 =	vimm.f32 $1.000000000e+00;
	v1 =	vimm.f32 $0.0e+00;
	s12 =	sadd.s32 s12, s4;
	s7 =	sadd.s32 $0x4E0, s5;
	s10 =	sadd.s32 $0x4D0, s5  }
.LBB2_1:
0x12: {  	[tilespmem:$0x180] =	vst v0  }
0x13: {  	[tilespmem:$0x190] =	vst v0  }
0x14: {  	[tilespmem:$0x1A0] =	vst v0  }
0x15: {  	[tilespmem:$0x1B0] =	vst v0  }
0x16: {  	[tilespmem:$0x1C0] =	vst v0  }
0x17: {  	[tilespmem:$0x1D0] =	vst v0  }
0x18: {  	[tilespmem:$0x1E0] =	vst v0  }
0x19: {  	[tilespmem:$0x1F0] =	vst v0  }
0x1a: {  	[tilespmem:$0x200] =	vst v1  }
0x1b: {  	[tilespmem:$0x210] =	vst v1  }
0x1c: {  	[tilespmem:$0x220] =	vst v1  }
0x1d: {  	[tilespmem:$0x230] =	vst v1  }
0x1e: {  	[tilespmem:$0x240] =	vst v1  }
0x1f: {  	[tilespmem:$0x250] =	vst v1  }
0x20: {  	[tilespmem:$0x260] =	vst v1  }
0x21: {  	[tilespmem:$0x270] =	vst v1  }
0x22: {  	[tilespmem:$0x280] =	vst v1  }
0x23: {  	[tilespmem:$0x290] =	vst v1  }
0x24: {  	[tilespmem:$0x2A0] =	vst v1  }
0x25: {  	[tilespmem:$0x2B0] =	vst v1  }
0x26: {  	[tilespmem:$0x2C0] =	vst v1  }
0x27: {  	[tilespmem:$0x2D0] =	vst v1  }
0x28: {  	[tilespmem:$0x2E0] =	vst v1  }
0x29: {  	[tilespmem:$0x2F0] =	vst v1  }
0x2a: {  	[tilespmem:$0x300] =	vst v1  }
0x2b: {  	[tilespmem:$0x310] =	vst v1  }
0x2c: {  	[tilespmem:$0x320] =	vst v1  }
0x2d: {  	[tilespmem:$0x330] =	vst v1  }
0x2e: {  	[tilespmem:$0x340] =	vst v1  }
0x2f: {  	[tilespmem:$0x350] =	vst v1  }
0x30: {  	[tilespmem:$0x360] =	vst v1  }
0x31: {  	[tilespmem:$0x370] =	vst v1  }
0x32: {  	[tilespmem:$0x380] =	vst v1  }
0x33: {  	[tilespmem:$0x390] =	vst v1  }
0x34: {  	[tilespmem:$0x3A0] =	vst v1  }
0x35: {  	[tilespmem:$0x3B0] =	vst v1  }
0x36: {  	[tilespmem:$0x3C0] =	vst v1  }
0x37: {  	[tilespmem:$0x3D0] =	vst v1  }
0x38: {  	[tilespmem:$0x3E0] =	vst v1  }
0x39: {  	[tilespmem:$0x3F0] =	vst v1  }
0x3a: {  	[tilespmem:$0x400] =	vst v1  }
0x3b: {  	[tilespmem:$0x410] =	vst v1  }
0x3c: {  	[tilespmem:$0x420] =	vst v1  }
0x3d: {  	[tilespmem:$0x430] =	vst v1  }
0x3e: {  	[tilespmem:$0x440] =	vst v1  }
0x3f: {  	[tilespmem:$0x450] =	vst v1  }
0x40: {  	[tilespmem:$0x460] =	vst v1  }
0x41: {  	[tilespmem:$0x470] =	vst v1  }
0x42: {  	[spmem:s6] =	stream.linear.scatter [tilespmem:s13], [sflag:$0x3], $0x280, $0x38;
	[tilespmem:$0x700] =	vst v63  }
0x43: {  	_ =	swait.ge [sflag:s14], $0x280  }
0x44: {  	[sflag:s14] =	ssyncset.done $0x0  }
0x45: {  	[sflag:s14] =	ssyncadd.s32 $0xFFFFFD80  }
0x46: {  	[bflag:$0x0] =	sbarrier.arrive $0xFFFF  }
0x47: {  	[tilespmem:s3], [sflag:$0x1] =	stream.linear.gather [hbm4b:s5+s3], $0x80, $0x38;
	[tilespmem:$0x700] =	vst v63  }
0x48: {  	s23 =	sadd.s32 $0x0, s12  }
0x49: {  	[tilespmem:s15], [sflag:$0x2] =	stream.linear.gather [hbm4b:s23+s3], $0x80, $0x38;
	[tilespmem:$0x700] =	vst v63  }
0x4a: {  	_ =	swait.ge [sflag:s16], $0x80  }
0x4b: {  	[sflag:s16] =	ssyncset.done $0x0  }
0x4c: {  	[sflag:s16] =	ssyncadd.s32 $0xFFFFFF80  }
0x4d: {  	[spmem:s2] =	stream.indirect.scatter.add.f32 [tilespmem:s17], [sflag:$0x3], $0x1, s3, s15, $0xb8;
	[tilespmem:$0x700] =	vst v63  }
0x4e: {  	_ =	swait.ge [sflag:s14], $0x80  }
0x4f: {  	s31 =	sshrl.u32 s11, $0x3;
	[sflag:s14] =	ssyncset.done $0x0  }
0x50: {  	s23 =	sadd.s32 s4, s31;
	[sflag:s14] =	ssyncadd.s32 $0xFFFFFF80  }
0x51: {  	[tilespmem:s3], [sflag:$0x1] =	stream.linear.gather [hbm4b:s23+s3], $0x80, $0x38;
	[tilespmem:$0x700] =	vst v63  }
0x52: {  	_ =	swait.ge [sflag:s18], $0x80  }
0x53: {  	[sflag:s18] =	ssyncset.done $0x0  }
0x54: {  	[sflag:s18] =	ssyncadd.s32 $0xFFFFFF80  }
0x55: {  	[spmem:s2] =	stream.indirect.scatter.add.f32 [tilespmem:s17], [sflag:$0x3], $0x1, s15, s15, $0xb8;
	[tilespmem:$0x700] =	vst v63  }
0x56: {  	s24 =	simm.s32 $0x20;
	_ =	swait.ge [sflag:s14], $0x80  }
0x57: {  	s25 =	simm.s32 $0x40;
	s23 =	sadd.s32 $0x100, s11;
	[sflag:s14] =	ssyncset.done $0x0  }
.LBB2_2:
0x58: {  	s26 =	sadd.s32 s24, s12  }
0x59: {  	[sflag:s14] =	ssyncadd.s32 $0xFFFFFF80;
	s24 =	smov.u32 s25;
	s28 =	sadd.s32 $0x20, s25  }
0x5a: {  	[tilespmem:s15], [sflag:$0x2] =	stream.linear.gather [hbm4b:s26+s3], $0x80, $0x38;
	[tilespmem:$0x700] =	vst v63  }
0x5b: {  	p0 =	sne.s32 s25, $0x4A0;
	_ =	swait.ge [sflag:s16], $0x80  }
0x5c: {  	[sflag:s16] =	ssyncset.done $0x0  }
0x5d: {  	[sflag:s16] =	ssyncadd.s32 $0xFFFFFF80  }
0x5e: {  	[spmem:s2] =	stream.indirect.scatter.add.f32 [tilespmem:s17], [sflag:$0x3], $0x1, s3, s15, $0xb8;
	[tilespmem:$0x700] =	vst v63  }
0x5f: {  	_ =	swait.ge [sflag:s14], $0x80  }
0x60: {  	s25 =	sshrl.u32 s23, $0x3;
	[sflag:s14] =	ssyncset.done $0x0  }
0x61: {  	s25 =	sadd.s32 s4, s25;
	[sflag:s14] =	ssyncadd.s32 $0xFFFFFF80  }
0x62: {  	[tilespmem:s3], [sflag:$0x1] =	stream.linear.gather [hbm4b:s25+s3], $0x80, $0x38;
	[tilespmem:$0x700] =	vst v63  }
0x63: {  	_ =	swait.ge [sflag:s18], $0x80  }
.Ltmp0:
0x64: {  	[sflag:s18] =	ssyncset.done $0x0;
	(pc) =	sbr.rel @p0 .LBB2_2-.Ltmp0, $4  }
0x65: {  	[sflag:s18] =	ssyncadd.s32 $0xFFFFFF80  }
0x66: {  	[spmem:s2] =	stream.indirect.scatter.add.f32 [tilespmem:s17], [sflag:$0x3], $0x1, s15, s15, $0xb8;
	[tilespmem:$0x700] =	vst v63  }
0x67: {  	_ =	swait.ge [sflag:s14], $0x80  }
0x68: {  	s23 =	sadd.s32 $0x100, s23;
	s25 =	smov.u32 s28;
	[sflag:s14] =	ssyncset.done $0x0  }
0x69: {  	s24 =	sadd.s32 s24, s12;
	[sflag:s14] =	ssyncadd.s32 $0xFFFFFF80  }
0x6a: {  	[tilespmem:s15], [sflag:$0x2] =	stream.linear.gather [hbm4b:s24+s3], $0x80, $0x38;
	[tilespmem:$0x700] =	vst v63  }
0x6b: {  	_ =	swait.ge [sflag:s16], $0x80  }
0x6c: {  	[sflag:s16] =	ssyncset.done $0x0  }
0x6d: {  	[sflag:s16] =	ssyncadd.s32 $0xFFFFFF80  }
0x6e: {  	[spmem:s2] =	stream.indirect.scatter.add.f32 [tilespmem:s17], [sflag:$0x3], $0x1, s3, s15, $0xb8;
	[tilespmem:$0x700] =	vst v63  }
0x6f: {  	_ =	swait.ge [sflag:s14], $0x80  }
0x70: {  	s23 =	sshrl.u32 s23, $0x3;
	[sflag:s14] =	ssyncset.done $0x0  }
0x71: {  	s23 =	sadd.s32 s4, s23;
	[sflag:s14] =	ssyncadd.s32 $0xFFFFFF80  }
0x72: {  	[tilespmem:s3], [sflag:$0x1] =	stream.linear.gather [hbm4b:s23+s3], $0x80, $0x38;
	[tilespmem:$0x700] =	vst v63  }
0x73: {  	_ =	swait.ge [sflag:s18], $0x80  }
0x74: {  	[sflag:s18] =	ssyncset.done $0x0  }
0x75: {  	[sflag:s18] =	ssyncadd.s32 $0xFFFFFF80  }
0x76: {  	[spmem:s2] =	stream.indirect.scatter.add.f32 [tilespmem:s17], [sflag:$0x3], $0x1, s15, s15, $0xb8;
	[tilespmem:$0x700] =	vst v63  }
0x77: {  	_ =	swait.ge [sflag:s14], $0x80  }
0x78: {  	[sflag:s14] =	ssyncset.done $0x0  }
0x79: {  	[sflag:s14] =	ssyncadd.s32 $0xFFFFFF80  }
0x7a: {  	[tilespmem:s15], [sflag:$0x2] =	stream.linear.gather [hbm4b:s10+s3], $0x80, $0x38;
	[tilespmem:$0x700] =	vst v63  }
0x7b: {  	_ =	swait.ge [sflag:s16], $0x80  }
0x7c: {  	[sflag:s16] =	ssyncset.done $0x0  }
0x7d: {  	[sflag:s16] =	ssyncadd.s32 $0xFFFFFF80  }
0x7e: {  	[spmem:s2] =	stream.indirect.scatter.add.f32 [tilespmem:s17], [sflag:$0x3], $0x1, s3, s15, $0xb8;
	[tilespmem:$0x700] =	vst v63  }
0x7f: {  	_ =	swait.ge [sflag:s14], $0x80  }
0x80: {  	[sflag:s14] =	ssyncset.done $0x0  }
0x81: {  	[sflag:s14] =	ssyncadd.s32 $0xFFFFFF80  }
0x82: {  	_ =	swait.ge [sflag:s18], $0x80  }
0x83: {  	[sflag:s18] =	ssyncset.done $0x0  }
0x84: {  	[sflag:s18] =	ssyncadd.s32 $0xFFFFFF80  }
0x85: {  	[spmem:s2] =	stream.indirect.scatter.add.f32 [tilespmem:s17], [sflag:$0x3], $0x1, s15, s15, $0xb8;
	[tilespmem:$0x700] =	vst v63  }
0x86: {  	_ =	swait.ge [sflag:s14], $0x80  }
0x87: {  	[sflag:s14] =	ssyncset.done $0x0  }
0x88: {  	[sflag:s14] =	ssyncadd.s32 $0xFFFFFF80  }
0x89: {  	[tilespmem:s19], [sflag:$0x3] =	stream.linear.gather [hbm4b:s7+s3], $0x10, $0x38;
	[tilespmem:$0x700] =	vst v63  }
0x8a: {  	_ =	swait.ge [sflag:s14], $0x10  }
0x8b: {  	[sflag:s14] =	ssyncset.done $0x0  }
0x8c: {  	[sflag:s14] =	ssyncadd.s32 $0xFFFFFFF0  }
0x8d: {  	[spmem:s2] =	stream.indirect.scatter.add.f32 [tilespmem:s17], [sflag:$0x3], $0x1, s19, s20, $0xb8;
	[tilespmem:$0x700] =	vst v63  }
0x8e: {  	_ =	swait.ge [sflag:s14], $0x10  }
0x8f: {  	s22 =	sadd.s32 $0x1, s22;
	[sflag:s14] =	ssyncset.done $0x0  }
0x90: {  	p0 =	sne.s32 s22, s9;
	[sflag:s14] =	ssyncadd.s32 $0xFFFFFFF0  }
.Ltmp1:
0x91: {  	s31 =	sshrl.u32 s6, $0x3;
	[bflag:$0x0] =	sbarrier.arrive $0xFFFF;
	(pc) =	sbr.rel @p0 .LBB2_1-.Ltmp1, $4  }
0x92: {  	[hbm:s8], [sflag:s21] =	dma.local [spmem:s31], $0x50  }
0x93: {  	_ =	swait.ge [sflag:s14], $0x50  }
0x94: {  	[sflag:s14] =	ssyncset.done $0x0  }
0x95: {  	[sflag:s14] =	ssyncadd.s32 $0xFFFFFFB0  }
0x96: {  	_ =	sfence.sel $0x180000  }
0x97: {  	[bflag:$0x0] =	sbarrier.arrive $0xFFFF  }
0x98: {  	p0 =	sne.s32 s1, $0x0;
	_ =	strace $0x90000047  }
0x99: {  	s0 =	sadd.s32 @!p0 $0x100000, s0;
	[bflag:$0x2] =	sbarrier.arrive $0xFFFF  }
0x9a: {  	[sflag:s0] =	ssyncadd.tile.s32 @!p0 $0x1;
	_ =	shalt  }
.Lfunc_end2:
_tile_overlayer_lowered:
.L_overlay_start_2:
0x9b: {  	(tag) =	ssettag $0x2  }
0x9c: {  	s0 =	rddreg [dreg:$0x0];
	s2 =	stileid.u32  }
0x9d: {  	s1 =	rddreg [dreg:$0x1];
	p0 =	sne.s32 s2, $0x0  }
0x9e: {  	s3 =	rddreg [dreg:$0x2];
	[bflag:$0x3] =	sbarrier.arrive $0xFFFF;
	s2 =	simm.s32 @!p0 $0x1C03  }
0x9f: {  	[timem:s3], [sflag:s2] =	dma.local @!p0 [hbm:s0], s1  }
0xa0: {  	s0 =	simm.s32 @!p0 $0x3  }
0xa1: {  	_ =	swait.ge @!p0 [sflag:s0], s1  }
0xa2: {  	s1 =	ssub.s32 @!p0 $0x0, s1;
	[sflag:s0] =	ssyncset.done @!p0 $0x0  }
0xa3: {  	[sflag:s0] =	ssyncadd.s32 @!p0 s1  }
0xa4: {  	[bflag:$0x3] =	sbarrier.arrive $0xFFFF  }
0xa5: {  	_ =	shalt  }

// kernel: kernel.14.cloned.1.call-start
scs
__scs_entry_jumppad:
0x0: {  	(pc) =	sbr.rel $0x88, $3  }
0x1: {  	(tag) =	ssettag $0x0;
	lr =	simm.s32 $0x1  }
0x2: {  	[smem:$0x3F92] =	sst lr;
	_ =	strace $0xD0000000  }
0x3: {  	_ = 	snop  }
0x4: {  	_ = 	snop  }
0x5: {  	_ = 	snop  }
0x6: {  	_ = 	snop  }
0x7: {  	_ = 	snop  }
__scs_overlays_trampoline_lowered:
0x8: {  	[smem:$0x3FA1] =	sst s0  }
0x9: {  	[smem:$0x3FA2] =	sst s1  }
0xa: {  	[smem:$0x3FA3] =	sst s2  }
0xb: {  	[smem:$0x3FA4] =	sst s3  }
0xc: {  	[smem:$0x3FA5] =	sst s4  }
0xd: {  	[smem:$0x3FA6] =	sst s5  }
0xe: {  	[smem:$0x3FA7] =	sst s6  }
0xf: {  	[smem:$0x3FA8] =	sst s7  }
0x10: {  	[smem:$0x3FA9] =	sst s8  }
0x11: {  	[smem:$0x3FAA] =	sst s9;
	s0 =	simm.s32 @!p0 $0x0  }
0x12: {  	s1 =	sld [smem:$0x3F90];
	s0 =	simm.s32 @p0 $0x1  }
0x13: {  	[smem:$0x3FAB] =	sst s0;
	s0 =	simm.s32 @!p1 $0x0  }
0x14: {  	s2 =	sld [smem:$0x3F8F];
	s0 =	simm.s32 @p1 $0x1  }
0x15: {  	[smem:$0x3FAC] =	sst s0;
	s0 =	simm.s32 @!p2 $0x0  }
0x16: {  	s3 =	sld [smem:$0x3FDB];
	s0 =	simm.s32 @p2 $0x1  }
0x17: {  	s4 =	simm.s32 $0x1BF5;
	[smem:$0x3FAE] =	sst s0  }
0x18: {  	s0 =	sld [smem:$0x3F91];
	_ =	swait.ge [sflag:s4], $0x0  }
0x19: {  	s7 =	sld [smem:$0x3F92]  }
0x1a: {  	s8 =	sadd.s32 $0xFFFFE003, lr  }
0x1b: {  	s9 =	sadd.s32 $0xFFFFFEF7, lr;
	s5 =	simm.s32 $0xFFFFFFFF;
	p2 =	slt.u32 s8, $0xFFFFF086  }
0x1c: {  	p1 =	slt.u32 s9, $0xF7A;
	s5 =	simm.s32 @!p2 $0x0  }
0x1d: {  	s5 =	simm.s32 @p1 $0x1;
	p0 =	seq.s32 s7, s2  }
0x1e: {  	s7 =	smul.u32 @!p0 $0xF7A, s2;
	p2 =	seq.s32 @!p0 s5, $0x0  }
0x1f: {  	s9 =	smul.u32 $0xF7A, s1;
	s8 =	simm.s32 @!p0 $0x1BF5;
	p2 =	por !p2, p0  }
0x20: {  	[sflag:s8] =	ssyncset.s32 @!p0 $0xFFFFF086;
	s6 =	sadd.s32 @!p0 s3, s7;
	s7 =	simm.s32 @!p0 $0x108  }
0x21: {  	s3 =	sadd.s32 s3, s9;
	s6 =	sadd.s32 @!p0 $0x88, s6;
	s7 =	simm.s32 @p2 $0x1082  }
0x22: {  	[simem:s7], [sflag:s8] =	dma.local @!p0 [hbm:s6], $0xF7A  }
0x23: {  	s9 =	sor.u32 $0xD0000000, s2;
	s6 =	simm.s32 $0x108;
	_ =	swait.ge @!p0 [sflag:s8], $0x0  }
0x24: {  	s3 =	sadd.s32 $0x88, s3;
	s6 =	simm.s32 @!p1 $0x1082;
	[sflag:s4] =	ssyncset.s32 $0xFFFFF086  }
0x25: {  	[simem:s6], [sflag:s4] =	dma.local [hbm:s3], $0xF7A  }
0x26: {  	[smem:$0x3F92] =	sst s1;
	(tag) =	ssettag s2;
	_ =	strace s9  }
0x27: {  	s1 =	sld [smem:$0x3FA2]  }
0x28: {  	s2 =	sld [smem:$0x3FA3]  }
0x29: {  	s4 =	sld [smem:$0x3FA5]  }
0x2a: {  	p0 =	seq.s32 s5, $0x0;
	s5 =	sld [smem:$0x3FA6]  }
0x2b: {  	s6 =	sld [smem:$0x3FA7]  }
0x2c: {  	s7 =	sld [smem:$0x3FA8]  }
0x2d: {  	s3 =	simm.s32 $0x108;
	s8 =	sld [smem:$0x3FA9]  }
0x2e: {  	s3 =	simm.s32 @!p0 $0x1082;
	s9 =	sld [smem:$0x3FAA]  }
0x2f: {  	lr =	sadd.s32 s0, s3;
	s0 =	sld [smem:$0x3FA1]  }
0x30: {  	s3 =	sld [smem:$0x3FA4]  }
0x31: {  	[smem:$0x3FAD] =	sst s10  }
0x32: {  	s10 =	sld [smem:$0x3FAB];
	_ =	sdelay $0x3  }
0x33: {  	p0 =	seq.s32 s10, $0x1;
	s10 =	sld [smem:$0x3FAD];
	_ =	sdelay $0x3  }
0x34: {  	[smem:$0x3FAD] =	sst s10  }
0x35: {  	s10 =	sld [smem:$0x3FAC];
	_ =	sdelay $0x3  }
0x36: {  	p1 =	seq.s32 s10, $0x1;
	s10 =	sld [smem:$0x3FAD];
	_ =	sdelay $0x3  }
0x37: {  	[smem:$0x3FAD] =	sst s10  }
0x38: {  	s10 =	sld [smem:$0x3FAE]  }
0x39: {  	_ = 	snop;
	(pc) =	sbr.ind lr, $3  }
0x3a: {  	_ = 	snop  }
0x3b: {  	_ = 	snop  }
0x3c: {  	p2 =	seq.s32 s10, $0x1;
	s10 =	sld [smem:$0x3FAD]  }
0x3d: {  	_ =	shalt  }
0x3e: {  	_ =	shalt  }
0x3f: {  	_ =	shalt  }
0x40: {  	_ =	shalt  }
0x41: {  	_ =	shalt  }
0x42: {  	_ =	shalt  }
0x43: {  	_ =	shalt  }
0x44: {  	_ =	shalt  }
0x45: {  	_ =	shalt  }
0x46: {  	_ =	shalt  }
0x47: {  	_ =	shalt  }
0x48: {  	_ =	shalt  }
0x49: {  	_ =	shalt  }
0x4a: {  	_ =	shalt  }
0x4b: {  	_ =	shalt  }
0x4c: {  	_ =	shalt  }
0x4d: {  	_ =	shalt  }
0x4e: {  	_ =	shalt  }
0x4f: {  	_ =	shalt  }
0x50: {  	_ =	shalt  }
0x51: {  	_ =	shalt  }
0x52: {  	_ =	shalt  }
0x53: {  	_ =	shalt  }
0x54: {  	_ =	shalt  }
0x55: {  	_ =	shalt  }
0x56: {  	_ =	shalt  }
0x57: {  	_ =	shalt  }
0x58: {  	_ =	shalt  }
0x59: {  	_ =	shalt  }
0x5a: {  	_ =	shalt  }
0x5b: {  	_ =	shalt  }
0x5c: {  	_ =	shalt  }
0x5d: {  	_ =	shalt  }
0x5e: {  	_ =	shalt  }
0x5f: {  	_ =	shalt  }
0x60: {  	_ =	shalt  }
0x61: {  	_ =	shalt  }
0x62: {  	_ =	shalt  }
0x63: {  	_ =	shalt  }
0x64: {  	_ =	shalt  }
0x65: {  	_ =	shalt  }
0x66: {  	_ =	shalt  }
0x67: {  	_ =	shalt  }
0x68: {  	_ =	shalt  }
0x69: {  	_ =	shalt  }
0x6a: {  	_ =	shalt  }
0x6b: {  	_ =	shalt  }
0x6c: {  	_ =	shalt  }
0x6d: {  	_ =	shalt  }
0x6e: {  	_ =	shalt  }
0x6f: {  	_ =	shalt  }
0x70: {  	_ =	shalt  }
0x71: {  	_ =	shalt  }
0x72: {  	_ =	shalt  }
0x73: {  	_ =	shalt  }
0x74: {  	_ =	shalt  }
0x75: {  	_ =	shalt  }
0x76: {  	_ =	shalt  }
0x77: {  	_ =	shalt  }
0x78: {  	_ =	shalt  }
0x79: {  	_ =	shalt  }
0x7a: {  	_ =	shalt  }
0x7b: {  	_ =	shalt  }
0x7c: {  	_ =	shalt  }
0x7d: {  	_ =	shalt  }
0x7e: {  	_ =	shalt  }
0x7f: {  	_ =	shalt  }
0x80: {  	_ =	shalt  }
0x81: {  	_ =	shalt  }
0x82: {  	_ =	shalt  }
0x83: {  	_ =	shalt  }
0x84: {  	_ =	shalt  }
0x85: {  	_ =	shalt  }
0x86: {  	_ =	shalt  }
0x87: {  	_ =	shalt  }
.Lfunc_end0:
.L_simem_size_0:
called_computation.1_lowered:
.L_overlay_start_0:
0x88: {  	s2 =	sld [smem:$0x3FD9]  }
0x89: {  	s3 =	sld [smem:$0x3FFE];
	_ =	sdelay $0x1  }
0x8a: {  	s1 =	srdreg.scid  }
0x8b: {  	s0 =	sand.u32 $0x1, s1  }
0x8c: {  	s14 =	sshll.u32 s0, $0xA;
	s2 =	sadd.s32 s3, s2  }
0x8d: {  	s2 =	sadd.s32 s2, s14  }
0x8e: {  	[smem:$0x3FB9] =	sst s2  }
0x8f: {  	_ = 	snop  }
0x90: {  	s2 =	sld [smem:$0x3FD0];
	_ =	sdelay $0x2  }
0x91: {  	s15 =	simm.s32 $0xA;
	s4 =	simm.s32 $0x10  }
0x92: {  	[smem:s4], [sflag:s15] =	dma.local [hbm:s2], $0x1  }
0x93: {  	_ =	swait.eq [sflag:s15], $0x1  }
0x94: {  	[sflag:s15] =	ssyncset.done $0x0  }
0x95: {  	[sflag:s15] =	ssyncadd.s32 $0xFFFFFFFF  }
0x96: {  	s16 =	sld [smem:$0x11];
	(tm) =	ssettm $0x1  }
0x97: {  	s17 =	sld [smem:$0x3FFB];
	_ =	sdelay $0x3  }
0x98: {  	_ =	strace s17  }
0x99: {  	s3 =	sld [smem:$0x3FFC];
	_ =	sdelay $0x3  }
0x9a: {  	_ =	strace s3  }
0x9b: {  	s3 =	sld [smem:$0x3FFD];
	_ =	sdelay $0x3  }
0x9c: {  	_ =	strace s3  }
0x9d: {  	_ =	strace $0x8FFFFFFF  }
0x9e: {  	s18 =	sld [smem:$0x3FDB];
	_ =	sdelay $0x1  }
0x9f: {  	s19 =	simm.s32 $_scs_section_size  }
0xa0: {  	s5 =	simm.s32 $_size__tile_overlayer_lowered;
	s6 =	simm.s32 $_tile_overlayer_lowered  }
0xa1: {  	s22 =	simm.s32 $0x1BFF;
	s21 =	sshll.u32 s6, $0x1;
	s3 =	sadd.s32 s19, s18  }
0xa2: {  	s7 =	simm.s32 $0x0;
	s20 =	sshll.u32 s5, $0x1;
	s5 =	sadd.s32 s21, s3  }
0xa3: {  	[timem:s7], [sflag:s22] =	dma.local [hbm:s5], s20  }
0xa4: {  	_ =	swait.ge [sflag:s22], s20  }
0xa5: {  	s4 =	ssub.s32 $0x0, s20;
	[sflag:s22] =	ssyncset.done $0x0  }
0xa6: {  	[sflag:s22] =	ssyncadd.s32 s4;
	_ =	sdelay $0x1  }
0xa7: {  	s23 =	simm.s32 $0x1B8B  }
0xa8: {  	_ =	swait.ge [sflag:s23], $0x1  }
0xa9: {  	[sflag:s23] =	ssyncset.done $0x0  }
0xaa: {  	s25 =	simm.s32 $0x1B8E;
	s24 =	sld [smem:$0x3FFE];
	[sflag:s23] =	ssyncadd.s32 $0xFFFFFFFF  }
0xab: {  	s26 =	simm.s32 $execute0_lowered;
	[smem:$0x3FD2] =	sst s25  }
0xac: {  	s5 =	sshll.u32 s26, $0x1;
	_ =	strace $0x80000049;
	[dreg:$0x1] =	wrdreg $0xFFFFFFFF  }
0xad: {  	s28 =	simm.s32 $_size_execute0_lowered;
	s3 =	sadd.s32 s3, s5;
	[dreg:$0x0] =	wrdreg $0x0  }
0xae: {  	s5 =	sshll.u32 s28, $0x1;
	[dreg:$0x2] =	wrdreg s3  }
0xaf: {  	[dreg:$0x3] =	wrdreg s5  }
0xb0: {  	[dreg:$0x4] =	wrdreg $0xC0  }
0xb1: {  	_ =	task [dreg:s7], $0x5FFFF  }
0xb2: {  	[dreg:$0x1] =	wrdreg $0xFFFFFFFF  }
0xb3: {  	[dreg:$0x0] =	wrdreg $0x60  }
0xb4: {  	[dreg:$0x2] =	wrdreg s24  }
0xb5: {  	[dreg:$0x3] =	wrdreg s16  }
0xb6: {  	[dreg:$0x4] =	wrdreg $0x8B000  }
0xb7: {  	[dreg:$0x5] =	wrdreg $0x9  }
0xb8: {  	_ =	task.clear_ibuf [dreg:s7], $0x6FFFF;
	_ =	strace $0x90000049  }
0xb9: {  	s29 =	simm.s32 $0x9;
	_ =	strace $0x8000004B  }
0xba: {  	_ =	swait.ge [sflag:s29], $0x1  }
0xbb: {  	[sflag:s29] =	ssyncadd.s32 $0xFFFFFFFF  }
0xbc: {  	_ =	strace $0x9000004B  }
0xbd: {  	_ =	sfence  }
0xbe: {  	s30 =	sld [smem:$0x0];
	_ =	sdelay $0x2  }
0xbf: {  	s31 =	sshll.u32 s1, $0xD;
	s1 =	sshrl.u32 s1, $0x2  }
0xc0: {  	s3 =	sand.u32 $0x4000, s31;
	s1 =	sadd.s32 s1, s30  }
0xc1: {  	s0 =	sor.u32 s3, s0;
	s1 =	sshll.u32 s1, $0x11  }
0xc2: {  	s0 =	sor.u32 s1, s0  }
0xc3: {  	s0 =	sadd.s32 $0x8F2B, s0  }
0xc4: {  	[sflag:s0] =	ssyncadd.remote.s32 $0x1  }
0xc5: {  	_ =	sfence.sel $0xFFFF  }
0xc6: {  	[dreg:$0x0] =	wrdreg $0xFFFFFFFF;
	(pc) =	sbr.abs _section_cstart, $3  }
0xc7: {  	[dreg:$0x1] =	wrdreg $0xFFFFFFFF  }
0xc8: {  	_ =	task.clear_ibuf [dreg:s7], $0x2FFFF;
	_ =	strace $0x9FFFFFFF  }
0xc9: {  	(tm) =	ssettm $0x7FFFFFFF  }
tec
execute0_lowered:
.L_overlay_start_1:
0x0: {  	(tag) =	ssettag $0x1  }
0x1: {  	s0 =	rddreg [dreg:$0x0]  }
0x2: {  	s1 =	rddreg [dreg:$0x1]  }
0x3: {  	s2 =	rddreg [dreg:$0x2];
	s4 =	srdreg.scid  }
0x4: {  	s12 =	stileid.u32;
	s3 =	simm.s32 $0x0;
	s28 =	simm.s32 $0x80  }
0x5: {  	s29 =	simm.s32 $0x1;
	s30 =	simm.s32 $0x100;
	s31 =	simm.s32 $0x2  }
0x6: {  	s6 =	sand.u32 $0x1, s4;
	s5 =	smul.u32 $0x2800, s12;
	[smem:$0x7FF] =	sst s3  }
0x7: {  	s4 =	sadd.s32 $0xDE00, s0;
	s8 =	smul.u32 $0x50000, s12;
	s9 =	sadd.s32 $0x4000, s0  }
0x8: {  	s7 =	smul.u32 $0x28000, s6;
	_ =	strace $0x8000004A;
	s19 =	sshll.u32 s6, $0x4  }
0x9: {  	s10 =	ssub.s32 $0x2, s6;
	s6 =	smul.u32 $0x27100, s6;
	s11 =	sor.u32 s12, s19  }
0xa: {  	s20 =	sshrl.u32 s8, $0x2;
	s21 =	sshrl.u32 s10, $0x1;
	s8 =	simm.s32 $0x7  }
0xb: {  	s7 =	sadd.s32 s5, s7;
	s5 =	sadd.s32 s20, s2;
	s11 =	smul.u32 $0x2710, s11  }
0xc: {  	s22 =	ssub.s32 s10, s21;
	s21 =	smul.u32 $0x2710, s12;
	s23 =	sadd.s32 $0x4000, s5  }
0xd: {  	s12 =	simm.s32 $0x8;
	s24 =	sadd.s32 $0x8000, s5;
	[dreg:$0x4] =	wrdreg s23  }
0xe: {  	s10 =	simm.s32 $0x8300;
	s25 =	sadd.s32 $0xC000, s5;
	[dreg:$0x5] =	wrdreg s24  }
0xf: {  	s0 =	sadd.s32 s7, s0;
	s15 =	sadd.s32 $0x10000, s5;
	[dreg:$0x6] =	wrdreg s25  }
0x10: {  	s7 =	smax.u32 s22, $0x1;
	s26 =	sshrl.u32 s11, $0x3;
	[dreg:$0x7] =	wrdreg s15  }
0x11: {  	s0 =	sadd.s32 $0x35E00, s0;
	[dreg:$0xe] =	wrdreg s7;
	s25 =	sadd.s32 s21, s6  }
0x12: {  	s15 =	simm.s32 $0x9;
	s18 =	sadd.s32 s9, s26;
	[dreg:$0xd] =	wrdreg s0  }
0x13: {  	s13 =	sadd.s32 s1, s26;
	s16 =	sadd.s32 $0x10, s26;
	[dreg:$0xa] =	wrdreg s18  }
0x14: {  	s19 =	sadd.s32 $0x4E0, s26;
	s17 =	sadd.s32 s1, s16;
	[dreg:$0x8] =	wrdreg s13  }
0x15: {  	s20 =	sadd.s32 $0x20, s26;
	s14 =	sadd.s32 s1, s19;
	[dreg:$0x9] =	wrdreg s17  }
0x16: {  	s6 =	sadd.s32 $0x180, s25;
	s11 =	sadd.s32 s9, s19;
	[dreg:$0xb] =	wrdreg s14  }
0x17: {  	s26 =	sadd.s32 $0x280, s25;
	s22 =	sadd.s32 s9, s16;
	[dreg:$0xc] =	wrdreg s11  }
0x18: {  	s23 =	sadd.s32 s1, s20;
	s0 =	sadd.s32 s9, s20;
	[dreg:$0xf] =	wrdreg s22  }
0x19: {  	s24 =	sadd.s32 $0x30, s13;
	s6 =	sshrl.u32 s6, $0x3;
	[dreg:$0x10] =	wrdreg s23  }
0x1a: {  	s7 =	sshrl.u32 s26, $0x3;
	s26 =	simm.s32 $0xA;
	[dreg:$0x11] =	wrdreg s0  }
0x1b: {  	s16 =	simm.s32 $0x280;
	[dreg:$0x12] =	wrdreg s24;
	s0 =	sadd.s32 $0x200, s25  }
.Ltmp0:
0x1c: {  	s21 =	sadd.s32 s6, s9;
	s22 =	sadd.s32 s7, s1;
	(pc) =	sbr.rel .LBB2_1-.Ltmp0, $4  }
0x1d: {  	s25 =	simm.s32 $0x300;
	s6 =	simm.s32 $0x5;
	s7 =	simm.s32 $0x3  }
0x1e: {  	s11 =	simm.s32 $0x4;
	s14 =	simm.s32 $0x10;
	s0 =	sshrl.u32 s0, $0x3  }
0x1f: {  	s17 =	simm.s32 $0x0;
	s23 =	sadd.s32 s0, s9;
	s24 =	sadd.s32 s0, s1  }
0x20: {  	v0 =	vimm.f32 $0.0e+00;
	s0 =	simm.s32 $0x4300;
	s1 =	simm.s32 $0x180;
	s9 =	simm.s32 $0x6  }
.LBB2_6:
0x21: {  	s13 =	rddreg [dreg:$0xb];
	s18 =	simm.s32 $0x200  }
0x22: {  	[tilespmem:s18], [sflag:$0xA] =	stream.linear.gather [hbm4b:s13+s3], $0x10, $0x38;
	[tilespmem:$0x1CB00] =	vst v63  }
0x23: {  	_ =	swait.ge [sflag:s26], $0x10  }
0x24: {  	[sflag:s26] =	ssyncset.done $0x0  }
0x25: {  	[sflag:s26] =	ssyncadd.s32 $0xFFFFFFF0  }
0x26: {  	[tilespmem:s10], [sflag:$0x9] =	stream.indirect.gather [hbm4b:s4+s14], $0x80, s18, s14, $0xb8;
	[tilespmem:$0x1CB00] =	vst v63  }
0x27: {  	_ =	swait.ge [sflag:s15], $0x800  }
0x28: {  	[sflag:s15] =	ssyncset.done $0x0  }
0x29: {  	s18 =	rddreg [dreg:$0xc];
	[sflag:s15] =	ssyncadd.s32 $0xFFFFF800  }
0x2a: {  	[tilespmem:s16], [sflag:$0xA] =	stream.linear.gather [hbm4b:s18+s3], $0x10, $0x38;
	[tilespmem:$0x1CB00] =	vst v63  }
0x2b: {  	_ =	swait.ge [sflag:s26], $0x10  }
0x2c: {  	[sflag:s26] =	ssyncset.done $0x0  }
0x2d: {  	[sflag:s26] =	ssyncadd.s32 $0xFFFFFFF0  }
0x2e: {  	[spmem:s2] =	stream.indirect.scatter.add.f32 [tilespmem:s10], [sflag:$0xA], $0x80, s16, s14, $0xb8;
	[tilespmem:$0x1CB00] =	vst v63  }
0x2f: {  	_ =	swait.ge [sflag:s26], $0x800  }
0x30: {  	[sflag:s26] =	ssyncset.done $0x0  }
0x31: {  	[sflag:s26] =	ssyncadd.s32 $0xFFFFF800  }
0x32: {  	_ =	swait.ge [sflag:s12], $0x4000  }
0x33: {  	[sflag:s12] =	ssyncset.done $0x0  }
0x34: {  	s19 =	stileid.u32;
	[sflag:s12] =	ssyncadd.s32 $0xFFFFC000  }
0x35: {  	s13 =	sshll.u32 s19, $0x6;
	[bflag:$0x0] =	sbarrier.arrive $0xFFFF  }
0x36: {  	s20 =	sshrl.u32 s5, $0x3;
	s13 =	sor.u32 $0x1C0A, s13;
	s19 =	rddreg [dreg:$0xd]  }
0x37: {  	[hbm:s19], [sflag:s13] =	dma.local [spmem:s20], $0x2800  }
0x38: {  	_ =	swait.ge [sflag:s26], $0x2800  }
0x39: {  	s17 =	sadd.s32 $0x1, s17;
	s20 =	rddreg [dreg:$0xe]  }
0x3a: {  	p0 =	sne.s32 s17, s20  }
.Ltmp1:
0x3b: {  	_ = 	snop;
	(pc) =	sbr.rel @!p0 .LBB2_7-.Ltmp1, $3  }
0x3c: {  	_ =	sdelay $0x1  }
0x3d: {  	[sflag:s26] =	ssyncset.done $0x0  }
0x3e: {  	[sflag:s26] =	ssyncadd.s32 $0xFFFFD800  }
.LBB2_1:
0x3f: {  	s18 =	simm.s32 $0x0;
	s19 =	simm.s32 $0x200  }
.LBB2_2:
0x40: {  	p0 =	sne.s32 s19, $0xFE00;
	[tilespmem:s18+$0x370] =	vst v0  }
0x41: {  	[tilespmem:s18+$0x300] =	vst v0  }
0x42: {  	[tilespmem:s18+$0x310] =	vst v0  }
.Ltmp2:
0x43: {  	[tilespmem:s18+$0x320] =	vst v0;
	(pc) =	sbr.rel @p0 .LBB2_2-.Ltmp2, $4  }
0x44: {  	[tilespmem:s18+$0x330] =	vst v0  }
0x45: {  	[tilespmem:s18+$0x340] =	vst v0  }
0x46: {  	[tilespmem:s18+$0x350] =	vst v0  }
0x47: {  	[tilespmem:s18+$0x360] =	vst v0;
	s18 =	sshra.s32 s19, $0x2;
	s19 =	sadd.s32 $0x200, s19  }
0x48: {  	[tilespmem:s18+$0x370] =	vst v0  }
0x49: {  	[tilespmem:s18+$0x300] =	vst v0  }
0x4a: {  	[tilespmem:s18+$0x310] =	vst v0  }
0x4b: {  	[tilespmem:s18+$0x320] =	vst v0  }
0x4c: {  	[tilespmem:s18+$0x330] =	vst v0  }
0x4d: {  	[tilespmem:s18+$0x340] =	vst v0  }
0x4e: {  	[tilespmem:s18+$0x350] =	vst v0  }
0x4f: {  	[tilespmem:s18+$0x360] =	vst v0  }
0x50: {  	[spmem:s5] =	stream.linear.scatter [tilespmem:s25], [sflag:$0xA], $0x4000, $0x38;
	[tilespmem:$0x1CB00] =	vst v63  }
0x51: {  	_ =	swait.ge [sflag:s26], $0x4000  }
0x52: {  	[sflag:s26] =	ssyncset.done $0x0  }
0x53: {  	s13 =	rddreg [dreg:$0x4];
	[sflag:s26] =	ssyncadd.s32 $0xFFFFC000  }
0x54: {  	[spmem:s13] =	stream.linear.scatter [tilespmem:s25], [sflag:$0xA], $0x4000, $0x38;
	[tilespmem:$0x1CB00] =	vst v63  }
0x55: {  	_ =	swait.ge [sflag:s26], $0x4000  }
0x56: {  	[sflag:s26] =	ssyncset.done $0x0  }
0x57: {  	s20 =	rddreg [dreg:$0x5];
	[sflag:s26] =	ssyncadd.s32 $0xFFFFC000  }
0x58: {  	[spmem:s20] =	stream.linear.scatter [tilespmem:s25], [sflag:$0xA], $0x4000, $0x38;
	[tilespmem:$0x1CB00] =	vst v63  }
0x59: {  	_ =	swait.ge [sflag:s26], $0x4000  }
0x5a: {  	[sflag:s26] =	ssyncset.done $0x0  }
0x5b: {  	s18 =	rddreg [dreg:$0x6];
	[sflag:s26] =	ssyncadd.s32 $0xFFFFC000  }
0x5c: {  	[spmem:s18] =	stream.linear.scatter [tilespmem:s25], [sflag:$0xA], $0x4000, $0x38;
	[tilespmem:$0x1CB00] =	vst v63  }
0x5d: {  	_ =	swait.ge [sflag:s26], $0x4000  }
0x5e: {  	[sflag:s26] =	ssyncset.done $0x0  }
0x5f: {  	s19 =	rddreg [dreg:$0x7];
	[sflag:s26] =	ssyncadd.s32 $0xFFFFC000  }
0x60: {  	[spmem:s19] =	stream.linear.scatter [tilespmem:s25], [sflag:$0xA], $0x4000, $0x38;
	[tilespmem:$0x1CB00] =	vst v63  }
0x61: {  	_ =	swait.ge [sflag:s26], $0x4000  }
0x62: {  	[sflag:s26] =	ssyncset.done $0x0  }
0x63: {  	[sflag:s26] =	ssyncadd.s32 $0xFFFFC000  }
0x64: {  	[bflag:$0x0] =	sbarrier.arrive $0xFFFF  }
0x65: {  	s18 =	simm.s32 $0x0;
	s20 =	rddreg [dreg:$0x8]  }
0x66: {  	[tilespmem:s18], [sflag:$0x1] =	stream.linear.gather [hbm4b:s20+s18], $0x80, $0x38;
	[tilespmem:$0x1CB00] =	vst v63  }
0x67: {  	s19 =	rddreg [dreg:$0x9]  }
0x68: {  	[tilespmem:s28], [sflag:$0x2] =	stream.linear.gather [hbm4b:s19+s18], $0x80, $0x38;
	[tilespmem:$0x1CB00] =	vst v63  }
0x69: {  	_ =	swait.ge [sflag:s29], $0x80  }
0x6a: {  	[sflag:s29] =	ssyncset.done $0x0  }
0x6b: {  	[sflag:s29] =	ssyncadd.s32 $0xFFFFFF80  }
0x6c: {  	[tilespmem:s25], [sflag:$0x5] =	stream.indirect.gather [hbm4b:s4+s28], $0x80, s18, s28, $0xb8;
	[tilespmem:$0x1CB00] =	vst v63  }
0x6d: {  	s20 =	rddreg [dreg:$0xa]  }
0x6e: {  	[tilespmem:s30], [sflag:$0x3] =	stream.linear.gather [hbm4b:s20+s18], $0x80, $0x38;
	[tilespmem:$0x1CB00] =	vst v63  }
0x6f: {  	_ =	swait.ge [sflag:s31], $0x80  }
0x70: {  	[sflag:s31] =	ssyncset.done $0x0  }
0x71: {  	[sflag:s31] =	ssyncadd.s32 $0xFFFFFF80  }
0x72: {  	[tilespmem:s0], [sflag:$0x6] =	stream.indirect.gather [hbm4b:s4+s28], $0x80, s28, s28, $0xb8;
	[tilespmem:$0x1CB00] =	vst v63  }
0x73: {  	s19 =	rddreg [dreg:$0xf]  }
0x74: {  	[tilespmem:s1], [sflag:$0x4] =	stream.linear.gather [hbm4b:s19+s18], $0x80, $0x38;
	[tilespmem:$0x1CB00] =	vst v63  }
0x75: {  	_ =	swait.ge [sflag:s6], $0x4000  }
0x76: {  	[sflag:s6] =	ssyncset.done $0x0  }
0x77: {  	[sflag:s6] =	ssyncadd.s32 $0xFFFFC000  }
0x78: {  	_ =	swait.ge [sflag:s7], $0x80  }
0x79: {  	[sflag:s7] =	ssyncset.done $0x0  }
0x7a: {  	[sflag:s7] =	ssyncadd.s32 $0xFFFFFF80  }
0x7b: {  	[spmem:s2] =	stream.indirect.scatter.add.f32 [tilespmem:s25], [sflag:$0x7], $0x80, s30, s28, $0xb8;
	[tilespmem:$0x1CB00] =	vst v63  }
0x7c: {  	s20 =	rddreg [dreg:$0x10]  }
0x7d: {  	[tilespmem:s18], [sflag:$0x1] =	stream.linear.gather [hbm4b:s20+s18], $0x80, $0x38;
	[tilespmem:$0x1CB00] =	vst v63  }
0x7e: {  	_ =	swait.ge [sflag:s8], $0x4000  }
0x7f: {  	[sflag:s8] =	ssyncset.done $0x0  }
0x80: {  	[sflag:s8] =	ssyncadd.s32 $0xFFFFC000  }
0x81: {  	_ =	swait.ge [sflag:s29], $0x80  }
0x82: {  	[sflag:s29] =	ssyncset.done $0x0  }
0x83: {  	[sflag:s29] =	ssyncadd.s32 $0xFFFFFF80  }
0x84: {  	[tilespmem:s25], [sflag:$0x5] =	stream.indirect.gather [hbm4b:s4+s28], $0x80, s18, s28, $0xb8;
	[tilespmem:$0x1CB00] =	vst v63  }
0x85: {  	s19 =	rddreg [dreg:$0x11]  }
0x86: {  	[tilespmem:s30], [sflag:$0x3] =	stream.linear.gather [hbm4b:s19+s18], $0x80, $0x38;
	[tilespmem:$0x1CB00] =	vst v63  }
0x87: {  	_ =	swait.ge [sflag:s9], $0x4000  }
0x88: {  	[sflag:s9] =	ssyncset.done $0x0  }
0x89: {  	[sflag:s9] =	ssyncadd.s32 $0xFFFFC000  }
0x8a: {  	_ =	swait.ge [sflag:s11], $0x80  }
0x8b: {  	[sflag:s11] =	ssyncset.done $0x0  }
0x8c: {  	[sflag:s11] =	ssyncadd.s32 $0xFFFFFF80  }
0x8d: {  	[spmem:s2] =	stream.indirect.scatter.add.f32 [tilespmem:s0], [sflag:$0x8], $0x80, s1, s28, $0xb8;
	[tilespmem:$0x1CB00] =	vst v63  }
0x8e: {  	s20 =	rddreg [dreg:$0x12]  }
0x8f: {  	[tilespmem:s28], [sflag:$0x2] =	stream.linear.gather [hbm4b:s20+s18], $0x80, $0x38;
	[tilespmem:$0x1CB00] =	vst v63  }
.LBB2_4:
0x90: {  	_ =	swait.ge [sflag:s12], $0x4000  }
0x91: {  	[sflag:s12] =	ssyncset.done $0x0  }
0x92: {  	[sflag:s12] =	ssyncadd.s32 $0xFFFFC000  }
0x93: {  	_ =	swait.ge [sflag:s31], $0x80  }
0x94: {  	[sflag:s31] =	ssyncset.done $0x0  }
0x95: {  	[sflag:s31] =	ssyncadd.s32 $0xFFFFFF80  }
0x96: {  	[tilespmem:s0], [sflag:$0x6] =	stream.indirect.gather [hbm4b:s4+s28], $0x80, s28, s28, $0xb8;
	[tilespmem:$0x1CB00] =	vst v63  }
0x97: {  	s19 =	sadd.s32 s18, s21  }
0x98: {  	[tilespmem:s1], [sflag:$0x4] =	stream.linear.gather [hbm4b:s19+s3], $0x80, $0x38;
	[tilespmem:$0x1CB00] =	vst v63  }
0x99: {  	_ =	swait.ge [sflag:s6], $0x4000  }
0x9a: {  	[sflag:s6] =	ssyncset.done $0x0  }
0x9b: {  	[sflag:s6] =	ssyncadd.s32 $0xFFFFC000  }
0x9c: {  	_ =	swait.ge [sflag:s7], $0x80  }
0x9d: {  	p0 =	seq.s32 s18, $0x4A0;
	[sflag:s7] =	ssyncset.done $0x0  }
0x9e: {  	s19 =	simm.s32 @p0 $0x7;
	[sflag:s7] =	ssyncadd.s32 $0xFFFFFF80  }
0x9f: {  	[spmem:s2] =	stream.indirect.scatter.add.f32 [tilespmem:s25], [sflag:$0x7], $0x80, s30, s28, $0xb8;
	[tilespmem:$0x1CB00] =	vst v63  }
0xa0: {  	_ =	swait.ge @p0 [sflag:s19], $0x4000  }
0xa1: {  	[sflag:s19] =	ssyncset.done @p0 $0x0  }
0xa2: {  	s20 =	simm.s32 @!p0 $0x0;
	[sflag:s19] =	ssyncadd.s32 @p0 $0xFFFFC000;
	s19 =	sadd.s32 @!p0 s18, s24  }
0xa3: {  	[tilespmem:s20], [sflag:$0x1] =	stream.linear.gather @!p0 [hbm4b:s19+s20], $0x80, $0x38;
	[tilespmem:$0x1CB00] =	vst v63  }
0xa4: {  	s19 =	simm.s32 @!p0 $0x7  }
0xa5: {  	_ =	swait.ge @!p0 [sflag:s19], $0x4000  }
0xa6: {  	[sflag:s19] =	ssyncset.done @!p0 $0x0  }
0xa7: {  	[sflag:s19] =	ssyncadd.s32 @!p0 $0xFFFFC000;
	s19 =	simm.s32 @!p0 $0x1  }
0xa8: {  	_ =	swait.ge @!p0 [sflag:s19], $0x80  }
0xa9: {  	[sflag:s19] =	ssyncset.done @!p0 $0x0  }
0xaa: {  	s13 =	simm.s32 @!p0 $0x300;
	[sflag:s19] =	ssyncadd.s32 @!p0 $0xFFFFFF80;
	s19 =	simm.s32 @!p0 $0x80  }
0xab: {  	[tilespmem:s13], [sflag:$0x5] =	stream.indirect.gather @!p0 [hbm4b:s4+s19], $0x80, s20, s19, $0xb8;
	[tilespmem:$0x1CB00] =	vst v63  }
0xac: {  	s13 =	sadd.s32 @!p0 s18, s23;
	s19 =	simm.s32 @!p0 $0x100  }
0xad: {  	[tilespmem:s19], [sflag:$0x3] =	stream.linear.gather @!p0 [hbm4b:s13+s20], $0x80, $0x38;
	[tilespmem:$0x1CB00] =	vst v63  }
0xae: {  	_ =	swait.ge [sflag:s9], $0x4000  }
0xaf: {  	[sflag:s9] =	ssyncset.done $0x0  }
.Ltmp3:
0xb0: {  	[sflag:s9] =	ssyncadd.s32 $0xFFFFC000;
	(pc) =	sbr.rel @p0 .LBB2_6-.Ltmp3, $4  }
0xb1: {  	_ =	swait.ge [sflag:s11], $0x80  }
0xb2: {  	[sflag:s11] =	ssyncset.done $0x0  }
0xb3: {  	[sflag:s11] =	ssyncadd.s32 $0xFFFFFF80  }
0xb4: {  	[spmem:s2] =	stream.indirect.scatter.add.f32 [tilespmem:s0], [sflag:$0x8], $0x80, s1, s28, $0xb8;
	[tilespmem:$0x1CB00] =	vst v63  }
.Ltmp4:
0xb5: {  	(pc) =	sbr.rel .LBB2_4-.Ltmp4, $3  }
0xb6: {  	_ =	sdelay $0x1  }
0xb7: {  	s13 =	sadd.s32 s18, s22;
	s18 =	sadd.s32 $0x20, s18  }
0xb8: {  	[tilespmem:s28], [sflag:$0x2] =	stream.linear.gather [hbm4b:s13+s3], $0x80, $0x38;
	[tilespmem:$0x1CB00] =	vst v63  }
.LBB2_7:
0xb9: {  	_ =	sfence.sel $0x180000  }
0xba: {  	[bflag:$0x0] =	sbarrier.arrive $0xFFFF  }
0xbb: {  	_ =	strace $0x9000004A  }
0xbc: {  	s0 =	stileid.u32;
	[bflag:$0x2] =	sbarrier.arrive $0xFFFF  }
0xbd: {  	p0 =	sne.s32 s0, $0x0;
	s0 =	rddreg [dreg:$0x3]  }
0xbe: {  	s0 =	sadd.s32 @!p0 $0x100000, s0  }
0xbf: {  	[sflag:s0] =	ssyncadd.tile.s32 @!p0 $0x1;
	_ =	shalt  }
.Lfunc_end2:
_tile_overlayer_lowered:
.L_overlay_start_2:
0xc0: {  	(tag) =	ssettag $0x2  }
0xc1: {  	s0 =	rddreg [dreg:$0x0];
	s2 =	stileid.u32  }
0xc2: {  	s1 =	rddreg [dreg:$0x1];
	p0 =	sne.s32 s2, $0x0  }
0xc3: {  	s3 =	rddreg [dreg:$0x2];
	[bflag:$0x3] =	sbarrier.arrive $0xFFFF;
	s2 =	simm.s32 @!p0 $0x1C0A  }
0xc4: {  	[timem:s3], [sflag:s2] =	dma.local @!p0 [hbm:s0], s1  }
0xc5: {  	s0 =	simm.s32 @!p0 $0xA  }
0xc6: {  	_ =	swait.ge @!p0 [sflag:s0], s1  }
0xc7: {  	s1 =	ssub.s32 @!p0 $0x0, s1;
	[sflag:s0] =	ssyncset.done @!p0 $0x0  }
0xc8: {  	[sflag:s0] =	ssyncadd.s32 @!p0 s1  }
0xc9: {  	[bflag:$0x3] =	sbarrier.arrive $0xFFFF  }
0xca: {  	_ =	shalt  }

// kernel: kernel.17.cloned.1.call-start
scs
__scs_entry_jumppad:
0x0: {  	(pc) =	sbr.rel $0x88, $3  }
0x1: {  	(tag) =	ssettag $0x0;
	lr =	simm.s32 $0x1  }
0x2: {  	[smem:$0x3F92] =	sst lr;
	_ =	strace $0xD0000000  }
0x3: {  	_ = 	snop  }
0x4: {  	_ = 	snop  }
0x5: {  	_ = 	snop  }
0x6: {  	_ = 	snop  }
0x7: {  	_ = 	snop  }
__scs_overlays_trampoline_lowered:
0x8: {  	[smem:$0x3FA1] =	sst s0  }
0x9: {  	[smem:$0x3FA2] =	sst s1  }
0xa: {  	[smem:$0x3FA3] =	sst s2  }
0xb: {  	[smem:$0x3FA4] =	sst s3  }
0xc: {  	[smem:$0x3FA5] =	sst s4  }
0xd: {  	[smem:$0x3FA6] =	sst s5  }
0xe: {  	[smem:$0x3FA7] =	sst s6  }
0xf: {  	[smem:$0x3FA8] =	sst s7  }
0x10: {  	[smem:$0x3FA9] =	sst s8  }
0x11: {  	[smem:$0x3FAA] =	sst s9;
	s0 =	simm.s32 @!p0 $0x0  }
0x12: {  	s1 =	sld [smem:$0x3F90];
	s0 =	simm.s32 @p0 $0x1  }
0x13: {  	[smem:$0x3FAB] =	sst s0;
	s0 =	simm.s32 @!p1 $0x0  }
0x14: {  	s2 =	sld [smem:$0x3F8F];
	s0 =	simm.s32 @p1 $0x1  }
0x15: {  	[smem:$0x3FAC] =	sst s0;
	s0 =	simm.s32 @!p2 $0x0  }
0x16: {  	s3 =	sld [smem:$0x3FDB];
	s0 =	simm.s32 @p2 $0x1  }
0x17: {  	s4 =	simm.s32 $0x1BF5;
	[smem:$0x3FAE] =	sst s0  }
0x18: {  	s0 =	sld [smem:$0x3F91];
	_ =	swait.ge [sflag:s4], $0x0  }
0x19: {  	s7 =	sld [smem:$0x3F92]  }
0x1a: {  	s8 =	sadd.s32 $0xFFFFE003, lr  }
0x1b: {  	s9 =	sadd.s32 $0xFFFFFEF7, lr;
	s5 =	simm.s32 $0xFFFFFFFF;
	p2 =	slt.u32 s8, $0xFFFFF086  }
0x1c: {  	p1 =	slt.u32 s9, $0xF7A;
	s5 =	simm.s32 @!p2 $0x0  }
0x1d: {  	s5 =	simm.s32 @p1 $0x1;
	p0 =	seq.s32 s7, s2  }
0x1e: {  	s7 =	smul.u32 @!p0 $0xF7A, s2;
	p2 =	seq.s32 @!p0 s5, $0x0  }
0x1f: {  	s9 =	smul.u32 $0xF7A, s1;
	s8 =	simm.s32 @!p0 $0x1BF5;
	p2 =	por !p2, p0  }
0x20: {  	[sflag:s8] =	ssyncset.s32 @!p0 $0xFFFFF086;
	s6 =	sadd.s32 @!p0 s3, s7;
	s7 =	simm.s32 @!p0 $0x108  }
0x21: {  	s3 =	sadd.s32 s3, s9;
	s6 =	sadd.s32 @!p0 $0x88, s6;
	s7 =	simm.s32 @p2 $0x1082  }
0x22: {  	[simem:s7], [sflag:s8] =	dma.local @!p0 [hbm:s6], $0xF7A  }
0x23: {  	s9 =	sor.u32 $0xD0000000, s2;
	s6 =	simm.s32 $0x108;
	_ =	swait.ge @!p0 [sflag:s8], $0x0  }
0x24: {  	s3 =	sadd.s32 $0x88, s3;
	s6 =	simm.s32 @!p1 $0x1082;
	[sflag:s4] =	ssyncset.s32 $0xFFFFF086  }
0x25: {  	[simem:s6], [sflag:s4] =	dma.local [hbm:s3], $0xF7A  }
0x26: {  	[smem:$0x3F92] =	sst s1;
	(tag) =	ssettag s2;
	_ =	strace s9  }
0x27: {  	s1 =	sld [smem:$0x3FA2]  }
0x28: {  	s2 =	sld [smem:$0x3FA3]  }
0x29: {  	s4 =	sld [smem:$0x3FA5]  }
0x2a: {  	p0 =	seq.s32 s5, $0x0;
	s5 =	sld [smem:$0x3FA6]  }
0x2b: {  	s6 =	sld [smem:$0x3FA7]  }
0x2c: {  	s7 =	sld [smem:$0x3FA8]  }
0x2d: {  	s3 =	simm.s32 $0x108;
	s8 =	sld [smem:$0x3FA9]  }
0x2e: {  	s3 =	simm.s32 @!p0 $0x1082;
	s9 =	sld [smem:$0x3FAA]  }
0x2f: {  	lr =	sadd.s32 s0, s3;
	s0 =	sld [smem:$0x3FA1]  }
0x30: {  	s3 =	sld [smem:$0x3FA4]  }
0x31: {  	[smem:$0x3FAD] =	sst s10  }
0x32: {  	s10 =	sld [smem:$0x3FAB];
	_ =	sdelay $0x3  }
0x33: {  	p0 =	seq.s32 s10, $0x1;
	s10 =	sld [smem:$0x3FAD];
	_ =	sdelay $0x3  }
0x34: {  	[smem:$0x3FAD] =	sst s10  }
0x35: {  	s10 =	sld [smem:$0x3FAC];
	_ =	sdelay $0x3  }
0x36: {  	p1 =	seq.s32 s10, $0x1;
	s10 =	sld [smem:$0x3FAD];
	_ =	sdelay $0x3  }
0x37: {  	[smem:$0x3FAD] =	sst s10  }
0x38: {  	s10 =	sld [smem:$0x3FAE]  }
0x39: {  	_ = 	snop;
	(pc) =	sbr.ind lr, $3  }
0x3a: {  	_ = 	snop  }
0x3b: {  	_ = 	snop  }
0x3c: {  	p2 =	seq.s32 s10, $0x1;
	s10 =	sld [smem:$0x3FAD]  }
0x3d: {  	_ =	shalt  }
0x3e: {  	_ =	shalt  }
0x3f: {  	_ =	shalt  }
0x40: {  	_ =	shalt  }
0x41: {  	_ =	shalt  }
0x42: {  	_ =	shalt  }
0x43: {  	_ =	shalt  }
0x44: {  	_ =	shalt  }
0x45: {  	_ =	shalt  }
0x46: {  	_ =	shalt  }
0x47: {  	_ =	shalt  }
0x48: {  	_ =	shalt  }
0x49: {  	_ =	shalt  }
0x4a: {  	_ =	shalt  }
0x4b: {  	_ =	shalt  }
0x4c: {  	_ =	shalt  }
0x4d: {  	_ =	shalt  }
0x4e: {  	_ =	shalt  }
0x4f: {  	_ =	shalt  }
0x50: {  	_ =	shalt  }
0x51: {  	_ =	shalt  }
0x52: {  	_ =	shalt  }
0x53: {  	_ =	shalt  }
0x54: {  	_ =	shalt  }
0x55: {  	_ =	shalt  }
0x56: {  	_ =	shalt  }
0x57: {  	_ =	shalt  }
0x58: {  	_ =	shalt  }
0x59: {  	_ =	shalt  }
0x5a: {  	_ =	shalt  }
0x5b: {  	_ =	shalt  }
0x5c: {  	_ =	shalt  }
0x5d: {  	_ =	shalt  }
0x5e: {  	_ =	shalt  }
0x5f: {  	_ =	shalt  }
0x60: {  	_ =	shalt  }
0x61: {  	_ =	shalt  }
0x62: {  	_ =	shalt  }
0x63: {  	_ =	shalt  }
0x64: {  	_ =	shalt  }
0x65: {  	_ =	shalt  }
0x66: {  	_ =	shalt  }
0x67: {  	_ =	shalt  }
0x68: {  	_ =	shalt  }
0x69: {  	_ =	shalt  }
0x6a: {  	_ =	shalt  }
0x6b: {  	_ =	shalt  }
0x6c: {  	_ =	shalt  }
0x6d: {  	_ =	shalt  }
0x6e: {  	_ =	shalt  }
0x6f: {  	_ =	shalt  }
0x70: {  	_ =	shalt  }
0x71: {  	_ =	shalt  }
0x72: {  	_ =	shalt  }
0x73: {  	_ =	shalt  }
0x74: {  	_ =	shalt  }
0x75: {  	_ =	shalt  }
0x76: {  	_ =	shalt  }
0x77: {  	_ =	shalt  }
0x78: {  	_ =	shalt  }
0x79: {  	_ =	shalt  }
0x7a: {  	_ =	shalt  }
0x7b: {  	_ =	shalt  }
0x7c: {  	_ =	shalt  }
0x7d: {  	_ =	shalt  }
0x7e: {  	_ =	shalt  }
0x7f: {  	_ =	shalt  }
0x80: {  	_ =	shalt  }
0x81: {  	_ =	shalt  }
0x82: {  	_ =	shalt  }
0x83: {  	_ =	shalt  }
0x84: {  	_ =	shalt  }
0x85: {  	_ =	shalt  }
0x86: {  	_ =	shalt  }
0x87: {  	_ =	shalt  }
.Lfunc_end0:
.L_simem_size_0:
called_computation.2_lowered:
.L_overlay_start_0:
0x88: {  	s2 =	sld [smem:$0x3FD9]  }
0x89: {  	s3 =	sld [smem:$0x3FFE];
	_ =	sdelay $0x1  }
0x8a: {  	s1 =	srdreg.scid  }
0x8b: {  	s0 =	sand.u32 $0x1, s1  }
0x8c: {  	s14 =	sshll.u32 s0, $0xA;
	s2 =	sadd.s32 s3, s2  }
0x8d: {  	s2 =	sadd.s32 s2, s14  }
0x8e: {  	[smem:$0x3FB9] =	sst s2  }
0x8f: {  	_ = 	snop  }
0x90: {  	s2 =	sld [smem:$0x3FD0];
	_ =	sdelay $0x2  }
0x91: {  	s15 =	simm.s32 $0xA;
	s4 =	simm.s32 $0x10  }
0x92: {  	[smem:s4], [sflag:s15] =	dma.local [hbm:s2], $0x1  }
0x93: {  	_ =	swait.eq [sflag:s15], $0x1  }
0x94: {  	[sflag:s15] =	ssyncset.done $0x0  }
0x95: {  	[sflag:s15] =	ssyncadd.s32 $0xFFFFFFFF  }
0x96: {  	s16 =	sld [smem:$0x11];
	(tm) =	ssettm $0x1  }
0x97: {  	s17 =	sld [smem:$0x3FFB];
	_ =	sdelay $0x3  }
0x98: {  	_ =	strace s17  }
0x99: {  	s3 =	sld [smem:$0x3FFC];
	_ =	sdelay $0x3  }
0x9a: {  	_ =	strace s3  }
0x9b: {  	s3 =	sld [smem:$0x3FFD];
	_ =	sdelay $0x3  }
0x9c: {  	_ =	strace s3  }
0x9d: {  	_ =	strace $0x8FFFFFFF  }
0x9e: {  	s18 =	sld [smem:$0x3FDB];
	_ =	sdelay $0x1  }
0x9f: {  	s19 =	simm.s32 $_scs_section_size  }
0xa0: {  	s5 =	simm.s32 $_size__tile_overlayer_lowered;
	s6 =	simm.s32 $_tile_overlayer_lowered  }
0xa1: {  	s22 =	simm.s32 $0x1BFF;
	s21 =	sshll.u32 s6, $0x1;
	s3 =	sadd.s32 s19, s18  }
0xa2: {  	s7 =	simm.s32 $0x0;
	s20 =	sshll.u32 s5, $0x1;
	s5 =	sadd.s32 s21, s3  }
0xa3: {  	[timem:s7], [sflag:s22] =	dma.local [hbm:s5], s20  }
0xa4: {  	_ =	swait.ge [sflag:s22], s20  }
0xa5: {  	s4 =	ssub.s32 $0x0, s20;
	[sflag:s22] =	ssyncset.done $0x0  }
0xa6: {  	[sflag:s22] =	ssyncadd.s32 s4;
	_ =	sdelay $0x1  }
0xa7: {  	s23 =	simm.s32 $0x1B8B  }
0xa8: {  	_ =	swait.ge [sflag:s23], $0x1  }
0xa9: {  	[sflag:s23] =	ssyncset.done $0x0  }
0xaa: {  	s25 =	simm.s32 $0x1B8E;
	s24 =	sld [smem:$0x3FFE];
	[sflag:s23] =	ssyncadd.s32 $0xFFFFFFFF  }
0xab: {  	s26 =	simm.s32 $execute0_lowered;
	[smem:$0x3FD2] =	sst s25  }
0xac: {  	s5 =	sshll.u32 s26, $0x1;
	_ =	strace $0x8000004C;
	[dreg:$0x1] =	wrdreg $0xFFFFFFFF  }
0xad: {  	s28 =	simm.s32 $_size_execute0_lowered;
	s3 =	sadd.s32 s3, s5;
	[dreg:$0x0] =	wrdreg $0x0  }
0xae: {  	s5 =	sshll.u32 s28, $0x1;
	[dreg:$0x2] =	wrdreg s3  }
0xaf: {  	[dreg:$0x3] =	wrdreg s5  }
0xb0: {  	[dreg:$0x4] =	wrdreg $0xC0  }
0xb1: {  	_ =	task [dreg:s7], $0x5FFFF  }
0xb2: {  	[dreg:$0x1] =	wrdreg $0xFFFFFFFF  }
0xb3: {  	[dreg:$0x0] =	wrdreg $0x60  }
0xb4: {  	[dreg:$0x2] =	wrdreg s24  }
0xb5: {  	[dreg:$0x3] =	wrdreg s16  }
0xb6: {  	[dreg:$0x4] =	wrdreg $0x8B000  }
0xb7: {  	[dreg:$0x5] =	wrdreg $0x9  }
0xb8: {  	_ =	task.clear_ibuf [dreg:s7], $0x6FFFF;
	_ =	strace $0x9000004C  }
0xb9: {  	s29 =	simm.s32 $0x9;
	_ =	strace $0x8000004E  }
0xba: {  	_ =	swait.ge [sflag:s29], $0x1  }
0xbb: {  	[sflag:s29] =	ssyncadd.s32 $0xFFFFFFFF  }
0xbc: {  	_ =	strace $0x9000004E  }
0xbd: {  	_ =	sfence  }
0xbe: {  	s30 =	sld [smem:$0x0];
	_ =	sdelay $0x2  }
0xbf: {  	s31 =	sshll.u32 s1, $0xD;
	s1 =	sshrl.u32 s1, $0x2  }
0xc0: {  	s3 =	sand.u32 $0x4000, s31;
	s1 =	sadd.s32 s1, s30  }
0xc1: {  	s0 =	sor.u32 s3, s0;
	s1 =	sshll.u32 s1, $0x11  }
0xc2: {  	s0 =	sor.u32 s1, s0  }
0xc3: {  	s0 =	sadd.s32 $0x8F2B, s0  }
0xc4: {  	[sflag:s0] =	ssyncadd.remote.s32 $0x1  }
0xc5: {  	_ =	sfence.sel $0xFFFF  }
0xc6: {  	[dreg:$0x0] =	wrdreg $0xFFFFFFFF;
	(pc) =	sbr.abs _section_cstart, $3  }
0xc7: {  	[dreg:$0x1] =	wrdreg $0xFFFFFFFF  }
0xc8: {  	_ =	task.clear_ibuf [dreg:s7], $0x2FFFF;
	_ =	strace $0x9FFFFFFF  }
0xc9: {  	(tm) =	ssettm $0x7FFFFFFF  }
tec
execute0_lowered:
.L_overlay_start_1:
0x0: {  	(tag) =	ssettag $0x1  }
0x1: {  	s0 =	rddreg [dreg:$0x0]  }
0x2: {  	s1 =	rddreg [dreg:$0x1]  }
0x3: {  	s2 =	rddreg [dreg:$0x2];
	s4 =	srdreg.scid  }
0x4: {  	s12 =	stileid.u32;
	s3 =	simm.s32 $0x0;
	s28 =	simm.s32 $0x80  }
0x5: {  	s29 =	simm.s32 $0x1;
	s30 =	simm.s32 $0x100;
	s31 =	simm.s32 $0x2  }
0x6: {  	s6 =	sand.u32 $0x1, s4;
	s5 =	smul.u32 $0x2800, s12;
	[smem:$0x7FF] =	sst s3  }
0x7: {  	s4 =	sadd.s32 $0xDE00, s0;
	s8 =	smul.u32 $0x50000, s12;
	s9 =	sadd.s32 $0x4000, s0  }
0x8: {  	s7 =	smul.u32 $0x28000, s6;
	_ =	strace $0x8000004D;
	s19 =	sshll.u32 s6, $0x4  }
0x9: {  	s10 =	ssub.s32 $0x2, s6;
	s6 =	smul.u32 $0x27100, s6;
	s11 =	sor.u32 s12, s19  }
0xa: {  	s20 =	sshrl.u32 s8, $0x2;
	s21 =	sshrl.u32 s10, $0x1;
	s8 =	simm.s32 $0x7  }
0xb: {  	s7 =	sadd.s32 s5, s7;
	s5 =	sadd.s32 s20, s2;
	s11 =	smul.u32 $0x2710, s11  }
0xc: {  	s22 =	ssub.s32 s10, s21;
	s21 =	smul.u32 $0x2710, s12;
	s23 =	sadd.s32 $0x4000, s5  }
0xd: {  	s12 =	simm.s32 $0x8;
	s24 =	sadd.s32 $0x8000, s5;
	[dreg:$0x4] =	wrdreg s23  }
0xe: {  	s10 =	simm.s32 $0x8300;
	s25 =	sadd.s32 $0xC000, s5;
	[dreg:$0x5] =	wrdreg s24  }
0xf: {  	s0 =	sadd.s32 s7, s0;
	s15 =	sadd.s32 $0x10000, s5;
	[dreg:$0x6] =	wrdreg s25  }
0x10: {  	s7 =	smax.u32 s22, $0x1;
	s26 =	sshrl.u32 s11, $0x3;
	[dreg:$0x7] =	wrdreg s15  }
0x11: {  	s0 =	sadd.s32 $0x35E00, s0;
	[dreg:$0xe] =	wrdreg s7;
	s25 =	sadd.s32 s21, s6  }
0x12: {  	s15 =	simm.s32 $0x9;
	s18 =	sadd.s32 s9, s26;
	[dreg:$0xd] =	wrdreg s0  }
0x13: {  	s13 =	sadd.s32 s1, s26;
	s16 =	sadd.s32 $0x10, s26;
	[dreg:$0xa] =	wrdreg s18  }
0x14: {  	s19 =	sadd.s32 $0x4E0, s26;
	s17 =	sadd.s32 s1, s16;
	[dreg:$0x8] =	wrdreg s13  }
0x15: {  	s20 =	sadd.s32 $0x20, s26;
	s14 =	sadd.s32 s1, s19;
	[dreg:$0x9] =	wrdreg s17  }
0x16: {  	s6 =	sadd.s32 $0x180, s25;
	s11 =	sadd.s32 s9, s19;
	[dreg:$0xb] =	wrdreg s14  }
0x17: {  	s26 =	sadd.s32 $0x280, s25;
	s22 =	sadd.s32 s9, s16;
	[dreg:$0xc] =	wrdreg s11  }
0x18: {  	s23 =	sadd.s32 s1, s20;
	s0 =	sadd.s32 s9, s20;
	[dreg:$0xf] =	wrdreg s22  }
0x19: {  	s24 =	sadd.s32 $0x30, s13;
	s6 =	sshrl.u32 s6, $0x3;
	[dreg:$0x10] =	wrdreg s23  }
0x1a: {  	s7 =	sshrl.u32 s26, $0x3;
	s26 =	simm.s32 $0xA;
	[dreg:$0x11] =	wrdreg s0  }
0x1b: {  	s16 =	simm.s32 $0x280;
	[dreg:$0x12] =	wrdreg s24;
	s0 =	sadd.s32 $0x200, s25  }
.Ltmp0:
0x1c: {  	s21 =	sadd.s32 s6, s9;
	s22 =	sadd.s32 s7, s1;
	(pc) =	sbr.rel .LBB2_1-.Ltmp0, $4  }
0x1d: {  	s25 =	simm.s32 $0x300;
	s6 =	simm.s32 $0x5;
	s7 =	simm.s32 $0x3  }
0x1e: {  	s11 =	simm.s32 $0x4;
	s14 =	simm.s32 $0x10;
	s0 =	sshrl.u32 s0, $0x3  }
0x1f: {  	s17 =	simm.s32 $0x0;
	s23 =	sadd.s32 s0, s9;
	s24 =	sadd.s32 s0, s1  }
0x20: {  	v0 =	vimm.f32 $0.0e+00;
	s0 =	simm.s32 $0x4300;
	s1 =	simm.s32 $0x180;
	s9 =	simm.s32 $0x6  }
.LBB2_6:
0x21: {  	s13 =	rddreg [dreg:$0xb];
	s18 =	simm.s32 $0x200  }
0x22: {  	[tilespmem:s18], [sflag:$0xA] =	stream.linear.gather [hbm4b:s13+s3], $0x10, $0x38;
	[tilespmem:$0x1CB00] =	vst v63  }
0x23: {  	_ =	swait.ge [sflag:s26], $0x10  }
0x24: {  	[sflag:s26] =	ssyncset.done $0x0  }
0x25: {  	[sflag:s26] =	ssyncadd.s32 $0xFFFFFFF0  }
0x26: {  	[tilespmem:s10], [sflag:$0x9] =	stream.indirect.gather [hbm4b:s4+s14], $0x80, s18, s14, $0xb8;
	[tilespmem:$0x1CB00] =	vst v63  }
0x27: {  	_ =	swait.ge [sflag:s15], $0x800  }
0x28: {  	[sflag:s15] =	ssyncset.done $0x0  }
0x29: {  	s18 =	rddreg [dreg:$0xc];
	[sflag:s15] =	ssyncadd.s32 $0xFFFFF800  }
0x2a: {  	[tilespmem:s16], [sflag:$0xA] =	stream.linear.gather [hbm4b:s18+s3], $0x10, $0x38;
	[tilespmem:$0x1CB00] =	vst v63  }
0x2b: {  	_ =	swait.ge [sflag:s26], $0x10  }
0x2c: {  	[sflag:s26] =	ssyncset.done $0x0  }
0x2d: {  	[sflag:s26] =	ssyncadd.s32 $0xFFFFFFF0  }
0x2e: {  	[spmem:s2] =	stream.indirect.scatter.add.f32 [tilespmem:s10], [sflag:$0xA], $0x80, s16, s14, $0xb8;
	[tilespmem:$0x1CB00] =	vst v63  }
0x2f: {  	_ =	swait.ge [sflag:s26], $0x800  }
0x30: {  	[sflag:s26] =	ssyncset.done $0x0  }
0x31: {  	[sflag:s26] =	ssyncadd.s32 $0xFFFFF800  }
0x32: {  	_ =	swait.ge [sflag:s12], $0x4000  }
0x33: {  	[sflag:s12] =	ssyncset.done $0x0  }
0x34: {  	s19 =	stileid.u32;
	[sflag:s12] =	ssyncadd.s32 $0xFFFFC000  }
0x35: {  	s13 =	sshll.u32 s19, $0x6;
	[bflag:$0x0] =	sbarrier.arrive $0xFFFF  }
0x36: {  	s20 =	sshrl.u32 s5, $0x3;
	s13 =	sor.u32 $0x1C0A, s13;
	s19 =	rddreg [dreg:$0xd]  }
0x37: {  	[hbm:s19], [sflag:s13] =	dma.local [spmem:s20], $0x2800  }
0x38: {  	_ =	swait.ge [sflag:s26], $0x2800  }
0x39: {  	s17 =	sadd.s32 $0x1, s17;
	s20 =	rddreg [dreg:$0xe]  }
0x3a: {  	p0 =	sne.s32 s17, s20  }
.Ltmp1:
0x3b: {  	_ = 	snop;
	(pc) =	sbr.rel @!p0 .LBB2_7-.Ltmp1, $3  }
0x3c: {  	_ =	sdelay $0x1  }
0x3d: {  	[sflag:s26] =	ssyncset.done $0x0  }
0x3e: {  	[sflag:s26] =	ssyncadd.s32 $0xFFFFD800  }
.LBB2_1:
0x3f: {  	s18 =	simm.s32 $0x0;
	s19 =	simm.s32 $0x200  }
.LBB2_2:
0x40: {  	p0 =	sne.s32 s19, $0xFE00;
	[tilespmem:s18+$0x370] =	vst v0  }
0x41: {  	[tilespmem:s18+$0x300] =	vst v0  }
0x42: {  	[tilespmem:s18+$0x310] =	vst v0  }
.Ltmp2:
0x43: {  	[tilespmem:s18+$0x320] =	vst v0;
	(pc) =	sbr.rel @p0 .LBB2_2-.Ltmp2, $4  }
0x44: {  	[tilespmem:s18+$0x330] =	vst v0  }
0x45: {  	[tilespmem:s18+$0x340] =	vst v0  }
0x46: {  	[tilespmem:s18+$0x350] =	vst v0  }
0x47: {  	[tilespmem:s18+$0x360] =	vst v0;
	s18 =	sshra.s32 s19, $0x2;
	s19 =	sadd.s32 $0x200, s19  }
0x48: {  	[tilespmem:s18+$0x370] =	vst v0  }
0x49: {  	[tilespmem:s18+$0x300] =	vst v0  }
0x4a: {  	[tilespmem:s18+$0x310] =	vst v0  }
0x4b: {  	[tilespmem:s18+$0x320] =	vst v0  }
0x4c: {  	[tilespmem:s18+$0x330] =	vst v0  }
0x4d: {  	[tilespmem:s18+$0x340] =	vst v0  }
0x4e: {  	[tilespmem:s18+$0x350] =	vst v0  }
0x4f: {  	[tilespmem:s18+$0x360] =	vst v0  }
0x50: {  	[spmem:s5] =	stream.linear.scatter [tilespmem:s25], [sflag:$0xA], $0x4000, $0x38;
	[tilespmem:$0x1CB00] =	vst v63  }
0x51: {  	_ =	swait.ge [sflag:s26], $0x4000  }
0x52: {  	[sflag:s26] =	ssyncset.done $0x0  }
0x53: {  	s13 =	rddreg [dreg:$0x4];
	[sflag:s26] =	ssyncadd.s32 $0xFFFFC000  }
0x54: {  	[spmem:s13] =	stream.linear.scatter [tilespmem:s25], [sflag:$0xA], $0x4000, $0x38;
	[tilespmem:$0x1CB00] =	vst v63  }
0x55: {  	_ =	swait.ge [sflag:s26], $0x4000  }
0x56: {  	[sflag:s26] =	ssyncset.done $0x0  }
0x57: {  	s20 =	rddreg [dreg:$0x5];
	[sflag:s26] =	ssyncadd.s32 $0xFFFFC000  }
0x58: {  	[spmem:s20] =	stream.linear.scatter [tilespmem:s25], [sflag:$0xA], $0x4000, $0x38;
	[tilespmem:$0x1CB00] =	vst v63  }
0x59: {  	_ =	swait.ge [sflag:s26], $0x4000  }
0x5a: {  	[sflag:s26] =	ssyncset.done $0x0  }
0x5b: {  	s18 =	rddreg [dreg:$0x6];
	[sflag:s26] =	ssyncadd.s32 $0xFFFFC000  }
0x5c: {  	[spmem:s18] =	stream.linear.scatter [tilespmem:s25], [sflag:$0xA], $0x4000, $0x38;
	[tilespmem:$0x1CB00] =	vst v63  }
0x5d: {  	_ =	swait.ge [sflag:s26], $0x4000  }
0x5e: {  	[sflag:s26] =	ssyncset.done $0x0  }
0x5f: {  	s19 =	rddreg [dreg:$0x7];
	[sflag:s26] =	ssyncadd.s32 $0xFFFFC000  }
0x60: {  	[spmem:s19] =	stream.linear.scatter [tilespmem:s25], [sflag:$0xA], $0x4000, $0x38;
	[tilespmem:$0x1CB00] =	vst v63  }
0x61: {  	_ =	swait.ge [sflag:s26], $0x4000  }
0x62: {  	[sflag:s26] =	ssyncset.done $0x0  }
0x63: {  	[sflag:s26] =	ssyncadd.s32 $0xFFFFC000  }
0x64: {  	[bflag:$0x0] =	sbarrier.arrive $0xFFFF  }
0x65: {  	s18 =	simm.s32 $0x0;
	s20 =	rddreg [dreg:$0x8]  }
0x66: {  	[tilespmem:s18], [sflag:$0x1] =	stream.linear.gather [hbm4b:s20+s18], $0x80, $0x38;
	[tilespmem:$0x1CB00] =	vst v63  }
0x67: {  	s19 =	rddreg [dreg:$0x9]  }
0x68: {  	[tilespmem:s28], [sflag:$0x2] =	stream.linear.gather [hbm4b:s19+s18], $0x80, $0x38;
	[tilespmem:$0x1CB00] =	vst v63  }
0x69: {  	_ =	swait.ge [sflag:s29], $0x80  }
0x6a: {  	[sflag:s29] =	ssyncset.done $0x0  }
0x6b: {  	[sflag:s29] =	ssyncadd.s32 $0xFFFFFF80  }
0x6c: {  	[tilespmem:s25], [sflag:$0x5] =	stream.indirect.gather [hbm4b:s4+s28], $0x80, s18, s28, $0xb8;
	[tilespmem:$0x1CB00] =	vst v63  }
0x6d: {  	s20 =	rddreg [dreg:$0xa]  }
0x6e: {  	[tilespmem:s30], [sflag:$0x3] =	stream.linear.gather [hbm4b:s20+s18], $0x80, $0x38;
	[tilespmem:$0x1CB00] =	vst v63  }
0x6f: {  	_ =	swait.ge [sflag:s31], $0x80  }
0x70: {  	[sflag:s31] =	ssyncset.done $0x0  }
0x71: {  	[sflag:s31] =	ssyncadd.s32 $0xFFFFFF80  }
0x72: {  	[tilespmem:s0], [sflag:$0x6] =	stream.indirect.gather [hbm4b:s4+s28], $0x80, s28, s28, $0xb8;
	[tilespmem:$0x1CB00] =	vst v63  }
0x73: {  	s19 =	rddreg [dreg:$0xf]  }
0x74: {  	[tilespmem:s1], [sflag:$0x4] =	stream.linear.gather [hbm4b:s19+s18], $0x80, $0x38;
	[tilespmem:$0x1CB00] =	vst v63  }
0x75: {  	_ =	swait.ge [sflag:s6], $0x4000  }
0x76: {  	[sflag:s6] =	ssyncset.done $0x0  }
0x77: {  	[sflag:s6] =	ssyncadd.s32 $0xFFFFC000  }
0x78: {  	_ =	swait.ge [sflag:s7], $0x80  }
0x79: {  	[sflag:s7] =	ssyncset.done $0x0  }
0x7a: {  	[sflag:s7] =	ssyncadd.s32 $0xFFFFFF80  }
0x7b: {  	[spmem:s2] =	stream.indirect.scatter.add.f32 [tilespmem:s25], [sflag:$0x7], $0x80, s30, s28, $0xb8;
	[tilespmem:$0x1CB00] =	vst v63  }
0x7c: {  	s20 =	rddreg [dreg:$0x10]  }
0x7d: {  	[tilespmem:s18], [sflag:$0x1] =	stream.linear.gather [hbm4b:s20+s18], $0x80, $0x38;
	[tilespmem:$0x1CB00] =	vst v63  }
0x7e: {  	_ =	swait.ge [sflag:s8], $0x4000  }
0x7f: {  	[sflag:s8] =	ssyncset.done $0x0  }
0x80: {  	[sflag:s8] =	ssyncadd.s32 $0xFFFFC000  }
0x81: {  	_ =	swait.ge [sflag:s29], $0x80  }
0x82: {  	[sflag:s29] =	ssyncset.done $0x0  }
0x83: {  	[sflag:s29] =	ssyncadd.s32 $0xFFFFFF80  }
0x84: {  	[tilespmem:s25], [sflag:$0x5] =	stream.indirect.gather [hbm4b:s4+s28], $0x80, s18, s28, $0xb8;
	[tilespmem:$0x1CB00] =	vst v63  }
0x85: {  	s19 =	rddreg [dreg:$0x11]  }
0x86: {  	[tilespmem:s30], [sflag:$0x3] =	stream.linear.gather [hbm4b:s19+s18], $0x80, $0x38;
	[tilespmem:$0x1CB00] =	vst v63  }
0x87: {  	_ =	swait.ge [sflag:s9], $0x4000  }
0x88: {  	[sflag:s9] =	ssyncset.done $0x0  }
0x89: {  	[sflag:s9] =	ssyncadd.s32 $0xFFFFC000  }
0x8a: {  	_ =	swait.ge [sflag:s11], $0x80  }
0x8b: {  	[sflag:s11] =	ssyncset.done $0x0  }
0x8c: {  	[sflag:s11] =	ssyncadd.s32 $0xFFFFFF80  }
0x8d: {  	[spmem:s2] =	stream.indirect.scatter.add.f32 [tilespmem:s0], [sflag:$0x8], $0x80, s1, s28, $0xb8;
	[tilespmem:$0x1CB00] =	vst v63  }
0x8e: {  	s20 =	rddreg [dreg:$0x12]  }
0x8f: {  	[tilespmem:s28], [sflag:$0x2] =	stream.linear.gather [hbm4b:s20+s18], $0x80, $0x38;
	[tilespmem:$0x1CB00] =	vst v63  }
.LBB2_4:
0x90: {  	_ =	swait.ge [sflag:s12], $0x4000  }
0x91: {  	[sflag:s12] =	ssyncset.done $0x0  }
0x92: {  	[sflag:s12] =	ssyncadd.s32 $0xFFFFC000  }
0x93: {  	_ =	swait.ge [sflag:s31], $0x80  }
0x94: {  	[sflag:s31] =	ssyncset.done $0x0  }
0x95: {  	[sflag:s31] =	ssyncadd.s32 $0xFFFFFF80  }
0x96: {  	[tilespmem:s0], [sflag:$0x6] =	stream.indirect.gather [hbm4b:s4+s28], $0x80, s28, s28, $0xb8;
	[tilespmem:$0x1CB00] =	vst v63  }
0x97: {  	s19 =	sadd.s32 s18, s21  }
0x98: {  	[tilespmem:s1], [sflag:$0x4] =	stream.linear.gather [hbm4b:s19+s3], $0x80, $0x38;
	[tilespmem:$0x1CB00] =	vst v63  }
0x99: {  	_ =	swait.ge [sflag:s6], $0x4000  }
0x9a: {  	[sflag:s6] =	ssyncset.done $0x0  }
0x9b: {  	[sflag:s6] =	ssyncadd.s32 $0xFFFFC000  }
0x9c: {  	_ =	swait.ge [sflag:s7], $0x80  }
0x9d: {  	p0 =	seq.s32 s18, $0x4A0;
	[sflag:s7] =	ssyncset.done $0x0  }
0x9e: {  	s19 =	simm.s32 @p0 $0x7;
	[sflag:s7] =	ssyncadd.s32 $0xFFFFFF80  }
0x9f: {  	[spmem:s2] =	stream.indirect.scatter.add.f32 [tilespmem:s25], [sflag:$0x7], $0x80, s30, s28, $0xb8;
	[tilespmem:$0x1CB00] =	vst v63  }
0xa0: {  	_ =	swait.ge @p0 [sflag:s19], $0x4000  }
0xa1: {  	[sflag:s19] =	ssyncset.done @p0 $0x0  }
0xa2: {  	s20 =	simm.s32 @!p0 $0x0;
	[sflag:s19] =	ssyncadd.s32 @p0 $0xFFFFC000;
	s19 =	sadd.s32 @!p0 s18, s24  }
0xa3: {  	[tilespmem:s20], [sflag:$0x1] =	stream.linear.gather @!p0 [hbm4b:s19+s20], $0x80, $0x38;
	[tilespmem:$0x1CB00] =	vst v63  }
0xa4: {  	s19 =	simm.s32 @!p0 $0x7  }
0xa5: {  	_ =	swait.ge @!p0 [sflag:s19], $0x4000  }
0xa6: {  	[sflag:s19] =	ssyncset.done @!p0 $0x0  }
0xa7: {  	[sflag:s19] =	ssyncadd.s32 @!p0 $0xFFFFC000;
	s19 =	simm.s32 @!p0 $0x1  }
0xa8: {  	_ =	swait.ge @!p0 [sflag:s19], $0x80  }
0xa9: {  	[sflag:s19] =	ssyncset.done @!p0 $0x0  }
0xaa: {  	s13 =	simm.s32 @!p0 $0x300;
	[sflag:s19] =	ssyncadd.s32 @!p0 $0xFFFFFF80;
	s19 =	simm.s32 @!p0 $0x80  }
0xab: {  	[tilespmem:s13], [sflag:$0x5] =	stream.indirect.gather @!p0 [hbm4b:s4+s19], $0x80, s20, s19, $0xb8;
	[tilespmem:$0x1CB00] =	vst v63  }
0xac: {  	s13 =	sadd.s32 @!p0 s18, s23;
	s19 =	simm.s32 @!p0 $0x100  }
0xad: {  	[tilespmem:s19], [sflag:$0x3] =	stream.linear.gather @!p0 [hbm4b:s13+s20], $0x80, $0x38;
	[tilespmem:$0x1CB00] =	vst v63  }
0xae: {  	_ =	swait.ge [sflag:s9], $0x4000  }
0xaf: {  	[sflag:s9] =	ssyncset.done $0x0  }
.Ltmp3:
0xb0: {  	[sflag:s9] =	ssyncadd.s32 $0xFFFFC000;
	(pc) =	sbr.rel @p0 .LBB2_6-.Ltmp3, $4  }
0xb1: {  	_ =	swait.ge [sflag:s11], $0x80  }
0xb2: {  	[sflag:s11] =	ssyncset.done $0x0  }
0xb3: {  	[sflag:s11] =	ssyncadd.s32 $0xFFFFFF80  }
0xb4: {  	[spmem:s2] =	stream.indirect.scatter.add.f32 [tilespmem:s0], [sflag:$0x8], $0x80, s1, s28, $0xb8;
	[tilespmem:$0x1CB00] =	vst v63  }
.Ltmp4:
0xb5: {  	(pc) =	sbr.rel .LBB2_4-.Ltmp4, $3  }
0xb6: {  	_ =	sdelay $0x1  }
0xb7: {  	s13 =	sadd.s32 s18, s22;
	s18 =	sadd.s32 $0x20, s18  }
0xb8: {  	[tilespmem:s28], [sflag:$0x2] =	stream.linear.gather [hbm4b:s13+s3], $0x80, $0x38;
	[tilespmem:$0x1CB00] =	vst v63  }
.LBB2_7:
0xb9: {  	_ =	sfence.sel $0x180000  }
0xba: {  	[bflag:$0x0] =	sbarrier.arrive $0xFFFF  }
0xbb: {  	_ =	strace $0x9000004D  }
0xbc: {  	s0 =	stileid.u32;
	[bflag:$0x2] =	sbarrier.arrive $0xFFFF  }
0xbd: {  	p0 =	sne.s32 s0, $0x0;
	s0 =	rddreg [dreg:$0x3]  }
0xbe: {  	s0 =	sadd.s32 @!p0 $0x100000, s0  }
0xbf: {  	[sflag:s0] =	ssyncadd.tile.s32 @!p0 $0x1;
	_ =	shalt  }
.Lfunc_end2:
_tile_overlayer_lowered:
.L_overlay_start_2:
0xc0: {  	(tag) =	ssettag $0x2  }
0xc1: {  	s0 =	rddreg [dreg:$0x0];
	s2 =	stileid.u32  }
0xc2: {  	s1 =	rddreg [dreg:$0x1];
	p0 =	sne.s32 s2, $0x0  }
0xc3: {  	s3 =	rddreg [dreg:$0x2];
	[bflag:$0x3] =	sbarrier.arrive $0xFFFF;
	s2 =	simm.s32 @!p0 $0x1C0A  }
0xc4: {  	[timem:s3], [sflag:s2] =	dma.local @!p0 [hbm:s0], s1  }
0xc5: {  	s0 =	simm.s32 @!p0 $0xA  }
0xc6: {  	_ =	swait.ge @!p0 [sflag:s0], s1  }
0xc7: {  	s1 =	ssub.s32 @!p0 $0x0, s1;
	[sflag:s0] =	ssyncset.done @!p0 $0x0  }
0xc8: {  	[sflag:s0] =	ssyncadd.s32 @!p0 s1  }
0xc9: {  	[bflag:$0x3] =	sbarrier.arrive $0xFFFF  }
0xca: {  	_ =	shalt  }

// kernel: kernel.20.cloned.1.call-start
scs
__scs_entry_jumppad:
0x0: {  	(pc) =	sbr.rel $0x88, $3  }
0x1: {  	(tag) =	ssettag $0x0;
	lr =	simm.s32 $0x1  }
0x2: {  	[smem:$0x3F92] =	sst lr;
	_ =	strace $0xD0000000  }
0x3: {  	_ = 	snop  }
0x4: {  	_ = 	snop  }
0x5: {  	_ = 	snop  }
0x6: {  	_ = 	snop  }
0x7: {  	_ = 	snop  }
__scs_overlays_trampoline_lowered:
0x8: {  	[smem:$0x3FA1] =	sst s0  }
0x9: {  	[smem:$0x3FA2] =	sst s1  }
0xa: {  	[smem:$0x3FA3] =	sst s2  }
0xb: {  	[smem:$0x3FA4] =	sst s3  }
0xc: {  	[smem:$0x3FA5] =	sst s4  }
0xd: {  	[smem:$0x3FA6] =	sst s5  }
0xe: {  	[smem:$0x3FA7] =	sst s6  }
0xf: {  	[smem:$0x3FA8] =	sst s7  }
0x10: {  	[smem:$0x3FA9] =	sst s8  }
0x11: {  	[smem:$0x3FAA] =	sst s9;
	s0 =	simm.s32 @!p0 $0x0  }
0x12: {  	s1 =	sld [smem:$0x3F90];
	s0 =	simm.s32 @p0 $0x1  }
0x13: {  	[smem:$0x3FAB] =	sst s0;
	s0 =	simm.s32 @!p1 $0x0  }
0x14: {  	s2 =	sld [smem:$0x3F8F];
	s0 =	simm.s32 @p1 $0x1  }
0x15: {  	[smem:$0x3FAC] =	sst s0;
	s0 =	simm.s32 @!p2 $0x0  }
0x16: {  	s3 =	sld [smem:$0x3FDB];
	s0 =	simm.s32 @p2 $0x1  }
0x17: {  	s4 =	simm.s32 $0x1BF5;
	[smem:$0x3FAE] =	sst s0  }
0x18: {  	s0 =	sld [smem:$0x3F91];
	_ =	swait.ge [sflag:s4], $0x0  }
0x19: {  	s7 =	sld [smem:$0x3F92]  }
0x1a: {  	s8 =	sadd.s32 $0xFFFFE003, lr  }
0x1b: {  	s9 =	sadd.s32 $0xFFFFFEF7, lr;
	s5 =	simm.s32 $0xFFFFFFFF;
	p2 =	slt.u32 s8, $0xFFFFF086  }
0x1c: {  	p1 =	slt.u32 s9, $0xF7A;
	s5 =	simm.s32 @!p2 $0x0  }
0x1d: {  	s5 =	simm.s32 @p1 $0x1;
	p0 =	seq.s32 s7, s2  }
0x1e: {  	s7 =	smul.u32 @!p0 $0xF7A, s2;
	p2 =	seq.s32 @!p0 s5, $0x0  }
0x1f: {  	s9 =	smul.u32 $0xF7A, s1;
	s8 =	simm.s32 @!p0 $0x1BF5;
	p2 =	por !p2, p0  }
0x20: {  	[sflag:s8] =	ssyncset.s32 @!p0 $0xFFFFF086;
	s6 =	sadd.s32 @!p0 s3, s7;
	s7 =	simm.s32 @!p0 $0x108  }
0x21: {  	s3 =	sadd.s32 s3, s9;
	s6 =	sadd.s32 @!p0 $0x88, s6;
	s7 =	simm.s32 @p2 $0x1082  }
0x22: {  	[simem:s7], [sflag:s8] =	dma.local @!p0 [hbm:s6], $0xF7A  }
0x23: {  	s9 =	sor.u32 $0xD0000000, s2;
	s6 =	simm.s32 $0x108;
	_ =	swait.ge @!p0 [sflag:s8], $0x0  }
0x24: {  	s3 =	sadd.s32 $0x88, s3;
	s6 =	simm.s32 @!p1 $0x1082;
	[sflag:s4] =	ssyncset.s32 $0xFFFFF086  }
0x25: {  	[simem:s6], [sflag:s4] =	dma.local [hbm:s3], $0xF7A  }
0x26: {  	[smem:$0x3F92] =	sst s1;
	(tag) =	ssettag s2;
	_ =	strace s9  }
0x27: {  	s1 =	sld [smem:$0x3FA2]  }
0x28: {  	s2 =	sld [smem:$0x3FA3]  }
0x29: {  	s4 =	sld [smem:$0x3FA5]  }
0x2a: {  	p0 =	seq.s32 s5, $0x0;
	s5 =	sld [smem:$0x3FA6]  }
0x2b: {  	s6 =	sld [smem:$0x3FA7]  }
0x2c: {  	s7 =	sld [smem:$0x3FA8]  }
0x2d: {  	s3 =	simm.s32 $0x108;
	s8 =	sld [smem:$0x3FA9]  }
0x2e: {  	s3 =	simm.s32 @!p0 $0x1082;
	s9 =	sld [smem:$0x3FAA]  }
0x2f: {  	lr =	sadd.s32 s0, s3;
	s0 =	sld [smem:$0x3FA1]  }
0x30: {  	s3 =	sld [smem:$0x3FA4]  }
0x31: {  	[smem:$0x3FAD] =	sst s10  }
0x32: {  	s10 =	sld [smem:$0x3FAB];
	_ =	sdelay $0x3  }
0x33: {  	p0 =	seq.s32 s10, $0x1;
	s10 =	sld [smem:$0x3FAD];
	_ =	sdelay $0x3  }
0x34: {  	[smem:$0x3FAD] =	sst s10  }
0x35: {  	s10 =	sld [smem:$0x3FAC];
	_ =	sdelay $0x3  }
0x36: {  	p1 =	seq.s32 s10, $0x1;
	s10 =	sld [smem:$0x3FAD];
	_ =	sdelay $0x3  }
0x37: {  	[smem:$0x3FAD] =	sst s10  }
0x38: {  	s10 =	sld [smem:$0x3FAE]  }
0x39: {  	_ = 	snop;
	(pc) =	sbr.ind lr, $3  }
0x3a: {  	_ = 	snop  }
0x3b: {  	_ = 	snop  }
0x3c: {  	p2 =	seq.s32 s10, $0x1;
	s10 =	sld [smem:$0x3FAD]  }
0x3d: {  	_ =	shalt  }
0x3e: {  	_ =	shalt  }
0x3f: {  	_ =	shalt  }
0x40: {  	_ =	shalt  }
0x41: {  	_ =	shalt  }
0x42: {  	_ =	shalt  }
0x43: {  	_ =	shalt  }
0x44: {  	_ =	shalt  }
0x45: {  	_ =	shalt  }
0x46: {  	_ =	shalt  }
0x47: {  	_ =	shalt  }
0x48: {  	_ =	shalt  }
0x49: {  	_ =	shalt  }
0x4a: {  	_ =	shalt  }
0x4b: {  	_ =	shalt  }
0x4c: {  	_ =	shalt  }
0x4d: {  	_ =	shalt  }
0x4e: {  	_ =	shalt  }
0x4f: {  	_ =	shalt  }
0x50: {  	_ =	shalt  }
0x51: {  	_ =	shalt  }
0x52: {  	_ =	shalt  }
0x53: {  	_ =	shalt  }
0x54: {  	_ =	shalt  }
0x55: {  	_ =	shalt  }
0x56: {  	_ =	shalt  }
0x57: {  	_ =	shalt  }
0x58: {  	_ =	shalt  }
0x59: {  	_ =	shalt  }
0x5a: {  	_ =	shalt  }
0x5b: {  	_ =	shalt  }
0x5c: {  	_ =	shalt  }
0x5d: {  	_ =	shalt  }
0x5e: {  	_ =	shalt  }
0x5f: {  	_ =	shalt  }
0x60: {  	_ =	shalt  }
0x61: {  	_ =	shalt  }
0x62: {  	_ =	shalt  }
0x63: {  	_ =	shalt  }
0x64: {  	_ =	shalt  }
0x65: {  	_ =	shalt  }
0x66: {  	_ =	shalt  }
0x67: {  	_ =	shalt  }
0x68: {  	_ =	shalt  }
0x69: {  	_ =	shalt  }
0x6a: {  	_ =	shalt  }
0x6b: {  	_ =	shalt  }
0x6c: {  	_ =	shalt  }
0x6d: {  	_ =	shalt  }
0x6e: {  	_ =	shalt  }
0x6f: {  	_ =	shalt  }
0x70: {  	_ =	shalt  }
0x71: {  	_ =	shalt  }
0x72: {  	_ =	shalt  }
0x73: {  	_ =	shalt  }
0x74: {  	_ =	shalt  }
0x75: {  	_ =	shalt  }
0x76: {  	_ =	shalt  }
0x77: {  	_ =	shalt  }
0x78: {  	_ =	shalt  }
0x79: {  	_ =	shalt  }
0x7a: {  	_ =	shalt  }
0x7b: {  	_ =	shalt  }
0x7c: {  	_ =	shalt  }
0x7d: {  	_ =	shalt  }
0x7e: {  	_ =	shalt  }
0x7f: {  	_ =	shalt  }
0x80: {  	_ =	shalt  }
0x81: {  	_ =	shalt  }
0x82: {  	_ =	shalt  }
0x83: {  	_ =	shalt  }
0x84: {  	_ =	shalt  }
0x85: {  	_ =	shalt  }
0x86: {  	_ =	shalt  }
0x87: {  	_ =	shalt  }
.Lfunc_end0:
.L_simem_size_0:
called_computation.3_lowered:
.L_overlay_start_0:
0x88: {  	s2 =	sld [smem:$0x3FD9]  }
0x89: {  	s3 =	sld [smem:$0x3FFE];
	_ =	sdelay $0x1  }
0x8a: {  	s1 =	srdreg.scid  }
0x8b: {  	s0 =	sand.u32 $0x1, s1  }
0x8c: {  	s14 =	sshll.u32 s0, $0xA;
	s2 =	sadd.s32 s3, s2  }
0x8d: {  	s2 =	sadd.s32 s2, s14  }
0x8e: {  	[smem:$0x3FB9] =	sst s2  }
0x8f: {  	_ = 	snop  }
0x90: {  	s2 =	sld [smem:$0x3FD0];
	_ =	sdelay $0x2  }
0x91: {  	s15 =	simm.s32 $0xA;
	s4 =	simm.s32 $0x10  }
0x92: {  	[smem:s4], [sflag:s15] =	dma.local [hbm:s2], $0x1  }
0x93: {  	_ =	swait.eq [sflag:s15], $0x1  }
0x94: {  	[sflag:s15] =	ssyncset.done $0x0  }
0x95: {  	[sflag:s15] =	ssyncadd.s32 $0xFFFFFFFF  }
0x96: {  	s16 =	sld [smem:$0x11];
	(tm) =	ssettm $0x1  }
0x97: {  	s17 =	sld [smem:$0x3FFB];
	_ =	sdelay $0x3  }
0x98: {  	_ =	strace s17  }
0x99: {  	s3 =	sld [smem:$0x3FFC];
	_ =	sdelay $0x3  }
0x9a: {  	_ =	strace s3  }
0x9b: {  	s3 =	sld [smem:$0x3FFD];
	_ =	sdelay $0x3  }
0x9c: {  	_ =	strace s3  }
0x9d: {  	_ =	strace $0x8FFFFFFF  }
0x9e: {  	s18 =	sld [smem:$0x3FDB];
	_ =	sdelay $0x1  }
0x9f: {  	s19 =	simm.s32 $_scs_section_size  }
0xa0: {  	s5 =	simm.s32 $_size__tile_overlayer_lowered;
	s6 =	simm.s32 $_tile_overlayer_lowered  }
0xa1: {  	s22 =	simm.s32 $0x1BFF;
	s21 =	sshll.u32 s6, $0x1;
	s3 =	sadd.s32 s19, s18  }
0xa2: {  	s7 =	simm.s32 $0x0;
	s20 =	sshll.u32 s5, $0x1;
	s5 =	sadd.s32 s21, s3  }
0xa3: {  	[timem:s7], [sflag:s22] =	dma.local [hbm:s5], s20  }
0xa4: {  	_ =	swait.ge [sflag:s22], s20  }
0xa5: {  	s4 =	ssub.s32 $0x0, s20;
	[sflag:s22] =	ssyncset.done $0x0  }
0xa6: {  	[sflag:s22] =	ssyncadd.s32 s4;
	_ =	sdelay $0x1  }
0xa7: {  	s23 =	simm.s32 $0x1B8B  }
0xa8: {  	_ =	swait.ge [sflag:s23], $0x1  }
0xa9: {  	[sflag:s23] =	ssyncset.done $0x0  }
0xaa: {  	s25 =	simm.s32 $0x1B8E;
	s24 =	sld [smem:$0x3FFE];
	[sflag:s23] =	ssyncadd.s32 $0xFFFFFFFF  }
0xab: {  	s26 =	simm.s32 $execute0_lowered;
	[smem:$0x3FD2] =	sst s25  }
0xac: {  	s5 =	sshll.u32 s26, $0x1;
	_ =	strace $0x8000004F;
	[dreg:$0x1] =	wrdreg $0xFFFFFFFF  }
0xad: {  	s28 =	simm.s32 $_size_execute0_lowered;
	s3 =	sadd.s32 s3, s5;
	[dreg:$0x0] =	wrdreg $0x0  }
0xae: {  	s5 =	sshll.u32 s28, $0x1;
	[dreg:$0x2] =	wrdreg s3  }
0xaf: {  	[dreg:$0x3] =	wrdreg s5  }
0xb0: {  	[dreg:$0x4] =	wrdreg $0xC0  }
0xb1: {  	_ =	task [dreg:s7], $0x5FFFF  }
0xb2: {  	[dreg:$0x1] =	wrdreg $0xFFFFFFFF  }
0xb3: {  	[dreg:$0x0] =	wrdreg $0x60  }
0xb4: {  	[dreg:$0x2] =	wrdreg s24  }
0xb5: {  	[dreg:$0x3] =	wrdreg s16  }
0xb6: {  	[dreg:$0x4] =	wrdreg $0x8B000  }
0xb7: {  	[dreg:$0x5] =	wrdreg $0x9  }
0xb8: {  	_ =	task.clear_ibuf [dreg:s7], $0x6FFFF;
	_ =	strace $0x9000004F  }
0xb9: {  	s29 =	simm.s32 $0x9;
	_ =	strace $0x80000051  }
0xba: {  	_ =	swait.ge [sflag:s29], $0x1  }
0xbb: {  	[sflag:s29] =	ssyncadd.s32 $0xFFFFFFFF  }
0xbc: {  	_ =	strace $0x90000051  }
0xbd: {  	_ =	sfence  }
0xbe: {  	s30 =	sld [smem:$0x0];
	_ =	sdelay $0x2  }
0xbf: {  	s31 =	sshll.u32 s1, $0xD;
	s1 =	sshrl.u32 s1, $0x2  }
0xc0: {  	s3 =	sand.u32 $0x4000, s31;
	s1 =	sadd.s32 s1, s30  }
0xc1: {  	s0 =	sor.u32 s3, s0;
	s1 =	sshll.u32 s1, $0x11  }
0xc2: {  	s0 =	sor.u32 s1, s0  }
0xc3: {  	s0 =	sadd.s32 $0x8F2B, s0  }
0xc4: {  	[sflag:s0] =	ssyncadd.remote.s32 $0x1  }
0xc5: {  	_ =	sfence.sel $0xFFFF  }
0xc6: {  	[dreg:$0x0] =	wrdreg $0xFFFFFFFF;
	(pc) =	sbr.abs _section_cstart, $3  }
0xc7: {  	[dreg:$0x1] =	wrdreg $0xFFFFFFFF  }
0xc8: {  	_ =	task.clear_ibuf [dreg:s7], $0x2FFFF;
	_ =	strace $0x9FFFFFFF  }
0xc9: {  	(tm) =	ssettm $0x7FFFFFFF  }
tec
execute0_lowered:
.L_overlay_start_1:
0x0: {  	(tag) =	ssettag $0x1  }
0x1: {  	s0 =	rddreg [dreg:$0x0]  }
0x2: {  	s1 =	rddreg [dreg:$0x1]  }
0x3: {  	s2 =	rddreg [dreg:$0x2];
	s4 =	srdreg.scid  }
0x4: {  	s12 =	stileid.u32;
	s3 =	simm.s32 $0x0;
	s28 =	simm.s32 $0x80  }
0x5: {  	s29 =	simm.s32 $0x1;
	s30 =	simm.s32 $0x100;
	s31 =	simm.s32 $0x2  }
0x6: {  	s6 =	sand.u32 $0x1, s4;
	s5 =	smul.u32 $0x2800, s12;
	[smem:$0x7FF] =	sst s3  }
0x7: {  	s4 =	sadd.s32 $0xDE00, s0;
	s8 =	smul.u32 $0x50000, s12;
	s9 =	sadd.s32 $0x4000, s0  }
0x8: {  	s7 =	smul.u32 $0x28000, s6;
	_ =	strace $0x80000050;
	s19 =	sshll.u32 s6, $0x4  }
0x9: {  	s10 =	ssub.s32 $0x2, s6;
	s6 =	smul.u32 $0x27100, s6;
	s11 =	sor.u32 s12, s19  }
0xa: {  	s20 =	sshrl.u32 s8, $0x2;
	s21 =	sshrl.u32 s10, $0x1;
	s8 =	simm.s32 $0x7  }
0xb: {  	s7 =	sadd.s32 s5, s7;
	s5 =	sadd.s32 s20, s2;
	s11 =	smul.u32 $0x2710, s11  }
0xc: {  	s22 =	ssub.s32 s10, s21;
	s21 =	smul.u32 $0x2710, s12;
	s23 =	sadd.s32 $0x4000, s5  }
0xd: {  	s12 =	simm.s32 $0x8;
	s24 =	sadd.s32 $0x8000, s5;
	[dreg:$0x4] =	wrdreg s23  }
0xe: {  	s10 =	simm.s32 $0x8300;
	s25 =	sadd.s32 $0xC000, s5;
	[dreg:$0x5] =	wrdreg s24  }
0xf: {  	s0 =	sadd.s32 s7, s0;
	s15 =	sadd.s32 $0x10000, s5;
	[dreg:$0x6] =	wrdreg s25  }
0x10: {  	s7 =	smax.u32 s22, $0x1;
	s26 =	sshrl.u32 s11, $0x3;
	[dreg:$0x7] =	wrdreg s15  }
0x11: {  	s0 =	sadd.s32 $0x35E00, s0;
	[dreg:$0xe] =	wrdreg s7;
	s25 =	sadd.s32 s21, s6  }
0x12: {  	s15 =	simm.s32 $0x9;
	s18 =	sadd.s32 s9, s26;
	[dreg:$0xd] =	wrdreg s0  }
0x13: {  	s13 =	sadd.s32 s1, s26;
	s16 =	sadd.s32 $0x10, s26;
	[dreg:$0xa] =	wrdreg s18  }
0x14: {  	s19 =	sadd.s32 $0x4E0, s26;
	s17 =	sadd.s32 s1, s16;
	[dreg:$0x8] =	wrdreg s13  }
0x15: {  	s20 =	sadd.s32 $0x20, s26;
	s14 =	sadd.s32 s1, s19;
	[dreg:$0x9] =	wrdreg s17  }
0x16: {  	s6 =	sadd.s32 $0x180, s25;
	s11 =	sadd.s32 s9, s19;
	[dreg:$0xb] =	wrdreg s14  }
0x17: {  	s26 =	sadd.s32 $0x280, s25;
	s22 =	sadd.s32 s9, s16;
	[dreg:$0xc] =	wrdreg s11  }
0x18: {  	s23 =	sadd.s32 s1, s20;
	s0 =	sadd.s32 s9, s20;
	[dreg:$0xf] =	wrdreg s22  }
0x19: {  	s24 =	sadd.s32 $0x30, s13;
	s6 =	sshrl.u32 s6, $0x3;
	[dreg:$0x10] =	wrdreg s23  }
0x1a: {  	s7 =	sshrl.u32 s26, $0x3;
	s26 =	simm.s32 $0xA;
	[dreg:$0x11] =	wrdreg s0  }
0x1b: {  	s16 =	simm.s32 $0x280;
	[dreg:$0x12] =	wrdreg s24;
	s0 =	sadd.s32 $0x200, s25  }
.Ltmp0:
0x1c: {  	s21 =	sadd.s32 s6, s9;
	s22 =	sadd.s32 s7, s1;
	(pc) =	sbr.rel .LBB2_1-.Ltmp0, $4  }
0x1d: {  	s25 =	simm.s32 $0x300;
	s6 =	simm.s32 $0x5;
	s7 =	simm.s32 $0x3  }
0x1e: {  	s11 =	simm.s32 $0x4;
	s14 =	simm.s32 $0x10;
	s0 =	sshrl.u32 s0, $0x3  }
0x1f: {  	s17 =	simm.s32 $0x0;
	s23 =	sadd.s32 s0, s9;
	s24 =	sadd.s32 s0, s1  }
0x20: {  	v0 =	vimm.f32 $0.0e+00;
	s0 =	simm.s32 $0x4300;
	s1 =	simm.s32 $0x180;
	s9 =	simm.s32 $0x6  }
.LBB2_6:
0x21: {  	s13 =	rddreg [dreg:$0xb];
	s18 =	simm.s32 $0x200  }
0x22: {  	[tilespmem:s18], [sflag:$0xA] =	stream.linear.gather [hbm4b:s13+s3], $0x10, $0x38;
	[tilespmem:$0x1CB00] =	vst v63  }
0x23: {  	_ =	swait.ge [sflag:s26], $0x10  }
0x24: {  	[sflag:s26] =	ssyncset.done $0x0  }
0x25: {  	[sflag:s26] =	ssyncadd.s32 $0xFFFFFFF0  }
0x26: {  	[tilespmem:s10], [sflag:$0x9] =	stream.indirect.gather [hbm4b:s4+s14], $0x80, s18, s14, $0xb8;
	[tilespmem:$0x1CB00] =	vst v63  }
0x27: {  	_ =	swait.ge [sflag:s15], $0x800  }
0x28: {  	[sflag:s15] =	ssyncset.done $0x0  }
0x29: {  	s18 =	rddreg [dreg:$0xc];
	[sflag:s15] =	ssyncadd.s32 $0xFFFFF800  }
0x2a: {  	[tilespmem:s16], [sflag:$0xA] =	stream.linear.gather [hbm4b:s18+s3], $0x10, $0x38;
	[tilespmem:$0x1CB00] =	vst v63  }
0x2b: {  	_ =	swait.ge [sflag:s26], $0x10  }
0x2c: {  	[sflag:s26] =	ssyncset.done $0x0  }
0x2d: {  	[sflag:s26] =	ssyncadd.s32 $0xFFFFFFF0  }
0x2e: {  	[spmem:s2] =	stream.indirect.scatter.add.f32 [tilespmem:s10], [sflag:$0xA], $0x80, s16, s14, $0xb8;
	[tilespmem:$0x1CB00] =	vst v63  }
0x2f: {  	_ =	swait.ge [sflag:s26], $0x800  }
0x30: {  	[sflag:s26] =	ssyncset.done $0x0  }
0x31: {  	[sflag:s26] =	ssyncadd.s32 $0xFFFFF800  }
0x32: {  	_ =	swait.ge [sflag:s12], $0x4000  }
0x33: {  	[sflag:s12] =	ssyncset.done $0x0  }
0x34: {  	s19 =	stileid.u32;
	[sflag:s12] =	ssyncadd.s32 $0xFFFFC000  }
0x35: {  	s13 =	sshll.u32 s19, $0x6;
	[bflag:$0x0] =	sbarrier.arrive $0xFFFF  }
0x36: {  	s20 =	sshrl.u32 s5, $0x3;
	s13 =	sor.u32 $0x1C0A, s13;
	s19 =	rddreg [dreg:$0xd]  }
0x37: {  	[hbm:s19], [sflag:s13] =	dma.local [spmem:s20], $0x2800  }
0x38: {  	_ =	swait.ge [sflag:s26], $0x2800  }
0x39: {  	s17 =	sadd.s32 $0x1, s17;
	s20 =	rddreg [dreg:$0xe]  }
0x3a: {  	p0 =	sne.s32 s17, s20  }
.Ltmp1:
0x3b: {  	_ = 	snop;
	(pc) =	sbr.rel @!p0 .LBB2_7-.Ltmp1, $3  }
0x3c: {  	_ =	sdelay $0x1  }
0x3d: {  	[sflag:s26] =	ssyncset.done $0x0  }
0x3e: {  	[sflag:s26] =	ssyncadd.s32 $0xFFFFD800  }
.LBB2_1:
0x3f: {  	s18 =	simm.s32 $0x0;
	s19 =	simm.s32 $0x200  }
.LBB2_2:
0x40: {  	p0 =	sne.s32 s19, $0xFE00;
	[tilespmem:s18+$0x370] =	vst v0  }
0x41: {  	[tilespmem:s18+$0x300] =	vst v0  }
0x42: {  	[tilespmem:s18+$0x310] =	vst v0  }
.Ltmp2:
0x43: {  	[tilespmem:s18+$0x320] =	vst v0;
	(pc) =	sbr.rel @p0 .LBB2_2-.Ltmp2, $4  }
0x44: {  	[tilespmem:s18+$0x330] =	vst v0  }
0x45: {  	[tilespmem:s18+$0x340] =	vst v0  }
0x46: {  	[tilespmem:s18+$0x350] =	vst v0  }
0x47: {  	[tilespmem:s18+$0x360] =	vst v0;
	s18 =	sshra.s32 s19, $0x2;
	s19 =	sadd.s32 $0x200, s19  }
0x48: {  	[tilespmem:s18+$0x370] =	vst v0  }
0x49: {  	[tilespmem:s18+$0x300] =	vst v0  }
0x4a: {  	[tilespmem:s18+$0x310] =	vst v0  }
0x4b: {  	[tilespmem:s18+$0x320] =	vst v0  }
0x4c: {  	[tilespmem:s18+$0x330] =	vst v0  }
0x4d: {  	[tilespmem:s18+$0x340] =	vst v0  }
0x4e: {  	[tilespmem:s18+$0x350] =	vst v0  }
0x4f: {  	[tilespmem:s18+$0x360] =	vst v0  }
0x50: {  	[spmem:s5] =	stream.linear.scatter [tilespmem:s25], [sflag:$0xA], $0x4000, $0x38;
	[tilespmem:$0x1CB00] =	vst v63  }
0x51: {  	_ =	swait.ge [sflag:s26], $0x4000  }
0x52: {  	[sflag:s26] =	ssyncset.done $0x0  }
0x53: {  	s13 =	rddreg [dreg:$0x4];
	[sflag:s26] =	ssyncadd.s32 $0xFFFFC000  }
0x54: {  	[spmem:s13] =	stream.linear.scatter [tilespmem:s25], [sflag:$0xA], $0x4000, $0x38;
	[tilespmem:$0x1CB00] =	vst v63  }
0x55: {  	_ =	swait.ge [sflag:s26], $0x4000  }
0x56: {  	[sflag:s26] =	ssyncset.done $0x0  }
0x57: {  	s20 =	rddreg [dreg:$0x5];
	[sflag:s26] =	ssyncadd.s32 $0xFFFFC000  }
0x58: {  	[spmem:s20] =	stream.linear.scatter [tilespmem:s25], [sflag:$0xA], $0x4000, $0x38;
	[tilespmem:$0x1CB00] =	vst v63  }
0x59: {  	_ =	swait.ge [sflag:s26], $0x4000  }
0x5a: {  	[sflag:s26] =	ssyncset.done $0x0  }
0x5b: {  	s18 =	rddreg [dreg:$0x6];
	[sflag:s26] =	ssyncadd.s32 $0xFFFFC000  }
0x5c: {  	[spmem:s18] =	stream.linear.scatter [tilespmem:s25], [sflag:$0xA], $0x4000, $0x38;
	[tilespmem:$0x1CB00] =	vst v63  }
0x5d: {  	_ =	swait.ge [sflag:s26], $0x4000  }
0x5e: {  	[sflag:s26] =	ssyncset.done $0x0  }
0x5f: {  	s19 =	rddreg [dreg:$0x7];
	[sflag:s26] =	ssyncadd.s32 $0xFFFFC000  }
0x60: {  	[spmem:s19] =	stream.linear.scatter [tilespmem:s25], [sflag:$0xA], $0x4000, $0x38;
	[tilespmem:$0x1CB00] =	vst v63  }
0x61: {  	_ =	swait.ge [sflag:s26], $0x4000  }
0x62: {  	[sflag:s26] =	ssyncset.done $0x0  }
0x63: {  	[sflag:s26] =	ssyncadd.s32 $0xFFFFC000  }
0x64: {  	[bflag:$0x0] =	sbarrier.arrive $0xFFFF  }
0x65: {  	s18 =	simm.s32 $0x0;
	s20 =	rddreg [dreg:$0x8]  }
0x66: {  	[tilespmem:s18], [sflag:$0x1] =	stream.linear.gather [hbm4b:s20+s18], $0x80, $0x38;
	[tilespmem:$0x1CB00] =	vst v63  }
0x67: {  	s19 =	rddreg [dreg:$0x9]  }
0x68: {  	[tilespmem:s28], [sflag:$0x2] =	stream.linear.gather [hbm4b:s19+s18], $0x80, $0x38;
	[tilespmem:$0x1CB00] =	vst v63  }
0x69: {  	_ =	swait.ge [sflag:s29], $0x80  }
0x6a: {  	[sflag:s29] =	ssyncset.done $0x0  }
0x6b: {  	[sflag:s29] =	ssyncadd.s32 $0xFFFFFF80  }
0x6c: {  	[tilespmem:s25], [sflag:$0x5] =	stream.indirect.gather [hbm4b:s4+s28], $0x80, s18, s28, $0xb8;
	[tilespmem:$0x1CB00] =	vst v63  }
0x6d: {  	s20 =	rddreg [dreg:$0xa]  }
0x6e: {  	[tilespmem:s30], [sflag:$0x3] =	stream.linear.gather [hbm4b:s20+s18], $0x80, $0x38;
	[tilespmem:$0x1CB00] =	vst v63  }
0x6f: {  	_ =	swait.ge [sflag:s31], $0x80  }
0x70: {  	[sflag:s31] =	ssyncset.done $0x0  }
0x71: {  	[sflag:s31] =	ssyncadd.s32 $0xFFFFFF80  }
0x72: {  	[tilespmem:s0], [sflag:$0x6] =	stream.indirect.gather [hbm4b:s4+s28], $0x80, s28, s28, $0xb8;
	[tilespmem:$0x1CB00] =	vst v63  }
0x73: {  	s19 =	rddreg [dreg:$0xf]  }
0x74: {  	[tilespmem:s1], [sflag:$0x4] =	stream.linear.gather [hbm4b:s19+s18], $0x80, $0x38;
	[tilespmem:$0x1CB00] =	vst v63  }
0x75: {  	_ =	swait.ge [sflag:s6], $0x4000  }
0x76: {  	[sflag:s6] =	ssyncset.done $0x0  }
0x77: {  	[sflag:s6] =	ssyncadd.s32 $0xFFFFC000  }
0x78: {  	_ =	swait.ge [sflag:s7], $0x80  }
0x79: {  	[sflag:s7] =	ssyncset.done $0x0  }
0x7a: {  	[sflag:s7] =	ssyncadd.s32 $0xFFFFFF80  }
0x7b: {  	[spmem:s2] =	stream.indirect.scatter.add.f32 [tilespmem:s25], [sflag:$0x7], $0x80, s30, s28, $0xb8;
	[tilespmem:$0x1CB00] =	vst v63  }
0x7c: {  	s20 =	rddreg [dreg:$0x10]  }
0x7d: {  	[tilespmem:s18], [sflag:$0x1] =	stream.linear.gather [hbm4b:s20+s18], $0x80, $0x38;
	[tilespmem:$0x1CB00] =	vst v63  }
0x7e: {  	_ =	swait.ge [sflag:s8], $0x4000  }
0x7f: {  	[sflag:s8] =	ssyncset.done $0x0  }
0x80: {  	[sflag:s8] =	ssyncadd.s32 $0xFFFFC000  }
0x81: {  	_ =	swait.ge [sflag:s29], $0x80  }
0x82: {  	[sflag:s29] =	ssyncset.done $0x0  }
0x83: {  	[sflag:s29] =	ssyncadd.s32 $0xFFFFFF80  }
0x84: {  	[tilespmem:s25], [sflag:$0x5] =	stream.indirect.gather [hbm4b:s4+s28], $0x80, s18, s28, $0xb8;
	[tilespmem:$0x1CB00] =	vst v63  }
0x85: {  	s19 =	rddreg [dreg:$0x11]  }
0x86: {  	[tilespmem:s30], [sflag:$0x3] =	stream.linear.gather [hbm4b:s19+s18], $0x80, $0x38;
	[tilespmem:$0x1CB00] =	vst v63  }
0x87: {  	_ =	swait.ge [sflag:s9], $0x4000  }
0x88: {  	[sflag:s9] =	ssyncset.done $0x0  }
0x89: {  	[sflag:s9] =	ssyncadd.s32 $0xFFFFC000  }
0x8a: {  	_ =	swait.ge [sflag:s11], $0x80  }
0x8b: {  	[sflag:s11] =	ssyncset.done $0x0  }
0x8c: {  	[sflag:s11] =	ssyncadd.s32 $0xFFFFFF80  }
0x8d: {  	[spmem:s2] =	stream.indirect.scatter.add.f32 [tilespmem:s0], [sflag:$0x8], $0x80, s1, s28, $0xb8;
	[tilespmem:$0x1CB00] =	vst v63  }
0x8e: {  	s20 =	rddreg [dreg:$0x12]  }
0x8f: {  	[tilespmem:s28], [sflag:$0x2] =	stream.linear.gather [hbm4b:s20+s18], $0x80, $0x38;
	[tilespmem:$0x1CB00] =	vst v63  }
.LBB2_4:
0x90: {  	_ =	swait.ge [sflag:s12], $0x4000  }
0x91: {  	[sflag:s12] =	ssyncset.done $0x0  }
0x92: {  	[sflag:s12] =	ssyncadd.s32 $0xFFFFC000  }
0x93: {  	_ =	swait.ge [sflag:s31], $0x80  }
0x94: {  	[sflag:s31] =	ssyncset.done $0x0  }
0x95: {  	[sflag:s31] =	ssyncadd.s32 $0xFFFFFF80  }
0x96: {  	[tilespmem:s0], [sflag:$0x6] =	stream.indirect.gather [hbm4b:s4+s28], $0x80, s28, s28, $0xb8;
	[tilespmem:$0x1CB00] =	vst v63  }
0x97: {  	s19 =	sadd.s32 s18, s21  }
0x98: {  	[tilespmem:s1], [sflag:$0x4] =	stream.linear.gather [hbm4b:s19+s3], $0x80, $0x38;
	[tilespmem:$0x1CB00] =	vst v63  }
0x99: {  	_ =	swait.ge [sflag:s6], $0x4000  }
0x9a: {  	[sflag:s6] =	ssyncset.done $0x0  }
0x9b: {  	[sflag:s6] =	ssyncadd.s32 $0xFFFFC000  }
0x9c: {  	_ =	swait.ge [sflag:s7], $0x80  }
0x9d: {  	p0 =	seq.s32 s18, $0x4A0;
	[sflag:s7] =	ssyncset.done $0x0  }
0x9e: {  	s19 =	simm.s32 @p0 $0x7;
	[sflag:s7] =	ssyncadd.s32 $0xFFFFFF80  }
0x9f: {  	[spmem:s2] =	stream.indirect.scatter.add.f32 [tilespmem:s25], [sflag:$0x7], $0x80, s30, s28, $0xb8;
	[tilespmem:$0x1CB00] =	vst v63  }
0xa0: {  	_ =	swait.ge @p0 [sflag:s19], $0x4000  }
0xa1: {  	[sflag:s19] =	ssyncset.done @p0 $0x0  }
0xa2: {  	s20 =	simm.s32 @!p0 $0x0;
	[sflag:s19] =	ssyncadd.s32 @p0 $0xFFFFC000;
	s19 =	sadd.s32 @!p0 s18, s24  }
0xa3: {  	[tilespmem:s20], [sflag:$0x1] =	stream.linear.gather @!p0 [hbm4b:s19+s20], $0x80, $0x38;
	[tilespmem:$0x1CB00] =	vst v63  }
0xa4: {  	s19 =	simm.s32 @!p0 $0x7  }
0xa5: {  	_ =	swait.ge @!p0 [sflag:s19], $0x4000  }
0xa6: {  	[sflag:s19] =	ssyncset.done @!p0 $0x0  }
0xa7: {  	[sflag:s19] =	ssyncadd.s32 @!p0 $0xFFFFC000;
	s19 =	simm.s32 @!p0 $0x1  }
0xa8: {  	_ =	swait.ge @!p0 [sflag:s19], $0x80  }
0xa9: {  	[sflag:s19] =	ssyncset.done @!p0 $0x0  }
0xaa: {  	s13 =	simm.s32 @!p0 $0x300;
	[sflag:s19] =	ssyncadd.s32 @!p0 $0xFFFFFF80;
	s19 =	simm.s32 @!p0 $0x80  }
0xab: {  	[tilespmem:s13], [sflag:$0x5] =	stream.indirect.gather @!p0 [hbm4b:s4+s19], $0x80, s20, s19, $0xb8;
	[tilespmem:$0x1CB00] =	vst v63  }
0xac: {  	s13 =	sadd.s32 @!p0 s18, s23;
	s19 =	simm.s32 @!p0 $0x100  }
0xad: {  	[tilespmem:s19], [sflag:$0x3] =	stream.linear.gather @!p0 [hbm4b:s13+s20], $0x80, $0x38;
	[tilespmem:$0x1CB00] =	vst v63  }
0xae: {  	_ =	swait.ge [sflag:s9], $0x4000  }
0xaf: {  	[sflag:s9] =	ssyncset.done $0x0  }
.Ltmp3:
0xb0: {  	[sflag:s9] =	ssyncadd.s32 $0xFFFFC000;
	(pc) =	sbr.rel @p0 .LBB2_6-.Ltmp3, $4  }
0xb1: {  	_ =	swait.ge [sflag:s11], $0x80  }
0xb2: {  	[sflag:s11] =	ssyncset.done $0x0  }
0xb3: {  	[sflag:s11] =	ssyncadd.s32 $0xFFFFFF80  }
0xb4: {  	[spmem:s2] =	stream.indirect.scatter.add.f32 [tilespmem:s0], [sflag:$0x8], $0x80, s1, s28, $0xb8;
	[tilespmem:$0x1CB00] =	vst v63  }
.Ltmp4:
0xb5: {  	(pc) =	sbr.rel .LBB2_4-.Ltmp4, $3  }
0xb6: {  	_ =	sdelay $0x1  }
0xb7: {  	s13 =	sadd.s32 s18, s22;
	s18 =	sadd.s32 $0x20, s18  }
0xb8: {  	[tilespmem:s28], [sflag:$0x2] =	stream.linear.gather [hbm4b:s13+s3], $0x80, $0x38;
	[tilespmem:$0x1CB00] =	vst v63  }
.LBB2_7:
0xb9: {  	_ =	sfence.sel $0x180000  }
0xba: {  	[bflag:$0x0] =	sbarrier.arrive $0xFFFF  }
0xbb: {  	_ =	strace $0x90000050  }
0xbc: {  	s0 =	stileid.u32;
	[bflag:$0x2] =	sbarrier.arrive $0xFFFF  }
0xbd: {  	p0 =	sne.s32 s0, $0x0;
	s0 =	rddreg [dreg:$0x3]  }
0xbe: {  	s0 =	sadd.s32 @!p0 $0x100000, s0  }
0xbf: {  	[sflag:s0] =	ssyncadd.tile.s32 @!p0 $0x1;
	_ =	shalt  }
.Lfunc_end2:
_tile_overlayer_lowered:
.L_overlay_start_2:
0xc0: {  	(tag) =	ssettag $0x2  }
0xc1: {  	s0 =	rddreg [dreg:$0x0];
	s2 =	stileid.u32  }
0xc2: {  	s1 =	rddreg [dreg:$0x1];
	p0 =	sne.s32 s2, $0x0  }
0xc3: {  	s3 =	rddreg [dreg:$0x2];
	[bflag:$0x3] =	sbarrier.arrive $0xFFFF;
	s2 =	simm.s32 @!p0 $0x1C0A  }
0xc4: {  	[timem:s3], [sflag:s2] =	dma.local @!p0 [hbm:s0], s1  }
0xc5: {  	s0 =	simm.s32 @!p0 $0xA  }
0xc6: {  	_ =	swait.ge @!p0 [sflag:s0], s1  }
0xc7: {  	s1 =	ssub.s32 @!p0 $0x0, s1;
	[sflag:s0] =	ssyncset.done @!p0 $0x0  }
0xc8: {  	[sflag:s0] =	ssyncadd.s32 @!p0 s1  }
0xc9: {  	[bflag:$0x3] =	sbarrier.arrive $0xFFFF  }
0xca: {  	_ =	shalt  }

</sc_bundles>
